<compile_context>
chip_gen: v7x
topology: tpu7x:2x2x1
jax: 0.10.2.dev20260603
libtpu: 0.0.44.dev20260713+nightly
codegen_flags: <defaults>
</compile_context>

<pallas_src>
import functools

import jax
import jax.numpy as jnp
from jax import lax
from jax.experimental import pallas as pl
from jax.experimental.pallas import tpu as pltpu
from jax.experimental.pallas import tpu_sc as plsc

N_MEM = 100000
N_SUB = 10000
N_EDGE = 320000
D = 128
H = D // 2
R = 16

NC = 2
NS = 16
NW = NC * NS

EB = 128
G = 4
GE = G * EB
NG = N_EDGE // GE
NGH = (NG + 1) // 2
N_SUBP = 10240
XPT = N_SUBP // NW
N_ACC = 10112
ZPT = N_ACC // NS


def _vmesh():
    return plsc.VectorSubcoreMesh(core_axis_name="c", subcore_axis_name="s")


@functools.partial(
    pl.kernel,
    mesh=_vmesh(),
    out_type=[
        jax.ShapeDtypeStruct((NC, N_SUBP, H), jnp.float32),
        jax.ShapeDtypeStruct((N_SUBP, D), jnp.float32),
    ],
    compiler_params=pltpu.CompilerParams(use_tc_tiling_on_sc=False),
    scratch_types=[
        pltpu.VMEM((2, EB), jnp.int32),
        pltpu.VMEM((2, EB, D), jnp.float32),
        pltpu.SemaphoreType.DMA,
        pltpu.SemaphoreType.DMA,
    ],
)
def _sc_gather_x(mem_h, nid_h, x_h, xf_h, xid_v, rows_v, gsem, wsem):
    c = lax.axis_index("c")
    s = lax.axis_index("s")
    wid = c * NS + s
    offs = (0, 128, 192)
    pltpu.sync_copy(nid_h.at[pl.ds(wid * XPT, EB)], xid_v.at[0])
    pltpu.async_copy(mem_h.at[xid_v.at[0]], rows_v.at[0], gsem)
    for j, off in enumerate(offs):
        base = wid * XPT + off
        p = j % 2
        pltpu.make_async_copy(mem_h.at[xid_v.at[p]], rows_v.at[p], gsem).wait()
        if j + 1 < len(offs):
            q = 1 - p
            base1 = wid * XPT + offs[j + 1]
            pltpu.sync_copy(nid_h.at[pl.ds(base1, EB)], xid_v.at[q])
            pltpu.async_copy(mem_h.at[xid_v.at[q]], rows_v.at[q], gsem)
        wds = [pltpu.async_copy(rows_v.at[p], xf_h.at[pl.ds(base, EB)], wsem)]
        for hc in (0, 1):
            wds.append(pltpu.async_copy(rows_v.at[p, :, pl.ds(hc * H, H)],
                                        x_h.at[hc, pl.ds(base, EB)], wsem))
        for d in wds:
            d.wait()


@functools.partial(
    pl.kernel,
    mesh=_vmesh(),
    out_type=jax.ShapeDtypeStruct((NC, N_ACC, H), jnp.float32),
    compiler_params=pltpu.CompilerParams(use_tc_tiling_on_sc=False),
    scratch_types=[
        pltpu.VMEM((3, G, EB), jnp.int32),
        pltpu.VMEM((3, G, EB), jnp.int32),
        pltpu.VMEM((2, GE, H), jnp.float32),
        pltpu.VMEM_SHARED((N_ACC, H), jnp.float32),
        pltpu.SemaphoreType.DMA,
        pltpu.SemaphoreType.DMA,
        pltpu.SemaphoreType.DMA((3,)),
    ],
)
def _sc_edge_agg(xh_h, src_h, dst_h, z_d_h,
                 xsum_h,
                 srcb, dstb, rowsb,
                 acc_sp, gsem, ssem, isems):
    c = lax.axis_index("c")
    s = lax.axis_index("s")

    zb = s * ZPT
    pltpu.sync_copy(z_d_h.at[pl.ds(zb, ZPT)], acc_sp.at[pl.ds(zb, ZPT)])

    pltpu.sync_copy(src_h.at[s], srcb.at[0])
    pltpu.sync_copy(dst_h.at[s], dstb.at[0])
    pltpu.async_copy(src_h.at[s + NS], srcb.at[1], isems.at[1])
    pltpu.async_copy(dst_h.at[s + NS], dstb.at[1], isems.at[1])

    for j in range(G):
        pltpu.async_copy(xh_h.at[c].at[srcb.at[0, j]],
                         rowsb.at[0, pl.ds(j * EB, EB)], gsem)

    plsc.subcore_barrier()

    ng = lax.div(NG - s + NS - 1, NS)

    def body(i, carry):
        k0 = lax.rem(i, 3)
        k1 = lax.rem(i + 1, 3)
        k2 = lax.rem(i + 2, 3)
        p = lax.rem(i, 2)
        q = 1 - p
        g1 = s + (i + 1) * NS
        g2 = s + (i + 2) * NS

        for j in range(G):
            pltpu.make_async_copy(xh_h.at[c].at[srcb.at[k0, j]],
                                  rowsb.at[p, pl.ds(j * EB, EB)], gsem).wait()

        @pl.when(i + 2 < ng)
        def _():
            pltpu.async_copy(src_h.at[g2], srcb.at[k2], isems.at[k2])
            pltpu.async_copy(dst_h.at[g2], dstb.at[k2], isems.at[k2])

        @pl.when(i + 1 < ng)
        def _():
            pltpu.make_async_copy(src_h.at[g1], srcb.at[k1], isems.at[k1]).wait()
            pltpu.make_async_copy(dst_h.at[g1], dstb.at[k1], isems.at[k1]).wait()

            for j in range(G):
                pltpu.async_copy(xh_h.at[c].at[srcb.at[k1, j]],
                                 rowsb.at[q, pl.ds(j * EB, EB)], gsem)

        row_ds = [pltpu.async_copy(rowsb.at[p, pl.ds(j * EB, EB)],
                                   acc_sp.at[dstb.at[k0, j]], ssem, add=True)
                  for j in range(G)]
        for d in row_ds:
            d.wait()
        return carry

    lax.fori_loop(0, ng, body, 0)

    plsc.subcore_barrier()

    pltpu.sync_copy(acc_sp.at[pl.ds(zb, ZPT)], xsum_h.at[c, pl.ds(zb, ZPT)])


@functools.partial(
    pl.kernel,
    mesh=_vmesh(),
    out_type=[
        jax.ShapeDtypeStruct((NC, N_ACC, R), jnp.float32),
        jax.ShapeDtypeStruct((NC, N_ACC, R), jnp.float32),
    ],
    compiler_params=pltpu.CompilerParams(use_tc_tiling_on_sc=False),
    scratch_types=[
        pltpu.VMEM((3, G, EB), jnp.int32),
        pltpu.VMEM((3, GE, R), jnp.float32),
        pltpu.VMEM((EB, R), jnp.float32),
        pltpu.VMEM_SHARED((N_ACC, R), jnp.float32),
        pltpu.VMEM_SHARED((N_ACC, R), jnp.float32),
        pltpu.SemaphoreType.DMA,
        pltpu.SemaphoreType.DMA((3,)),
    ],
)
def _sc_aux_agg(dst_h, raw_h, z_r_h, ones_h, dep_h,
                rsum_h, cnt_h,
                dstb, rawb, ones_v,
                rsum_sp, cnt_sp, ssem, isems):
    del dep_h
    c = lax.axis_index("c")
    s = lax.axis_index("s")

    zb = s * ZPT
    pltpu.sync_copy(z_r_h.at[pl.ds(zb, ZPT)], rsum_sp.at[pl.ds(zb, ZPT)])
    pltpu.sync_copy(z_r_h.at[pl.ds(zb, ZPT)], cnt_sp.at[pl.ds(zb, ZPT)])
    pltpu.sync_copy(ones_h, ones_v)

    g_lo = c * NGH
    g_hi = jnp.minimum(NG, (c + 1) * NGH)

    g0 = g_lo + s
    pltpu.async_copy(dst_h.at[g0], dstb.at[0], isems.at[0])
    pltpu.async_copy(raw_h.at[pl.ds(g0 * GE, GE)], rawb.at[0], isems.at[0])
    pltpu.async_copy(dst_h.at[g0 + NS], dstb.at[1], isems.at[1])
    pltpu.async_copy(raw_h.at[pl.ds((g0 + NS) * GE, GE)], rawb.at[1],
                     isems.at[1])

    plsc.subcore_barrier()

    ng = lax.div(g_hi - g_lo - s + NS - 1, NS)

    def body(i, carry):
        k0 = lax.rem(i, 3)
        k2 = lax.rem(i + 2, 3)
        g = g0 + i * NS
        g2 = g0 + (i + 2) * NS

        pltpu.make_async_copy(dst_h.at[g], dstb.at[k0], isems.at[k0]).wait()
        pltpu.make_async_copy(raw_h.at[pl.ds(g * GE, GE)], rawb.at[k0],
                              isems.at[k0]).wait()

        @pl.when(i + 2 < ng)
        def _():
            pltpu.async_copy(dst_h.at[g2], dstb.at[k2], isems.at[k2])
            pltpu.async_copy(raw_h.at[pl.ds(g2 * GE, GE)], rawb.at[k2],
                             isems.at[k2])

        ds_ = []
        for j in range(G):
            ds_.append(pltpu.async_copy(rawb.at[k0, pl.ds(j * EB, EB)],
                                        rsum_sp.at[dstb.at[k0, j]], ssem,
                                        add=True))
            ds_.append(pltpu.async_copy(ones_v, cnt_sp.at[dstb.at[k0, j]],
                                        ssem, add=True))
        for d in ds_:
            d.wait()
        return carry

    lax.fori_loop(0, ng, body, 0)

    plsc.subcore_barrier()

    pltpu.sync_copy(rsum_sp.at[pl.ds(zb, ZPT)], rsum_h.at[c, pl.ds(zb, ZPT)])
    pltpu.sync_copy(cnt_sp.at[pl.ds(zb, ZPT)], cnt_h.at[c, pl.ds(zb, ZPT)])


BM = 1000


def _dense_body(x_ref, xs_ref, rs_ref, ct_ref, a0_ref, a1_ref, b_ref,
                wl_ref, wr_ref, bl_ref, blin_ref, br_ref, o_ref):
    ct = ct_ref[0, :, 0:1] + ct_ref[1, :, 0:1]
    rs = rs_ref[0] + rs_ref[1]
    num = (jnp.dot(xs_ref[0], a0_ref[...], preferred_element_type=jnp.float32)
           + jnp.dot(xs_ref[1], a1_ref[...], preferred_element_type=jnp.float32)
           + jnp.dot(rs, b_ref[...], preferred_element_type=jnp.float32))
    mean = jnp.where(ct > 0.0, num / jnp.maximum(ct, 1.0) + blin_ref[...], 0.0)
    h = jnp.maximum(mean, 0.0)
    o = (jnp.dot(x_ref[...], wl_ref[...], preferred_element_type=jnp.float32)
         + bl_ref[...]
         + jnp.dot(h, wr_ref[...], preferred_element_type=jnp.float32)
         + br_ref[...])
    o_ref[...] = jnp.maximum(o, 0.0)


_dense = pl.pallas_call(
    _dense_body,
    grid=(N_SUB // BM,),
    in_specs=[
        pl.BlockSpec((BM, D), lambda i: (i, 0)),
        pl.BlockSpec((NC, BM, H), lambda i: (0, i, 0)),
        pl.BlockSpec((NC, BM, R), lambda i: (0, i, 0)),
        pl.BlockSpec((NC, BM, R), lambda i: (0, i, 0)),
        pl.BlockSpec((H, D), lambda i: (0, 0)),
        pl.BlockSpec((H, D), lambda i: (0, 0)),
        pl.BlockSpec((R, D), lambda i: (0, 0)),
        pl.BlockSpec((D, D), lambda i: (0, 0)),
        pl.BlockSpec((D, D), lambda i: (0, 0)),
        pl.BlockSpec((1, D), lambda i: (0, 0)),
        pl.BlockSpec((1, D), lambda i: (0, 0)),
        pl.BlockSpec((1, D), lambda i: (0, 0)),
    ],
    out_specs=pl.BlockSpec((BM, D), lambda i: (i, 0)),
    out_shape=jax.ShapeDtypeStruct((N_SUB, D), jnp.float32),
)


def kernel(memory, raw_msg, W_lin, b_lin, W_l, b_l, W_r, b_r, n_id, edge_index):
    src = edge_index[0].reshape(NG, G, EB)
    dst = edge_index[1].reshape(NG, G, EB)
    nid_pad = jnp.pad(n_id, (0, N_SUBP - N_SUB))
    zeros_d = jnp.zeros((N_ACC, H), jnp.float32)
    zeros_r = jnp.zeros((N_ACC, R), jnp.float32)
    ones_r = jnp.ones((EB, R), jnp.float32)
    xh, xf = _sc_gather_x(memory, nid_pad)
    xsum = _sc_edge_agg(xh, src, dst, zeros_d)
    rsum, cnt = _sc_aux_agg(dst, raw_msg, zeros_r, ones_r, xsum)
    return _dense(xf, xsum, rsum, cnt,
                  W_lin[:H], W_lin[H:D], W_lin[D:], W_l,
                  W_r, b_l.reshape(1, D), b_lin.reshape(1, D),
                  b_r.reshape(1, D))

# --- scband reference (transcript-rebuilt; emitter-appended) ---
"""Pipeline reference for scband-temporal-graph-mean-gnn-58119497450038 (READ-ONLY COPY).

The authoritative reference and input builder live on the scoring server;
editing this copy changes nothing except your own understanding.
"""

import jax, jax.numpy as jnp
import numpy as np

NUM_MEM = 100000
NUM_SUB = 10000   # sampled subgraph nodes (n_id size); dst count == src count here
NUM_EDGES = 320000
MEM_DIM = 128
RAW_MSG_DIM = 16
OUT_CH = 128


def setup_inputs(seed: int = 0) -> dict:
    key = jax.random.key(seed)
    ks = jax.random.split(key, 12)
    memory = jax.random.normal(ks[0], (NUM_MEM, MEM_DIM), dtype=jnp.float32)
    # Sampler outputs (stubbed deterministic one-hop sampler):
    n_id = jax.random.randint(ks[1], (NUM_SUB,), 0, NUM_MEM, dtype=jnp.int32)
    edge_index = jax.random.randint(ks[2], (2, NUM_EDGES), 0, NUM_SUB, dtype=jnp.int32)
    raw_msg = jax.random.normal(ks[3], (NUM_EDGES, RAW_MSG_DIM), dtype=jnp.float32)
    # Learned parameters (single conv layer, sampler.sizes == [32]):
    s_lin = 1.0 / np.sqrt(MEM_DIM + RAW_MSG_DIM)
    s_l = 1.0 / np.sqrt(MEM_DIM)
    s_r = 1.0 / np.sqrt(OUT_CH)
    W_lin = jax.random.uniform(ks[4], (MEM_DIM + RAW_MSG_DIM, OUT_CH), jnp.float32, -s_lin, s_lin)
    b_lin = jax.random.uniform(ks[5], (OUT_CH,), jnp.float32, -s_lin, s_lin)
    W_l = jax.random.uniform(ks[6], (MEM_DIM, OUT_CH), jnp.float32, -s_l, s_l)
    b_l = jax.random.uniform(ks[7], (OUT_CH,), jnp.float32, -s_l, s_l)
    W_r = jax.random.uniform(ks[8], (OUT_CH, OUT_CH), jnp.float32, -s_r, s_r)
    b_r = jax.random.uniform(ks[9], (OUT_CH,), jnp.float32, -s_r, s_r)
    return {"memory": memory, "raw_msg": raw_msg, "W_lin": W_lin, "b_lin": b_lin,
            "W_l": W_l, "b_l": b_l, "W_r": W_r, "b_r": b_r,
            "n_id": n_id, "edge_index": edge_index}


def reference(memory, raw_msg, W_lin, b_lin, W_l, b_l, W_r, b_r, n_id, edge_index):
    # x = memory[n_id] : gather from the memory table (memory-bound)
    x = jnp.take(memory, n_id, axis=0)
    src = edge_index[0]
    dst = edge_index[1]
    num_dst = NUM_SUB  # size[1]
    x_dst = x[:num_dst]
    # message: lin(cat([x_j, edge_attr]))
    x_j = jnp.take(x, src, axis=0)
    m = jnp.concatenate([x_j, raw_msg], axis=-1) @ W_lin + b_lin
    # aggr='mean' over destination nodes
    msum = jax.ops.segment_sum(m, dst, num_segments=num_dst)
    cnt = jax.ops.segment_sum(jnp.ones((m.shape[0],), dtype=m.dtype), dst, num_segments=num_dst)
    cnt = jnp.maximum(cnt, 1.0)
    mean = msum / cnt[:, None]
    # out = lin_l(x_dst) + lin_r(relu(mean))
    out = (x_dst @ W_l + b_l) + (jax.nn.relu(mean) @ W_r + b_r)
    # x = x.relu() after the conv in the GNN loop
    return jax.nn.relu(out)

if __name__ == "__main__":
    import jax
    _d = setup_inputs()
    print(jax.jit(kernel)(*tuple(_d.values())))

</pallas_src>

<mosaic_0001>
#map = affine_map<(d0, d1) -> (0, 0, 0)>
#map1 = affine_map<(d0, d1) -> (0, 0)>
module attributes {stable_mosaic.version = 14 : i64} {
  func.func @_sc_edge_agg(%arg0: i32, %arg1: i32, %arg2: memref<2x10240x64xf32, #tpu.memory_space<hbm>>, %arg3: memref<625x4x128xi32, #tpu.memory_space<hbm>>, %arg4: memref<625x4x128xi32, #tpu.memory_space<hbm>>, %arg5: memref<10112x64xf32, #tpu.memory_space<hbm>>, %arg6: memref<2x10112x64xf32, #tpu.memory_space<hbm>>, %arg7: memref<3x4x128xi32, #tpu.memory_space<vmem>>, %arg8: memref<3x4x128xi32, #tpu.memory_space<vmem>>, %arg9: memref<2x512x64xf32, #tpu.memory_space<vmem>>, %arg10: memref<10112x64xf32, #tpu.memory_space<vmem_shared>>, %arg11: memref<!tpu.dma_semaphore, #tpu.memory_space<semaphore_mem>>, %arg12: memref<!tpu.dma_semaphore, #tpu.memory_space<semaphore_mem>>, %arg13: memref<3x!tpu.dma_semaphore, #tpu.memory_space<semaphore_mem>>) attributes {dimension_semantics = [#tpu.dimension_semantics<core_parallel>, #tpu.dimension_semantics<subcore_parallel>], iteration_bounds = array<i64: 2, 16>, scalar_prefetch = 0 : i64, scratch_operands = 7 : i64, tpu.core_type = #tpu.core_type<sc_vector_subcore>, window_params = [{transform_indices = #map}, {transform_indices = #map}, {transform_indices = #map}, {transform_indices = #map1}, {transform_indices = #map}]} {
    %mul3A = arith.constant 632 : i32
    %mul3A_0 = arith.muli %arg1, %mul3A : i32
    "tpu.region"() ({
      %run_scoped3A_128 = tpu.sem_alloc : memref<!tpu.dma_semaphore, #tpu.memory_space<semaphore_mem>>
      %dma_start3A_129 = arith.constant 0 : i32
      %dma_start3A_130 = tpu.memref_slice %arg10[%mul3A_0, %dma_start3A_129] : memref<10112x64xf32, #tpu.memory_space<vmem_shared>> -> memref<632x64xf32, #tpu.memory_space<vmem_shared>>
      %dma_start3A_131 = arith.constant 0 : i32
      %dma_start3A_132 = tpu.memref_slice %arg5[%mul3A_0, %dma_start3A_131] : memref<10112x64xf32, #tpu.memory_space<hbm>> -> memref<632x64xf32, #tpu.memory_space<hbm>>
      tpu.enqueue_dma source(%dma_start3A_132 : memref<632x64xf32, #tpu.memory_space<hbm>>) target(%dma_start3A_130 : memref<632x64xf32, #tpu.memory_space<vmem_shared>>) target_semaphore(%run_scoped3A_128 : memref<!tpu.dma_semaphore, #tpu.memory_space<semaphore_mem>>)
      %dma_wait3A = arith.constant 0 : i32
      %dma_wait3A_133 = tpu.memref_slice %arg10[%mul3A_0, %dma_wait3A] : memref<10112x64xf32, #tpu.memory_space<vmem_shared>> -> memref<632x64xf32, #tpu.memory_space<vmem_shared>>
      %dma_wait3A_134 = arith.constant 0 : i32
      %dma_wait3A_135 = tpu.memref_slice %arg5[%mul3A_0, %dma_wait3A_134] : memref<10112x64xf32, #tpu.memory_space<hbm>> -> memref<632x64xf32, #tpu.memory_space<hbm>>
      tpu.wait_dma2 semaphore(%run_scoped3A_128 : memref<!tpu.dma_semaphore, #tpu.memory_space<semaphore_mem>>) src(%dma_wait3A_135 : memref<632x64xf32, #tpu.memory_space<hbm>>) dst(%dma_wait3A_133 : memref<632x64xf32, #tpu.memory_space<vmem_shared>>)
      tpu.yield
    }) : () -> ()
    %run_scoped3A = arith.constant 0 : i32
    "tpu.region"() ({
      %run_scoped3A_128 = tpu.sem_alloc : memref<!tpu.dma_semaphore, #tpu.memory_space<semaphore_mem>>
      %dma_start3A_129 = arith.constant 0 : i32
      %dma_start3A_130 = arith.constant 0 : i32
      %dma_start3A_131 = tpu.memref_slice %arg7[%run_scoped3A, %dma_start3A_129, %dma_start3A_130] : memref<3x4x128xi32, #tpu.memory_space<vmem>> -> memref<1x4x128xi32, #tpu.memory_space<vmem>>
      %dma_start3A_132 = tpu.memref_squeeze %dma_start3A_131 : memref<1x4x128xi32, #tpu.memory_space<vmem>> -> memref<4x128xi32, #tpu.memory_space<vmem>>
      %dma_start3A_133 = arith.constant 0 : i32
      %dma_start3A_134 = arith.constant 0 : i32
      %dma_start3A_135 = tpu.memref_slice %arg3[%arg1, %dma_start3A_133, %dma_start3A_134] : memref<625x4x128xi32, #tpu.memory_space<hbm>> -> memref<1x4x128xi32, #tpu.memory_space<hbm>>
      %dma_start3A_136 = tpu.memref_squeeze %dma_start3A_135 : memref<1x4x128xi32, #tpu.memory_space<hbm>> -> memref<4x128xi32, #tpu.memory_space<hbm>>
      %dma_start3A_137 = arith.constant 0 : i32
      %dma_start3A_138 = arith.constant 0 : i32
      %dma_start3A_139 = tpu.memref_slice %arg7[%run_scoped3A, %dma_start3A_137, %dma_start3A_138] : memref<3x4x128xi32, #tpu.memory_space<vmem>> -> memref<1x4x128xi32, #tpu.memory_space<vmem>>
      %dma_start3A_140 = tpu.memref_squeeze %dma_start3A_139 : memref<1x4x128xi32, #tpu.memory_space<vmem>> -> memref<4x128xi32, #tpu.memory_space<vmem>>
      %dma_start3A_141 = arith.constant 0 : i32
      %dma_start3A_142 = arith.constant 0 : i32
      %dma_start3A_143 = tpu.memref_slice %arg3[%arg1, %dma_start3A_141, %dma_start3A_142] : memref<625x4x128xi32, #tpu.memory_space<hbm>> -> memref<1x4x128xi32, #tpu.memory_space<hbm>>
      %dma_start3A_144 = tpu.memref_squeeze %dma_start3A_143 : memref<1x4x128xi32, #tpu.memory_space<hbm>> -> memref<4x128xi32, #tpu.memory_space<hbm>>
      tpu.enqueue_dma source(%dma_start3A_144 : memref<4x128xi32, #tpu.memory_space<hbm>>) target(%dma_start3A_140 : memref<4x128xi32, #tpu.memory_space<vmem>>) target_semaphore(%run_scoped3A_128 : memref<!tpu.dma_semaphore, #tpu.memory_space<semaphore_mem>>)
      %dma_wait3A = arith.constant 0 : i32
      %dma_wait3A_145 = arith.constant 0 : i32
      %dma_wait3A_146 = tpu.memref_slice %arg7[%run_scoped3A, %dma_wait3A, %dma_wait3A_145] : memref<3x4x128xi32, #tpu.memory_space<vmem>> -> memref<1x4x128xi32, #tpu.memory_space<vmem>>
      %dma_wait3A_147 = tpu.memref_squeeze %dma_wait3A_146 : memref<1x4x128xi32, #tpu.memory_space<vmem>> -> memref<4x128xi32, #tpu.memory_space<vmem>>
      %dma_wait3A_148 = arith.constant 0 : i32
      %dma_wait3A_149 = arith.constant 0 : i32
      %dma_wait3A_150 = tpu.memref_slice %arg3[%arg1, %dma_wait3A_148, %dma_wait3A_149] : memref<625x4x128xi32, #tpu.memory_space<hbm>> -> memref<1x4x128xi32, #tpu.memory_space<hbm>>
      %dma_wait3A_151 = tpu.memref_squeeze %dma_wait3A_150 : memref<1x4x128xi32, #tpu.memory_space<hbm>> -> memref<4x128xi32, #tpu.memory_space<hbm>>
      %dma_wait3A_152 = arith.constant 0 : i32
      %dma_wait3A_153 = arith.constant 0 : i32
      %dma_wait3A_154 = tpu.memref_slice %arg7[%run_scoped3A, %dma_wait3A_152, %dma_wait3A_153] : memref<3x4x128xi32, #tpu.memory_space<vmem>> -> memref<1x4x128xi32, #tpu.memory_space<vmem>>
      %dma_wait3A_155 = tpu.memref_squeeze %dma_wait3A_154 : memref<1x4x128xi32, #tpu.memory_space<vmem>> -> memref<4x128xi32, #tpu.memory_space<vmem>>
      %dma_wait3A_156 = arith.constant 0 : i32
      %dma_wait3A_157 = arith.constant 0 : i32
      %dma_wait3A_158 = tpu.memref_slice %arg3[%arg1, %dma_wait3A_156, %dma_wait3A_157] : memref<625x4x128xi32, #tpu.memory_space<hbm>> -> memref<1x4x128xi32, #tpu.memory_space<hbm>>
      %dma_wait3A_159 = tpu.memref_squeeze %dma_wait3A_158 : memref<1x4x128xi32, #tpu.memory_space<hbm>> -> memref<4x128xi32, #tpu.memory_space<hbm>>
      tpu.wait_dma2 semaphore(%run_scoped3A_128 : memref<!tpu.dma_semaphore, #tpu.memory_space<semaphore_mem>>) src(%dma_wait3A_159 : memref<4x128xi32, #tpu.memory_space<hbm>>) dst(%dma_wait3A_155 : memref<4x128xi32, #tpu.memory_space<vmem>>)
      tpu.yield
    }) : () -> ()
    %run_scoped3A_1 = arith.constant 0 : i32
    "tpu.region"() ({
      %run_scoped3A_128 = tpu.sem_alloc : memref<!tpu.dma_semaphore, #tpu.memory_space<semaphore_mem>>
      %dma_start3A_129 = arith.constant 0 : i32
      %dma_start3A_130 = arith.constant 0 : i32
      %dma_start3A_131 = tpu.memref_slice %arg8[%run_scoped3A_1, %dma_start3A_129, %dma_start3A_130] : memref<3x4x128xi32, #tpu.memory_space<vmem>> -> memref<1x4x128xi32, #tpu.memory_space<vmem>>
      %dma_start3A_132 = tpu.memref_squeeze %dma_start3A_131 : memref<1x4x128xi32, #tpu.memory_space<vmem>> -> memref<4x128xi32, #tpu.memory_space<vmem>>
      %dma_start3A_133 = arith.constant 0 : i32
      %dma_start3A_134 = arith.constant 0 : i32
      %dma_start3A_135 = tpu.memref_slice %arg4[%arg1, %dma_start3A_133, %dma_start3A_134] : memref<625x4x128xi32, #tpu.memory_space<hbm>> -> memref<1x4x128xi32, #tpu.memory_space<hbm>>
      %dma_start3A_136 = tpu.memref_squeeze %dma_start3A_135 : memref<1x4x128xi32, #tpu.memory_space<hbm>> -> memref<4x128xi32, #tpu.memory_space<hbm>>
      %dma_start3A_137 = arith.constant 0 : i32
      %dma_start3A_138 = arith.constant 0 : i32
      %dma_start3A_139 = tpu.memref_slice %arg8[%run_scoped3A_1, %dma_start3A_137, %dma_start3A_138] : memref<3x4x128xi32, #tpu.memory_space<vmem>> -> memref<1x4x128xi32, #tpu.memory_space<vmem>>
      %dma_start3A_140 = tpu.memref_squeeze %dma_start3A_139 : memref<1x4x128xi32, #tpu.memory_space<vmem>> -> memref<4x128xi32, #tpu.memory_space<vmem>>
      %dma_start3A_141 = arith.constant 0 : i32
      %dma_start3A_142 = arith.constant 0 : i32
      %dma_start3A_143 = tpu.memref_slice %arg4[%arg1, %dma_start3A_141, %dma_start3A_142] : memref<625x4x128xi32, #tpu.memory_space<hbm>> -> memref<1x4x128xi32, #tpu.memory_space<hbm>>
      %dma_start3A_144 = tpu.memref_squeeze %dma_start3A_143 : memref<1x4x128xi32, #tpu.memory_space<hbm>> -> memref<4x128xi32, #tpu.memory_space<hbm>>
      tpu.enqueue_dma source(%dma_start3A_144 : memref<4x128xi32, #tpu.memory_space<hbm>>) target(%dma_start3A_140 : memref<4x128xi32, #tpu.memory_space<vmem>>) target_semaphore(%run_scoped3A_128 : memref<!tpu.dma_semaphore, #tpu.memory_space<semaphore_mem>>)
      %dma_wait3A = arith.constant 0 : i32
      %dma_wait3A_145 = arith.constant 0 : i32
      %dma_wait3A_146 = tpu.memref_slice %arg8[%run_scoped3A_1, %dma_wait3A, %dma_wait3A_145] : memref<3x4x128xi32, #tpu.memory_space<vmem>> -> memref<1x4x128xi32, #tpu.memory_space<vmem>>
      %dma_wait3A_147 = tpu.memref_squeeze %dma_wait3A_146 : memref<1x4x128xi32, #tpu.memory_space<vmem>> -> memref<4x128xi32, #tpu.memory_space<vmem>>
      %dma_wait3A_148 = arith.constant 0 : i32
      %dma_wait3A_149 = arith.constant 0 : i32
      %dma_wait3A_150 = tpu.memref_slice %arg4[%arg1, %dma_wait3A_148, %dma_wait3A_149] : memref<625x4x128xi32, #tpu.memory_space<hbm>> -> memref<1x4x128xi32, #tpu.memory_space<hbm>>
      %dma_wait3A_151 = tpu.memref_squeeze %dma_wait3A_150 : memref<1x4x128xi32, #tpu.memory_space<hbm>> -> memref<4x128xi32, #tpu.memory_space<hbm>>
      %dma_wait3A_152 = arith.constant 0 : i32
      %dma_wait3A_153 = arith.constant 0 : i32
      %dma_wait3A_154 = tpu.memref_slice %arg8[%run_scoped3A_1, %dma_wait3A_152, %dma_wait3A_153] : memref<3x4x128xi32, #tpu.memory_space<vmem>> -> memref<1x4x128xi32, #tpu.memory_space<vmem>>
      %dma_wait3A_155 = tpu.memref_squeeze %dma_wait3A_154 : memref<1x4x128xi32, #tpu.memory_space<vmem>> -> memref<4x128xi32, #tpu.memory_space<vmem>>
      %dma_wait3A_156 = arith.constant 0 : i32
      %dma_wait3A_157 = arith.constant 0 : i32
      %dma_wait3A_158 = tpu.memref_slice %arg4[%arg1, %dma_wait3A_156, %dma_wait3A_157] : memref<625x4x128xi32, #tpu.memory_space<hbm>> -> memref<1x4x128xi32, #tpu.memory_space<hbm>>
      %dma_wait3A_159 = tpu.memref_squeeze %dma_wait3A_158 : memref<1x4x128xi32, #tpu.memory_space<hbm>> -> memref<4x128xi32, #tpu.memory_space<hbm>>
      tpu.wait_dma2 semaphore(%run_scoped3A_128 : memref<!tpu.dma_semaphore, #tpu.memory_space<semaphore_mem>>) src(%dma_wait3A_159 : memref<4x128xi32, #tpu.memory_space<hbm>>) dst(%dma_wait3A_155 : memref<4x128xi32, #tpu.memory_space<vmem>>)
      tpu.yield
    }) : () -> ()
    %add3A = arith.constant 16 : i32
    %add3A_2 = arith.addi %arg1, %add3A : i32
    %dma_start3A = arith.constant 1 : i32
    %dma_start3A_3 = arith.constant 1 : i32
    %dma_start3A_4 = arith.constant 0 : i32
    %dma_start3A_5 = arith.constant 0 : i32
    %dma_start3A_6 = tpu.memref_slice %arg7[%dma_start3A, %dma_start3A_4, %dma_start3A_5] : memref<3x4x128xi32, #tpu.memory_space<vmem>> -> memref<1x4x128xi32, #tpu.memory_space<vmem>>
    %dma_start3A_7 = tpu.memref_squeeze %dma_start3A_6 : memref<1x4x128xi32, #tpu.memory_space<vmem>> -> memref<4x128xi32, #tpu.memory_space<vmem>>
    %dma_start3A_8 = arith.constant 0 : i32
    %dma_start3A_9 = arith.constant 0 : i32
    %dma_start3A_10 = tpu.memref_slice %arg3[%add3A_2, %dma_start3A_8, %dma_start3A_9] : memref<625x4x128xi32, #tpu.memory_space<hbm>> -> memref<1x4x128xi32, #tpu.memory_space<hbm>>
    %dma_start3A_11 = tpu.memref_squeeze %dma_start3A_10 : memref<1x4x128xi32, #tpu.memory_space<hbm>> -> memref<4x128xi32, #tpu.memory_space<hbm>>
    %dma_start3A_12 = tpu.memref_slice %arg13[%dma_start3A_3] : memref<3x!tpu.dma_semaphore, #tpu.memory_space<semaphore_mem>> -> memref<1x!tpu.dma_semaphore, #tpu.memory_space<semaphore_mem>>
    %dma_start3A_13 = tpu.memref_squeeze %dma_start3A_12 : memref<1x!tpu.dma_semaphore, #tpu.memory_space<semaphore_mem>> -> memref<!tpu.dma_semaphore, #tpu.memory_space<semaphore_mem>>
    %dma_start3A_14 = arith.constant 0 : i32
    %dma_start3A_15 = arith.constant 0 : i32
    %dma_start3A_16 = tpu.memref_slice %arg7[%dma_start3A, %dma_start3A_14, %dma_start3A_15] : memref<3x4x128xi32, #tpu.memory_space<vmem>> -> memref<1x4x128xi32, #tpu.memory_space<vmem>>
    %dma_start3A_17 = tpu.memref_squeeze %dma_start3A_16 : memref<1x4x128xi32, #tpu.memory_space<vmem>> -> memref<4x128xi32, #tpu.memory_space<vmem>>
    %dma_start3A_18 = arith.constant 0 : i32
    %dma_start3A_19 = arith.constant 0 : i32
    %dma_start3A_20 = tpu.memref_slice %arg3[%add3A_2, %dma_start3A_18, %dma_start3A_19] : memref<625x4x128xi32, #tpu.memory_space<hbm>> -> memref<1x4x128xi32, #tpu.memory_space<hbm>>
    %dma_start3A_21 = tpu.memref_squeeze %dma_start3A_20 : memref<1x4x128xi32, #tpu.memory_space<hbm>> -> memref<4x128xi32, #tpu.memory_space<hbm>>
    tpu.enqueue_dma source(%dma_start3A_21 : memref<4x128xi32, #tpu.memory_space<hbm>>) target(%dma_start3A_17 : memref<4x128xi32, #tpu.memory_space<vmem>>) target_semaphore(%dma_start3A_13 : memref<!tpu.dma_semaphore, #tpu.memory_space<semaphore_mem>>)
    %add3A_22 = arith.constant 16 : i32
    %add3A_23 = arith.addi %arg1, %add3A_22 : i32
    %dma_start3A_24 = arith.constant 1 : i32
    %dma_start3A_25 = arith.constant 1 : i32
    %dma_start3A_26 = arith.constant 0 : i32
    %dma_start3A_27 = arith.constant 0 : i32
    %dma_start3A_28 = tpu.memref_slice %arg8[%dma_start3A_24, %dma_start3A_26, %dma_start3A_27] : memref<3x4x128xi32, #tpu.memory_space<vmem>> -> memref<1x4x128xi32, #tpu.memory_space<vmem>>
    %dma_start3A_29 = tpu.memref_squeeze %dma_start3A_28 : memref<1x4x128xi32, #tpu.memory_space<vmem>> -> memref<4x128xi32, #tpu.memory_space<vmem>>
    %dma_start3A_30 = arith.constant 0 : i32
    %dma_start3A_31 = arith.constant 0 : i32
    %dma_start3A_32 = tpu.memref_slice %arg4[%add3A_23, %dma_start3A_30, %dma_start3A_31] : memref<625x4x128xi32, #tpu.memory_space<hbm>> -> memref<1x4x128xi32, #tpu.memory_space<hbm>>
    %dma_start3A_33 = tpu.memref_squeeze %dma_start3A_32 : memref<1x4x128xi32, #tpu.memory_space<hbm>> -> memref<4x128xi32, #tpu.memory_space<hbm>>
    %dma_start3A_34 = tpu.memref_slice %arg13[%dma_start3A_25] : memref<3x!tpu.dma_semaphore, #tpu.memory_space<semaphore_mem>> -> memref<1x!tpu.dma_semaphore, #tpu.memory_space<semaphore_mem>>
    %dma_start3A_35 = tpu.memref_squeeze %dma_start3A_34 : memref<1x!tpu.dma_semaphore, #tpu.memory_space<semaphore_mem>> -> memref<!tpu.dma_semaphore, #tpu.memory_space<semaphore_mem>>
    %dma_start3A_36 = arith.constant 0 : i32
    %dma_start3A_37 = arith.constant 0 : i32
    %dma_start3A_38 = tpu.memref_slice %arg8[%dma_start3A_24, %dma_start3A_36, %dma_start3A_37] : memref<3x4x128xi32, #tpu.memory_space<vmem>> -> memref<1x4x128xi32, #tpu.memory_space<vmem>>
    %dma_start3A_39 = tpu.memref_squeeze %dma_start3A_38 : memref<1x4x128xi32, #tpu.memory_space<vmem>> -> memref<4x128xi32, #tpu.memory_space<vmem>>
    %dma_start3A_40 = arith.constant 0 : i32
    %dma_start3A_41 = arith.constant 0 : i32
    %dma_start3A_42 = tpu.memref_slice %arg4[%add3A_23, %dma_start3A_40, %dma_start3A_41] : memref<625x4x128xi32, #tpu.memory_space<hbm>> -> memref<1x4x128xi32, #tpu.memory_space<hbm>>
    %dma_start3A_43 = tpu.memref_squeeze %dma_start3A_42 : memref<1x4x128xi32, #tpu.memory_space<hbm>> -> memref<4x128xi32, #tpu.memory_space<hbm>>
    tpu.enqueue_dma source(%dma_start3A_43 : memref<4x128xi32, #tpu.memory_space<hbm>>) target(%dma_start3A_39 : memref<4x128xi32, #tpu.memory_space<vmem>>) target_semaphore(%dma_start3A_35 : memref<!tpu.dma_semaphore, #tpu.memory_space<semaphore_mem>>)
    %dma_start3A_44 = arith.constant 0 : i32
    %dma_start3A_45 = arith.constant 0 : i32
    %dma_start3A_46 = arith.constant 0 : i32
    %dma_start3A_47 = arith.constant 0 : i32
    %dma_start3A_48 = arith.constant 0 : i32
    %dma_start3A_49 = tpu.memref_slice %arg9[%dma_start3A_46, %dma_start3A_47, %dma_start3A_48] : memref<2x512x64xf32, #tpu.memory_space<vmem>> -> memref<1x128x64xf32, #tpu.memory_space<vmem>>
    %dma_start3A_50 = tpu.memref_squeeze %dma_start3A_49 : memref<1x128x64xf32, #tpu.memory_space<vmem>> -> memref<128x64xf32, #tpu.memory_space<vmem>>
    %dma_start3A_51 = arith.constant 0 : i32
    %dma_start3A_52 = tpu.memref_slice %arg7[%dma_start3A_44, %dma_start3A_45, %dma_start3A_51] : memref<3x4x128xi32, #tpu.memory_space<vmem>> -> memref<1x1x128xi32, #tpu.memory_space<vmem>>
    %dma_start3A_53 = tpu.memref_squeeze %dma_start3A_52 : memref<1x1x128xi32, #tpu.memory_space<vmem>> -> memref<128xi32, #tpu.memory_space<vmem>>
    %dma_start3A_54 = arith.constant 0 : i32
    %dma_start3A_55 = arith.constant 0 : i32
    %dma_start3A_56 = tpu.memref_slice %arg2[%arg0, %dma_start3A_54, %dma_start3A_55] : memref<2x10240x64xf32, #tpu.memory_space<hbm>> -> memref<1x10240x64xf32, #tpu.memory_space<hbm>>
    %dma_start3A_57 = tpu.memref_squeeze %dma_start3A_56 : memref<1x10240x64xf32, #tpu.memory_space<hbm>> -> memref<10240x64xf32, #tpu.memory_space<hbm>>
    %dma_start3A_58 = arith.constant 0 : i32
    %dma_start3A_59 = arith.constant 0 : i32
    %dma_start3A_60 = tpu.memref_slice %dma_start3A_57[%dma_start3A_58, %dma_start3A_59] : memref<10240x64xf32, #tpu.memory_space<hbm>> -> memref<10240x64xf32, #tpu.memory_space<hbm>>
    tpu.enqueue_indirect_dma source(%dma_start3A_60 : memref<10240x64xf32, #tpu.memory_space<hbm>>) target(%dma_start3A_50 : memref<128x64xf32, #tpu.memory_space<vmem>>) offsets(%dma_start3A_53 : memref<128xi32, #tpu.memory_space<vmem>>) semaphore(%arg11 : memref<!tpu.dma_semaphore, #tpu.memory_space<semaphore_mem>>)
    %dma_start3A_61 = arith.constant 0 : i32
    %dma_start3A_62 = arith.constant 1 : i32
    %dma_start3A_63 = arith.constant 0 : i32
    %dma_start3A_64 = arith.constant 128 : i32
    %dma_start3A_65 = arith.constant 0 : i32
    %dma_start3A_66 = tpu.memref_slice %arg9[%dma_start3A_63, %dma_start3A_64, %dma_start3A_65] : memref<2x512x64xf32, #tpu.memory_space<vmem>> -> memref<1x128x64xf32, #tpu.memory_space<vmem>>
    %dma_start3A_67 = tpu.memref_squeeze %dma_start3A_66 : memref<1x128x64xf32, #tpu.memory_space<vmem>> -> memref<128x64xf32, #tpu.memory_space<vmem>>
    %dma_start3A_68 = arith.constant 0 : i32
    %dma_start3A_69 = tpu.memref_slice %arg7[%dma_start3A_61, %dma_start3A_62, %dma_start3A_68] : memref<3x4x128xi32, #tpu.memory_space<vmem>> -> memref<1x1x128xi32, #tpu.memory_space<vmem>>
    %dma_start3A_70 = tpu.memref_squeeze %dma_start3A_69 : memref<1x1x128xi32, #tpu.memory_space<vmem>> -> memref<128xi32, #tpu.memory_space<vmem>>
    %dma_start3A_71 = arith.constant 0 : i32
    %dma_start3A_72 = arith.constant 0 : i32
    %dma_start3A_73 = tpu.memref_slice %arg2[%arg0, %dma_start3A_71, %dma_start3A_72] : memref<2x10240x64xf32, #tpu.memory_space<hbm>> -> memref<1x10240x64xf32, #tpu.memory_space<hbm>>
    %dma_start3A_74 = tpu.memref_squeeze %dma_start3A_73 : memref<1x10240x64xf32, #tpu.memory_space<hbm>> -> memref<10240x64xf32, #tpu.memory_space<hbm>>
    %dma_start3A_75 = arith.constant 0 : i32
    %dma_start3A_76 = arith.constant 0 : i32
    %dma_start3A_77 = tpu.memref_slice %dma_start3A_74[%dma_start3A_75, %dma_start3A_76] : memref<10240x64xf32, #tpu.memory_space<hbm>> -> memref<10240x64xf32, #tpu.memory_space<hbm>>
    tpu.enqueue_indirect_dma source(%dma_start3A_77 : memref<10240x64xf32, #tpu.memory_space<hbm>>) target(%dma_start3A_67 : memref<128x64xf32, #tpu.memory_space<vmem>>) offsets(%dma_start3A_70 : memref<128xi32, #tpu.memory_space<vmem>>) semaphore(%arg11 : memref<!tpu.dma_semaphore, #tpu.memory_space<semaphore_mem>>)
    %dma_start3A_78 = arith.constant 0 : i32
    %dma_start3A_79 = arith.constant 2 : i32
    %dma_start3A_80 = arith.constant 0 : i32
    %dma_start3A_81 = arith.constant 256 : i32
    %dma_start3A_82 = arith.constant 0 : i32
    %dma_start3A_83 = tpu.memref_slice %arg9[%dma_start3A_80, %dma_start3A_81, %dma_start3A_82] : memref<2x512x64xf32, #tpu.memory_space<vmem>> -> memref<1x128x64xf32, #tpu.memory_space<vmem>>
    %dma_start3A_84 = tpu.memref_squeeze %dma_start3A_83 : memref<1x128x64xf32, #tpu.memory_space<vmem>> -> memref<128x64xf32, #tpu.memory_space<vmem>>
    %dma_start3A_85 = arith.constant 0 : i32
    %dma_start3A_86 = tpu.memref_slice %arg7[%dma_start3A_78, %dma_start3A_79, %dma_start3A_85] : memref<3x4x128xi32, #tpu.memory_space<vmem>> -> memref<1x1x128xi32, #tpu.memory_space<vmem>>
    %dma_start3A_87 = tpu.memref_squeeze %dma_start3A_86 : memref<1x1x128xi32, #tpu.memory_space<vmem>> -> memref<128xi32, #tpu.memory_space<vmem>>
    %dma_start3A_88 = arith.constant 0 : i32
    %dma_start3A_89 = arith.constant 0 : i32
    %dma_start3A_90 = tpu.memref_slice %arg2[%arg0, %dma_start3A_88, %dma_start3A_89] : memref<2x10240x64xf32, #tpu.memory_space<hbm>> -> memref<1x10240x64xf32, #tpu.memory_space<hbm>>
    %dma_start3A_91 = tpu.memref_squeeze %dma_start3A_90 : memref<1x10240x64xf32, #tpu.memory_space<hbm>> -> memref<10240x64xf32, #tpu.memory_space<hbm>>
    %dma_start3A_92 = arith.constant 0 : i32
    %dma_start3A_93 = arith.constant 0 : i32
    %dma_start3A_94 = tpu.memref_slice %dma_start3A_91[%dma_start3A_92, %dma_start3A_93] : memref<10240x64xf32, #tpu.memory_space<hbm>> -> memref<10240x64xf32, #tpu.memory_space<hbm>>
    tpu.enqueue_indirect_dma source(%dma_start3A_94 : memref<10240x64xf32, #tpu.memory_space<hbm>>) target(%dma_start3A_84 : memref<128x64xf32, #tpu.memory_space<vmem>>) offsets(%dma_start3A_87 : memref<128xi32, #tpu.memory_space<vmem>>) semaphore(%arg11 : memref<!tpu.dma_semaphore, #tpu.memory_space<semaphore_mem>>)
    %dma_start3A_95 = arith.constant 0 : i32
    %dma_start3A_96 = arith.constant 3 : i32
    %dma_start3A_97 = arith.constant 0 : i32
    %dma_start3A_98 = arith.constant 384 : i32
    %dma_start3A_99 = arith.constant 0 : i32
    %dma_start3A_100 = tpu.memref_slice %arg9[%dma_start3A_97, %dma_start3A_98, %dma_start3A_99] : memref<2x512x64xf32, #tpu.memory_space<vmem>> -> memref<1x128x64xf32, #tpu.memory_space<vmem>>
    %dma_start3A_101 = tpu.memref_squeeze %dma_start3A_100 : memref<1x128x64xf32, #tpu.memory_space<vmem>> -> memref<128x64xf32, #tpu.memory_space<vmem>>
    %dma_start3A_102 = arith.constant 0 : i32
    %dma_start3A_103 = tpu.memref_slice %arg7[%dma_start3A_95, %dma_start3A_96, %dma_start3A_102] : memref<3x4x128xi32, #tpu.memory_space<vmem>> -> memref<1x1x128xi32, #tpu.memory_space<vmem>>
    %dma_start3A_104 = tpu.memref_squeeze %dma_start3A_103 : memref<1x1x128xi32, #tpu.memory_space<vmem>> -> memref<128xi32, #tpu.memory_space<vmem>>
    %dma_start3A_105 = arith.constant 0 : i32
    %dma_start3A_106 = arith.constant 0 : i32
    %dma_start3A_107 = tpu.memref_slice %arg2[%arg0, %dma_start3A_105, %dma_start3A_106] : memref<2x10240x64xf32, #tpu.memory_space<hbm>> -> memref<1x10240x64xf32, #tpu.memory_space<hbm>>
    %dma_start3A_108 = tpu.memref_squeeze %dma_start3A_107 : memref<1x10240x64xf32, #tpu.memory_space<hbm>> -> memref<10240x64xf32, #tpu.memory_space<hbm>>
    %dma_start3A_109 = arith.constant 0 : i32
    %dma_start3A_110 = arith.constant 0 : i32
    %dma_start3A_111 = tpu.memref_slice %dma_start3A_108[%dma_start3A_109, %dma_start3A_110] : memref<10240x64xf32, #tpu.memory_space<hbm>> -> memref<10240x64xf32, #tpu.memory_space<hbm>>
    tpu.enqueue_indirect_dma source(%dma_start3A_111 : memref<10240x64xf32, #tpu.memory_space<hbm>>) target(%dma_start3A_101 : memref<128x64xf32, #tpu.memory_space<vmem>>) offsets(%dma_start3A_104 : memref<128xi32, #tpu.memory_space<vmem>>) semaphore(%arg11 : memref<!tpu.dma_semaphore, #tpu.memory_space<semaphore_mem>>)
    %barrier3A = arith.constant 0 : index
    tpu.barrier barrier_id(%barrier3A)
    %sub3A = arith.constant 625 : i32
    %sub3A_112 = arith.subi %sub3A, %arg1 : i32
    %add3A_113 = arith.constant 16 : i32
    %add3A_114 = arith.addi %sub3A_112, %add3A_113 : i32
    %sub3A_115 = arith.constant 1 : i32
    %sub3A_116 = arith.subi %add3A_114, %sub3A_115 : i32
    %div3A = arith.constant 16 : i32
    %div3A_117 = arith.divsi %sub3A_116, %div3A : i32
    %while3A = arith.constant 0 : i32
    %while3A_118 = arith.constant 0 : i32
    %while3A_119 = arith.subi %div3A_117, %while3A_118 : i32
    %while3A_120 = arith.addi %while3A_118, %while3A_119 : i32
    %while3A_121 = arith.constant 1 : i32
    %while3A_122 = arith.divsi %while3A_119, %while3A_121 : i32
    %while3A_123 = arith.muli %while3A_122, %while3A_121 : i32
    %while3A_124 = arith.addi %while3A_118, %while3A_123 : i32
    %while3A_125 = arith.constant 1 : i32
    scf.for %while3A_128 = %while3A_118 to %while3A_124 step %while3A_125  : i32 {
      %rem3A = arith.constant 3 : i32
      %rem3A_129 = arith.remsi %while3A_128, %rem3A : i32
      %add3A_130 = arith.constant 1 : i32
      %add3A_131 = arith.addi %while3A_128, %add3A_130 : i32
      %rem3A_132 = arith.constant 3 : i32
      %rem3A_133 = arith.remsi %add3A_131, %rem3A_132 : i32
      %add3A_134 = arith.constant 2 : i32
      %add3A_135 = arith.addi %while3A_128, %add3A_134 : i32
      %rem3A_136 = arith.constant 3 : i32
      %rem3A_137 = arith.remsi %add3A_135, %rem3A_136 : i32
      %rem3A_138 = arith.constant 2 : i32
      %rem3A_139 = arith.remsi %while3A_128, %rem3A_138 : i32
      %sub3A_140 = arith.constant 1 : i32
      %sub3A_141 = arith.subi %sub3A_140, %rem3A_139 : i32
      %add3A_142 = arith.constant 1 : i32
      %add3A_143 = arith.addi %while3A_128, %add3A_142 : i32
      %mul3A_144 = arith.constant 16 : i32
      %mul3A_145 = arith.muli %add3A_143, %mul3A_144 : i32
      %add3A_146 = arith.addi %arg1, %mul3A_145 : i32
      %add3A_147 = arith.constant 2 : i32
      %add3A_148 = arith.addi %while3A_128, %add3A_147 : i32
      %mul3A_149 = arith.constant 16 : i32
      %mul3A_150 = arith.muli %add3A_148, %mul3A_149 : i32
      %add3A_151 = arith.addi %arg1, %mul3A_150 : i32
      %dma_wait3A = arith.constant 0 : i32
      %dma_wait3A_152 = arith.constant 0 : i32
      %dma_wait3A_153 = arith.constant 0 : i32
      %dma_wait3A_154 = tpu.memref_slice %arg9[%rem3A_139, %dma_wait3A_152, %dma_wait3A_153] : memref<2x512x64xf32, #tpu.memory_space<vmem>> -> memref<1x128x64xf32, #tpu.memory_space<vmem>>
      %dma_wait3A_155 = tpu.memref_squeeze %dma_wait3A_154 : memref<1x128x64xf32, #tpu.memory_space<vmem>> -> memref<128x64xf32, #tpu.memory_space<vmem>>
      %dma_wait3A_156 = arith.constant 0 : i32
      %dma_wait3A_157 = tpu.memref_slice %arg7[%rem3A_129, %dma_wait3A, %dma_wait3A_156] : memref<3x4x128xi32, #tpu.memory_space<vmem>> -> memref<1x1x128xi32, #tpu.memory_space<vmem>>
      %dma_wait3A_158 = tpu.memref_squeeze %dma_wait3A_157 : memref<1x1x128xi32, #tpu.memory_space<vmem>> -> memref<128xi32, #tpu.memory_space<vmem>>
      %dma_wait3A_159 = arith.constant 0 : i32
      %dma_wait3A_160 = arith.constant 0 : i32
      %dma_wait3A_161 = tpu.memref_slice %arg2[%arg0, %dma_wait3A_159, %dma_wait3A_160] : memref<2x10240x64xf32, #tpu.memory_space<hbm>> -> memref<1x10240x64xf32, #tpu.memory_space<hbm>>
      %dma_wait3A_162 = tpu.memref_squeeze %dma_wait3A_161 : memref<1x10240x64xf32, #tpu.memory_space<hbm>> -> memref<10240x64xf32, #tpu.memory_space<hbm>>
      %dma_wait3A_163 = arith.constant 0 : i32
      %dma_wait3A_164 = arith.constant 0 : i32
      %dma_wait3A_165 = tpu.memref_slice %dma_wait3A_162[%dma_wait3A_163, %dma_wait3A_164] : memref<10240x64xf32, #tpu.memory_space<hbm>> -> memref<10240x64xf32, #tpu.memory_space<hbm>>
      tpu.wait_indirect_dma semaphore(%arg11 : memref<!tpu.dma_semaphore, #tpu.memory_space<semaphore_mem>>) src(%dma_wait3A_165 : memref<10240x64xf32, #tpu.memory_space<hbm>>) dst(%dma_wait3A_155 : memref<128x64xf32, #tpu.memory_space<vmem>>)
      %dma_wait3A_166 = arith.constant 1 : i32
      %dma_wait3A_167 = arith.constant 128 : i32
      %dma_wait3A_168 = arith.constant 0 : i32
      %dma_wait3A_169 = tpu.memref_slice %arg9[%rem3A_139, %dma_wait3A_167, %dma_wait3A_168] : memref<2x512x64xf32, #tpu.memory_space<vmem>> -> memref<1x128x64xf32, #tpu.memory_space<vmem>>
      %dma_wait3A_170 = tpu.memref_squeeze %dma_wait3A_169 : memref<1x128x64xf32, #tpu.memory_space<vmem>> -> memref<128x64xf32, #tpu.memory_space<vmem>>
      %dma_wait3A_171 = arith.constant 0 : i32
      %dma_wait3A_172 = tpu.memref_slice %arg7[%rem3A_129, %dma_wait3A_166, %dma_wait3A_171] : memref<3x4x128xi32, #tpu.memory_space<vmem>> -> memref<1x1x128xi32, #tpu.memory_space<vmem>>
      %dma_wait3A_173 = tpu.memref_squeeze %dma_wait3A_172 : memref<1x1x128xi32, #tpu.memory_space<vmem>> -> memref<128xi32, #tpu.memory_space<vmem>>
      %dma_wait3A_174 = arith.constant 0 : i32
      %dma_wait3A_175 = arith.constant 0 : i32
      %dma_wait3A_176 = tpu.memref_slice %arg2[%arg0, %dma_wait3A_174, %dma_wait3A_175] : memref<2x10240x64xf32, #tpu.memory_space<hbm>> -> memref<1x10240x64xf32, #tpu.memory_space<hbm>>
      %dma_wait3A_177 = tpu.memref_squeeze %dma_wait3A_176 : memref<1x10240x64xf32, #tpu.memory_space<hbm>> -> memref<10240x64xf32, #tpu.memory_space<hbm>>
      %dma_wait3A_178 = arith.constant 0 : i32
      %dma_wait3A_179 = arith.constant 0 : i32
      %dma_wait3A_180 = tpu.memref_slice %dma_wait3A_177[%dma_wait3A_178, %dma_wait3A_179] : memref<10240x64xf32, #tpu.memory_space<hbm>> -> memref<10240x64xf32, #tpu.memory_space<hbm>>
      tpu.wait_indirect_dma semaphore(%arg11 : memref<!tpu.dma_semaphore, #tpu.memory_space<semaphore_mem>>) src(%dma_wait3A_180 : memref<10240x64xf32, #tpu.memory_space<hbm>>) dst(%dma_wait3A_170 : memref<128x64xf32, #tpu.memory_space<vmem>>)
      %dma_wait3A_181 = arith.constant 2 : i32
      %dma_wait3A_182 = arith.constant 256 : i32
      %dma_wait3A_183 = arith.constant 0 : i32
      %dma_wait3A_184 = tpu.memref_slice %arg9[%rem3A_139, %dma_wait3A_182, %dma_wait3A_183] : memref<2x512x64xf32, #tpu.memory_space<vmem>> -> memref<1x128x64xf32, #tpu.memory_space<vmem>>
      %dma_wait3A_185 = tpu.memref_squeeze %dma_wait3A_184 : memref<1x128x64xf32, #tpu.memory_space<vmem>> -> memref<128x64xf32, #tpu.memory_space<vmem>>
      %dma_wait3A_186 = arith.constant 0 : i32
      %dma_wait3A_187 = tpu.memref_slice %arg7[%rem3A_129, %dma_wait3A_181, %dma_wait3A_186] : memref<3x4x128xi32, #tpu.memory_space<vmem>> -> memref<1x1x128xi32, #tpu.memory_space<vmem>>
      %dma_wait3A_188 = tpu.memref_squeeze %dma_wait3A_187 : memref<1x1x128xi32, #tpu.memory_space<vmem>> -> memref<128xi32, #tpu.memory_space<vmem>>
      %dma_wait3A_189 = arith.constant 0 : i32
      %dma_wait3A_190 = arith.constant 0 : i32
      %dma_wait3A_191 = tpu.memref_slice %arg2[%arg0, %dma_wait3A_189, %dma_wait3A_190] : memref<2x10240x64xf32, #tpu.memory_space<hbm>> -> memref<1x10240x64xf32, #tpu.memory_space<hbm>>
      %dma_wait3A_192 = tpu.memref_squeeze %dma_wait3A_191 : memref<1x10240x64xf32, #tpu.memory_space<hbm>> -> memref<10240x64xf32, #tpu.memory_space<hbm>>
      %dma_wait3A_193 = arith.constant 0 : i32
      %dma_wait3A_194 = arith.constant 0 : i32
      %dma_wait3A_195 = tpu.memref_slice %dma_wait3A_192[%dma_wait3A_193, %dma_wait3A_194] : memref<10240x64xf32, #tpu.memory_space<hbm>> -> memref<10240x64xf32, #tpu.memory_space<hbm>>
      tpu.wait_indirect_dma semaphore(%arg11 : memref<!tpu.dma_semaphore, #tpu.memory_space<semaphore_mem>>) src(%dma_wait3A_195 : memref<10240x64xf32, #tpu.memory_space<hbm>>) dst(%dma_wait3A_185 : memref<128x64xf32, #tpu.memory_space<vmem>>)
      %dma_wait3A_196 = arith.constant 3 : i32
      %dma_wait3A_197 = arith.constant 384 : i32
      %dma_wait3A_198 = arith.constant 0 : i32
      %dma_wait3A_199 = tpu.memref_slice %arg9[%rem3A_139, %dma_wait3A_197, %dma_wait3A_198] : memref<2x512x64xf32, #tpu.memory_space<vmem>> -> memref<1x128x64xf32, #tpu.memory_space<vmem>>
      %dma_wait3A_200 = tpu.memref_squeeze %dma_wait3A_199 : memref<1x128x64xf32, #tpu.memory_space<vmem>> -> memref<128x64xf32, #tpu.memory_space<vmem>>
      %dma_wait3A_201 = arith.constant 0 : i32
      %dma_wait3A_202 = tpu.memref_slice %arg7[%rem3A_129, %dma_wait3A_196, %dma_wait3A_201] : memref<3x4x128xi32, #tpu.memory_space<vmem>> -> memref<1x1x128xi32, #tpu.memory_space<vmem>>
      %dma_wait3A_203 = tpu.memref_squeeze %dma_wait3A_202 : memref<1x1x128xi32, #tpu.memory_space<vmem>> -> memref<128xi32, #tpu.memory_space<vmem>>
      %dma_wait3A_204 = arith.constant 0 : i32
      %dma_wait3A_205 = arith.constant 0 : i32
      %dma_wait3A_206 = tpu.memref_slice %arg2[%arg0, %dma_wait3A_204, %dma_wait3A_205] : memref<2x10240x64xf32, #tpu.memory_space<hbm>> -> memref<1x10240x64xf32, #tpu.memory_space<hbm>>
      %dma_wait3A_207 = tpu.memref_squeeze %dma_wait3A_206 : memref<1x10240x64xf32, #tpu.memory_space<hbm>> -> memref<10240x64xf32, #tpu.memory_space<hbm>>
      %dma_wait3A_208 = arith.constant 0 : i32
      %dma_wait3A_209 = arith.constant 0 : i32
      %dma_wait3A_210 = tpu.memref_slice %dma_wait3A_207[%dma_wait3A_208, %dma_wait3A_209] : memref<10240x64xf32, #tpu.memory_space<hbm>> -> memref<10240x64xf32, #tpu.memory_space<hbm>>
      tpu.wait_indirect_dma semaphore(%arg11 : memref<!tpu.dma_semaphore, #tpu.memory_space<semaphore_mem>>) src(%dma_wait3A_210 : memref<10240x64xf32, #tpu.memory_space<hbm>>) dst(%dma_wait3A_200 : memref<128x64xf32, #tpu.memory_space<vmem>>)
      %add3A_211 = arith.constant 2 : i32
      %add3A_212 = arith.addi %while3A_128, %add3A_211 : i32
      %lt3A = arith.cmpi slt, %add3A_212, %div3A_117 : i32
      %convert_element_type3A = arith.extui %lt3A : i1 to i32
      %cond3A = arith.constant 0 : i32
      %cond3A_213 = arith.cmpi ne, %convert_element_type3A, %cond3A : i32
      scf.if %cond3A_213 {
        %dma_start3A_308 = arith.constant 0 : i32
        %dma_start3A_309 = arith.constant 0 : i32
        %dma_start3A_310 = tpu.memref_slice %arg7[%rem3A_137, %dma_start3A_308, %dma_start3A_309] : memref<3x4x128xi32, #tpu.memory_space<vmem>> -> memref<1x4x128xi32, #tpu.memory_space<vmem>>
        %dma_start3A_311 = tpu.memref_squeeze %dma_start3A_310 : memref<1x4x128xi32, #tpu.memory_space<vmem>> -> memref<4x128xi32, #tpu.memory_space<vmem>>
        %dma_start3A_312 = arith.constant 0 : i32
        %dma_start3A_313 = arith.constant 0 : i32
        %dma_start3A_314 = tpu.memref_slice %arg3[%add3A_151, %dma_start3A_312, %dma_start3A_313] : memref<625x4x128xi32, #tpu.memory_space<hbm>> -> memref<1x4x128xi32, #tpu.memory_space<hbm>>
        %dma_start3A_315 = tpu.memref_squeeze %dma_start3A_314 : memref<1x4x128xi32, #tpu.memory_space<hbm>> -> memref<4x128xi32, #tpu.memory_space<hbm>>
        %dma_start3A_316 = tpu.memref_slice %arg13[%rem3A_137] : memref<3x!tpu.dma_semaphore, #tpu.memory_space<semaphore_mem>> -> memref<1x!tpu.dma_semaphore, #tpu.memory_space<semaphore_mem>>
        %dma_start3A_317 = tpu.memref_squeeze %dma_start3A_316 : memref<1x!tpu.dma_semaphore, #tpu.memory_space<semaphore_mem>> -> memref<!tpu.dma_semaphore, #tpu.memory_space<semaphore_mem>>
        %dma_start3A_318 = arith.constant 0 : i32
        %dma_start3A_319 = arith.constant 0 : i32
        %dma_start3A_320 = tpu.memref_slice %arg7[%rem3A_137, %dma_start3A_318, %dma_start3A_319] : memref<3x4x128xi32, #tpu.memory_space<vmem>> -> memref<1x4x128xi32, #tpu.memory_space<vmem>>
        %dma_start3A_321 = tpu.memref_squeeze %dma_start3A_320 : memref<1x4x128xi32, #tpu.memory_space<vmem>> -> memref<4x128xi32, #tpu.memory_space<vmem>>
        %dma_start3A_322 = arith.constant 0 : i32
        %dma_start3A_323 = arith.constant 0 : i32
        %dma_start3A_324 = tpu.memref_slice %arg3[%add3A_151, %dma_start3A_322, %dma_start3A_323] : memref<625x4x128xi32, #tpu.memory_space<hbm>> -> memref<1x4x128xi32, #tpu.memory_space<hbm>>
        %dma_start3A_325 = tpu.memref_squeeze %dma_start3A_324 : memref<1x4x128xi32, #tpu.memory_space<hbm>> -> memref<4x128xi32, #tpu.memory_space<hbm>>
        tpu.enqueue_dma source(%dma_start3A_325 : memref<4x128xi32, #tpu.memory_space<hbm>>) target(%dma_start3A_321 : memref<4x128xi32, #tpu.memory_space<vmem>>) target_semaphore(%dma_start3A_317 : memref<!tpu.dma_semaphore, #tpu.memory_space<semaphore_mem>>)
        %dma_start3A_326 = arith.constant 0 : i32
        %dma_start3A_327 = arith.constant 0 : i32
        %dma_start3A_328 = tpu.memref_slice %arg8[%rem3A_137, %dma_start3A_326, %dma_start3A_327] : memref<3x4x128xi32, #tpu.memory_space<vmem>> -> memref<1x4x128xi32, #tpu.memory_space<vmem>>
        %dma_start3A_329 = tpu.memref_squeeze %dma_start3A_328 : memref<1x4x128xi32, #tpu.memory_space<vmem>> -> memref<4x128xi32, #tpu.memory_space<vmem>>
        %dma_start3A_330 = arith.constant 0 : i32
        %dma_start3A_331 = arith.constant 0 : i32
        %dma_start3A_332 = tpu.memref_slice %arg4[%add3A_151, %dma_start3A_330, %dma_start3A_331] : memref<625x4x128xi32, #tpu.memory_space<hbm>> -> memref<1x4x128xi32, #tpu.memory_space<hbm>>
        %dma_start3A_333 = tpu.memref_squeeze %dma_start3A_332 : memref<1x4x128xi32, #tpu.memory_space<hbm>> -> memref<4x128xi32, #tpu.memory_space<hbm>>
        %dma_start3A_334 = tpu.memref_slice %arg13[%rem3A_137] : memref<3x!tpu.dma_semaphore, #tpu.memory_space<semaphore_mem>> -> memref<1x!tpu.dma_semaphore, #tpu.memory_space<semaphore_mem>>
        %dma_start3A_335 = tpu.memref_squeeze %dma_start3A_334 : memref<1x!tpu.dma_semaphore, #tpu.memory_space<semaphore_mem>> -> memref<!tpu.dma_semaphore, #tpu.memory_space<semaphore_mem>>
        %dma_start3A_336 = arith.constant 0 : i32
        %dma_start3A_337 = arith.constant 0 : i32
        %dma_start3A_338 = tpu.memref_slice %arg8[%rem3A_137, %dma_start3A_336, %dma_start3A_337] : memref<3x4x128xi32, #tpu.memory_space<vmem>> -> memref<1x4x128xi32, #tpu.memory_space<vmem>>
        %dma_start3A_339 = tpu.memref_squeeze %dma_start3A_338 : memref<1x4x128xi32, #tpu.memory_space<vmem>> -> memref<4x128xi32, #tpu.memory_space<vmem>>
        %dma_start3A_340 = arith.constant 0 : i32
        %dma_start3A_341 = arith.constant 0 : i32
        %dma_start3A_342 = tpu.memref_slice %arg4[%add3A_151, %dma_start3A_340, %dma_start3A_341] : memref<625x4x128xi32, #tpu.memory_space<hbm>> -> memref<1x4x128xi32, #tpu.memory_space<hbm>>
        %dma_start3A_343 = tpu.memref_squeeze %dma_start3A_342 : memref<1x4x128xi32, #tpu.memory_space<hbm>> -> memref<4x128xi32, #tpu.memory_space<hbm>>
        tpu.enqueue_dma source(%dma_start3A_343 : memref<4x128xi32, #tpu.memory_space<hbm>>) target(%dma_start3A_339 : memref<4x128xi32, #tpu.memory_space<vmem>>) target_semaphore(%dma_start3A_335 : memref<!tpu.dma_semaphore, #tpu.memory_space<semaphore_mem>>)
      } else {
      }
      %add3A_214 = arith.constant 1 : i32
      %add3A_215 = arith.addi %while3A_128, %add3A_214 : i32
      %lt3A_216 = arith.cmpi slt, %add3A_215, %div3A_117 : i32
      %convert_element_type3A_217 = arith.extui %lt3A_216 : i1 to i32
      %cond3A_218 = arith.constant 0 : i32
      %cond3A_219 = arith.cmpi ne, %convert_element_type3A_217, %cond3A_218 : i32
      scf.if %cond3A_219 {
        %dma_wait3A_308 = arith.constant 0 : i32
        %dma_wait3A_309 = arith.constant 0 : i32
        %dma_wait3A_310 = tpu.memref_slice %arg7[%rem3A_133, %dma_wait3A_308, %dma_wait3A_309] : memref<3x4x128xi32, #tpu.memory_space<vmem>> -> memref<1x4x128xi32, #tpu.memory_space<vmem>>
        %dma_wait3A_311 = tpu.memref_squeeze %dma_wait3A_310 : memref<1x4x128xi32, #tpu.memory_space<vmem>> -> memref<4x128xi32, #tpu.memory_space<vmem>>
        %dma_wait3A_312 = arith.constant 0 : i32
        %dma_wait3A_313 = arith.constant 0 : i32
        %dma_wait3A_314 = tpu.memref_slice %arg3[%add3A_146, %dma_wait3A_312, %dma_wait3A_313] : memref<625x4x128xi32, #tpu.memory_space<hbm>> -> memref<1x4x128xi32, #tpu.memory_space<hbm>>
        %dma_wait3A_315 = tpu.memref_squeeze %dma_wait3A_314 : memref<1x4x128xi32, #tpu.memory_space<hbm>> -> memref<4x128xi32, #tpu.memory_space<hbm>>
        %dma_wait3A_316 = tpu.memref_slice %arg13[%rem3A_133] : memref<3x!tpu.dma_semaphore, #tpu.memory_space<semaphore_mem>> -> memref<1x!tpu.dma_semaphore, #tpu.memory_space<semaphore_mem>>
        %dma_wait3A_317 = tpu.memref_squeeze %dma_wait3A_316 : memref<1x!tpu.dma_semaphore, #tpu.memory_space<semaphore_mem>> -> memref<!tpu.dma_semaphore, #tpu.memory_space<semaphore_mem>>
        %dma_wait3A_318 = arith.constant 0 : i32
        %dma_wait3A_319 = arith.constant 0 : i32
        %dma_wait3A_320 = tpu.memref_slice %arg7[%rem3A_133, %dma_wait3A_318, %dma_wait3A_319] : memref<3x4x128xi32, #tpu.memory_space<vmem>> -> memref<1x4x128xi32, #tpu.memory_space<vmem>>
        %dma_wait3A_321 = tpu.memref_squeeze %dma_wait3A_320 : memref<1x4x128xi32, #tpu.memory_space<vmem>> -> memref<4x128xi32, #tpu.memory_space<vmem>>
        %dma_wait3A_322 = arith.constant 0 : i32
        %dma_wait3A_323 = arith.constant 0 : i32
        %dma_wait3A_324 = tpu.memref_slice %arg3[%add3A_146, %dma_wait3A_322, %dma_wait3A_323] : memref<625x4x128xi32, #tpu.memory_space<hbm>> -> memref<1x4x128xi32, #tpu.memory_space<hbm>>
        %dma_wait3A_325 = tpu.memref_squeeze %dma_wait3A_324 : memref<1x4x128xi32, #tpu.memory_space<hbm>> -> memref<4x128xi32, #tpu.memory_space<hbm>>
        tpu.wait_dma2 semaphore(%dma_wait3A_317 : memref<!tpu.dma_semaphore, #tpu.memory_space<semaphore_mem>>) src(%dma_wait3A_325 : memref<4x128xi32, #tpu.memory_space<hbm>>) dst(%dma_wait3A_321 : memref<4x128xi32, #tpu.memory_space<vmem>>)
        %dma_wait3A_326 = arith.constant 0 : i32
        %dma_wait3A_327 = arith.constant 0 : i32
        %dma_wait3A_328 = tpu.memref_slice %arg8[%rem3A_133, %dma_wait3A_326, %dma_wait3A_327] : memref<3x4x128xi32, #tpu.memory_space<vmem>> -> memref<1x4x128xi32, #tpu.memory_space<vmem>>
        %dma_wait3A_329 = tpu.memref_squeeze %dma_wait3A_328 : memref<1x4x128xi32, #tpu.memory_space<vmem>> -> memref<4x128xi32, #tpu.memory_space<vmem>>
        %dma_wait3A_330 = arith.constant 0 : i32
        %dma_wait3A_331 = arith.constant 0 : i32
        %dma_wait3A_332 = tpu.memref_slice %arg4[%add3A_146, %dma_wait3A_330, %dma_wait3A_331] : memref<625x4x128xi32, #tpu.memory_space<hbm>> -> memref<1x4x128xi32, #tpu.memory_space<hbm>>
        %dma_wait3A_333 = tpu.memref_squeeze %dma_wait3A_332 : memref<1x4x128xi32, #tpu.memory_space<hbm>> -> memref<4x128xi32, #tpu.memory_space<hbm>>
        %dma_wait3A_334 = tpu.memref_slice %arg13[%rem3A_133] : memref<3x!tpu.dma_semaphore, #tpu.memory_space<semaphore_mem>> -> memref<1x!tpu.dma_semaphore, #tpu.memory_space<semaphore_mem>>
        %dma_wait3A_335 = tpu.memref_squeeze %dma_wait3A_334 : memref<1x!tpu.dma_semaphore, #tpu.memory_space<semaphore_mem>> -> memref<!tpu.dma_semaphore, #tpu.memory_space<semaphore_mem>>
        %dma_wait3A_336 = arith.constant 0 : i32
        %dma_wait3A_337 = arith.constant 0 : i32
        %dma_wait3A_338 = tpu.memref_slice %arg8[%rem3A_133, %dma_wait3A_336, %dma_wait3A_337] : memref<3x4x128xi32, #tpu.memory_space<vmem>> -> memref<1x4x128xi32, #tpu.memory_space<vmem>>
        %dma_wait3A_339 = tpu.memref_squeeze %dma_wait3A_338 : memref<1x4x128xi32, #tpu.memory_space<vmem>> -> memref<4x128xi32, #tpu.memory_space<vmem>>
        %dma_wait3A_340 = arith.constant 0 : i32
        %dma_wait3A_341 = arith.constant 0 : i32
        %dma_wait3A_342 = tpu.memref_slice %arg4[%add3A_146, %dma_wait3A_340, %dma_wait3A_341] : memref<625x4x128xi32, #tpu.memory_space<hbm>> -> memref<1x4x128xi32, #tpu.memory_space<hbm>>
        %dma_wait3A_343 = tpu.memref_squeeze %dma_wait3A_342 : memref<1x4x128xi32, #tpu.memory_space<hbm>> -> memref<4x128xi32, #tpu.memory_space<hbm>>
        tpu.wait_dma2 semaphore(%dma_wait3A_335 : memref<!tpu.dma_semaphore, #tpu.memory_space<semaphore_mem>>) src(%dma_wait3A_343 : memref<4x128xi32, #tpu.memory_space<hbm>>) dst(%dma_wait3A_339 : memref<4x128xi32, #tpu.memory_space<vmem>>)
        %dma_start3A_344 = arith.constant 0 : i32
        %dma_start3A_345 = arith.constant 0 : i32
        %dma_start3A_346 = arith.constant 0 : i32
        %dma_start3A_347 = tpu.memref_slice %arg9[%sub3A_141, %dma_start3A_345, %dma_start3A_346] : memref<2x512x64xf32, #tpu.memory_space<vmem>> -> memref<1x128x64xf32, #tpu.memory_space<vmem>>
        %dma_start3A_348 = tpu.memref_squeeze %dma_start3A_347 : memref<1x128x64xf32, #tpu.memory_space<vmem>> -> memref<128x64xf32, #tpu.memory_space<vmem>>
        %dma_start3A_349 = arith.constant 0 : i32
        %dma_start3A_350 = tpu.memref_slice %arg7[%rem3A_133, %dma_start3A_344, %dma_start3A_349] : memref<3x4x128xi32, #tpu.memory_space<vmem>> -> memref<1x1x128xi32, #tpu.memory_space<vmem>>
        %dma_start3A_351 = tpu.memref_squeeze %dma_start3A_350 : memref<1x1x128xi32, #tpu.memory_space<vmem>> -> memref<128xi32, #tpu.memory_space<vmem>>
        %dma_start3A_352 = arith.constant 0 : i32
        %dma_start3A_353 = arith.constant 0 : i32
        %dma_start3A_354 = tpu.memref_slice %arg2[%arg0, %dma_start3A_352, %dma_start3A_353] : memref<2x10240x64xf32, #tpu.memory_space<hbm>> -> memref<1x10240x64xf32, #tpu.memory_space<hbm>>
        %dma_start3A_355 = tpu.memref_squeeze %dma_start3A_354 : memref<1x10240x64xf32, #tpu.memory_space<hbm>> -> memref<10240x64xf32, #tpu.memory_space<hbm>>
        %dma_start3A_356 = arith.constant 0 : i32
        %dma_start3A_357 = arith.constant 0 : i32
        %dma_start3A_358 = tpu.memref_slice %dma_start3A_355[%dma_start3A_356, %dma_start3A_357] : memref<10240x64xf32, #tpu.memory_space<hbm>> -> memref<10240x64xf32, #tpu.memory_space<hbm>>
        tpu.enqueue_indirect_dma source(%dma_start3A_358 : memref<10240x64xf32, #tpu.memory_space<hbm>>) target(%dma_start3A_348 : memref<128x64xf32, #tpu.memory_space<vmem>>) offsets(%dma_start3A_351 : memref<128xi32, #tpu.memory_space<vmem>>) semaphore(%arg11 : memref<!tpu.dma_semaphore, #tpu.memory_space<semaphore_mem>>)
        %dma_start3A_359 = arith.constant 1 : i32
        %dma_start3A_360 = arith.constant 128 : i32
        %dma_start3A_361 = arith.constant 0 : i32
        %dma_start3A_362 = tpu.memref_slice %arg9[%sub3A_141, %dma_start3A_360, %dma_start3A_361] : memref<2x512x64xf32, #tpu.memory_space<vmem>> -> memref<1x128x64xf32, #tpu.memory_space<vmem>>
        %dma_start3A_363 = tpu.memref_squeeze %dma_start3A_362 : memref<1x128x64xf32, #tpu.memory_space<vmem>> -> memref<128x64xf32, #tpu.memory_space<vmem>>
        %dma_start3A_364 = arith.constant 0 : i32
        %dma_start3A_365 = tpu.memref_slice %arg7[%rem3A_133, %dma_start3A_359, %dma_start3A_364] : memref<3x4x128xi32, #tpu.memory_space<vmem>> -> memref<1x1x128xi32, #tpu.memory_space<vmem>>
        %dma_start3A_366 = tpu.memref_squeeze %dma_start3A_365 : memref<1x1x128xi32, #tpu.memory_space<vmem>> -> memref<128xi32, #tpu.memory_space<vmem>>
        %dma_start3A_367 = arith.constant 0 : i32
        %dma_start3A_368 = arith.constant 0 : i32
        %dma_start3A_369 = tpu.memref_slice %arg2[%arg0, %dma_start3A_367, %dma_start3A_368] : memref<2x10240x64xf32, #tpu.memory_space<hbm>> -> memref<1x10240x64xf32, #tpu.memory_space<hbm>>
        %dma_start3A_370 = tpu.memref_squeeze %dma_start3A_369 : memref<1x10240x64xf32, #tpu.memory_space<hbm>> -> memref<10240x64xf32, #tpu.memory_space<hbm>>
        %dma_start3A_371 = arith.constant 0 : i32
        %dma_start3A_372 = arith.constant 0 : i32
        %dma_start3A_373 = tpu.memref_slice %dma_start3A_370[%dma_start3A_371, %dma_start3A_372] : memref<10240x64xf32, #tpu.memory_space<hbm>> -> memref<10240x64xf32, #tpu.memory_space<hbm>>
        tpu.enqueue_indirect_dma source(%dma_start3A_373 : memref<10240x64xf32, #tpu.memory_space<hbm>>) target(%dma_start3A_363 : memref<128x64xf32, #tpu.memory_space<vmem>>) offsets(%dma_start3A_366 : memref<128xi32, #tpu.memory_space<vmem>>) semaphore(%arg11 : memref<!tpu.dma_semaphore, #tpu.memory_space<semaphore_mem>>)
        %dma_start3A_374 = arith.constant 2 : i32
        %dma_start3A_375 = arith.constant 256 : i32
        %dma_start3A_376 = arith.constant 0 : i32
        %dma_start3A_377 = tpu.memref_slice %arg9[%sub3A_141, %dma_start3A_375, %dma_start3A_376] : memref<2x512x64xf32, #tpu.memory_space<vmem>> -> memref<1x128x64xf32, #tpu.memory_space<vmem>>
        %dma_start3A_378 = tpu.memref_squeeze %dma_start3A_377 : memref<1x128x64xf32, #tpu.memory_space<vmem>> -> memref<128x64xf32, #tpu.memory_space<vmem>>
        %dma_start3A_379 = arith.constant 0 : i32
        %dma_start3A_380 = tpu.memref_slice %arg7[%rem3A_133, %dma_start3A_374, %dma_start3A_379] : memref<3x4x128xi32, #tpu.memory_space<vmem>> -> memref<1x1x128xi32, #tpu.memory_space<vmem>>
        %dma_start3A_381 = tpu.memref_squeeze %dma_start3A_380 : memref<1x1x128xi32, #tpu.memory_space<vmem>> -> memref<128xi32, #tpu.memory_space<vmem>>
        %dma_start3A_382 = arith.constant 0 : i32
        %dma_start3A_383 = arith.constant 0 : i32
        %dma_start3A_384 = tpu.memref_slice %arg2[%arg0, %dma_start3A_382, %dma_start3A_383] : memref<2x10240x64xf32, #tpu.memory_space<hbm>> -> memref<1x10240x64xf32, #tpu.memory_space<hbm>>
        %dma_start3A_385 = tpu.memref_squeeze %dma_start3A_384 : memref<1x10240x64xf32, #tpu.memory_space<hbm>> -> memref<10240x64xf32, #tpu.memory_space<hbm>>
        %dma_start3A_386 = arith.constant 0 : i32
        %dma_start3A_387 = arith.constant 0 : i32
        %dma_start3A_388 = tpu.memref_slice %dma_start3A_385[%dma_start3A_386, %dma_start3A_387] : memref<10240x64xf32, #tpu.memory_space<hbm>> -> memref<10240x64xf32, #tpu.memory_space<hbm>>
        tpu.enqueue_indirect_dma source(%dma_start3A_388 : memref<10240x64xf32, #tpu.memory_space<hbm>>) target(%dma_start3A_378 : memref<128x64xf32, #tpu.memory_space<vmem>>) offsets(%dma_start3A_381 : memref<128xi32, #tpu.memory_space<vmem>>) semaphore(%arg11 : memref<!tpu.dma_semaphore, #tpu.memory_space<semaphore_mem>>)
        %dma_start3A_389 = arith.constant 3 : i32
        %dma_start3A_390 = arith.constant 384 : i32
        %dma_start3A_391 = arith.constant 0 : i32
        %dma_start3A_392 = tpu.memref_slice %arg9[%sub3A_141, %dma_start3A_390, %dma_start3A_391] : memref<2x512x64xf32, #tpu.memory_space<vmem>> -> memref<1x128x64xf32, #tpu.memory_space<vmem>>
        %dma_start3A_393 = tpu.memref_squeeze %dma_start3A_392 : memref<1x128x64xf32, #tpu.memory_space<vmem>> -> memref<128x64xf32, #tpu.memory_space<vmem>>
        %dma_start3A_394 = arith.constant 0 : i32
        %dma_start3A_395 = tpu.memref_slice %arg7[%rem3A_133, %dma_start3A_389, %dma_start3A_394] : memref<3x4x128xi32, #tpu.memory_space<vmem>> -> memref<1x1x128xi32, #tpu.memory_space<vmem>>
        %dma_start3A_396 = tpu.memref_squeeze %dma_start3A_395 : memref<1x1x128xi32, #tpu.memory_space<vmem>> -> memref<128xi32, #tpu.memory_space<vmem>>
        %dma_start3A_397 = arith.constant 0 : i32
        %dma_start3A_398 = arith.constant 0 : i32
        %dma_start3A_399 = tpu.memref_slice %arg2[%arg0, %dma_start3A_397, %dma_start3A_398] : memref<2x10240x64xf32, #tpu.memory_space<hbm>> -> memref<1x10240x64xf32, #tpu.memory_space<hbm>>
        %dma_start3A_400 = tpu.memref_squeeze %dma_start3A_399 : memref<1x10240x64xf32, #tpu.memory_space<hbm>> -> memref<10240x64xf32, #tpu.memory_space<hbm>>
        %dma_start3A_401 = arith.constant 0 : i32
        %dma_start3A_402 = arith.constant 0 : i32
        %dma_start3A_403 = tpu.memref_slice %dma_start3A_400[%dma_start3A_401, %dma_start3A_402] : memref<10240x64xf32, #tpu.memory_space<hbm>> -> memref<10240x64xf32, #tpu.memory_space<hbm>>
        tpu.enqueue_indirect_dma source(%dma_start3A_403 : memref<10240x64xf32, #tpu.memory_space<hbm>>) target(%dma_start3A_393 : memref<128x64xf32, #tpu.memory_space<vmem>>) offsets(%dma_start3A_396 : memref<128xi32, #tpu.memory_space<vmem>>) semaphore(%arg11 : memref<!tpu.dma_semaphore, #tpu.memory_space<semaphore_mem>>)
      } else {
      }
      %dma_start3A_220 = arith.constant 0 : i32
      %dma_start3A_221 = arith.constant 0 : i32
      %dma_start3A_222 = arith.constant 0 : i32
      %dma_start3A_223 = tpu.memref_slice %arg9[%rem3A_139, %dma_start3A_221, %dma_start3A_222] : memref<2x512x64xf32, #tpu.memory_space<vmem>> -> memref<1x128x64xf32, #tpu.memory_space<vmem>>
      %dma_start3A_224 = tpu.memref_squeeze %dma_start3A_223 : memref<1x128x64xf32, #tpu.memory_space<vmem>> -> memref<128x64xf32, #tpu.memory_space<vmem>>
      %dma_start3A_225 = arith.constant 0 : i32
      %dma_start3A_226 = tpu.memref_slice %arg8[%rem3A_129, %dma_start3A_220, %dma_start3A_225] : memref<3x4x128xi32, #tpu.memory_space<vmem>> -> memref<1x1x128xi32, #tpu.memory_space<vmem>>
      %dma_start3A_227 = tpu.memref_squeeze %dma_start3A_226 : memref<1x1x128xi32, #tpu.memory_space<vmem>> -> memref<128xi32, #tpu.memory_space<vmem>>
      %dma_start3A_228 = arith.constant 0 : i32
      %dma_start3A_229 = arith.constant 0 : i32
      %dma_start3A_230 = tpu.memref_slice %arg10[%dma_start3A_228, %dma_start3A_229] : memref<10112x64xf32, #tpu.memory_space<vmem_shared>> -> memref<10112x64xf32, #tpu.memory_space<vmem_shared>>
      tpu.enqueue_indirect_dma source(%dma_start3A_224 : memref<128x64xf32, #tpu.memory_space<vmem>>) target(%dma_start3A_230 : memref<10112x64xf32, #tpu.memory_space<vmem_shared>>) offsets(%dma_start3A_227 : memref<128xi32, #tpu.memory_space<vmem>>) semaphore(%arg12 : memref<!tpu.dma_semaphore, #tpu.memory_space<semaphore_mem>>) {add = true}
      %dma_start3A_231 = arith.constant 1 : i32
      %dma_start3A_232 = arith.constant 128 : i32
      %dma_start3A_233 = arith.constant 0 : i32
      %dma_start3A_234 = tpu.memref_slice %arg9[%rem3A_139, %dma_start3A_232, %dma_start3A_233] : memref<2x512x64xf32, #tpu.memory_space<vmem>> -> memref<1x128x64xf32, #tpu.memory_space<vmem>>
      %dma_start3A_235 = tpu.memref_squeeze %dma_start3A_234 : memref<1x128x64xf32, #tpu.memory_space<vmem>> -> memref<128x64xf32, #tpu.memory_space<vmem>>
      %dma_start3A_236 = arith.constant 0 : i32
      %dma_start3A_237 = tpu.memref_slice %arg8[%rem3A_129, %dma_start3A_231, %dma_start3A_236] : memref<3x4x128xi32, #tpu.memory_space<vmem>> -> memref<1x1x128xi32, #tpu.memory_space<vmem>>
      %dma_start3A_238 = tpu.memref_squeeze %dma_start3A_237 : memref<1x1x128xi32, #tpu.memory_space<vmem>> -> memref<128xi32, #tpu.memory_space<vmem>>
      %dma_start3A_239 = arith.constant 0 : i32
      %dma_start3A_240 = arith.constant 0 : i32
      %dma_start3A_241 = tpu.memref_slice %arg10[%dma_start3A_239, %dma_start3A_240] : memref<10112x64xf32, #tpu.memory_space<vmem_shared>> -> memref<10112x64xf32, #tpu.memory_space<vmem_shared>>
      tpu.enqueue_indirect_dma source(%dma_start3A_235 : memref<128x64xf32, #tpu.memory_space<vmem>>) target(%dma_start3A_241 : memref<10112x64xf32, #tpu.memory_space<vmem_shared>>) offsets(%dma_start3A_238 : memref<128xi32, #tpu.memory_space<vmem>>) semaphore(%arg12 : memref<!tpu.dma_semaphore, #tpu.memory_space<semaphore_mem>>) {add = true}
      %dma_start3A_242 = arith.constant 2 : i32
      %dma_start3A_243 = arith.constant 256 : i32
      %dma_start3A_244 = arith.constant 0 : i32
      %dma_start3A_245 = tpu.memref_slice %arg9[%rem3A_139, %dma_start3A_243, %dma_start3A_244] : memref<2x512x64xf32, #tpu.memory_space<vmem>> -> memref<1x128x64xf32, #tpu.memory_space<vmem>>
      %dma_start3A_246 = tpu.memref_squeeze %dma_start3A_245 : memref<1x128x64xf32, #tpu.memory_space<vmem>> -> memref<128x64xf32, #tpu.memory_space<vmem>>
      %dma_start3A_247 = arith.constant 0 : i32
      %dma_start3A_248 = tpu.memref_slice %arg8[%rem3A_129, %dma_start3A_242, %dma_start3A_247] : memref<3x4x128xi32, #tpu.memory_space<vmem>> -> memref<1x1x128xi32, #tpu.memory_space<vmem>>
      %dma_start3A_249 = tpu.memref_squeeze %dma_start3A_248 : memref<1x1x128xi32, #tpu.memory_space<vmem>> -> memref<128xi32, #tpu.memory_space<vmem>>
      %dma_start3A_250 = arith.constant 0 : i32
      %dma_start3A_251 = arith.constant 0 : i32
      %dma_start3A_252 = tpu.memref_slice %arg10[%dma_start3A_250, %dma_start3A_251] : memref<10112x64xf32, #tpu.memory_space<vmem_shared>> -> memref<10112x64xf32, #tpu.memory_space<vmem_shared>>
      tpu.enqueue_indirect_dma source(%dma_start3A_246 : memref<128x64xf32, #tpu.memory_space<vmem>>) target(%dma_start3A_252 : memref<10112x64xf32, #tpu.memory_space<vmem_shared>>) offsets(%dma_start3A_249 : memref<128xi32, #tpu.memory_space<vmem>>) semaphore(%arg12 : memref<!tpu.dma_semaphore, #tpu.memory_space<semaphore_mem>>) {add = true}
      %dma_start3A_253 = arith.constant 3 : i32
      %dma_start3A_254 = arith.constant 384 : i32
      %dma_start3A_255 = arith.constant 0 : i32
      %dma_start3A_256 = tpu.memref_slice %arg9[%rem3A_139, %dma_start3A_254, %dma_start3A_255] : memref<2x512x64xf32, #tpu.memory_space<vmem>> -> memref<1x128x64xf32, #tpu.memory_space<vmem>>
      %dma_start3A_257 = tpu.memref_squeeze %dma_start3A_256 : memref<1x128x64xf32, #tpu.memory_space<vmem>> -> memref<128x64xf32, #tpu.memory_space<vmem>>
      %dma_start3A_258 = arith.constant 0 : i32
      %dma_start3A_259 = tpu.memref_slice %arg8[%rem3A_129, %dma_start3A_253, %dma_start3A_258] : memref<3x4x128xi32, #tpu.memory_space<vmem>> -> memref<1x1x128xi32, #tpu.memory_space<vmem>>
      %dma_start3A_260 = tpu.memref_squeeze %dma_start3A_259 : memref<1x1x128xi32, #tpu.memory_space<vmem>> -> memref<128xi32, #tpu.memory_space<vmem>>
      %dma_start3A_261 = arith.constant 0 : i32
      %dma_start3A_262 = arith.constant 0 : i32
      %dma_start3A_263 = tpu.memref_slice %arg10[%dma_start3A_261, %dma_start3A_262] : memref<10112x64xf32, #tpu.memory_space<vmem_shared>> -> memref<10112x64xf32, #tpu.memory_space<vmem_shared>>
      tpu.enqueue_indirect_dma source(%dma_start3A_257 : memref<128x64xf32, #tpu.memory_space<vmem>>) target(%dma_start3A_263 : memref<10112x64xf32, #tpu.memory_space<vmem_shared>>) offsets(%dma_start3A_260 : memref<128xi32, #tpu.memory_space<vmem>>) semaphore(%arg12 : memref<!tpu.dma_semaphore, #tpu.memory_space<semaphore_mem>>) {add = true}
      %dma_wait3A_264 = arith.constant 0 : i32
      %dma_wait3A_265 = arith.constant 0 : i32
      %dma_wait3A_266 = arith.constant 0 : i32
      %dma_wait3A_267 = tpu.memref_slice %arg9[%rem3A_139, %dma_wait3A_265, %dma_wait3A_266] : memref<2x512x64xf32, #tpu.memory_space<vmem>> -> memref<1x128x64xf32, #tpu.memory_space<vmem>>
      %dma_wait3A_268 = tpu.memref_squeeze %dma_wait3A_267 : memref<1x128x64xf32, #tpu.memory_space<vmem>> -> memref<128x64xf32, #tpu.memory_space<vmem>>
      %dma_wait3A_269 = arith.constant 0 : i32
      %dma_wait3A_270 = tpu.memref_slice %arg8[%rem3A_129, %dma_wait3A_264, %dma_wait3A_269] : memref<3x4x128xi32, #tpu.memory_space<vmem>> -> memref<1x1x128xi32, #tpu.memory_space<vmem>>
      %dma_wait3A_271 = tpu.memref_squeeze %dma_wait3A_270 : memref<1x1x128xi32, #tpu.memory_space<vmem>> -> memref<128xi32, #tpu.memory_space<vmem>>
      %dma_wait3A_272 = arith.constant 0 : i32
      %dma_wait3A_273 = arith.constant 0 : i32
      %dma_wait3A_274 = tpu.memref_slice %arg10[%dma_wait3A_272, %dma_wait3A_273] : memref<10112x64xf32, #tpu.memory_space<vmem_shared>> -> memref<10112x64xf32, #tpu.memory_space<vmem_shared>>
      tpu.wait_indirect_dma semaphore(%arg12 : memref<!tpu.dma_semaphore, #tpu.memory_space<semaphore_mem>>) src(%dma_wait3A_268 : memref<128x64xf32, #tpu.memory_space<vmem>>) dst(%dma_wait3A_274 : memref<10112x64xf32, #tpu.memory_space<vmem_shared>>)
      %dma_wait3A_275 = arith.constant 1 : i32
      %dma_wait3A_276 = arith.constant 128 : i32
      %dma_wait3A_277 = arith.constant 0 : i32
      %dma_wait3A_278 = tpu.memref_slice %arg9[%rem3A_139, %dma_wait3A_276, %dma_wait3A_277] : memref<2x512x64xf32, #tpu.memory_space<vmem>> -> memref<1x128x64xf32, #tpu.memory_space<vmem>>
      %dma_wait3A_279 = tpu.memref_squeeze %dma_wait3A_278 : memref<1x128x64xf32, #tpu.memory_space<vmem>> -> memref<128x64xf32, #tpu.memory_space<vmem>>
      %dma_wait3A_280 = arith.constant 0 : i32
      %dma_wait3A_281 = tpu.memref_slice %arg8[%rem3A_129, %dma_wait3A_275, %dma_wait3A_280] : memref<3x4x128xi32, #tpu.memory_space<vmem>> -> memref<1x1x128xi32, #tpu.memory_space<vmem>>
      %dma_wait3A_282 = tpu.memref_squeeze %dma_wait3A_281 : memref<1x1x128xi32, #tpu.memory_space<vmem>> -> memref<128xi32, #tpu.memory_space<vmem>>
      %dma_wait3A_283 = arith.constant 0 : i32
      %dma_wait3A_284 = arith.constant 0 : i32
      %dma_wait3A_285 = tpu.memref_slice %arg10[%dma_wait3A_283, %dma_wait3A_284] : memref<10112x64xf32, #tpu.memory_space<vmem_shared>> -> memref<10112x64xf32, #tpu.memory_space<vmem_shared>>
      tpu.wait_indirect_dma semaphore(%arg12 : memref<!tpu.dma_semaphore, #tpu.memory_space<semaphore_mem>>) src(%dma_wait3A_279 : memref<128x64xf32, #tpu.memory_space<vmem>>) dst(%dma_wait3A_285 : memref<10112x64xf32, #tpu.memory_space<vmem_shared>>)
      %dma_wait3A_286 = arith.constant 2 : i32
      %dma_wait3A_287 = arith.constant 256 : i32
      %dma_wait3A_288 = arith.constant 0 : i32
      %dma_wait3A_289 = tpu.memref_slice %arg9[%rem3A_139, %dma_wait3A_287, %dma_wait3A_288] : memref<2x512x64xf32, #tpu.memory_space<vmem>> -> memref<1x128x64xf32, #tpu.memory_space<vmem>>
      %dma_wait3A_290 = tpu.memref_squeeze %dma_wait3A_289 : memref<1x128x64xf32, #tpu.memory_space<vmem>> -> memref<128x64xf32, #tpu.memory_space<vmem>>
      %dma_wait3A_291 = arith.constant 0 : i32
      %dma_wait3A_292 = tpu.memref_slice %arg8[%rem3A_129, %dma_wait3A_286, %dma_wait3A_291] : memref<3x4x128xi32, #tpu.memory_space<vmem>> -> memref<1x1x128xi32, #tpu.memory_space<vmem>>
      %dma_wait3A_293 = tpu.memref_squeeze %dma_wait3A_292 : memref<1x1x128xi32, #tpu.memory_space<vmem>> -> memref<128xi32, #tpu.memory_space<vmem>>
      %dma_wait3A_294 = arith.constant 0 : i32
      %dma_wait3A_295 = arith.constant 0 : i32
      %dma_wait3A_296 = tpu.memref_slice %arg10[%dma_wait3A_294, %dma_wait3A_295] : memref<10112x64xf32, #tpu.memory_space<vmem_shared>> -> memref<10112x64xf32, #tpu.memory_space<vmem_shared>>
      tpu.wait_indirect_dma semaphore(%arg12 : memref<!tpu.dma_semaphore, #tpu.memory_space<semaphore_mem>>) src(%dma_wait3A_290 : memref<128x64xf32, #tpu.memory_space<vmem>>) dst(%dma_wait3A_296 : memref<10112x64xf32, #tpu.memory_space<vmem_shared>>)
      %dma_wait3A_297 = arith.constant 3 : i32
      %dma_wait3A_298 = arith.constant 384 : i32
      %dma_wait3A_299 = arith.constant 0 : i32
      %dma_wait3A_300 = tpu.memref_slice %arg9[%rem3A_139, %dma_wait3A_298, %dma_wait3A_299] : memref<2x512x64xf32, #tpu.memory_space<vmem>> -> memref<1x128x64xf32, #tpu.memory_space<vmem>>
      %dma_wait3A_301 = tpu.memref_squeeze %dma_wait3A_300 : memref<1x128x64xf32, #tpu.memory_space<vmem>> -> memref<128x64xf32, #tpu.memory_space<vmem>>
      %dma_wait3A_302 = arith.constant 0 : i32
      %dma_wait3A_303 = tpu.memref_slice %arg8[%rem3A_129, %dma_wait3A_297, %dma_wait3A_302] : memref<3x4x128xi32, #tpu.memory_space<vmem>> -> memref<1x1x128xi32, #tpu.memory_space<vmem>>
      %dma_wait3A_304 = tpu.memref_squeeze %dma_wait3A_303 : memref<1x1x128xi32, #tpu.memory_space<vmem>> -> memref<128xi32, #tpu.memory_space<vmem>>
      %dma_wait3A_305 = arith.constant 0 : i32
      %dma_wait3A_306 = arith.constant 0 : i32
      %dma_wait3A_307 = tpu.memref_slice %arg10[%dma_wait3A_305, %dma_wait3A_306] : memref<10112x64xf32, #tpu.memory_space<vmem_shared>> -> memref<10112x64xf32, #tpu.memory_space<vmem_shared>>
      tpu.wait_indirect_dma semaphore(%arg12 : memref<!tpu.dma_semaphore, #tpu.memory_space<semaphore_mem>>) src(%dma_wait3A_301 : memref<128x64xf32, #tpu.memory_space<vmem>>) dst(%dma_wait3A_307 : memref<10112x64xf32, #tpu.memory_space<vmem_shared>>)
    }
    %while3A_126 = arith.constant 1 : i32
    scf.for %while3A_128 = %while3A_124 to %while3A_120 step %while3A_126  : i32 {
      %rem3A = arith.constant 3 : i32
      %rem3A_129 = arith.remsi %while3A_128, %rem3A : i32
      %add3A_130 = arith.constant 1 : i32
      %add3A_131 = arith.addi %while3A_128, %add3A_130 : i32
      %rem3A_132 = arith.constant 3 : i32
      %rem3A_133 = arith.remsi %add3A_131, %rem3A_132 : i32
      %add3A_134 = arith.constant 2 : i32
      %add3A_135 = arith.addi %while3A_128, %add3A_134 : i32
      %rem3A_136 = arith.constant 3 : i32
      %rem3A_137 = arith.remsi %add3A_135, %rem3A_136 : i32
      %rem3A_138 = arith.constant 2 : i32
      %rem3A_139 = arith.remsi %while3A_128, %rem3A_138 : i32
      %sub3A_140 = arith.constant 1 : i32
      %sub3A_141 = arith.subi %sub3A_140, %rem3A_139 : i32
      %add3A_142 = arith.constant 1 : i32
      %add3A_143 = arith.addi %while3A_128, %add3A_142 : i32
      %mul3A_144 = arith.constant 16 : i32
      %mul3A_145 = arith.muli %add3A_143, %mul3A_144 : i32
      %add3A_146 = arith.addi %arg1, %mul3A_145 : i32
      %add3A_147 = arith.constant 2 : i32
      %add3A_148 = arith.addi %while3A_128, %add3A_147 : i32
      %mul3A_149 = arith.constant 16 : i32
      %mul3A_150 = arith.muli %add3A_148, %mul3A_149 : i32
      %add3A_151 = arith.addi %arg1, %mul3A_150 : i32
      %dma_wait3A = arith.constant 0 : i32
      %dma_wait3A_152 = arith.constant 0 : i32
      %dma_wait3A_153 = arith.constant 0 : i32
      %dma_wait3A_154 = tpu.memref_slice %arg9[%rem3A_139, %dma_wait3A_152, %dma_wait3A_153] : memref<2x512x64xf32, #tpu.memory_space<vmem>> -> memref<1x128x64xf32, #tpu.memory_space<vmem>>
      %dma_wait3A_155 = tpu.memref_squeeze %dma_wait3A_154 : memref<1x128x64xf32, #tpu.memory_space<vmem>> -> memref<128x64xf32, #tpu.memory_space<vmem>>
      %dma_wait3A_156 = arith.constant 0 : i32
      %dma_wait3A_157 = tpu.memref_slice %arg7[%rem3A_129, %dma_wait3A, %dma_wait3A_156] : memref<3x4x128xi32, #tpu.memory_space<vmem>> -> memref<1x1x128xi32, #tpu.memory_space<vmem>>
      %dma_wait3A_158 = tpu.memref_squeeze %dma_wait3A_157 : memref<1x1x128xi32, #tpu.memory_space<vmem>> -> memref<128xi32, #tpu.memory_space<vmem>>
      %dma_wait3A_159 = arith.constant 0 : i32
      %dma_wait3A_160 = arith.constant 0 : i32
      %dma_wait3A_161 = tpu.memref_slice %arg2[%arg0, %dma_wait3A_159, %dma_wait3A_160] : memref<2x10240x64xf32, #tpu.memory_space<hbm>> -> memref<1x10240x64xf32, #tpu.memory_space<hbm>>
      %dma_wait3A_162 = tpu.memref_squeeze %dma_wait3A_161 : memref<1x10240x64xf32, #tpu.memory_space<hbm>> -> memref<10240x64xf32, #tpu.memory_space<hbm>>
      %dma_wait3A_163 = arith.constant 0 : i32
      %dma_wait3A_164 = arith.constant 0 : i32
      %dma_wait3A_165 = tpu.memref_slice %dma_wait3A_162[%dma_wait3A_163, %dma_wait3A_164] : memref<10240x64xf32, #tpu.memory_space<hbm>> -> memref<10240x64xf32, #tpu.memory_space<hbm>>
      tpu.wait_indirect_dma semaphore(%arg11 : memref<!tpu.dma_semaphore, #tpu.memory_space<semaphore_mem>>) src(%dma_wait3A_165 : memref<10240x64xf32, #tpu.memory_space<hbm>>) dst(%dma_wait3A_155 : memref<128x64xf32, #tpu.memory_space<vmem>>)
      %dma_wait3A_166 = arith.constant 1 : i32
      %dma_wait3A_167 = arith.constant 128 : i32
      %dma_wait3A_168 = arith.constant 0 : i32
      %dma_wait3A_169 = tpu.memref_slice %arg9[%rem3A_139, %dma_wait3A_167, %dma_wait3A_168] : memref<2x512x64xf32, #tpu.memory_space<vmem>> -> memref<1x128x64xf32, #tpu.memory_space<vmem>>
      %dma_wait3A_170 = tpu.memref_squeeze %dma_wait3A_169 : memref<1x128x64xf32, #tpu.memory_space<vmem>> -> memref<128x64xf32, #tpu.memory_space<vmem>>
      %dma_wait3A_171 = arith.constant 0 : i32
      %dma_wait3A_172 = tpu.memref_slice %arg7[%rem3A_129, %dma_wait3A_166, %dma_wait3A_171] : memref<3x4x128xi32, #tpu.memory_space<vmem>> -> memref<1x1x128xi32, #tpu.memory_space<vmem>>
      %dma_wait3A_173 = tpu.memref_squeeze %dma_wait3A_172 : memref<1x1x128xi32, #tpu.memory_space<vmem>> -> memref<128xi32, #tpu.memory_space<vmem>>
      %dma_wait3A_174 = arith.constant 0 : i32
      %dma_wait3A_175 = arith.constant 0 : i32
      %dma_wait3A_176 = tpu.memref_slice %arg2[%arg0, %dma_wait3A_174, %dma_wait3A_175] : memref<2x10240x64xf32, #tpu.memory_space<hbm>> -> memref<1x10240x64xf32, #tpu.memory_space<hbm>>
      %dma_wait3A_177 = tpu.memref_squeeze %dma_wait3A_176 : memref<1x10240x64xf32, #tpu.memory_space<hbm>> -> memref<10240x64xf32, #tpu.memory_space<hbm>>
      %dma_wait3A_178 = arith.constant 0 : i32
      %dma_wait3A_179 = arith.constant 0 : i32
      %dma_wait3A_180 = tpu.memref_slice %dma_wait3A_177[%dma_wait3A_178, %dma_wait3A_179] : memref<10240x64xf32, #tpu.memory_space<hbm>> -> memref<10240x64xf32, #tpu.memory_space<hbm>>
      tpu.wait_indirect_dma semaphore(%arg11 : memref<!tpu.dma_semaphore, #tpu.memory_space<semaphore_mem>>) src(%dma_wait3A_180 : memref<10240x64xf32, #tpu.memory_space<hbm>>) dst(%dma_wait3A_170 : memref<128x64xf32, #tpu.memory_space<vmem>>)
      %dma_wait3A_181 = arith.constant 2 : i32
      %dma_wait3A_182 = arith.constant 256 : i32
      %dma_wait3A_183 = arith.constant 0 : i32
      %dma_wait3A_184 = tpu.memref_slice %arg9[%rem3A_139, %dma_wait3A_182, %dma_wait3A_183] : memref<2x512x64xf32, #tpu.memory_space<vmem>> -> memref<1x128x64xf32, #tpu.memory_space<vmem>>
      %dma_wait3A_185 = tpu.memref_squeeze %dma_wait3A_184 : memref<1x128x64xf32, #tpu.memory_space<vmem>> -> memref<128x64xf32, #tpu.memory_space<vmem>>
      %dma_wait3A_186 = arith.constant 0 : i32
      %dma_wait3A_187 = tpu.memref_slice %arg7[%rem3A_129, %dma_wait3A_181, %dma_wait3A_186] : memref<3x4x128xi32, #tpu.memory_space<vmem>> -> memref<1x1x128xi32, #tpu.memory_space<vmem>>
      %dma_wait3A_188 = tpu.memref_squeeze %dma_wait3A_187 : memref<1x1x128xi32, #tpu.memory_space<vmem>> -> memref<128xi32, #tpu.memory_space<vmem>>
      %dma_wait3A_189 = arith.constant 0 : i32
      %dma_wait3A_190 = arith.constant 0 : i32
      %dma_wait3A_191 = tpu.memref_slice %arg2[%arg0, %dma_wait3A_189, %dma_wait3A_190] : memref<2x10240x64xf32, #tpu.memory_space<hbm>> -> memref<1x10240x64xf32, #tpu.memory_space<hbm>>
      %dma_wait3A_192 = tpu.memref_squeeze %dma_wait3A_191 : memref<1x10240x64xf32, #tpu.memory_space<hbm>> -> memref<10240x64xf32, #tpu.memory_space<hbm>>
      %dma_wait3A_193 = arith.constant 0 : i32
      %dma_wait3A_194 = arith.constant 0 : i32
      %dma_wait3A_195 = tpu.memref_slice %dma_wait3A_192[%dma_wait3A_193, %dma_wait3A_194] : memref<10240x64xf32, #tpu.memory_space<hbm>> -> memref<10240x64xf32, #tpu.memory_space<hbm>>
      tpu.wait_indirect_dma semaphore(%arg11 : memref<!tpu.dma_semaphore, #tpu.memory_space<semaphore_mem>>) src(%dma_wait3A_195 : memref<10240x64xf32, #tpu.memory_space<hbm>>) dst(%dma_wait3A_185 : memref<128x64xf32, #tpu.memory_space<vmem>>)
      %dma_wait3A_196 = arith.constant 3 : i32
      %dma_wait3A_197 = arith.constant 384 : i32
      %dma_wait3A_198 = arith.constant 0 : i32
      %dma_wait3A_199 = tpu.memref_slice %arg9[%rem3A_139, %dma_wait3A_197, %dma_wait3A_198] : memref<2x512x64xf32, #tpu.memory_space<vmem>> -> memref<1x128x64xf32, #tpu.memory_space<vmem>>
      %dma_wait3A_200 = tpu.memref_squeeze %dma_wait3A_199 : memref<1x128x64xf32, #tpu.memory_space<vmem>> -> memref<128x64xf32, #tpu.memory_space<vmem>>
      %dma_wait3A_201 = arith.constant 0 : i32
      %dma_wait3A_202 = tpu.memref_slice %arg7[%rem3A_129, %dma_wait3A_196, %dma_wait3A_201] : memref<3x4x128xi32, #tpu.memory_space<vmem>> -> memref<1x1x128xi32, #tpu.memory_space<vmem>>
      %dma_wait3A_203 = tpu.memref_squeeze %dma_wait3A_202 : memref<1x1x128xi32, #tpu.memory_space<vmem>> -> memref<128xi32, #tpu.memory_space<vmem>>
      %dma_wait3A_204 = arith.constant 0 : i32
      %dma_wait3A_205 = arith.constant 0 : i32
      %dma_wait3A_206 = tpu.memref_slice %arg2[%arg0, %dma_wait3A_204, %dma_wait3A_205] : memref<2x10240x64xf32, #tpu.memory_space<hbm>> -> memref<1x10240x64xf32, #tpu.memory_space<hbm>>
      %dma_wait3A_207 = tpu.memref_squeeze %dma_wait3A_206 : memref<1x10240x64xf32, #tpu.memory_space<hbm>> -> memref<10240x64xf32, #tpu.memory_space<hbm>>
      %dma_wait3A_208 = arith.constant 0 : i32
      %dma_wait3A_209 = arith.constant 0 : i32
      %dma_wait3A_210 = tpu.memref_slice %dma_wait3A_207[%dma_wait3A_208, %dma_wait3A_209] : memref<10240x64xf32, #tpu.memory_space<hbm>> -> memref<10240x64xf32, #tpu.memory_space<hbm>>
      tpu.wait_indirect_dma semaphore(%arg11 : memref<!tpu.dma_semaphore, #tpu.memory_space<semaphore_mem>>) src(%dma_wait3A_210 : memref<10240x64xf32, #tpu.memory_space<hbm>>) dst(%dma_wait3A_200 : memref<128x64xf32, #tpu.memory_space<vmem>>)
      %add3A_211 = arith.constant 2 : i32
      %add3A_212 = arith.addi %while3A_128, %add3A_211 : i32
      %lt3A = arith.cmpi slt, %add3A_212, %div3A_117 : i32
      %convert_element_type3A = arith.extui %lt3A : i1 to i32
      %cond3A = arith.constant 0 : i32
      %cond3A_213 = arith.cmpi ne, %convert_element_type3A, %cond3A : i32
      scf.if %cond3A_213 {
        %dma_start3A_308 = arith.constant 0 : i32
        %dma_start3A_309 = arith.constant 0 : i32
        %dma_start3A_310 = tpu.memref_slice %arg7[%rem3A_137, %dma_start3A_308, %dma_start3A_309] : memref<3x4x128xi32, #tpu.memory_space<vmem>> -> memref<1x4x128xi32, #tpu.memory_space<vmem>>
        %dma_start3A_311 = tpu.memref_squeeze %dma_start3A_310 : memref<1x4x128xi32, #tpu.memory_space<vmem>> -> memref<4x128xi32, #tpu.memory_space<vmem>>
        %dma_start3A_312 = arith.constant 0 : i32
        %dma_start3A_313 = arith.constant 0 : i32
        %dma_start3A_314 = tpu.memref_slice %arg3[%add3A_151, %dma_start3A_312, %dma_start3A_313] : memref<625x4x128xi32, #tpu.memory_space<hbm>> -> memref<1x4x128xi32, #tpu.memory_space<hbm>>
        %dma_start3A_315 = tpu.memref_squeeze %dma_start3A_314 : memref<1x4x128xi32, #tpu.memory_space<hbm>> -> memref<4x128xi32, #tpu.memory_space<hbm>>
        %dma_start3A_316 = tpu.memref_slice %arg13[%rem3A_137] : memref<3x!tpu.dma_semaphore, #tpu.memory_space<semaphore_mem>> -> memref<1x!tpu.dma_semaphore, #tpu.memory_space<semaphore_mem>>
        %dma_start3A_317 = tpu.memref_squeeze %dma_start3A_316 : memref<1x!tpu.dma_semaphore, #tpu.memory_space<semaphore_mem>> -> memref<!tpu.dma_semaphore, #tpu.memory_space<semaphore_mem>>
        %dma_start3A_318 = arith.constant 0 : i32
        %dma_start3A_319 = arith.constant 0 : i32
        %dma_start3A_320 = tpu.memref_slice %arg7[%rem3A_137, %dma_start3A_318, %dma_start3A_319] : memref<3x4x128xi32, #tpu.memory_space<vmem>> -> memref<1x4x128xi32, #tpu.memory_space<vmem>>
        %dma_start3A_321 = tpu.memref_squeeze %dma_start3A_320 : memref<1x4x128xi32, #tpu.memory_space<vmem>> -> memref<4x128xi32, #tpu.memory_space<vmem>>
        %dma_start3A_322 = arith.constant 0 : i32
        %dma_start3A_323 = arith.constant 0 : i32
        %dma_start3A_324 = tpu.memref_slice %arg3[%add3A_151, %dma_start3A_322, %dma_start3A_323] : memref<625x4x128xi32, #tpu.memory_space<hbm>> -> memref<1x4x128xi32, #tpu.memory_space<hbm>>
        %dma_start3A_325 = tpu.memref_squeeze %dma_start3A_324 : memref<1x4x128xi32, #tpu.memory_space<hbm>> -> memref<4x128xi32, #tpu.memory_space<hbm>>
        tpu.enqueue_dma source(%dma_start3A_325 : memref<4x128xi32, #tpu.memory_space<hbm>>) target(%dma_start3A_321 : memref<4x128xi32, #tpu.memory_space<vmem>>) target_semaphore(%dma_start3A_317 : memref<!tpu.dma_semaphore, #tpu.memory_space<semaphore_mem>>)
        %dma_start3A_326 = arith.constant 0 : i32
        %dma_start3A_327 = arith.constant 0 : i32
        %dma_start3A_328 = tpu.memref_slice %arg8[%rem3A_137, %dma_start3A_326, %dma_start3A_327] : memref<3x4x128xi32, #tpu.memory_space<vmem>> -> memref<1x4x128xi32, #tpu.memory_space<vmem>>
        %dma_start3A_329 = tpu.memref_squeeze %dma_start3A_328 : memref<1x4x128xi32, #tpu.memory_space<vmem>> -> memref<4x128xi32, #tpu.memory_space<vmem>>
        %dma_start3A_330 = arith.constant 0 : i32
        %dma_start3A_331 = arith.constant 0 : i32
        %dma_start3A_332 = tpu.memref_slice %arg4[%add3A_151, %dma_start3A_330, %dma_start3A_331] : memref<625x4x128xi32, #tpu.memory_space<hbm>> -> memref<1x4x128xi32, #tpu.memory_space<hbm>>
        %dma_start3A_333 = tpu.memref_squeeze %dma_start3A_332 : memref<1x4x128xi32, #tpu.memory_space<hbm>> -> memref<4x128xi32, #tpu.memory_space<hbm>>
        %dma_start3A_334 = tpu.memref_slice %arg13[%rem3A_137] : memref<3x!tpu.dma_semaphore, #tpu.memory_space<semaphore_mem>> -> memref<1x!tpu.dma_semaphore, #tpu.memory_space<semaphore_mem>>
        %dma_start3A_335 = tpu.memref_squeeze %dma_start3A_334 : memref<1x!tpu.dma_semaphore, #tpu.memory_space<semaphore_mem>> -> memref<!tpu.dma_semaphore, #tpu.memory_space<semaphore_mem>>
        %dma_start3A_336 = arith.constant 0 : i32
        %dma_start3A_337 = arith.constant 0 : i32
        %dma_start3A_338 = tpu.memref_slice %arg8[%rem3A_137, %dma_start3A_336, %dma_start3A_337] : memref<3x4x128xi32, #tpu.memory_space<vmem>> -> memref<1x4x128xi32, #tpu.memory_space<vmem>>
        %dma_start3A_339 = tpu.memref_squeeze %dma_start3A_338 : memref<1x4x128xi32, #tpu.memory_space<vmem>> -> memref<4x128xi32, #tpu.memory_space<vmem>>
        %dma_start3A_340 = arith.constant 0 : i32
        %dma_start3A_341 = arith.constant 0 : i32
        %dma_start3A_342 = tpu.memref_slice %arg4[%add3A_151, %dma_start3A_340, %dma_start3A_341] : memref<625x4x128xi32, #tpu.memory_space<hbm>> -> memref<1x4x128xi32, #tpu.memory_space<hbm>>
        %dma_start3A_343 = tpu.memref_squeeze %dma_start3A_342 : memref<1x4x128xi32, #tpu.memory_space<hbm>> -> memref<4x128xi32, #tpu.memory_space<hbm>>
        tpu.enqueue_dma source(%dma_start3A_343 : memref<4x128xi32, #tpu.memory_space<hbm>>) target(%dma_start3A_339 : memref<4x128xi32, #tpu.memory_space<vmem>>) target_semaphore(%dma_start3A_335 : memref<!tpu.dma_semaphore, #tpu.memory_space<semaphore_mem>>)
      } else {
      }
      %add3A_214 = arith.constant 1 : i32
      %add3A_215 = arith.addi %while3A_128, %add3A_214 : i32
      %lt3A_216 = arith.cmpi slt, %add3A_215, %div3A_117 : i32
      %convert_element_type3A_217 = arith.extui %lt3A_216 : i1 to i32
      %cond3A_218 = arith.constant 0 : i32
      %cond3A_219 = arith.cmpi ne, %convert_element_type3A_217, %cond3A_218 : i32
      scf.if %cond3A_219 {
        %dma_wait3A_308 = arith.constant 0 : i32
        %dma_wait3A_309 = arith.constant 0 : i32
        %dma_wait3A_310 = tpu.memref_slice %arg7[%rem3A_133, %dma_wait3A_308, %dma_wait3A_309] : memref<3x4x128xi32, #tpu.memory_space<vmem>> -> memref<1x4x128xi32, #tpu.memory_space<vmem>>
        %dma_wait3A_311 = tpu.memref_squeeze %dma_wait3A_310 : memref<1x4x128xi32, #tpu.memory_space<vmem>> -> memref<4x128xi32, #tpu.memory_space<vmem>>
        %dma_wait3A_312 = arith.constant 0 : i32
        %dma_wait3A_313 = arith.constant 0 : i32
        %dma_wait3A_314 = tpu.memref_slice %arg3[%add3A_146, %dma_wait3A_312, %dma_wait3A_313] : memref<625x4x128xi32, #tpu.memory_space<hbm>> -> memref<1x4x128xi32, #tpu.memory_space<hbm>>
        %dma_wait3A_315 = tpu.memref_squeeze %dma_wait3A_314 : memref<1x4x128xi32, #tpu.memory_space<hbm>> -> memref<4x128xi32, #tpu.memory_space<hbm>>
        %dma_wait3A_316 = tpu.memref_slice %arg13[%rem3A_133] : memref<3x!tpu.dma_semaphore, #tpu.memory_space<semaphore_mem>> -> memref<1x!tpu.dma_semaphore, #tpu.memory_space<semaphore_mem>>
        %dma_wait3A_317 = tpu.memref_squeeze %dma_wait3A_316 : memref<1x!tpu.dma_semaphore, #tpu.memory_space<semaphore_mem>> -> memref<!tpu.dma_semaphore, #tpu.memory_space<semaphore_mem>>
        %dma_wait3A_318 = arith.constant 0 : i32
        %dma_wait3A_319 = arith.constant 0 : i32
        %dma_wait3A_320 = tpu.memref_slice %arg7[%rem3A_133, %dma_wait3A_318, %dma_wait3A_319] : memref<3x4x128xi32, #tpu.memory_space<vmem>> -> memref<1x4x128xi32, #tpu.memory_space<vmem>>
        %dma_wait3A_321 = tpu.memref_squeeze %dma_wait3A_320 : memref<1x4x128xi32, #tpu.memory_space<vmem>> -> memref<4x128xi32, #tpu.memory_space<vmem>>
        %dma_wait3A_322 = arith.constant 0 : i32
        %dma_wait3A_323 = arith.constant 0 : i32
        %dma_wait3A_324 = tpu.memref_slice %arg3[%add3A_146, %dma_wait3A_322, %dma_wait3A_323] : memref<625x4x128xi32, #tpu.memory_space<hbm>> -> memref<1x4x128xi32, #tpu.memory_space<hbm>>
        %dma_wait3A_325 = tpu.memref_squeeze %dma_wait3A_324 : memref<1x4x128xi32, #tpu.memory_space<hbm>> -> memref<4x128xi32, #tpu.memory_space<hbm>>
        tpu.wait_dma2 semaphore(%dma_wait3A_317 : memref<!tpu.dma_semaphore, #tpu.memory_space<semaphore_mem>>) src(%dma_wait3A_325 : memref<4x128xi32, #tpu.memory_space<hbm>>) dst(%dma_wait3A_321 : memref<4x128xi32, #tpu.memory_space<vmem>>)
        %dma_wait3A_326 = arith.constant 0 : i32
        %dma_wait3A_327 = arith.constant 0 : i32
        %dma_wait3A_328 = tpu.memref_slice %arg8[%rem3A_133, %dma_wait3A_326, %dma_wait3A_327] : memref<3x4x128xi32, #tpu.memory_space<vmem>> -> memref<1x4x128xi32, #tpu.memory_space<vmem>>
        %dma_wait3A_329 = tpu.memref_squeeze %dma_wait3A_328 : memref<1x4x128xi32, #tpu.memory_space<vmem>> -> memref<4x128xi32, #tpu.memory_space<vmem>>
        %dma_wait3A_330 = arith.constant 0 : i32
        %dma_wait3A_331 = arith.constant 0 : i32
        %dma_wait3A_332 = tpu.memref_slice %arg4[%add3A_146, %dma_wait3A_330, %dma_wait3A_331] : memref<625x4x128xi32, #tpu.memory_space<hbm>> -> memref<1x4x128xi32, #tpu.memory_space<hbm>>
        %dma_wait3A_333 = tpu.memref_squeeze %dma_wait3A_332 : memref<1x4x128xi32, #tpu.memory_space<hbm>> -> memref<4x128xi32, #tpu.memory_space<hbm>>
        %dma_wait3A_334 = tpu.memref_slice %arg13[%rem3A_133] : memref<3x!tpu.dma_semaphore, #tpu.memory_space<semaphore_mem>> -> memref<1x!tpu.dma_semaphore, #tpu.memory_space<semaphore_mem>>
        %dma_wait3A_335 = tpu.memref_squeeze %dma_wait3A_334 : memref<1x!tpu.dma_semaphore, #tpu.memory_space<semaphore_mem>> -> memref<!tpu.dma_semaphore, #tpu.memory_space<semaphore_mem>>
        %dma_wait3A_336 = arith.constant 0 : i32
        %dma_wait3A_337 = arith.constant 0 : i32
        %dma_wait3A_338 = tpu.memref_slice %arg8[%rem3A_133, %dma_wait3A_336, %dma_wait3A_337] : memref<3x4x128xi32, #tpu.memory_space<vmem>> -> memref<1x4x128xi32, #tpu.memory_space<vmem>>
        %dma_wait3A_339 = tpu.memref_squeeze %dma_wait3A_338 : memref<1x4x128xi32, #tpu.memory_space<vmem>> -> memref<4x128xi32, #tpu.memory_space<vmem>>
        %dma_wait3A_340 = arith.constant 0 : i32
        %dma_wait3A_341 = arith.constant 0 : i32
        %dma_wait3A_342 = tpu.memref_slice %arg4[%add3A_146, %dma_wait3A_340, %dma_wait3A_341] : memref<625x4x128xi32, #tpu.memory_space<hbm>> -> memref<1x4x128xi32, #tpu.memory_space<hbm>>
        %dma_wait3A_343 = tpu.memref_squeeze %dma_wait3A_342 : memref<1x4x128xi32, #tpu.memory_space<hbm>> -> memref<4x128xi32, #tpu.memory_space<hbm>>
        tpu.wait_dma2 semaphore(%dma_wait3A_335 : memref<!tpu.dma_semaphore, #tpu.memory_space<semaphore_mem>>) src(%dma_wait3A_343 : memref<4x128xi32, #tpu.memory_space<hbm>>) dst(%dma_wait3A_339 : memref<4x128xi32, #tpu.memory_space<vmem>>)
        %dma_start3A_344 = arith.constant 0 : i32
        %dma_start3A_345 = arith.constant 0 : i32
        %dma_start3A_346 = arith.constant 0 : i32
        %dma_start3A_347 = tpu.memref_slice %arg9[%sub3A_141, %dma_start3A_345, %dma_start3A_346] : memref<2x512x64xf32, #tpu.memory_space<vmem>> -> memref<1x128x64xf32, #tpu.memory_space<vmem>>
        %dma_start3A_348 = tpu.memref_squeeze %dma_start3A_347 : memref<1x128x64xf32, #tpu.memory_space<vmem>> -> memref<128x64xf32, #tpu.memory_space<vmem>>
        %dma_start3A_349 = arith.constant 0 : i32
        %dma_start3A_350 = tpu.memref_slice %arg7[%rem3A_133, %dma_start3A_344, %dma_start3A_349] : memref<3x4x128xi32, #tpu.memory_space<vmem>> -> memref<1x1x128xi32, #tpu.memory_space<vmem>>
        %dma_start3A_351 = tpu.memref_squeeze %dma_start3A_350 : memref<1x1x128xi32, #tpu.memory_space<vmem>> -> memref<128xi32, #tpu.memory_space<vmem>>
        %dma_start3A_352 = arith.constant 0 : i32
        %dma_start3A_353 = arith.constant 0 : i32
        %dma_start3A_354 = tpu.memref_slice %arg2[%arg0, %dma_start3A_352, %dma_start3A_353] : memref<2x10240x64xf32, #tpu.memory_space<hbm>> -> memref<1x10240x64xf32, #tpu.memory_space<hbm>>
        %dma_start3A_355 = tpu.memref_squeeze %dma_start3A_354 : memref<1x10240x64xf32, #tpu.memory_space<hbm>> -> memref<10240x64xf32, #tpu.memory_space<hbm>>
        %dma_start3A_356 = arith.constant 0 : i32
        %dma_start3A_357 = arith.constant 0 : i32
        %dma_start3A_358 = tpu.memref_slice %dma_start3A_355[%dma_start3A_356, %dma_start3A_357] : memref<10240x64xf32, #tpu.memory_space<hbm>> -> memref<10240x64xf32, #tpu.memory_space<hbm>>
        tpu.enqueue_indirect_dma source(%dma_start3A_358 : memref<10240x64xf32, #tpu.memory_space<hbm>>) target(%dma_start3A_348 : memref<128x64xf32, #tpu.memory_space<vmem>>) offsets(%dma_start3A_351 : memref<128xi32, #tpu.memory_space<vmem>>) semaphore(%arg11 : memref<!tpu.dma_semaphore, #tpu.memory_space<semaphore_mem>>)
        %dma_start3A_359 = arith.constant 1 : i32
        %dma_start3A_360 = arith.constant 128 : i32
        %dma_start3A_361 = arith.constant 0 : i32
        %dma_start3A_362 = tpu.memref_slice %arg9[%sub3A_141, %dma_start3A_360, %dma_start3A_361] : memref<2x512x64xf32, #tpu.memory_space<vmem>> -> memref<1x128x64xf32, #tpu.memory_space<vmem>>
        %dma_start3A_363 = tpu.memref_squeeze %dma_start3A_362 : memref<1x128x64xf32, #tpu.memory_space<vmem>> -> memref<128x64xf32, #tpu.memory_space<vmem>>
        %dma_start3A_364 = arith.constant 0 : i32
        %dma_start3A_365 = tpu.memref_slice %arg7[%rem3A_133, %dma_start3A_359, %dma_start3A_364] : memref<3x4x128xi32, #tpu.memory_space<vmem>> -> memref<1x1x128xi32, #tpu.memory_space<vmem>>
        %dma_start3A_366 = tpu.memref_squeeze %dma_start3A_365 : memref<1x1x128xi32, #tpu.memory_space<vmem>> -> memref<128xi32, #tpu.memory_space<vmem>>
        %dma_start3A_367 = arith.constant 0 : i32
        %dma_start3A_368 = arith.constant 0 : i32
        %dma_start3A_369 = tpu.memref_slice %arg2[%arg0, %dma_start3A_367, %dma_start3A_368] : memref<2x10240x64xf32, #tpu.memory_space<hbm>> -> memref<1x10240x64xf32, #tpu.memory_space<hbm>>
        %dma_start3A_370 = tpu.memref_squeeze %dma_start3A_369 : memref<1x10240x64xf32, #tpu.memory_space<hbm>> -> memref<10240x64xf32, #tpu.memory_space<hbm>>
        %dma_start3A_371 = arith.constant 0 : i32
        %dma_start3A_372 = arith.constant 0 : i32
        %dma_start3A_373 = tpu.memref_slice %dma_start3A_370[%dma_start3A_371, %dma_start3A_372] : memref<10240x64xf32, #tpu.memory_space<hbm>> -> memref<10240x64xf32, #tpu.memory_space<hbm>>
        tpu.enqueue_indirect_dma source(%dma_start3A_373 : memref<10240x64xf32, #tpu.memory_space<hbm>>) target(%dma_start3A_363 : memref<128x64xf32, #tpu.memory_space<vmem>>) offsets(%dma_start3A_366 : memref<128xi32, #tpu.memory_space<vmem>>) semaphore(%arg11 : memref<!tpu.dma_semaphore, #tpu.memory_space<semaphore_mem>>)
        %dma_start3A_374 = arith.constant 2 : i32
        %dma_start3A_375 = arith.constant 256 : i32
        %dma_start3A_376 = arith.constant 0 : i32
        %dma_start3A_377 = tpu.memref_slice %arg9[%sub3A_141, %dma_start3A_375, %dma_start3A_376] : memref<2x512x64xf32, #tpu.memory_space<vmem>> -> memref<1x128x64xf32, #tpu.memory_space<vmem>>
        %dma_start3A_378 = tpu.memref_squeeze %dma_start3A_377 : memref<1x128x64xf32, #tpu.memory_space<vmem>> -> memref<128x64xf32, #tpu.memory_space<vmem>>
        %dma_start3A_379 = arith.constant 0 : i32
        %dma_start3A_380 = tpu.memref_slice %arg7[%rem3A_133, %dma_start3A_374, %dma_start3A_379] : memref<3x4x128xi32, #tpu.memory_space<vmem>> -> memref<1x1x128xi32, #tpu.memory_space<vmem>>
        %dma_start3A_381 = tpu.memref_squeeze %dma_start3A_380 : memref<1x1x128xi32, #tpu.memory_space<vmem>> -> memref<128xi32, #tpu.memory_space<vmem>>
        %dma_start3A_382 = arith.constant 0 : i32
        %dma_start3A_383 = arith.constant 0 : i32
        %dma_start3A_384 = tpu.memref_slice %arg2[%arg0, %dma_start3A_382, %dma_start3A_383] : memref<2x10240x64xf32, #tpu.memory_space<hbm>> -> memref<1x10240x64xf32, #tpu.memory_space<hbm>>
        %dma_start3A_385 = tpu.memref_squeeze %dma_start3A_384 : memref<1x10240x64xf32, #tpu.memory_space<hbm>> -> memref<10240x64xf32, #tpu.memory_space<hbm>>
        %dma_start3A_386 = arith.constant 0 : i32
        %dma_start3A_387 = arith.constant 0 : i32
        %dma_start3A_388 = tpu.memref_slice %dma_start3A_385[%dma_start3A_386, %dma_start3A_387] : memref<10240x64xf32, #tpu.memory_space<hbm>> -> memref<10240x64xf32, #tpu.memory_space<hbm>>
        tpu.enqueue_indirect_dma source(%dma_start3A_388 : memref<10240x64xf32, #tpu.memory_space<hbm>>) target(%dma_start3A_378 : memref<128x64xf32, #tpu.memory_space<vmem>>) offsets(%dma_start3A_381 : memref<128xi32, #tpu.memory_space<vmem>>) semaphore(%arg11 : memref<!tpu.dma_semaphore, #tpu.memory_space<semaphore_mem>>)
        %dma_start3A_389 = arith.constant 3 : i32
        %dma_start3A_390 = arith.constant 384 : i32
        %dma_start3A_391 = arith.constant 0 : i32
        %dma_start3A_392 = tpu.memref_slice %arg9[%sub3A_141, %dma_start3A_390, %dma_start3A_391] : memref<2x512x64xf32, #tpu.memory_space<vmem>> -> memref<1x128x64xf32, #tpu.memory_space<vmem>>
        %dma_start3A_393 = tpu.memref_squeeze %dma_start3A_392 : memref<1x128x64xf32, #tpu.memory_space<vmem>> -> memref<128x64xf32, #tpu.memory_space<vmem>>
        %dma_start3A_394 = arith.constant 0 : i32
        %dma_start3A_395 = tpu.memref_slice %arg7[%rem3A_133, %dma_start3A_389, %dma_start3A_394] : memref<3x4x128xi32, #tpu.memory_space<vmem>> -> memref<1x1x128xi32, #tpu.memory_space<vmem>>
        %dma_start3A_396 = tpu.memref_squeeze %dma_start3A_395 : memref<1x1x128xi32, #tpu.memory_space<vmem>> -> memref<128xi32, #tpu.memory_space<vmem>>
        %dma_start3A_397 = arith.constant 0 : i32
        %dma_start3A_398 = arith.constant 0 : i32
        %dma_start3A_399 = tpu.memref_slice %arg2[%arg0, %dma_start3A_397, %dma_start3A_398] : memref<2x10240x64xf32, #tpu.memory_space<hbm>> -> memref<1x10240x64xf32, #tpu.memory_space<hbm>>
        %dma_start3A_400 = tpu.memref_squeeze %dma_start3A_399 : memref<1x10240x64xf32, #tpu.memory_space<hbm>> -> memref<10240x64xf32, #tpu.memory_space<hbm>>
        %dma_start3A_401 = arith.constant 0 : i32
        %dma_start3A_402 = arith.constant 0 : i32
        %dma_start3A_403 = tpu.memref_slice %dma_start3A_400[%dma_start3A_401, %dma_start3A_402] : memref<10240x64xf32, #tpu.memory_space<hbm>> -> memref<10240x64xf32, #tpu.memory_space<hbm>>
        tpu.enqueue_indirect_dma source(%dma_start3A_403 : memref<10240x64xf32, #tpu.memory_space<hbm>>) target(%dma_start3A_393 : memref<128x64xf32, #tpu.memory_space<vmem>>) offsets(%dma_start3A_396 : memref<128xi32, #tpu.memory_space<vmem>>) semaphore(%arg11 : memref<!tpu.dma_semaphore, #tpu.memory_space<semaphore_mem>>)
      } else {
      }
      %dma_start3A_220 = arith.constant 0 : i32
      %dma_start3A_221 = arith.constant 0 : i32
      %dma_start3A_222 = arith.constant 0 : i32
      %dma_start3A_223 = tpu.memref_slice %arg9[%rem3A_139, %dma_start3A_221, %dma_start3A_222] : memref<2x512x64xf32, #tpu.memory_space<vmem>> -> memref<1x128x64xf32, #tpu.memory_space<vmem>>
      %dma_start3A_224 = tpu.memref_squeeze %dma_start3A_223 : memref<1x128x64xf32, #tpu.memory_space<vmem>> -> memref<128x64xf32, #tpu.memory_space<vmem>>
      %dma_start3A_225 = arith.constant 0 : i32
      %dma_start3A_226 = tpu.memref_slice %arg8[%rem3A_129, %dma_start3A_220, %dma_start3A_225] : memref<3x4x128xi32, #tpu.memory_space<vmem>> -> memref<1x1x128xi32, #tpu.memory_space<vmem>>
      %dma_start3A_227 = tpu.memref_squeeze %dma_start3A_226 : memref<1x1x128xi32, #tpu.memory_space<vmem>> -> memref<128xi32, #tpu.memory_space<vmem>>
      %dma_start3A_228 = arith.constant 0 : i32
      %dma_start3A_229 = arith.constant 0 : i32
      %dma_start3A_230 = tpu.memref_slice %arg10[%dma_start3A_228, %dma_start3A_229] : memref<10112x64xf32, #tpu.memory_space<vmem_shared>> -> memref<10112x64xf32, #tpu.memory_space<vmem_shared>>
      tpu.enqueue_indirect_dma source(%dma_start3A_224 : memref<128x64xf32, #tpu.memory_space<vmem>>) target(%dma_start3A_230 : memref<10112x64xf32, #tpu.memory_space<vmem_shared>>) offsets(%dma_start3A_227 : memref<128xi32, #tpu.memory_space<vmem>>) semaphore(%arg12 : memref<!tpu.dma_semaphore, #tpu.memory_space<semaphore_mem>>) {add = true}
      %dma_start3A_231 = arith.constant 1 : i32
      %dma_start3A_232 = arith.constant 128 : i32
      %dma_start3A_233 = arith.constant 0 : i32
      %dma_start3A_234 = tpu.memref_slice %arg9[%rem3A_139, %dma_start3A_232, %dma_start3A_233] : memref<2x512x64xf32, #tpu.memory_space<vmem>> -> memref<1x128x64xf32, #tpu.memory_space<vmem>>
      %dma_start3A_235 = tpu.memref_squeeze %dma_start3A_234 : memref<1x128x64xf32, #tpu.memory_space<vmem>> -> memref<128x64xf32, #tpu.memory_space<vmem>>
      %dma_start3A_236 = arith.constant 0 : i32
      %dma_start3A_237 = tpu.memref_slice %arg8[%rem3A_129, %dma_start3A_231, %dma_start3A_236] : memref<3x4x128xi32, #tpu.memory_space<vmem>> -> memref<1x1x128xi32, #tpu.memory_space<vmem>>
      %dma_start3A_238 = tpu.memref_squeeze %dma_start3A_237 : memref<1x1x128xi32, #tpu.memory_space<vmem>> -> memref<128xi32, #tpu.memory_space<vmem>>
      %dma_start3A_239 = arith.constant 0 : i32
      %dma_start3A_240 = arith.constant 0 : i32
      %dma_start3A_241 = tpu.memref_slice %arg10[%dma_start3A_239, %dma_start3A_240] : memref<10112x64xf32, #tpu.memory_space<vmem_shared>> -> memref<10112x64xf32, #tpu.memory_space<vmem_shared>>
      tpu.enqueue_indirect_dma source(%dma_start3A_235 : memref<128x64xf32, #tpu.memory_space<vmem>>) target(%dma_start3A_241 : memref<10112x64xf32, #tpu.memory_space<vmem_shared>>) offsets(%dma_start3A_238 : memref<128xi32, #tpu.memory_space<vmem>>) semaphore(%arg12 : memref<!tpu.dma_semaphore, #tpu.memory_space<semaphore_mem>>) {add = true}
      %dma_start3A_242 = arith.constant 2 : i32
      %dma_start3A_243 = arith.constant 256 : i32
      %dma_start3A_244 = arith.constant 0 : i32
      %dma_start3A_245 = tpu.memref_slice %arg9[%rem3A_139, %dma_start3A_243, %dma_start3A_244] : memref<2x512x64xf32, #tpu.memory_space<vmem>> -> memref<1x128x64xf32, #tpu.memory_space<vmem>>
      %dma_start3A_246 = tpu.memref_squeeze %dma_start3A_245 : memref<1x128x64xf32, #tpu.memory_space<vmem>> -> memref<128x64xf32, #tpu.memory_space<vmem>>
      %dma_start3A_247 = arith.constant 0 : i32
      %dma_start3A_248 = tpu.memref_slice %arg8[%rem3A_129, %dma_start3A_242, %dma_start3A_247] : memref<3x4x128xi32, #tpu.memory_space<vmem>> -> memref<1x1x128xi32, #tpu.memory_space<vmem>>
      %dma_start3A_249 = tpu.memref_squeeze %dma_start3A_248 : memref<1x1x128xi32, #tpu.memory_space<vmem>> -> memref<128xi32, #tpu.memory_space<vmem>>
      %dma_start3A_250 = arith.constant 0 : i32
      %dma_start3A_251 = arith.constant 0 : i32
      %dma_start3A_252 = tpu.memref_slice %arg10[%dma_start3A_250, %dma_start3A_251] : memref<10112x64xf32, #tpu.memory_space<vmem_shared>> -> memref<10112x64xf32, #tpu.memory_space<vmem_shared>>
      tpu.enqueue_indirect_dma source(%dma_start3A_246 : memref<128x64xf32, #tpu.memory_space<vmem>>) target(%dma_start3A_252 : memref<10112x64xf32, #tpu.memory_space<vmem_shared>>) offsets(%dma_start3A_249 : memref<128xi32, #tpu.memory_space<vmem>>) semaphore(%arg12 : memref<!tpu.dma_semaphore, #tpu.memory_space<semaphore_mem>>) {add = true}
      %dma_start3A_253 = arith.constant 3 : i32
      %dma_start3A_254 = arith.constant 384 : i32
      %dma_start3A_255 = arith.constant 0 : i32
      %dma_start3A_256 = tpu.memref_slice %arg9[%rem3A_139, %dma_start3A_254, %dma_start3A_255] : memref<2x512x64xf32, #tpu.memory_space<vmem>> -> memref<1x128x64xf32, #tpu.memory_space<vmem>>
      %dma_start3A_257 = tpu.memref_squeeze %dma_start3A_256 : memref<1x128x64xf32, #tpu.memory_space<vmem>> -> memref<128x64xf32, #tpu.memory_space<vmem>>
      %dma_start3A_258 = arith.constant 0 : i32
      %dma_start3A_259 = tpu.memref_slice %arg8[%rem3A_129, %dma_start3A_253, %dma_start3A_258] : memref<3x4x128xi32, #tpu.memory_space<vmem>> -> memref<1x1x128xi32, #tpu.memory_space<vmem>>
      %dma_start3A_260 = tpu.memref_squeeze %dma_start3A_259 : memref<1x1x128xi32, #tpu.memory_space<vmem>> -> memref<128xi32, #tpu.memory_space<vmem>>
      %dma_start3A_261 = arith.constant 0 : i32
      %dma_start3A_262 = arith.constant 0 : i32
      %dma_start3A_263 = tpu.memref_slice %arg10[%dma_start3A_261, %dma_start3A_262] : memref<10112x64xf32, #tpu.memory_space<vmem_shared>> -> memref<10112x64xf32, #tpu.memory_space<vmem_shared>>
      tpu.enqueue_indirect_dma source(%dma_start3A_257 : memref<128x64xf32, #tpu.memory_space<vmem>>) target(%dma_start3A_263 : memref<10112x64xf32, #tpu.memory_space<vmem_shared>>) offsets(%dma_start3A_260 : memref<128xi32, #tpu.memory_space<vmem>>) semaphore(%arg12 : memref<!tpu.dma_semaphore, #tpu.memory_space<semaphore_mem>>) {add = true}
      %dma_wait3A_264 = arith.constant 0 : i32
      %dma_wait3A_265 = arith.constant 0 : i32
      %dma_wait3A_266 = arith.constant 0 : i32
      %dma_wait3A_267 = tpu.memref_slice %arg9[%rem3A_139, %dma_wait3A_265, %dma_wait3A_266] : memref<2x512x64xf32, #tpu.memory_space<vmem>> -> memref<1x128x64xf32, #tpu.memory_space<vmem>>
      %dma_wait3A_268 = tpu.memref_squeeze %dma_wait3A_267 : memref<1x128x64xf32, #tpu.memory_space<vmem>> -> memref<128x64xf32, #tpu.memory_space<vmem>>
      %dma_wait3A_269 = arith.constant 0 : i32
      %dma_wait3A_270 = tpu.memref_slice %arg8[%rem3A_129, %dma_wait3A_264, %dma_wait3A_269] : memref<3x4x128xi32, #tpu.memory_space<vmem>> -> memref<1x1x128xi32, #tpu.memory_space<vmem>>
      %dma_wait3A_271 = tpu.memref_squeeze %dma_wait3A_270 : memref<1x1x128xi32, #tpu.memory_space<vmem>> -> memref<128xi32, #tpu.memory_space<vmem>>
      %dma_wait3A_272 = arith.constant 0 : i32
      %dma_wait3A_273 = arith.constant 0 : i32
      %dma_wait3A_274 = tpu.memref_slice %arg10[%dma_wait3A_272, %dma_wait3A_273] : memref<10112x64xf32, #tpu.memory_space<vmem_shared>> -> memref<10112x64xf32, #tpu.memory_space<vmem_shared>>
      tpu.wait_indirect_dma semaphore(%arg12 : memref<!tpu.dma_semaphore, #tpu.memory_space<semaphore_mem>>) src(%dma_wait3A_268 : memref<128x64xf32, #tpu.memory_space<vmem>>) dst(%dma_wait3A_274 : memref<10112x64xf32, #tpu.memory_space<vmem_shared>>)
      %dma_wait3A_275 = arith.constant 1 : i32
      %dma_wait3A_276 = arith.constant 128 : i32
      %dma_wait3A_277 = arith.constant 0 : i32
      %dma_wait3A_278 = tpu.memref_slice %arg9[%rem3A_139, %dma_wait3A_276, %dma_wait3A_277] : memref<2x512x64xf32, #tpu.memory_space<vmem>> -> memref<1x128x64xf32, #tpu.memory_space<vmem>>
      %dma_wait3A_279 = tpu.memref_squeeze %dma_wait3A_278 : memref<1x128x64xf32, #tpu.memory_space<vmem>> -> memref<128x64xf32, #tpu.memory_space<vmem>>
      %dma_wait3A_280 = arith.constant 0 : i32
      %dma_wait3A_281 = tpu.memref_slice %arg8[%rem3A_129, %dma_wait3A_275, %dma_wait3A_280] : memref<3x4x128xi32, #tpu.memory_space<vmem>> -> memref<1x1x128xi32, #tpu.memory_space<vmem>>
      %dma_wait3A_282 = tpu.memref_squeeze %dma_wait3A_281 : memref<1x1x128xi32, #tpu.memory_space<vmem>> -> memref<128xi32, #tpu.memory_space<vmem>>
      %dma_wait3A_283 = arith.constant 0 : i32
      %dma_wait3A_284 = arith.constant 0 : i32
      %dma_wait3A_285 = tpu.memref_slice %arg10[%dma_wait3A_283, %dma_wait3A_284] : memref<10112x64xf32, #tpu.memory_space<vmem_shared>> -> memref<10112x64xf32, #tpu.memory_space<vmem_shared>>
      tpu.wait_indirect_dma semaphore(%arg12 : memref<!tpu.dma_semaphore, #tpu.memory_space<semaphore_mem>>) src(%dma_wait3A_279 : memref<128x64xf32, #tpu.memory_space<vmem>>) dst(%dma_wait3A_285 : memref<10112x64xf32, #tpu.memory_space<vmem_shared>>)
      %dma_wait3A_286 = arith.constant 2 : i32
      %dma_wait3A_287 = arith.constant 256 : i32
      %dma_wait3A_288 = arith.constant 0 : i32
      %dma_wait3A_289 = tpu.memref_slice %arg9[%rem3A_139, %dma_wait3A_287, %dma_wait3A_288] : memref<2x512x64xf32, #tpu.memory_space<vmem>> -> memref<1x128x64xf32, #tpu.memory_space<vmem>>
      %dma_wait3A_290 = tpu.memref_squeeze %dma_wait3A_289 : memref<1x128x64xf32, #tpu.memory_space<vmem>> -> memref<128x64xf32, #tpu.memory_space<vmem>>
      %dma_wait3A_291 = arith.constant 0 : i32
      %dma_wait3A_292 = tpu.memref_slice %arg8[%rem3A_129, %dma_wait3A_286, %dma_wait3A_291] : memref<3x4x128xi32, #tpu.memory_space<vmem>> -> memref<1x1x128xi32, #tpu.memory_space<vmem>>
      %dma_wait3A_293 = tpu.memref_squeeze %dma_wait3A_292 : memref<1x1x128xi32, #tpu.memory_space<vmem>> -> memref<128xi32, #tpu.memory_space<vmem>>
      %dma_wait3A_294 = arith.constant 0 : i32
      %dma_wait3A_295 = arith.constant 0 : i32
      %dma_wait3A_296 = tpu.memref_slice %arg10[%dma_wait3A_294, %dma_wait3A_295] : memref<10112x64xf32, #tpu.memory_space<vmem_shared>> -> memref<10112x64xf32, #tpu.memory_space<vmem_shared>>
      tpu.wait_indirect_dma semaphore(%arg12 : memref<!tpu.dma_semaphore, #tpu.memory_space<semaphore_mem>>) src(%dma_wait3A_290 : memref<128x64xf32, #tpu.memory_space<vmem>>) dst(%dma_wait3A_296 : memref<10112x64xf32, #tpu.memory_space<vmem_shared>>)
      %dma_wait3A_297 = arith.constant 3 : i32
      %dma_wait3A_298 = arith.constant 384 : i32
      %dma_wait3A_299 = arith.constant 0 : i32
      %dma_wait3A_300 = tpu.memref_slice %arg9[%rem3A_139, %dma_wait3A_298, %dma_wait3A_299] : memref<2x512x64xf32, #tpu.memory_space<vmem>> -> memref<1x128x64xf32, #tpu.memory_space<vmem>>
      %dma_wait3A_301 = tpu.memref_squeeze %dma_wait3A_300 : memref<1x128x64xf32, #tpu.memory_space<vmem>> -> memref<128x64xf32, #tpu.memory_space<vmem>>
      %dma_wait3A_302 = arith.constant 0 : i32
      %dma_wait3A_303 = tpu.memref_slice %arg8[%rem3A_129, %dma_wait3A_297, %dma_wait3A_302] : memref<3x4x128xi32, #tpu.memory_space<vmem>> -> memref<1x1x128xi32, #tpu.memory_space<vmem>>
      %dma_wait3A_304 = tpu.memref_squeeze %dma_wait3A_303 : memref<1x1x128xi32, #tpu.memory_space<vmem>> -> memref<128xi32, #tpu.memory_space<vmem>>
      %dma_wait3A_305 = arith.constant 0 : i32
      %dma_wait3A_306 = arith.constant 0 : i32
      %dma_wait3A_307 = tpu.memref_slice %arg10[%dma_wait3A_305, %dma_wait3A_306] : memref<10112x64xf32, #tpu.memory_space<vmem_shared>> -> memref<10112x64xf32, #tpu.memory_space<vmem_shared>>
      tpu.wait_indirect_dma semaphore(%arg12 : memref<!tpu.dma_semaphore, #tpu.memory_space<semaphore_mem>>) src(%dma_wait3A_301 : memref<128x64xf32, #tpu.memory_space<vmem>>) dst(%dma_wait3A_307 : memref<10112x64xf32, #tpu.memory_space<vmem_shared>>)
    }
    %barrier3A_127 = arith.constant 0 : index
    tpu.barrier barrier_id(%barrier3A_127)
    "tpu.region"() ({
      %run_scoped3A_128 = tpu.sem_alloc : memref<!tpu.dma_semaphore, #tpu.memory_space<semaphore_mem>>
      %dma_start3A_129 = arith.constant 0 : i32
      %dma_start3A_130 = tpu.memref_slice %arg6[%arg0, %mul3A_0, %dma_start3A_129] : memref<2x10112x64xf32, #tpu.memory_space<hbm>> -> memref<1x632x64xf32, #tpu.memory_space<hbm>>
      %dma_start3A_131 = tpu.memref_squeeze %dma_start3A_130 : memref<1x632x64xf32, #tpu.memory_space<hbm>> -> memref<632x64xf32, #tpu.memory_space<hbm>>
      %dma_start3A_132 = arith.constant 0 : i32
      %dma_start3A_133 = tpu.memref_slice %arg10[%mul3A_0, %dma_start3A_132] : memref<10112x64xf32, #tpu.memory_space<vmem_shared>> -> memref<632x64xf32, #tpu.memory_space<vmem_shared>>
      tpu.enqueue_dma source(%dma_start3A_133 : memref<632x64xf32, #tpu.memory_space<vmem_shared>>) target(%dma_start3A_131 : memref<632x64xf32, #tpu.memory_space<hbm>>) target_semaphore(%run_scoped3A_128 : memref<!tpu.dma_semaphore, #tpu.memory_space<semaphore_mem>>)
      %dma_wait3A = arith.constant 0 : i32
      %dma_wait3A_134 = tpu.memref_slice %arg6[%arg0, %mul3A_0, %dma_wait3A] : memref<2x10112x64xf32, #tpu.memory_space<hbm>> -> memref<1x632x64xf32, #tpu.memory_space<hbm>>
      %dma_wait3A_135 = tpu.memref_squeeze %dma_wait3A_134 : memref<1x632x64xf32, #tpu.memory_space<hbm>> -> memref<632x64xf32, #tpu.memory_space<hbm>>
      %dma_wait3A_136 = arith.constant 0 : i32
      %dma_wait3A_137 = tpu.memref_slice %arg10[%mul3A_0, %dma_wait3A_136] : memref<10112x64xf32, #tpu.memory_space<vmem_shared>> -> memref<632x64xf32, #tpu.memory_space<vmem_shared>>
      tpu.wait_dma2 semaphore(%run_scoped3A_128 : memref<!tpu.dma_semaphore, #tpu.memory_space<semaphore_mem>>) src(%dma_wait3A_137 : memref<632x64xf32, #tpu.memory_space<vmem_shared>>) dst(%dma_wait3A_135 : memref<632x64xf32, #tpu.memory_space<hbm>>)
      tpu.yield
    }) : () -> ()
    return
  }
}

#map = affine_map<(d0, d1) -> (0, 0, 0)>
#map1 = affine_map<(d0, d1) -> (0, 0)>
module attributes {stable_mosaic.version = 14 : i64} {
  func.func @_sc_aux_agg(%arg0: i32, %arg1: i32, %arg2: memref<625x4x128xi32, #tpu.memory_space<hbm>>, %arg3: memref<320000x16xf32, #tpu.memory_space<hbm>>, %arg4: memref<10112x16xf32, #tpu.memory_space<hbm>>, %arg5: memref<128x16xf32, #tpu.memory_space<hbm>>, %arg6: memref<2x10112x64xf32, #tpu.memory_space<hbm>>, %arg7: memref<2x10112x16xf32, #tpu.memory_space<hbm>>, %arg8: memref<2x10112x16xf32, #tpu.memory_space<hbm>>, %arg9: memref<3x4x128xi32, #tpu.memory_space<vmem>>, %arg10: memref<3x512x16xf32, #tpu.memory_space<vmem>>, %arg11: memref<128x16xf32, #tpu.memory_space<vmem>>, %arg12: memref<10112x16xf32, #tpu.memory_space<vmem_shared>>, %arg13: memref<10112x16xf32, #tpu.memory_space<vmem_shared>>, %arg14: memref<!tpu.dma_semaphore, #tpu.memory_space<semaphore_mem>>, %arg15: memref<3x!tpu.dma_semaphore, #tpu.memory_space<semaphore_mem>>) attributes {dimension_semantics = [#tpu.dimension_semantics<core_parallel>, #tpu.dimension_semantics<subcore_parallel>], iteration_bounds = array<i64: 2, 16>, scalar_prefetch = 0 : i64, scratch_operands = 7 : i64, tpu.core_type = #tpu.core_type<sc_vector_subcore>, window_params = [{transform_indices = #map}, {transform_indices = #map1}, {transform_indices = #map1}, {transform_indices = #map1}, {transform_indices = #map}, {transform_indices = #map}, {transform_indices = #map}]} {
    %mul3A = arith.constant 632 : i32
    %mul3A_0 = arith.muli %arg1, %mul3A : i32
    "tpu.region"() ({
      %run_scoped3A = tpu.sem_alloc : memref<!tpu.dma_semaphore, #tpu.memory_space<semaphore_mem>>
      %dma_start3A_103 = arith.constant 0 : i32
      %dma_start3A_104 = tpu.memref_slice %arg12[%mul3A_0, %dma_start3A_103] : memref<10112x16xf32, #tpu.memory_space<vmem_shared>> -> memref<632x16xf32, #tpu.memory_space<vmem_shared>>
      %dma_start3A_105 = arith.constant 0 : i32
      %dma_start3A_106 = tpu.memref_slice %arg4[%mul3A_0, %dma_start3A_105] : memref<10112x16xf32, #tpu.memory_space<hbm>> -> memref<632x16xf32, #tpu.memory_space<hbm>>
      tpu.enqueue_dma source(%dma_start3A_106 : memref<632x16xf32, #tpu.memory_space<hbm>>) target(%dma_start3A_104 : memref<632x16xf32, #tpu.memory_space<vmem_shared>>) target_semaphore(%run_scoped3A : memref<!tpu.dma_semaphore, #tpu.memory_space<semaphore_mem>>)
      %dma_wait3A = arith.constant 0 : i32
      %dma_wait3A_107 = tpu.memref_slice %arg12[%mul3A_0, %dma_wait3A] : memref<10112x16xf32, #tpu.memory_space<vmem_shared>> -> memref<632x16xf32, #tpu.memory_space<vmem_shared>>
      %dma_wait3A_108 = arith.constant 0 : i32
      %dma_wait3A_109 = tpu.memref_slice %arg4[%mul3A_0, %dma_wait3A_108] : memref<10112x16xf32, #tpu.memory_space<hbm>> -> memref<632x16xf32, #tpu.memory_space<hbm>>
      tpu.wait_dma2 semaphore(%run_scoped3A : memref<!tpu.dma_semaphore, #tpu.memory_space<semaphore_mem>>) src(%dma_wait3A_109 : memref<632x16xf32, #tpu.memory_space<hbm>>) dst(%dma_wait3A_107 : memref<632x16xf32, #tpu.memory_space<vmem_shared>>)
      tpu.yield
    }) : () -> ()
    "tpu.region"() ({
      %run_scoped3A = tpu.sem_alloc : memref<!tpu.dma_semaphore, #tpu.memory_space<semaphore_mem>>
      %dma_start3A_103 = arith.constant 0 : i32
      %dma_start3A_104 = tpu.memref_slice %arg13[%mul3A_0, %dma_start3A_103] : memref<10112x16xf32, #tpu.memory_space<vmem_shared>> -> memref<632x16xf32, #tpu.memory_space<vmem_shared>>
      %dma_start3A_105 = arith.constant 0 : i32
      %dma_start3A_106 = tpu.memref_slice %arg4[%mul3A_0, %dma_start3A_105] : memref<10112x16xf32, #tpu.memory_space<hbm>> -> memref<632x16xf32, #tpu.memory_space<hbm>>
      tpu.enqueue_dma source(%dma_start3A_106 : memref<632x16xf32, #tpu.memory_space<hbm>>) target(%dma_start3A_104 : memref<632x16xf32, #tpu.memory_space<vmem_shared>>) target_semaphore(%run_scoped3A : memref<!tpu.dma_semaphore, #tpu.memory_space<semaphore_mem>>)
      %dma_wait3A = arith.constant 0 : i32
      %dma_wait3A_107 = tpu.memref_slice %arg13[%mul3A_0, %dma_wait3A] : memref<10112x16xf32, #tpu.memory_space<vmem_shared>> -> memref<632x16xf32, #tpu.memory_space<vmem_shared>>
      %dma_wait3A_108 = arith.constant 0 : i32
      %dma_wait3A_109 = tpu.memref_slice %arg4[%mul3A_0, %dma_wait3A_108] : memref<10112x16xf32, #tpu.memory_space<hbm>> -> memref<632x16xf32, #tpu.memory_space<hbm>>
      tpu.wait_dma2 semaphore(%run_scoped3A : memref<!tpu.dma_semaphore, #tpu.memory_space<semaphore_mem>>) src(%dma_wait3A_109 : memref<632x16xf32, #tpu.memory_space<hbm>>) dst(%dma_wait3A_107 : memref<632x16xf32, #tpu.memory_space<vmem_shared>>)
      tpu.yield
    }) : () -> ()
    "tpu.region"() ({
      %run_scoped3A = tpu.sem_alloc : memref<!tpu.dma_semaphore, #tpu.memory_space<semaphore_mem>>
      tpu.enqueue_dma source(%arg5 : memref<128x16xf32, #tpu.memory_space<hbm>>) target(%arg11 : memref<128x16xf32, #tpu.memory_space<vmem>>) target_semaphore(%run_scoped3A : memref<!tpu.dma_semaphore, #tpu.memory_space<semaphore_mem>>)
      tpu.wait_dma2 semaphore(%run_scoped3A : memref<!tpu.dma_semaphore, #tpu.memory_space<semaphore_mem>>) src(%arg5 : memref<128x16xf32, #tpu.memory_space<hbm>>) dst(%arg11 : memref<128x16xf32, #tpu.memory_space<vmem>>)
      tpu.yield
    }) : () -> ()
    %mul3A_1 = arith.constant 313 : i32
    %mul3A_2 = arith.muli %arg0, %mul3A_1 : i32
    %add3A = arith.constant 1 : i32
    %add3A_3 = arith.addi %arg0, %add3A : i32
    %mul3A_4 = arith.constant 313 : i32
    %mul3A_5 = arith.muli %add3A_3, %mul3A_4 : i32
    %min3A = arith.constant 625 : i32
    %min3A_6 = arith.minsi %min3A, %mul3A_5 : i32
    %add3A_7 = arith.addi %mul3A_2, %arg1 : i32
    %dma_start3A = arith.constant 0 : i32
    %dma_start3A_8 = arith.constant 0 : i32
    %dma_start3A_9 = arith.constant 0 : i32
    %dma_start3A_10 = arith.constant 0 : i32
    %dma_start3A_11 = tpu.memref_slice %arg9[%dma_start3A, %dma_start3A_9, %dma_start3A_10] : memref<3x4x128xi32, #tpu.memory_space<vmem>> -> memref<1x4x128xi32, #tpu.memory_space<vmem>>
    %dma_start3A_12 = tpu.memref_squeeze %dma_start3A_11 : memref<1x4x128xi32, #tpu.memory_space<vmem>> -> memref<4x128xi32, #tpu.memory_space<vmem>>
    %dma_start3A_13 = arith.constant 0 : i32
    %dma_start3A_14 = arith.constant 0 : i32
    %dma_start3A_15 = tpu.memref_slice %arg2[%add3A_7, %dma_start3A_13, %dma_start3A_14] : memref<625x4x128xi32, #tpu.memory_space<hbm>> -> memref<1x4x128xi32, #tpu.memory_space<hbm>>
    %dma_start3A_16 = tpu.memref_squeeze %dma_start3A_15 : memref<1x4x128xi32, #tpu.memory_space<hbm>> -> memref<4x128xi32, #tpu.memory_space<hbm>>
    %dma_start3A_17 = tpu.memref_slice %arg15[%dma_start3A_8] : memref<3x!tpu.dma_semaphore, #tpu.memory_space<semaphore_mem>> -> memref<1x!tpu.dma_semaphore, #tpu.memory_space<semaphore_mem>>
    %dma_start3A_18 = tpu.memref_squeeze %dma_start3A_17 : memref<1x!tpu.dma_semaphore, #tpu.memory_space<semaphore_mem>> -> memref<!tpu.dma_semaphore, #tpu.memory_space<semaphore_mem>>
    %dma_start3A_19 = arith.constant 0 : i32
    %dma_start3A_20 = arith.constant 0 : i32
    %dma_start3A_21 = tpu.memref_slice %arg9[%dma_start3A, %dma_start3A_19, %dma_start3A_20] : memref<3x4x128xi32, #tpu.memory_space<vmem>> -> memref<1x4x128xi32, #tpu.memory_space<vmem>>
    %dma_start3A_22 = tpu.memref_squeeze %dma_start3A_21 : memref<1x4x128xi32, #tpu.memory_space<vmem>> -> memref<4x128xi32, #tpu.memory_space<vmem>>
    %dma_start3A_23 = arith.constant 0 : i32
    %dma_start3A_24 = arith.constant 0 : i32
    %dma_start3A_25 = tpu.memref_slice %arg2[%add3A_7, %dma_start3A_23, %dma_start3A_24] : memref<625x4x128xi32, #tpu.memory_space<hbm>> -> memref<1x4x128xi32, #tpu.memory_space<hbm>>
    %dma_start3A_26 = tpu.memref_squeeze %dma_start3A_25 : memref<1x4x128xi32, #tpu.memory_space<hbm>> -> memref<4x128xi32, #tpu.memory_space<hbm>>
    tpu.enqueue_dma source(%dma_start3A_26 : memref<4x128xi32, #tpu.memory_space<hbm>>) target(%dma_start3A_22 : memref<4x128xi32, #tpu.memory_space<vmem>>) target_semaphore(%dma_start3A_18 : memref<!tpu.dma_semaphore, #tpu.memory_space<semaphore_mem>>)
    %mul3A_27 = arith.constant 512 : i32
    %mul3A_28 = arith.muli %add3A_7, %mul3A_27 : i32
    %dma_start3A_29 = arith.constant 0 : i32
    %dma_start3A_30 = arith.constant 0 : i32
    %dma_start3A_31 = arith.constant 0 : i32
    %dma_start3A_32 = arith.constant 0 : i32
    %dma_start3A_33 = tpu.memref_slice %arg10[%dma_start3A_29, %dma_start3A_31, %dma_start3A_32] : memref<3x512x16xf32, #tpu.memory_space<vmem>> -> memref<1x512x16xf32, #tpu.memory_space<vmem>>
    %dma_start3A_34 = tpu.memref_squeeze %dma_start3A_33 : memref<1x512x16xf32, #tpu.memory_space<vmem>> -> memref<512x16xf32, #tpu.memory_space<vmem>>
    %dma_start3A_35 = arith.constant 0 : i32
    %dma_start3A_36 = tpu.memref_slice %arg3[%mul3A_28, %dma_start3A_35] : memref<320000x16xf32, #tpu.memory_space<hbm>> -> memref<512x16xf32, #tpu.memory_space<hbm>>
    %dma_start3A_37 = tpu.memref_slice %arg15[%dma_start3A_30] : memref<3x!tpu.dma_semaphore, #tpu.memory_space<semaphore_mem>> -> memref<1x!tpu.dma_semaphore, #tpu.memory_space<semaphore_mem>>
    %dma_start3A_38 = tpu.memref_squeeze %dma_start3A_37 : memref<1x!tpu.dma_semaphore, #tpu.memory_space<semaphore_mem>> -> memref<!tpu.dma_semaphore, #tpu.memory_space<semaphore_mem>>
    %dma_start3A_39 = arith.constant 0 : i32
    %dma_start3A_40 = arith.constant 0 : i32
    %dma_start3A_41 = tpu.memref_slice %arg10[%dma_start3A_29, %dma_start3A_39, %dma_start3A_40] : memref<3x512x16xf32, #tpu.memory_space<vmem>> -> memref<1x512x16xf32, #tpu.memory_space<vmem>>
    %dma_start3A_42 = tpu.memref_squeeze %dma_start3A_41 : memref<1x512x16xf32, #tpu.memory_space<vmem>> -> memref<512x16xf32, #tpu.memory_space<vmem>>
    %dma_start3A_43 = arith.constant 0 : i32
    %dma_start3A_44 = tpu.memref_slice %arg3[%mul3A_28, %dma_start3A_43] : memref<320000x16xf32, #tpu.memory_space<hbm>> -> memref<512x16xf32, #tpu.memory_space<hbm>>
    tpu.enqueue_dma source(%dma_start3A_44 : memref<512x16xf32, #tpu.memory_space<hbm>>) target(%dma_start3A_42 : memref<512x16xf32, #tpu.memory_space<vmem>>) target_semaphore(%dma_start3A_38 : memref<!tpu.dma_semaphore, #tpu.memory_space<semaphore_mem>>)
    %add3A_45 = arith.constant 16 : i32
    %add3A_46 = arith.addi %add3A_7, %add3A_45 : i32
    %dma_start3A_47 = arith.constant 1 : i32
    %dma_start3A_48 = arith.constant 1 : i32
    %dma_start3A_49 = arith.constant 0 : i32
    %dma_start3A_50 = arith.constant 0 : i32
    %dma_start3A_51 = tpu.memref_slice %arg9[%dma_start3A_47, %dma_start3A_49, %dma_start3A_50] : memref<3x4x128xi32, #tpu.memory_space<vmem>> -> memref<1x4x128xi32, #tpu.memory_space<vmem>>
    %dma_start3A_52 = tpu.memref_squeeze %dma_start3A_51 : memref<1x4x128xi32, #tpu.memory_space<vmem>> -> memref<4x128xi32, #tpu.memory_space<vmem>>
    %dma_start3A_53 = arith.constant 0 : i32
    %dma_start3A_54 = arith.constant 0 : i32
    %dma_start3A_55 = tpu.memref_slice %arg2[%add3A_46, %dma_start3A_53, %dma_start3A_54] : memref<625x4x128xi32, #tpu.memory_space<hbm>> -> memref<1x4x128xi32, #tpu.memory_space<hbm>>
    %dma_start3A_56 = tpu.memref_squeeze %dma_start3A_55 : memref<1x4x128xi32, #tpu.memory_space<hbm>> -> memref<4x128xi32, #tpu.memory_space<hbm>>
    %dma_start3A_57 = tpu.memref_slice %arg15[%dma_start3A_48] : memref<3x!tpu.dma_semaphore, #tpu.memory_space<semaphore_mem>> -> memref<1x!tpu.dma_semaphore, #tpu.memory_space<semaphore_mem>>
    %dma_start3A_58 = tpu.memref_squeeze %dma_start3A_57 : memref<1x!tpu.dma_semaphore, #tpu.memory_space<semaphore_mem>> -> memref<!tpu.dma_semaphore, #tpu.memory_space<semaphore_mem>>
    %dma_start3A_59 = arith.constant 0 : i32
    %dma_start3A_60 = arith.constant 0 : i32
    %dma_start3A_61 = tpu.memref_slice %arg9[%dma_start3A_47, %dma_start3A_59, %dma_start3A_60] : memref<3x4x128xi32, #tpu.memory_space<vmem>> -> memref<1x4x128xi32, #tpu.memory_space<vmem>>
    %dma_start3A_62 = tpu.memref_squeeze %dma_start3A_61 : memref<1x4x128xi32, #tpu.memory_space<vmem>> -> memref<4x128xi32, #tpu.memory_space<vmem>>
    %dma_start3A_63 = arith.constant 0 : i32
    %dma_start3A_64 = arith.constant 0 : i32
    %dma_start3A_65 = tpu.memref_slice %arg2[%add3A_46, %dma_start3A_63, %dma_start3A_64] : memref<625x4x128xi32, #tpu.memory_space<hbm>> -> memref<1x4x128xi32, #tpu.memory_space<hbm>>
    %dma_start3A_66 = tpu.memref_squeeze %dma_start3A_65 : memref<1x4x128xi32, #tpu.memory_space<hbm>> -> memref<4x128xi32, #tpu.memory_space<hbm>>
    tpu.enqueue_dma source(%dma_start3A_66 : memref<4x128xi32, #tpu.memory_space<hbm>>) target(%dma_start3A_62 : memref<4x128xi32, #tpu.memory_space<vmem>>) target_semaphore(%dma_start3A_58 : memref<!tpu.dma_semaphore, #tpu.memory_space<semaphore_mem>>)
    %add3A_67 = arith.constant 16 : i32
    %add3A_68 = arith.addi %add3A_7, %add3A_67 : i32
    %mul3A_69 = arith.constant 512 : i32
    %mul3A_70 = arith.muli %add3A_68, %mul3A_69 : i32
    %dma_start3A_71 = arith.constant 1 : i32
    %dma_start3A_72 = arith.constant 1 : i32
    %dma_start3A_73 = arith.constant 0 : i32
    %dma_start3A_74 = arith.constant 0 : i32
    %dma_start3A_75 = tpu.memref_slice %arg10[%dma_start3A_71, %dma_start3A_73, %dma_start3A_74] : memref<3x512x16xf32, #tpu.memory_space<vmem>> -> memref<1x512x16xf32, #tpu.memory_space<vmem>>
    %dma_start3A_76 = tpu.memref_squeeze %dma_start3A_75 : memref<1x512x16xf32, #tpu.memory_space<vmem>> -> memref<512x16xf32, #tpu.memory_space<vmem>>
    %dma_start3A_77 = arith.constant 0 : i32
    %dma_start3A_78 = tpu.memref_slice %arg3[%mul3A_70, %dma_start3A_77] : memref<320000x16xf32, #tpu.memory_space<hbm>> -> memref<512x16xf32, #tpu.memory_space<hbm>>
    %dma_start3A_79 = tpu.memref_slice %arg15[%dma_start3A_72] : memref<3x!tpu.dma_semaphore, #tpu.memory_space<semaphore_mem>> -> memref<1x!tpu.dma_semaphore, #tpu.memory_space<semaphore_mem>>
    %dma_start3A_80 = tpu.memref_squeeze %dma_start3A_79 : memref<1x!tpu.dma_semaphore, #tpu.memory_space<semaphore_mem>> -> memref<!tpu.dma_semaphore, #tpu.memory_space<semaphore_mem>>
    %dma_start3A_81 = arith.constant 0 : i32
    %dma_start3A_82 = arith.constant 0 : i32
    %dma_start3A_83 = tpu.memref_slice %arg10[%dma_start3A_71, %dma_start3A_81, %dma_start3A_82] : memref<3x512x16xf32, #tpu.memory_space<vmem>> -> memref<1x512x16xf32, #tpu.memory_space<vmem>>
    %dma_start3A_84 = tpu.memref_squeeze %dma_start3A_83 : memref<1x512x16xf32, #tpu.memory_space<vmem>> -> memref<512x16xf32, #tpu.memory_space<vmem>>
    %dma_start3A_85 = arith.constant 0 : i32
    %dma_start3A_86 = tpu.memref_slice %arg3[%mul3A_70, %dma_start3A_85] : memref<320000x16xf32, #tpu.memory_space<hbm>> -> memref<512x16xf32, #tpu.memory_space<hbm>>
    tpu.enqueue_dma source(%dma_start3A_86 : memref<512x16xf32, #tpu.memory_space<hbm>>) target(%dma_start3A_84 : memref<512x16xf32, #tpu.memory_space<vmem>>) target_semaphore(%dma_start3A_80 : memref<!tpu.dma_semaphore, #tpu.memory_space<semaphore_mem>>)
    %barrier3A = arith.constant 0 : index
    tpu.barrier barrier_id(%barrier3A)
    %sub3A = arith.subi %min3A_6, %mul3A_2 : i32
    %sub3A_87 = arith.subi %sub3A, %arg1 : i32
    %add3A_88 = arith.constant 16 : i32
    %add3A_89 = arith.addi %sub3A_87, %add3A_88 : i32
    %sub3A_90 = arith.constant 1 : i32
    %sub3A_91 = arith.subi %add3A_89, %sub3A_90 : i32
    %div3A = arith.constant 16 : i32
    %div3A_92 = arith.divsi %sub3A_91, %div3A : i32
    %while3A = arith.constant 0 : i32
    %while3A_93 = arith.constant 0 : i32
    %while3A_94 = arith.subi %div3A_92, %while3A_93 : i32
    %while3A_95 = arith.addi %while3A_93, %while3A_94 : i32
    %while3A_96 = arith.constant 1 : i32
    %while3A_97 = arith.divsi %while3A_94, %while3A_96 : i32
    %while3A_98 = arith.muli %while3A_97, %while3A_96 : i32
    %while3A_99 = arith.addi %while3A_93, %while3A_98 : i32
    %while3A_100 = arith.constant 1 : i32
    scf.for %while3A_103 = %while3A_93 to %while3A_99 step %while3A_100  : i32 {
      %rem3A = arith.constant 3 : i32
      %rem3A_104 = arith.remsi %while3A_103, %rem3A : i32
      %add3A_105 = arith.constant 2 : i32
      %add3A_106 = arith.addi %while3A_103, %add3A_105 : i32
      %rem3A_107 = arith.constant 3 : i32
      %rem3A_108 = arith.remsi %add3A_106, %rem3A_107 : i32
      %mul3A_109 = arith.constant 16 : i32
      %mul3A_110 = arith.muli %while3A_103, %mul3A_109 : i32
      %add3A_111 = arith.addi %add3A_7, %mul3A_110 : i32
      %add3A_112 = arith.constant 2 : i32
      %add3A_113 = arith.addi %while3A_103, %add3A_112 : i32
      %mul3A_114 = arith.constant 16 : i32
      %mul3A_115 = arith.muli %add3A_113, %mul3A_114 : i32
      %add3A_116 = arith.addi %add3A_7, %mul3A_115 : i32
      %dma_wait3A = arith.constant 0 : i32
      %dma_wait3A_117 = arith.constant 0 : i32
      %dma_wait3A_118 = tpu.memref_slice %arg9[%rem3A_104, %dma_wait3A, %dma_wait3A_117] : memref<3x4x128xi32, #tpu.memory_space<vmem>> -> memref<1x4x128xi32, #tpu.memory_space<vmem>>
      %dma_wait3A_119 = tpu.memref_squeeze %dma_wait3A_118 : memref<1x4x128xi32, #tpu.memory_space<vmem>> -> memref<4x128xi32, #tpu.memory_space<vmem>>
      %dma_wait3A_120 = arith.constant 0 : i32
      %dma_wait3A_121 = arith.constant 0 : i32
      %dma_wait3A_122 = tpu.memref_slice %arg2[%add3A_111, %dma_wait3A_120, %dma_wait3A_121] : memref<625x4x128xi32, #tpu.memory_space<hbm>> -> memref<1x4x128xi32, #tpu.memory_space<hbm>>
      %dma_wait3A_123 = tpu.memref_squeeze %dma_wait3A_122 : memref<1x4x128xi32, #tpu.memory_space<hbm>> -> memref<4x128xi32, #tpu.memory_space<hbm>>
      %dma_wait3A_124 = tpu.memref_slice %arg15[%rem3A_104] : memref<3x!tpu.dma_semaphore, #tpu.memory_space<semaphore_mem>> -> memref<1x!tpu.dma_semaphore, #tpu.memory_space<semaphore_mem>>
      %dma_wait3A_125 = tpu.memref_squeeze %dma_wait3A_124 : memref<1x!tpu.dma_semaphore, #tpu.memory_space<semaphore_mem>> -> memref<!tpu.dma_semaphore, #tpu.memory_space<semaphore_mem>>
      %dma_wait3A_126 = arith.constant 0 : i32
      %dma_wait3A_127 = arith.constant 0 : i32
      %dma_wait3A_128 = tpu.memref_slice %arg9[%rem3A_104, %dma_wait3A_126, %dma_wait3A_127] : memref<3x4x128xi32, #tpu.memory_space<vmem>> -> memref<1x4x128xi32, #tpu.memory_space<vmem>>
      %dma_wait3A_129 = tpu.memref_squeeze %dma_wait3A_128 : memref<1x4x128xi32, #tpu.memory_space<vmem>> -> memref<4x128xi32, #tpu.memory_space<vmem>>
      %dma_wait3A_130 = arith.constant 0 : i32
      %dma_wait3A_131 = arith.constant 0 : i32
      %dma_wait3A_132 = tpu.memref_slice %arg2[%add3A_111, %dma_wait3A_130, %dma_wait3A_131] : memref<625x4x128xi32, #tpu.memory_space<hbm>> -> memref<1x4x128xi32, #tpu.memory_space<hbm>>
      %dma_wait3A_133 = tpu.memref_squeeze %dma_wait3A_132 : memref<1x4x128xi32, #tpu.memory_space<hbm>> -> memref<4x128xi32, #tpu.memory_space<hbm>>
      tpu.wait_dma2 semaphore(%dma_wait3A_125 : memref<!tpu.dma_semaphore, #tpu.memory_space<semaphore_mem>>) src(%dma_wait3A_133 : memref<4x128xi32, #tpu.memory_space<hbm>>) dst(%dma_wait3A_129 : memref<4x128xi32, #tpu.memory_space<vmem>>)
      %mul3A_134 = arith.constant 512 : i32
      %mul3A_135 = arith.muli %add3A_111, %mul3A_134 : i32
      %dma_wait3A_136 = arith.constant 0 : i32
      %dma_wait3A_137 = arith.constant 0 : i32
      %dma_wait3A_138 = tpu.memref_slice %arg10[%rem3A_104, %dma_wait3A_136, %dma_wait3A_137] : memref<3x512x16xf32, #tpu.memory_space<vmem>> -> memref<1x512x16xf32, #tpu.memory_space<vmem>>
      %dma_wait3A_139 = tpu.memref_squeeze %dma_wait3A_138 : memref<1x512x16xf32, #tpu.memory_space<vmem>> -> memref<512x16xf32, #tpu.memory_space<vmem>>
      %dma_wait3A_140 = arith.constant 0 : i32
      %dma_wait3A_141 = tpu.memref_slice %arg3[%mul3A_135, %dma_wait3A_140] : memref<320000x16xf32, #tpu.memory_space<hbm>> -> memref<512x16xf32, #tpu.memory_space<hbm>>
      %dma_wait3A_142 = tpu.memref_slice %arg15[%rem3A_104] : memref<3x!tpu.dma_semaphore, #tpu.memory_space<semaphore_mem>> -> memref<1x!tpu.dma_semaphore, #tpu.memory_space<semaphore_mem>>
      %dma_wait3A_143 = tpu.memref_squeeze %dma_wait3A_142 : memref<1x!tpu.dma_semaphore, #tpu.memory_space<semaphore_mem>> -> memref<!tpu.dma_semaphore, #tpu.memory_space<semaphore_mem>>
      %dma_wait3A_144 = arith.constant 0 : i32
      %dma_wait3A_145 = arith.constant 0 : i32
      %dma_wait3A_146 = tpu.memref_slice %arg10[%rem3A_104, %dma_wait3A_144, %dma_wait3A_145] : memref<3x512x16xf32, #tpu.memory_space<vmem>> -> memref<1x512x16xf32, #tpu.memory_space<vmem>>
      %dma_wait3A_147 = tpu.memref_squeeze %dma_wait3A_146 : memref<1x512x16xf32, #tpu.memory_space<vmem>> -> memref<512x16xf32, #tpu.memory_space<vmem>>
      %dma_wait3A_148 = arith.constant 0 : i32
      %dma_wait3A_149 = tpu.memref_slice %arg3[%mul3A_135, %dma_wait3A_148] : memref<320000x16xf32, #tpu.memory_space<hbm>> -> memref<512x16xf32, #tpu.memory_space<hbm>>
      tpu.wait_dma2 semaphore(%dma_wait3A_143 : memref<!tpu.dma_semaphore, #tpu.memory_space<semaphore_mem>>) src(%dma_wait3A_149 : memref<512x16xf32, #tpu.memory_space<hbm>>) dst(%dma_wait3A_147 : memref<512x16xf32, #tpu.memory_space<vmem>>)
      %add3A_150 = arith.constant 2 : i32
      %add3A_151 = arith.addi %while3A_103, %add3A_150 : i32
      %lt3A = arith.cmpi slt, %add3A_151, %div3A_92 : i32
      %convert_element_type3A = arith.extui %lt3A : i1 to i32
      %cond3A = arith.constant 0 : i32
      %cond3A_152 = arith.cmpi ne, %convert_element_type3A, %cond3A : i32
      scf.if %cond3A_152 {
        %dma_start3A_297 = arith.constant 0 : i32
        %dma_start3A_298 = arith.constant 0 : i32
        %dma_start3A_299 = tpu.memref_slice %arg9[%rem3A_108, %dma_start3A_297, %dma_start3A_298] : memref<3x4x128xi32, #tpu.memory_space<vmem>> -> memref<1x4x128xi32, #tpu.memory_space<vmem>>
        %dma_start3A_300 = tpu.memref_squeeze %dma_start3A_299 : memref<1x4x128xi32, #tpu.memory_space<vmem>> -> memref<4x128xi32, #tpu.memory_space<vmem>>
        %dma_start3A_301 = arith.constant 0 : i32
        %dma_start3A_302 = arith.constant 0 : i32
        %dma_start3A_303 = tpu.memref_slice %arg2[%add3A_116, %dma_start3A_301, %dma_start3A_302] : memref<625x4x128xi32, #tpu.memory_space<hbm>> -> memref<1x4x128xi32, #tpu.memory_space<hbm>>
        %dma_start3A_304 = tpu.memref_squeeze %dma_start3A_303 : memref<1x4x128xi32, #tpu.memory_space<hbm>> -> memref<4x128xi32, #tpu.memory_space<hbm>>
        %dma_start3A_305 = tpu.memref_slice %arg15[%rem3A_108] : memref<3x!tpu.dma_semaphore, #tpu.memory_space<semaphore_mem>> -> memref<1x!tpu.dma_semaphore, #tpu.memory_space<semaphore_mem>>
        %dma_start3A_306 = tpu.memref_squeeze %dma_start3A_305 : memref<1x!tpu.dma_semaphore, #tpu.memory_space<semaphore_mem>> -> memref<!tpu.dma_semaphore, #tpu.memory_space<semaphore_mem>>
        %dma_start3A_307 = arith.constant 0 : i32
        %dma_start3A_308 = arith.constant 0 : i32
        %dma_start3A_309 = tpu.memref_slice %arg9[%rem3A_108, %dma_start3A_307, %dma_start3A_308] : memref<3x4x128xi32, #tpu.memory_space<vmem>> -> memref<1x4x128xi32, #tpu.memory_space<vmem>>
        %dma_start3A_310 = tpu.memref_squeeze %dma_start3A_309 : memref<1x4x128xi32, #tpu.memory_space<vmem>> -> memref<4x128xi32, #tpu.memory_space<vmem>>
        %dma_start3A_311 = arith.constant 0 : i32
        %dma_start3A_312 = arith.constant 0 : i32
        %dma_start3A_313 = tpu.memref_slice %arg2[%add3A_116, %dma_start3A_311, %dma_start3A_312] : memref<625x4x128xi32, #tpu.memory_space<hbm>> -> memref<1x4x128xi32, #tpu.memory_space<hbm>>
        %dma_start3A_314 = tpu.memref_squeeze %dma_start3A_313 : memref<1x4x128xi32, #tpu.memory_space<hbm>> -> memref<4x128xi32, #tpu.memory_space<hbm>>
        tpu.enqueue_dma source(%dma_start3A_314 : memref<4x128xi32, #tpu.memory_space<hbm>>) target(%dma_start3A_310 : memref<4x128xi32, #tpu.memory_space<vmem>>) target_semaphore(%dma_start3A_306 : memref<!tpu.dma_semaphore, #tpu.memory_space<semaphore_mem>>)
        %mul3A_315 = arith.constant 512 : i32
        %mul3A_316 = arith.muli %add3A_116, %mul3A_315 : i32
        %dma_start3A_317 = arith.constant 0 : i32
        %dma_start3A_318 = arith.constant 0 : i32
        %dma_start3A_319 = tpu.memref_slice %arg10[%rem3A_108, %dma_start3A_317, %dma_start3A_318] : memref<3x512x16xf32, #tpu.memory_space<vmem>> -> memref<1x512x16xf32, #tpu.memory_space<vmem>>
        %dma_start3A_320 = tpu.memref_squeeze %dma_start3A_319 : memref<1x512x16xf32, #tpu.memory_space<vmem>> -> memref<512x16xf32, #tpu.memory_space<vmem>>
        %dma_start3A_321 = arith.constant 0 : i32
        %dma_start3A_322 = tpu.memref_slice %arg3[%mul3A_316, %dma_start3A_321] : memref<320000x16xf32, #tpu.memory_space<hbm>> -> memref<512x16xf32, #tpu.memory_space<hbm>>
        %dma_start3A_323 = tpu.memref_slice %arg15[%rem3A_108] : memref<3x!tpu.dma_semaphore, #tpu.memory_space<semaphore_mem>> -> memref<1x!tpu.dma_semaphore, #tpu.memory_space<semaphore_mem>>
        %dma_start3A_324 = tpu.memref_squeeze %dma_start3A_323 : memref<1x!tpu.dma_semaphore, #tpu.memory_space<semaphore_mem>> -> memref<!tpu.dma_semaphore, #tpu.memory_space<semaphore_mem>>
        %dma_start3A_325 = arith.constant 0 : i32
        %dma_start3A_326 = arith.constant 0 : i32
        %dma_start3A_327 = tpu.memref_slice %arg10[%rem3A_108, %dma_start3A_325, %dma_start3A_326] : memref<3x512x16xf32, #tpu.memory_space<vmem>> -> memref<1x512x16xf32, #tpu.memory_space<vmem>>
        %dma_start3A_328 = tpu.memref_squeeze %dma_start3A_327 : memref<1x512x16xf32, #tpu.memory_space<vmem>> -> memref<512x16xf32, #tpu.memory_space<vmem>>
        %dma_start3A_329 = arith.constant 0 : i32
        %dma_start3A_330 = tpu.memref_slice %arg3[%mul3A_316, %dma_start3A_329] : memref<320000x16xf32, #tpu.memory_space<hbm>> -> memref<512x16xf32, #tpu.memory_space<hbm>>
        tpu.enqueue_dma source(%dma_start3A_330 : memref<512x16xf32, #tpu.memory_space<hbm>>) target(%dma_start3A_328 : memref<512x16xf32, #tpu.memory_space<vmem>>) target_semaphore(%dma_start3A_324 : memref<!tpu.dma_semaphore, #tpu.memory_space<semaphore_mem>>)
      } else {
      }
      %dma_start3A_153 = arith.constant 0 : i32
      %dma_start3A_154 = arith.constant 0 : i32
      %dma_start3A_155 = arith.constant 0 : i32
      %dma_start3A_156 = tpu.memref_slice %arg10[%rem3A_104, %dma_start3A_154, %dma_start3A_155] : memref<3x512x16xf32, #tpu.memory_space<vmem>> -> memref<1x128x16xf32, #tpu.memory_space<vmem>>
      %dma_start3A_157 = tpu.memref_squeeze %dma_start3A_156 : memref<1x128x16xf32, #tpu.memory_space<vmem>> -> memref<128x16xf32, #tpu.memory_space<vmem>>
      %dma_start3A_158 = arith.constant 0 : i32
      %dma_start3A_159 = tpu.memref_slice %arg9[%rem3A_104, %dma_start3A_153, %dma_start3A_158] : memref<3x4x128xi32, #tpu.memory_space<vmem>> -> memref<1x1x128xi32, #tpu.memory_space<vmem>>
      %dma_start3A_160 = tpu.memref_squeeze %dma_start3A_159 : memref<1x1x128xi32, #tpu.memory_space<vmem>> -> memref<128xi32, #tpu.memory_space<vmem>>
      %dma_start3A_161 = arith.constant 0 : i32
      %dma_start3A_162 = arith.constant 0 : i32
      %dma_start3A_163 = tpu.memref_slice %arg12[%dma_start3A_161, %dma_start3A_162] : memref<10112x16xf32, #tpu.memory_space<vmem_shared>> -> memref<10112x16xf32, #tpu.memory_space<vmem_shared>>
      tpu.enqueue_indirect_dma source(%dma_start3A_157 : memref<128x16xf32, #tpu.memory_space<vmem>>) target(%dma_start3A_163 : memref<10112x16xf32, #tpu.memory_space<vmem_shared>>) offsets(%dma_start3A_160 : memref<128xi32, #tpu.memory_space<vmem>>) semaphore(%arg14 : memref<!tpu.dma_semaphore, #tpu.memory_space<semaphore_mem>>) {add = true}
      %dma_start3A_164 = arith.constant 0 : i32
      %dma_start3A_165 = arith.constant 0 : i32
      %dma_start3A_166 = tpu.memref_slice %arg9[%rem3A_104, %dma_start3A_164, %dma_start3A_165] : memref<3x4x128xi32, #tpu.memory_space<vmem>> -> memref<1x1x128xi32, #tpu.memory_space<vmem>>
      %dma_start3A_167 = tpu.memref_squeeze %dma_start3A_166 : memref<1x1x128xi32, #tpu.memory_space<vmem>> -> memref<128xi32, #tpu.memory_space<vmem>>
      %dma_start3A_168 = arith.constant 0 : i32
      %dma_start3A_169 = arith.constant 0 : i32
      %dma_start3A_170 = tpu.memref_slice %arg13[%dma_start3A_168, %dma_start3A_169] : memref<10112x16xf32, #tpu.memory_space<vmem_shared>> -> memref<10112x16xf32, #tpu.memory_space<vmem_shared>>
      tpu.enqueue_indirect_dma source(%arg11 : memref<128x16xf32, #tpu.memory_space<vmem>>) target(%dma_start3A_170 : memref<10112x16xf32, #tpu.memory_space<vmem_shared>>) offsets(%dma_start3A_167 : memref<128xi32, #tpu.memory_space<vmem>>) semaphore(%arg14 : memref<!tpu.dma_semaphore, #tpu.memory_space<semaphore_mem>>) {add = true}
      %dma_start3A_171 = arith.constant 1 : i32
      %dma_start3A_172 = arith.constant 128 : i32
      %dma_start3A_173 = arith.constant 0 : i32
      %dma_start3A_174 = tpu.memref_slice %arg10[%rem3A_104, %dma_start3A_172, %dma_start3A_173] : memref<3x512x16xf32, #tpu.memory_space<vmem>> -> memref<1x128x16xf32, #tpu.memory_space<vmem>>
      %dma_start3A_175 = tpu.memref_squeeze %dma_start3A_174 : memref<1x128x16xf32, #tpu.memory_space<vmem>> -> memref<128x16xf32, #tpu.memory_space<vmem>>
      %dma_start3A_176 = arith.constant 0 : i32
      %dma_start3A_177 = tpu.memref_slice %arg9[%rem3A_104, %dma_start3A_171, %dma_start3A_176] : memref<3x4x128xi32, #tpu.memory_space<vmem>> -> memref<1x1x128xi32, #tpu.memory_space<vmem>>
      %dma_start3A_178 = tpu.memref_squeeze %dma_start3A_177 : memref<1x1x128xi32, #tpu.memory_space<vmem>> -> memref<128xi32, #tpu.memory_space<vmem>>
      %dma_start3A_179 = arith.constant 0 : i32
      %dma_start3A_180 = arith.constant 0 : i32
      %dma_start3A_181 = tpu.memref_slice %arg12[%dma_start3A_179, %dma_start3A_180] : memref<10112x16xf32, #tpu.memory_space<vmem_shared>> -> memref<10112x16xf32, #tpu.memory_space<vmem_shared>>
      tpu.enqueue_indirect_dma source(%dma_start3A_175 : memref<128x16xf32, #tpu.memory_space<vmem>>) target(%dma_start3A_181 : memref<10112x16xf32, #tpu.memory_space<vmem_shared>>) offsets(%dma_start3A_178 : memref<128xi32, #tpu.memory_space<vmem>>) semaphore(%arg14 : memref<!tpu.dma_semaphore, #tpu.memory_space<semaphore_mem>>) {add = true}
      %dma_start3A_182 = arith.constant 1 : i32
      %dma_start3A_183 = arith.constant 0 : i32
      %dma_start3A_184 = tpu.memref_slice %arg9[%rem3A_104, %dma_start3A_182, %dma_start3A_183] : memref<3x4x128xi32, #tpu.memory_space<vmem>> -> memref<1x1x128xi32, #tpu.memory_space<vmem>>
      %dma_start3A_185 = tpu.memref_squeeze %dma_start3A_184 : memref<1x1x128xi32, #tpu.memory_space<vmem>> -> memref<128xi32, #tpu.memory_space<vmem>>
      %dma_start3A_186 = arith.constant 0 : i32
      %dma_start3A_187 = arith.constant 0 : i32
      %dma_start3A_188 = tpu.memref_slice %arg13[%dma_start3A_186, %dma_start3A_187] : memref<10112x16xf32, #tpu.memory_space<vmem_shared>> -> memref<10112x16xf32, #tpu.memory_space<vmem_shared>>
      tpu.enqueue_indirect_dma source(%arg11 : memref<128x16xf32, #tpu.memory_space<vmem>>) target(%dma_start3A_188 : memref<10112x16xf32, #tpu.memory_space<vmem_shared>>) offsets(%dma_start3A_185 : memref<128xi32, #tpu.memory_space<vmem>>) semaphore(%arg14 : memref<!tpu.dma_semaphore, #tpu.memory_space<semaphore_mem>>) {add = true}
      %dma_start3A_189 = arith.constant 2 : i32
      %dma_start3A_190 = arith.constant 256 : i32
      %dma_start3A_191 = arith.constant 0 : i32
      %dma_start3A_192 = tpu.memref_slice %arg10[%rem3A_104, %dma_start3A_190, %dma_start3A_191] : memref<3x512x16xf32, #tpu.memory_space<vmem>> -> memref<1x128x16xf32, #tpu.memory_space<vmem>>
      %dma_start3A_193 = tpu.memref_squeeze %dma_start3A_192 : memref<1x128x16xf32, #tpu.memory_space<vmem>> -> memref<128x16xf32, #tpu.memory_space<vmem>>
      %dma_start3A_194 = arith.constant 0 : i32
      %dma_start3A_195 = tpu.memref_slice %arg9[%rem3A_104, %dma_start3A_189, %dma_start3A_194] : memref<3x4x128xi32, #tpu.memory_space<vmem>> -> memref<1x1x128xi32, #tpu.memory_space<vmem>>
      %dma_start3A_196 = tpu.memref_squeeze %dma_start3A_195 : memref<1x1x128xi32, #tpu.memory_space<vmem>> -> memref<128xi32, #tpu.memory_space<vmem>>
      %dma_start3A_197 = arith.constant 0 : i32
      %dma_start3A_198 = arith.constant 0 : i32
      %dma_start3A_199 = tpu.memref_slice %arg12[%dma_start3A_197, %dma_start3A_198] : memref<10112x16xf32, #tpu.memory_space<vmem_shared>> -> memref<10112x16xf32, #tpu.memory_space<vmem_shared>>
      tpu.enqueue_indirect_dma source(%dma_start3A_193 : memref<128x16xf32, #tpu.memory_space<vmem>>) target(%dma_start3A_199 : memref<10112x16xf32, #tpu.memory_space<vmem_shared>>) offsets(%dma_start3A_196 : memref<128xi32, #tpu.memory_space<vmem>>) semaphore(%arg14 : memref<!tpu.dma_semaphore, #tpu.memory_space<semaphore_mem>>) {add = true}
      %dma_start3A_200 = arith.constant 2 : i32
      %dma_start3A_201 = arith.constant 0 : i32
      %dma_start3A_202 = tpu.memref_slice %arg9[%rem3A_104, %dma_start3A_200, %dma_start3A_201] : memref<3x4x128xi32, #tpu.memory_space<vmem>> -> memref<1x1x128xi32, #tpu.memory_space<vmem>>
      %dma_start3A_203 = tpu.memref_squeeze %dma_start3A_202 : memref<1x1x128xi32, #tpu.memory_space<vmem>> -> memref<128xi32, #tpu.memory_space<vmem>>
      %dma_start3A_204 = arith.constant 0 : i32
      %dma_start3A_205 = arith.constant 0 : i32
      %dma_start3A_206 = tpu.memref_slice %arg13[%dma_start3A_204, %dma_start3A_205] : memref<10112x16xf32, #tpu.memory_space<vmem_shared>> -> memref<10112x16xf32, #tpu.memory_space<vmem_shared>>
      tpu.enqueue_indirect_dma source(%arg11 : memref<128x16xf32, #tpu.memory_space<vmem>>) target(%dma_start3A_206 : memref<10112x16xf32, #tpu.memory_space<vmem_shared>>) offsets(%dma_start3A_203 : memref<128xi32, #tpu.memory_space<vmem>>) semaphore(%arg14 : memref<!tpu.dma_semaphore, #tpu.memory_space<semaphore_mem>>) {add = true}
      %dma_start3A_207 = arith.constant 3 : i32
      %dma_start3A_208 = arith.constant 384 : i32
      %dma_start3A_209 = arith.constant 0 : i32
      %dma_start3A_210 = tpu.memref_slice %arg10[%rem3A_104, %dma_start3A_208, %dma_start3A_209] : memref<3x512x16xf32, #tpu.memory_space<vmem>> -> memref<1x128x16xf32, #tpu.memory_space<vmem>>
      %dma_start3A_211 = tpu.memref_squeeze %dma_start3A_210 : memref<1x128x16xf32, #tpu.memory_space<vmem>> -> memref<128x16xf32, #tpu.memory_space<vmem>>
      %dma_start3A_212 = arith.constant 0 : i32
      %dma_start3A_213 = tpu.memref_slice %arg9[%rem3A_104, %dma_start3A_207, %dma_start3A_212] : memref<3x4x128xi32, #tpu.memory_space<vmem>> -> memref<1x1x128xi32, #tpu.memory_space<vmem>>
      %dma_start3A_214 = tpu.memref_squeeze %dma_start3A_213 : memref<1x1x128xi32, #tpu.memory_space<vmem>> -> memref<128xi32, #tpu.memory_space<vmem>>
      %dma_start3A_215 = arith.constant 0 : i32
      %dma_start3A_216 = arith.constant 0 : i32
      %dma_start3A_217 = tpu.memref_slice %arg12[%dma_start3A_215, %dma_start3A_216] : memref<10112x16xf32, #tpu.memory_space<vmem_shared>> -> memref<10112x16xf32, #tpu.memory_space<vmem_shared>>
      tpu.enqueue_indirect_dma source(%dma_start3A_211 : memref<128x16xf32, #tpu.memory_space<vmem>>) target(%dma_start3A_217 : memref<10112x16xf32, #tpu.memory_space<vmem_shared>>) offsets(%dma_start3A_214 : memref<128xi32, #tpu.memory_space<vmem>>) semaphore(%arg14 : memref<!tpu.dma_semaphore, #tpu.memory_space<semaphore_mem>>) {add = true}
      %dma_start3A_218 = arith.constant 3 : i32
      %dma_start3A_219 = arith.constant 0 : i32
      %dma_start3A_220 = tpu.memref_slice %arg9[%rem3A_104, %dma_start3A_218, %dma_start3A_219] : memref<3x4x128xi32, #tpu.memory_space<vmem>> -> memref<1x1x128xi32, #tpu.memory_space<vmem>>
      %dma_start3A_221 = tpu.memref_squeeze %dma_start3A_220 : memref<1x1x128xi32, #tpu.memory_space<vmem>> -> memref<128xi32, #tpu.memory_space<vmem>>
      %dma_start3A_222 = arith.constant 0 : i32
      %dma_start3A_223 = arith.constant 0 : i32
      %dma_start3A_224 = tpu.memref_slice %arg13[%dma_start3A_222, %dma_start3A_223] : memref<10112x16xf32, #tpu.memory_space<vmem_shared>> -> memref<10112x16xf32, #tpu.memory_space<vmem_shared>>
      tpu.enqueue_indirect_dma source(%arg11 : memref<128x16xf32, #tpu.memory_space<vmem>>) target(%dma_start3A_224 : memref<10112x16xf32, #tpu.memory_space<vmem_shared>>) offsets(%dma_start3A_221 : memref<128xi32, #tpu.memory_space<vmem>>) semaphore(%arg14 : memref<!tpu.dma_semaphore, #tpu.memory_space<semaphore_mem>>) {add = true}
      %dma_wait3A_225 = arith.constant 0 : i32
      %dma_wait3A_226 = arith.constant 0 : i32
      %dma_wait3A_227 = arith.constant 0 : i32
      %dma_wait3A_228 = tpu.memref_slice %arg10[%rem3A_104, %dma_wait3A_226, %dma_wait3A_227] : memref<3x512x16xf32, #tpu.memory_space<vmem>> -> memref<1x128x16xf32, #tpu.memory_space<vmem>>
      %dma_wait3A_229 = tpu.memref_squeeze %dma_wait3A_228 : memref<1x128x16xf32, #tpu.memory_space<vmem>> -> memref<128x16xf32, #tpu.memory_space<vmem>>
      %dma_wait3A_230 = arith.constant 0 : i32
      %dma_wait3A_231 = tpu.memref_slice %arg9[%rem3A_104, %dma_wait3A_225, %dma_wait3A_230] : memref<3x4x128xi32, #tpu.memory_space<vmem>> -> memref<1x1x128xi32, #tpu.memory_space<vmem>>
      %dma_wait3A_232 = tpu.memref_squeeze %dma_wait3A_231 : memref<1x1x128xi32, #tpu.memory_space<vmem>> -> memref<128xi32, #tpu.memory_space<vmem>>
      %dma_wait3A_233 = arith.constant 0 : i32
      %dma_wait3A_234 = arith.constant 0 : i32
      %dma_wait3A_235 = tpu.memref_slice %arg12[%dma_wait3A_233, %dma_wait3A_234] : memref<10112x16xf32, #tpu.memory_space<vmem_shared>> -> memref<10112x16xf32, #tpu.memory_space<vmem_shared>>
      tpu.wait_indirect_dma semaphore(%arg14 : memref<!tpu.dma_semaphore, #tpu.memory_space<semaphore_mem>>) src(%dma_wait3A_229 : memref<128x16xf32, #tpu.memory_space<vmem>>) dst(%dma_wait3A_235 : memref<10112x16xf32, #tpu.memory_space<vmem_shared>>)
      %dma_wait3A_236 = arith.constant 0 : i32
      %dma_wait3A_237 = arith.constant 0 : i32
      %dma_wait3A_238 = tpu.memref_slice %arg9[%rem3A_104, %dma_wait3A_236, %dma_wait3A_237] : memref<3x4x128xi32, #tpu.memory_space<vmem>> -> memref<1x1x128xi32, #tpu.memory_space<vmem>>
      %dma_wait3A_239 = tpu.memref_squeeze %dma_wait3A_238 : memref<1x1x128xi32, #tpu.memory_space<vmem>> -> memref<128xi32, #tpu.memory_space<vmem>>
      %dma_wait3A_240 = arith.constant 0 : i32
      %dma_wait3A_241 = arith.constant 0 : i32
      %dma_wait3A_242 = tpu.memref_slice %arg13[%dma_wait3A_240, %dma_wait3A_241] : memref<10112x16xf32, #tpu.memory_space<vmem_shared>> -> memref<10112x16xf32, #tpu.memory_space<vmem_shared>>
      tpu.wait_indirect_dma semaphore(%arg14 : memref<!tpu.dma_semaphore, #tpu.memory_space<semaphore_mem>>) src(%arg11 : memref<128x16xf32, #tpu.memory_space<vmem>>) dst(%dma_wait3A_242 : memref<10112x16xf32, #tpu.memory_space<vmem_shared>>)
      %dma_wait3A_243 = arith.constant 1 : i32
      %dma_wait3A_244 = arith.constant 128 : i32
      %dma_wait3A_245 = arith.constant 0 : i32
      %dma_wait3A_246 = tpu.memref_slice %arg10[%rem3A_104, %dma_wait3A_244, %dma_wait3A_245] : memref<3x512x16xf32, #tpu.memory_space<vmem>> -> memref<1x128x16xf32, #tpu.memory_space<vmem>>
      %dma_wait3A_247 = tpu.memref_squeeze %dma_wait3A_246 : memref<1x128x16xf32, #tpu.memory_space<vmem>> -> memref<128x16xf32, #tpu.memory_space<vmem>>
      %dma_wait3A_248 = arith.constant 0 : i32
      %dma_wait3A_249 = tpu.memref_slice %arg9[%rem3A_104, %dma_wait3A_243, %dma_wait3A_248] : memref<3x4x128xi32, #tpu.memory_space<vmem>> -> memref<1x1x128xi32, #tpu.memory_space<vmem>>
      %dma_wait3A_250 = tpu.memref_squeeze %dma_wait3A_249 : memref<1x1x128xi32, #tpu.memory_space<vmem>> -> memref<128xi32, #tpu.memory_space<vmem>>
      %dma_wait3A_251 = arith.constant 0 : i32
      %dma_wait3A_252 = arith.constant 0 : i32
      %dma_wait3A_253 = tpu.memref_slice %arg12[%dma_wait3A_251, %dma_wait3A_252] : memref<10112x16xf32, #tpu.memory_space<vmem_shared>> -> memref<10112x16xf32, #tpu.memory_space<vmem_shared>>
      tpu.wait_indirect_dma semaphore(%arg14 : memref<!tpu.dma_semaphore, #tpu.memory_space<semaphore_mem>>) src(%dma_wait3A_247 : memref<128x16xf32, #tpu.memory_space<vmem>>) dst(%dma_wait3A_253 : memref<10112x16xf32, #tpu.memory_space<vmem_shared>>)
      %dma_wait3A_254 = arith.constant 1 : i32
      %dma_wait3A_255 = arith.constant 0 : i32
      %dma_wait3A_256 = tpu.memref_slice %arg9[%rem3A_104, %dma_wait3A_254, %dma_wait3A_255] : memref<3x4x128xi32, #tpu.memory_space<vmem>> -> memref<1x1x128xi32, #tpu.memory_space<vmem>>
      %dma_wait3A_257 = tpu.memref_squeeze %dma_wait3A_256 : memref<1x1x128xi32, #tpu.memory_space<vmem>> -> memref<128xi32, #tpu.memory_space<vmem>>
      %dma_wait3A_258 = arith.constant 0 : i32
      %dma_wait3A_259 = arith.constant 0 : i32
      %dma_wait3A_260 = tpu.memref_slice %arg13[%dma_wait3A_258, %dma_wait3A_259] : memref<10112x16xf32, #tpu.memory_space<vmem_shared>> -> memref<10112x16xf32, #tpu.memory_space<vmem_shared>>
      tpu.wait_indirect_dma semaphore(%arg14 : memref<!tpu.dma_semaphore, #tpu.memory_space<semaphore_mem>>) src(%arg11 : memref<128x16xf32, #tpu.memory_space<vmem>>) dst(%dma_wait3A_260 : memref<10112x16xf32, #tpu.memory_space<vmem_shared>>)
      %dma_wait3A_261 = arith.constant 2 : i32
      %dma_wait3A_262 = arith.constant 256 : i32
      %dma_wait3A_263 = arith.constant 0 : i32
      %dma_wait3A_264 = tpu.memref_slice %arg10[%rem3A_104, %dma_wait3A_262, %dma_wait3A_263] : memref<3x512x16xf32, #tpu.memory_space<vmem>> -> memref<1x128x16xf32, #tpu.memory_space<vmem>>
      %dma_wait3A_265 = tpu.memref_squeeze %dma_wait3A_264 : memref<1x128x16xf32, #tpu.memory_space<vmem>> -> memref<128x16xf32, #tpu.memory_space<vmem>>
      %dma_wait3A_266 = arith.constant 0 : i32
      %dma_wait3A_267 = tpu.memref_slice %arg9[%rem3A_104, %dma_wait3A_261, %dma_wait3A_266] : memref<3x4x128xi32, #tpu.memory_space<vmem>> -> memref<1x1x128xi32, #tpu.memory_space<vmem>>
      %dma_wait3A_268 = tpu.memref_squeeze %dma_wait3A_267 : memref<1x1x128xi32, #tpu.memory_space<vmem>> -> memref<128xi32, #tpu.memory_space<vmem>>
      %dma_wait3A_269 = arith.constant 0 : i32
      %dma_wait3A_270 = arith.constant 0 : i32
      %dma_wait3A_271 = tpu.memref_slice %arg12[%dma_wait3A_269, %dma_wait3A_270] : memref<10112x16xf32, #tpu.memory_space<vmem_shared>> -> memref<10112x16xf32, #tpu.memory_space<vmem_shared>>
      tpu.wait_indirect_dma semaphore(%arg14 : memref<!tpu.dma_semaphore, #tpu.memory_space<semaphore_mem>>) src(%dma_wait3A_265 : memref<128x16xf32, #tpu.memory_space<vmem>>) dst(%dma_wait3A_271 : memref<10112x16xf32, #tpu.memory_space<vmem_shared>>)
      %dma_wait3A_272 = arith.constant 2 : i32
      %dma_wait3A_273 = arith.constant 0 : i32
      %dma_wait3A_274 = tpu.memref_slice %arg9[%rem3A_104, %dma_wait3A_272, %dma_wait3A_273] : memref<3x4x128xi32, #tpu.memory_space<vmem>> -> memref<1x1x128xi32, #tpu.memory_space<vmem>>
      %dma_wait3A_275 = tpu.memref_squeeze %dma_wait3A_274 : memref<1x1x128xi32, #tpu.memory_space<vmem>> -> memref<128xi32, #tpu.memory_space<vmem>>
      %dma_wait3A_276 = arith.constant 0 : i32
      %dma_wait3A_277 = arith.constant 0 : i32
      %dma_wait3A_278 = tpu.memref_slice %arg13[%dma_wait3A_276, %dma_wait3A_277] : memref<10112x16xf32, #tpu.memory_space<vmem_shared>> -> memref<10112x16xf32, #tpu.memory_space<vmem_shared>>
      tpu.wait_indirect_dma semaphore(%arg14 : memref<!tpu.dma_semaphore, #tpu.memory_space<semaphore_mem>>) src(%arg11 : memref<128x16xf32, #tpu.memory_space<vmem>>) dst(%dma_wait3A_278 : memref<10112x16xf32, #tpu.memory_space<vmem_shared>>)
      %dma_wait3A_279 = arith.constant 3 : i32
      %dma_wait3A_280 = arith.constant 384 : i32
      %dma_wait3A_281 = arith.constant 0 : i32
      %dma_wait3A_282 = tpu.memref_slice %arg10[%rem3A_104, %dma_wait3A_280, %dma_wait3A_281] : memref<3x512x16xf32, #tpu.memory_space<vmem>> -> memref<1x128x16xf32, #tpu.memory_space<vmem>>
      %dma_wait3A_283 = tpu.memref_squeeze %dma_wait3A_282 : memref<1x128x16xf32, #tpu.memory_space<vmem>> -> memref<128x16xf32, #tpu.memory_space<vmem>>
      %dma_wait3A_284 = arith.constant 0 : i32
      %dma_wait3A_285 = tpu.memref_slice %arg9[%rem3A_104, %dma_wait3A_279, %dma_wait3A_284] : memref<3x4x128xi32, #tpu.memory_space<vmem>> -> memref<1x1x128xi32, #tpu.memory_space<vmem>>
      %dma_wait3A_286 = tpu.memref_squeeze %dma_wait3A_285 : memref<1x1x128xi32, #tpu.memory_space<vmem>> -> memref<128xi32, #tpu.memory_space<vmem>>
      %dma_wait3A_287 = arith.constant 0 : i32
      %dma_wait3A_288 = arith.constant 0 : i32
      %dma_wait3A_289 = tpu.memref_slice %arg12[%dma_wait3A_287, %dma_wait3A_288] : memref<10112x16xf32, #tpu.memory_space<vmem_shared>> -> memref<10112x16xf32, #tpu.memory_space<vmem_shared>>
      tpu.wait_indirect_dma semaphore(%arg14 : memref<!tpu.dma_semaphore, #tpu.memory_space<semaphore_mem>>) src(%dma_wait3A_283 : memref<128x16xf32, #tpu.memory_space<vmem>>) dst(%dma_wait3A_289 : memref<10112x16xf32, #tpu.memory_space<vmem_shared>>)
      %dma_wait3A_290 = arith.constant 3 : i32
      %dma_wait3A_291 = arith.constant 0 : i32
      %dma_wait3A_292 = tpu.memref_slice %arg9[%rem3A_104, %dma_wait3A_290, %dma_wait3A_291] : memref<3x4x128xi32, #tpu.memory_space<vmem>> -> memref<1x1x128xi32, #tpu.memory_space<vmem>>
      %dma_wait3A_293 = tpu.memref_squeeze %dma_wait3A_292 : memref<1x1x128xi32, #tpu.memory_space<vmem>> -> memref<128xi32, #tpu.memory_space<vmem>>
      %dma_wait3A_294 = arith.constant 0 : i32
      %dma_wait3A_295 = arith.constant 0 : i32
      %dma_wait3A_296 = tpu.memref_slice %arg13[%dma_wait3A_294, %dma_wait3A_295] : memref<10112x16xf32, #tpu.memory_space<vmem_shared>> -> memref<10112x16xf32, #tpu.memory_space<vmem_shared>>
      tpu.wait_indirect_dma semaphore(%arg14 : memref<!tpu.dma_semaphore, #tpu.memory_space<semaphore_mem>>) src(%arg11 : memref<128x16xf32, #tpu.memory_space<vmem>>) dst(%dma_wait3A_296 : memref<10112x16xf32, #tpu.memory_space<vmem_shared>>)
    }
    %while3A_101 = arith.constant 1 : i32
    scf.for %while3A_103 = %while3A_99 to %while3A_95 step %while3A_101  : i32 {
      %rem3A = arith.constant 3 : i32
      %rem3A_104 = arith.remsi %while3A_103, %rem3A : i32
      %add3A_105 = arith.constant 2 : i32
      %add3A_106 = arith.addi %while3A_103, %add3A_105 : i32
      %rem3A_107 = arith.constant 3 : i32
      %rem3A_108 = arith.remsi %add3A_106, %rem3A_107 : i32
      %mul3A_109 = arith.constant 16 : i32
      %mul3A_110 = arith.muli %while3A_103, %mul3A_109 : i32
      %add3A_111 = arith.addi %add3A_7, %mul3A_110 : i32
      %add3A_112 = arith.constant 2 : i32
      %add3A_113 = arith.addi %while3A_103, %add3A_112 : i32
      %mul3A_114 = arith.constant 16 : i32
      %mul3A_115 = arith.muli %add3A_113, %mul3A_114 : i32
      %add3A_116 = arith.addi %add3A_7, %mul3A_115 : i32
      %dma_wait3A = arith.constant 0 : i32
      %dma_wait3A_117 = arith.constant 0 : i32
      %dma_wait3A_118 = tpu.memref_slice %arg9[%rem3A_104, %dma_wait3A, %dma_wait3A_117] : memref<3x4x128xi32, #tpu.memory_space<vmem>> -> memref<1x4x128xi32, #tpu.memory_space<vmem>>
      %dma_wait3A_119 = tpu.memref_squeeze %dma_wait3A_118 : memref<1x4x128xi32, #tpu.memory_space<vmem>> -> memref<4x128xi32, #tpu.memory_space<vmem>>
      %dma_wait3A_120 = arith.constant 0 : i32
      %dma_wait3A_121 = arith.constant 0 : i32
      %dma_wait3A_122 = tpu.memref_slice %arg2[%add3A_111, %dma_wait3A_120, %dma_wait3A_121] : memref<625x4x128xi32, #tpu.memory_space<hbm>> -> memref<1x4x128xi32, #tpu.memory_space<hbm>>
      %dma_wait3A_123 = tpu.memref_squeeze %dma_wait3A_122 : memref<1x4x128xi32, #tpu.memory_space<hbm>> -> memref<4x128xi32, #tpu.memory_space<hbm>>
      %dma_wait3A_124 = tpu.memref_slice %arg15[%rem3A_104] : memref<3x!tpu.dma_semaphore, #tpu.memory_space<semaphore_mem>> -> memref<1x!tpu.dma_semaphore, #tpu.memory_space<semaphore_mem>>
      %dma_wait3A_125 = tpu.memref_squeeze %dma_wait3A_124 : memref<1x!tpu.dma_semaphore, #tpu.memory_space<semaphore_mem>> -> memref<!tpu.dma_semaphore, #tpu.memory_space<semaphore_mem>>
      %dma_wait3A_126 = arith.constant 0 : i32
      %dma_wait3A_127 = arith.constant 0 : i32
      %dma_wait3A_128 = tpu.memref_slice %arg9[%rem3A_104, %dma_wait3A_126, %dma_wait3A_127] : memref<3x4x128xi32, #tpu.memory_space<vmem>> -> memref<1x4x128xi32, #tpu.memory_space<vmem>>
      %dma_wait3A_129 = tpu.memref_squeeze %dma_wait3A_128 : memref<1x4x128xi32, #tpu.memory_space<vmem>> -> memref<4x128xi32, #tpu.memory_space<vmem>>
      %dma_wait3A_130 = arith.constant 0 : i32
      %dma_wait3A_131 = arith.constant 0 : i32
      %dma_wait3A_132 = tpu.memref_slice %arg2[%add3A_111, %dma_wait3A_130, %dma_wait3A_131] : memref<625x4x128xi32, #tpu.memory_space<hbm>> -> memref<1x4x128xi32, #tpu.memory_space<hbm>>
      %dma_wait3A_133 = tpu.memref_squeeze %dma_wait3A_132 : memref<1x4x128xi32, #tpu.memory_space<hbm>> -> memref<4x128xi32, #tpu.memory_space<hbm>>
      tpu.wait_dma2 semaphore(%dma_wait3A_125 : memref<!tpu.dma_semaphore, #tpu.memory_space<semaphore_mem>>) src(%dma_wait3A_133 : memref<4x128xi32, #tpu.memory_space<hbm>>) dst(%dma_wait3A_129 : memref<4x128xi32, #tpu.memory_space<vmem>>)
      %mul3A_134 = arith.constant 512 : i32
      %mul3A_135 = arith.muli %add3A_111, %mul3A_134 : i32
      %dma_wait3A_136 = arith.constant 0 : i32
      %dma_wait3A_137 = arith.constant 0 : i32
      %dma_wait3A_138 = tpu.memref_slice %arg10[%rem3A_104, %dma_wait3A_136, %dma_wait3A_137] : memref<3x512x16xf32, #tpu.memory_space<vmem>> -> memref<1x512x16xf32, #tpu.memory_space<vmem>>
      %dma_wait3A_139 = tpu.memref_squeeze %dma_wait3A_138 : memref<1x512x16xf32, #tpu.memory_space<vmem>> -> memref<512x16xf32, #tpu.memory_space<vmem>>
      %dma_wait3A_140 = arith.constant 0 : i32
      %dma_wait3A_141 = tpu.memref_slice %arg3[%mul3A_135, %dma_wait3A_140] : memref<320000x16xf32, #tpu.memory_space<hbm>> -> memref<512x16xf32, #tpu.memory_space<hbm>>
      %dma_wait3A_142 = tpu.memref_slice %arg15[%rem3A_104] : memref<3x!tpu.dma_semaphore, #tpu.memory_space<semaphore_mem>> -> memref<1x!tpu.dma_semaphore, #tpu.memory_space<semaphore_mem>>
      %dma_wait3A_143 = tpu.memref_squeeze %dma_wait3A_142 : memref<1x!tpu.dma_semaphore, #tpu.memory_space<semaphore_mem>> -> memref<!tpu.dma_semaphore, #tpu.memory_space<semaphore_mem>>
      %dma_wait3A_144 = arith.constant 0 : i32
      %dma_wait3A_145 = arith.constant 0 : i32
      %dma_wait3A_146 = tpu.memref_slice %arg10[%rem3A_104, %dma_wait3A_144, %dma_wait3A_145] : memref<3x512x16xf32, #tpu.memory_space<vmem>> -> memref<1x512x16xf32, #tpu.memory_space<vmem>>
      %dma_wait3A_147 = tpu.memref_squeeze %dma_wait3A_146 : memref<1x512x16xf32, #tpu.memory_space<vmem>> -> memref<512x16xf32, #tpu.memory_space<vmem>>
      %dma_wait3A_148 = arith.constant 0 : i32
      %dma_wait3A_149 = tpu.memref_slice %arg3[%mul3A_135, %dma_wait3A_148] : memref<320000x16xf32, #tpu.memory_space<hbm>> -> memref<512x16xf32, #tpu.memory_space<hbm>>
      tpu.wait_dma2 semaphore(%dma_wait3A_143 : memref<!tpu.dma_semaphore, #tpu.memory_space<semaphore_mem>>) src(%dma_wait3A_149 : memref<512x16xf32, #tpu.memory_space<hbm>>) dst(%dma_wait3A_147 : memref<512x16xf32, #tpu.memory_space<vmem>>)
      %add3A_150 = arith.constant 2 : i32
      %add3A_151 = arith.addi %while3A_103, %add3A_150 : i32
      %lt3A = arith.cmpi slt, %add3A_151, %div3A_92 : i32
      %convert_element_type3A = arith.extui %lt3A : i1 to i32
      %cond3A = arith.constant 0 : i32
      %cond3A_152 = arith.cmpi ne, %convert_element_type3A, %cond3A : i32
      scf.if %cond3A_152 {
        %dma_start3A_297 = arith.constant 0 : i32
        %dma_start3A_298 = arith.constant 0 : i32
        %dma_start3A_299 = tpu.memref_slice %arg9[%rem3A_108, %dma_start3A_297, %dma_start3A_298] : memref<3x4x128xi32, #tpu.memory_space<vmem>> -> memref<1x4x128xi32, #tpu.memory_space<vmem>>
        %dma_start3A_300 = tpu.memref_squeeze %dma_start3A_299 : memref<1x4x128xi32, #tpu.memory_space<vmem>> -> memref<4x128xi32, #tpu.memory_space<vmem>>
        %dma_start3A_301 = arith.constant 0 : i32
        %dma_start3A_302 = arith.constant 0 : i32
        %dma_start3A_303 = tpu.memref_slice %arg2[%add3A_116, %dma_start3A_301, %dma_start3A_302] : memref<625x4x128xi32, #tpu.memory_space<hbm>> -> memref<1x4x128xi32, #tpu.memory_space<hbm>>
        %dma_start3A_304 = tpu.memref_squeeze %dma_start3A_303 : memref<1x4x128xi32, #tpu.memory_space<hbm>> -> memref<4x128xi32, #tpu.memory_space<hbm>>
        %dma_start3A_305 = tpu.memref_slice %arg15[%rem3A_108] : memref<3x!tpu.dma_semaphore, #tpu.memory_space<semaphore_mem>> -> memref<1x!tpu.dma_semaphore, #tpu.memory_space<semaphore_mem>>
        %dma_start3A_306 = tpu.memref_squeeze %dma_start3A_305 : memref<1x!tpu.dma_semaphore, #tpu.memory_space<semaphore_mem>> -> memref<!tpu.dma_semaphore, #tpu.memory_space<semaphore_mem>>
        %dma_start3A_307 = arith.constant 0 : i32
        %dma_start3A_308 = arith.constant 0 : i32
        %dma_start3A_309 = tpu.memref_slice %arg9[%rem3A_108, %dma_start3A_307, %dma_start3A_308] : memref<3x4x128xi32, #tpu.memory_space<vmem>> -> memref<1x4x128xi32, #tpu.memory_space<vmem>>
        %dma_start3A_310 = tpu.memref_squeeze %dma_start3A_309 : memref<1x4x128xi32, #tpu.memory_space<vmem>> -> memref<4x128xi32, #tpu.memory_space<vmem>>
        %dma_start3A_311 = arith.constant 0 : i32
        %dma_start3A_312 = arith.constant 0 : i32
        %dma_start3A_313 = tpu.memref_slice %arg2[%add3A_116, %dma_start3A_311, %dma_start3A_312] : memref<625x4x128xi32, #tpu.memory_space<hbm>> -> memref<1x4x128xi32, #tpu.memory_space<hbm>>
        %dma_start3A_314 = tpu.memref_squeeze %dma_start3A_313 : memref<1x4x128xi32, #tpu.memory_space<hbm>> -> memref<4x128xi32, #tpu.memory_space<hbm>>
        tpu.enqueue_dma source(%dma_start3A_314 : memref<4x128xi32, #tpu.memory_space<hbm>>) target(%dma_start3A_310 : memref<4x128xi32, #tpu.memory_space<vmem>>) target_semaphore(%dma_start3A_306 : memref<!tpu.dma_semaphore, #tpu.memory_space<semaphore_mem>>)
        %mul3A_315 = arith.constant 512 : i32
        %mul3A_316 = arith.muli %add3A_116, %mul3A_315 : i32
        %dma_start3A_317 = arith.constant 0 : i32
        %dma_start3A_318 = arith.constant 0 : i32
        %dma_start3A_319 = tpu.memref_slice %arg10[%rem3A_108, %dma_start3A_317, %dma_start3A_318] : memref<3x512x16xf32, #tpu.memory_space<vmem>> -> memref<1x512x16xf32, #tpu.memory_space<vmem>>
        %dma_start3A_320 = tpu.memref_squeeze %dma_start3A_319 : memref<1x512x16xf32, #tpu.memory_space<vmem>> -> memref<512x16xf32, #tpu.memory_space<vmem>>
        %dma_start3A_321 = arith.constant 0 : i32
        %dma_start3A_322 = tpu.memref_slice %arg3[%mul3A_316, %dma_start3A_321] : memref<320000x16xf32, #tpu.memory_space<hbm>> -> memref<512x16xf32, #tpu.memory_space<hbm>>
        %dma_start3A_323 = tpu.memref_slice %arg15[%rem3A_108] : memref<3x!tpu.dma_semaphore, #tpu.memory_space<semaphore_mem>> -> memref<1x!tpu.dma_semaphore, #tpu.memory_space<semaphore_mem>>
        %dma_start3A_324 = tpu.memref_squeeze %dma_start3A_323 : memref<1x!tpu.dma_semaphore, #tpu.memory_space<semaphore_mem>> -> memref<!tpu.dma_semaphore, #tpu.memory_space<semaphore_mem>>
        %dma_start3A_325 = arith.constant 0 : i32
        %dma_start3A_326 = arith.constant 0 : i32
        %dma_start3A_327 = tpu.memref_slice %arg10[%rem3A_108, %dma_start3A_325, %dma_start3A_326] : memref<3x512x16xf32, #tpu.memory_space<vmem>> -> memref<1x512x16xf32, #tpu.memory_space<vmem>>
        %dma_start3A_328 = tpu.memref_squeeze %dma_start3A_327 : memref<1x512x16xf32, #tpu.memory_space<vmem>> -> memref<512x16xf32, #tpu.memory_space<vmem>>
        %dma_start3A_329 = arith.constant 0 : i32
        %dma_start3A_330 = tpu.memref_slice %arg3[%mul3A_316, %dma_start3A_329] : memref<320000x16xf32, #tpu.memory_space<hbm>> -> memref<512x16xf32, #tpu.memory_space<hbm>>
        tpu.enqueue_dma source(%dma_start3A_330 : memref<512x16xf32, #tpu.memory_space<hbm>>) target(%dma_start3A_328 : memref<512x16xf32, #tpu.memory_space<vmem>>) target_semaphore(%dma_start3A_324 : memref<!tpu.dma_semaphore, #tpu.memory_space<semaphore_mem>>)
      } else {
      }
      %dma_start3A_153 = arith.constant 0 : i32
      %dma_start3A_154 = arith.constant 0 : i32
      %dma_start3A_155 = arith.constant 0 : i32
      %dma_start3A_156 = tpu.memref_slice %arg10[%rem3A_104, %dma_start3A_154, %dma_start3A_155] : memref<3x512x16xf32, #tpu.memory_space<vmem>> -> memref<1x128x16xf32, #tpu.memory_space<vmem>>
      %dma_start3A_157 = tpu.memref_squeeze %dma_start3A_156 : memref<1x128x16xf32, #tpu.memory_space<vmem>> -> memref<128x16xf32, #tpu.memory_space<vmem>>
      %dma_start3A_158 = arith.constant 0 : i32
      %dma_start3A_159 = tpu.memref_slice %arg9[%rem3A_104, %dma_start3A_153, %dma_start3A_158] : memref<3x4x128xi32, #tpu.memory_space<vmem>> -> memref<1x1x128xi32, #tpu.memory_space<vmem>>
      %dma_start3A_160 = tpu.memref_squeeze %dma_start3A_159 : memref<1x1x128xi32, #tpu.memory_space<vmem>> -> memref<128xi32, #tpu.memory_space<vmem>>
      %dma_start3A_161 = arith.constant 0 : i32
      %dma_start3A_162 = arith.constant 0 : i32
      %dma_start3A_163 = tpu.memref_slice %arg12[%dma_start3A_161, %dma_start3A_162] : memref<10112x16xf32, #tpu.memory_space<vmem_shared>> -> memref<10112x16xf32, #tpu.memory_space<vmem_shared>>
      tpu.enqueue_indirect_dma source(%dma_start3A_157 : memref<128x16xf32, #tpu.memory_space<vmem>>) target(%dma_start3A_163 : memref<10112x16xf32, #tpu.memory_space<vmem_shared>>) offsets(%dma_start3A_160 : memref<128xi32, #tpu.memory_space<vmem>>) semaphore(%arg14 : memref<!tpu.dma_semaphore, #tpu.memory_space<semaphore_mem>>) {add = true}
      %dma_start3A_164 = arith.constant 0 : i32
      %dma_start3A_165 = arith.constant 0 : i32
      %dma_start3A_166 = tpu.memref_slice %arg9[%rem3A_104, %dma_start3A_164, %dma_start3A_165] : memref<3x4x128xi32, #tpu.memory_space<vmem>> -> memref<1x1x128xi32, #tpu.memory_space<vmem>>
      %dma_start3A_167 = tpu.memref_squeeze %dma_start3A_166 : memref<1x1x128xi32, #tpu.memory_space<vmem>> -> memref<128xi32, #tpu.memory_space<vmem>>
      %dma_start3A_168 = arith.constant 0 : i32
      %dma_start3A_169 = arith.constant 0 : i32
      %dma_start3A_170 = tpu.memref_slice %arg13[%dma_start3A_168, %dma_start3A_169] : memref<10112x16xf32, #tpu.memory_space<vmem_shared>> -> memref<10112x16xf32, #tpu.memory_space<vmem_shared>>
      tpu.enqueue_indirect_dma source(%arg11 : memref<128x16xf32, #tpu.memory_space<vmem>>) target(%dma_start3A_170 : memref<10112x16xf32, #tpu.memory_space<vmem_shared>>) offsets(%dma_start3A_167 : memref<128xi32, #tpu.memory_space<vmem>>) semaphore(%arg14 : memref<!tpu.dma_semaphore, #tpu.memory_space<semaphore_mem>>) {add = true}
      %dma_start3A_171 = arith.constant 1 : i32
      %dma_start3A_172 = arith.constant 128 : i32
      %dma_start3A_173 = arith.constant 0 : i32
      %dma_start3A_174 = tpu.memref_slice %arg10[%rem3A_104, %dma_start3A_172, %dma_start3A_173] : memref<3x512x16xf32, #tpu.memory_space<vmem>> -> memref<1x128x16xf32, #tpu.memory_space<vmem>>
      %dma_start3A_175 = tpu.memref_squeeze %dma_start3A_174 : memref<1x128x16xf32, #tpu.memory_space<vmem>> -> memref<128x16xf32, #tpu.memory_space<vmem>>
      %dma_start3A_176 = arith.constant 0 : i32
      %dma_start3A_177 = tpu.memref_slice %arg9[%rem3A_104, %dma_start3A_171, %dma_start3A_176] : memref<3x4x128xi32, #tpu.memory_space<vmem>> -> memref<1x1x128xi32, #tpu.memory_space<vmem>>
      %dma_start3A_178 = tpu.memref_squeeze %dma_start3A_177 : memref<1x1x128xi32, #tpu.memory_space<vmem>> -> memref<128xi32, #tpu.memory_space<vmem>>
      %dma_start3A_179 = arith.constant 0 : i32
      %dma_start3A_180 = arith.constant 0 : i32
      %dma_start3A_181 = tpu.memref_slice %arg12[%dma_start3A_179, %dma_start3A_180] : memref<10112x16xf32, #tpu.memory_space<vmem_shared>> -> memref<10112x16xf32, #tpu.memory_space<vmem_shared>>
      tpu.enqueue_indirect_dma source(%dma_start3A_175 : memref<128x16xf32, #tpu.memory_space<vmem>>) target(%dma_start3A_181 : memref<10112x16xf32, #tpu.memory_space<vmem_shared>>) offsets(%dma_start3A_178 : memref<128xi32, #tpu.memory_space<vmem>>) semaphore(%arg14 : memref<!tpu.dma_semaphore, #tpu.memory_space<semaphore_mem>>) {add = true}
      %dma_start3A_182 = arith.constant 1 : i32
      %dma_start3A_183 = arith.constant 0 : i32
      %dma_start3A_184 = tpu.memref_slice %arg9[%rem3A_104, %dma_start3A_182, %dma_start3A_183] : memref<3x4x128xi32, #tpu.memory_space<vmem>> -> memref<1x1x128xi32, #tpu.memory_space<vmem>>
      %dma_start3A_185 = tpu.memref_squeeze %dma_start3A_184 : memref<1x1x128xi32, #tpu.memory_space<vmem>> -> memref<128xi32, #tpu.memory_space<vmem>>
      %dma_start3A_186 = arith.constant 0 : i32
      %dma_start3A_187 = arith.constant 0 : i32
      %dma_start3A_188 = tpu.memref_slice %arg13[%dma_start3A_186, %dma_start3A_187] : memref<10112x16xf32, #tpu.memory_space<vmem_shared>> -> memref<10112x16xf32, #tpu.memory_space<vmem_shared>>
      tpu.enqueue_indirect_dma source(%arg11 : memref<128x16xf32, #tpu.memory_space<vmem>>) target(%dma_start3A_188 : memref<10112x16xf32, #tpu.memory_space<vmem_shared>>) offsets(%dma_start3A_185 : memref<128xi32, #tpu.memory_space<vmem>>) semaphore(%arg14 : memref<!tpu.dma_semaphore, #tpu.memory_space<semaphore_mem>>) {add = true}
      %dma_start3A_189 = arith.constant 2 : i32
      %dma_start3A_190 = arith.constant 256 : i32
      %dma_start3A_191 = arith.constant 0 : i32
      %dma_start3A_192 = tpu.memref_slice %arg10[%rem3A_104, %dma_start3A_190, %dma_start3A_191] : memref<3x512x16xf32, #tpu.memory_space<vmem>> -> memref<1x128x16xf32, #tpu.memory_space<vmem>>
      %dma_start3A_193 = tpu.memref_squeeze %dma_start3A_192 : memref<1x128x16xf32, #tpu.memory_space<vmem>> -> memref<128x16xf32, #tpu.memory_space<vmem>>
      %dma_start3A_194 = arith.constant 0 : i32
      %dma_start3A_195 = tpu.memref_slice %arg9[%rem3A_104, %dma_start3A_189, %dma_start3A_194] : memref<3x4x128xi32, #tpu.memory_space<vmem>> -> memref<1x1x128xi32, #tpu.memory_space<vmem>>
      %dma_start3A_196 = tpu.memref_squeeze %dma_start3A_195 : memref<1x1x128xi32, #tpu.memory_space<vmem>> -> memref<128xi32, #tpu.memory_space<vmem>>
      %dma_start3A_197 = arith.constant 0 : i32
      %dma_start3A_198 = arith.constant 0 : i32
      %dma_start3A_199 = tpu.memref_slice %arg12[%dma_start3A_197, %dma_start3A_198] : memref<10112x16xf32, #tpu.memory_space<vmem_shared>> -> memref<10112x16xf32, #tpu.memory_space<vmem_shared>>
      tpu.enqueue_indirect_dma source(%dma_start3A_193 : memref<128x16xf32, #tpu.memory_space<vmem>>) target(%dma_start3A_199 : memref<10112x16xf32, #tpu.memory_space<vmem_shared>>) offsets(%dma_start3A_196 : memref<128xi32, #tpu.memory_space<vmem>>) semaphore(%arg14 : memref<!tpu.dma_semaphore, #tpu.memory_space<semaphore_mem>>) {add = true}
      %dma_start3A_200 = arith.constant 2 : i32
      %dma_start3A_201 = arith.constant 0 : i32
      %dma_start3A_202 = tpu.memref_slice %arg9[%rem3A_104, %dma_start3A_200, %dma_start3A_201] : memref<3x4x128xi32, #tpu.memory_space<vmem>> -> memref<1x1x128xi32, #tpu.memory_space<vmem>>
      %dma_start3A_203 = tpu.memref_squeeze %dma_start3A_202 : memref<1x1x128xi32, #tpu.memory_space<vmem>> -> memref<128xi32, #tpu.memory_space<vmem>>
      %dma_start3A_204 = arith.constant 0 : i32
      %dma_start3A_205 = arith.constant 0 : i32
      %dma_start3A_206 = tpu.memref_slice %arg13[%dma_start3A_204, %dma_start3A_205] : memref<10112x16xf32, #tpu.memory_space<vmem_shared>> -> memref<10112x16xf32, #tpu.memory_space<vmem_shared>>
      tpu.enqueue_indirect_dma source(%arg11 : memref<128x16xf32, #tpu.memory_space<vmem>>) target(%dma_start3A_206 : memref<10112x16xf32, #tpu.memory_space<vmem_shared>>) offsets(%dma_start3A_203 : memref<128xi32, #tpu.memory_space<vmem>>) semaphore(%arg14 : memref<!tpu.dma_semaphore, #tpu.memory_space<semaphore_mem>>) {add = true}
      %dma_start3A_207 = arith.constant 3 : i32
      %dma_start3A_208 = arith.constant 384 : i32
      %dma_start3A_209 = arith.constant 0 : i32
      %dma_start3A_210 = tpu.memref_slice %arg10[%rem3A_104, %dma_start3A_208, %dma_start3A_209] : memref<3x512x16xf32, #tpu.memory_space<vmem>> -> memref<1x128x16xf32, #tpu.memory_space<vmem>>
      %dma_start3A_211 = tpu.memref_squeeze %dma_start3A_210 : memref<1x128x16xf32, #tpu.memory_space<vmem>> -> memref<128x16xf32, #tpu.memory_space<vmem>>
      %dma_start3A_212 = arith.constant 0 : i32
      %dma_start3A_213 = tpu.memref_slice %arg9[%rem3A_104, %dma_start3A_207, %dma_start3A_212] : memref<3x4x128xi32, #tpu.memory_space<vmem>> -> memref<1x1x128xi32, #tpu.memory_space<vmem>>
      %dma_start3A_214 = tpu.memref_squeeze %dma_start3A_213 : memref<1x1x128xi32, #tpu.memory_space<vmem>> -> memref<128xi32, #tpu.memory_space<vmem>>
      %dma_start3A_215 = arith.constant 0 : i32
      %dma_start3A_216 = arith.constant 0 : i32
      %dma_start3A_217 = tpu.memref_slice %arg12[%dma_start3A_215, %dma_start3A_216] : memref<10112x16xf32, #tpu.memory_space<vmem_shared>> -> memref<10112x16xf32, #tpu.memory_space<vmem_shared>>
      tpu.enqueue_indirect_dma source(%dma_start3A_211 : memref<128x16xf32, #tpu.memory_space<vmem>>) target(%dma_start3A_217 : memref<10112x16xf32, #tpu.memory_space<vmem_shared>>) offsets(%dma_start3A_214 : memref<128xi32, #tpu.memory_space<vmem>>) semaphore(%arg14 : memref<!tpu.dma_semaphore, #tpu.memory_space<semaphore_mem>>) {add = true}
      %dma_start3A_218 = arith.constant 3 : i32
      %dma_start3A_219 = arith.constant 0 : i32
      %dma_start3A_220 = tpu.memref_slice %arg9[%rem3A_104, %dma_start3A_218, %dma_start3A_219] : memref<3x4x128xi32, #tpu.memory_space<vmem>> -> memref<1x1x128xi32, #tpu.memory_space<vmem>>
      %dma_start3A_221 = tpu.memref_squeeze %dma_start3A_220 : memref<1x1x128xi32, #tpu.memory_space<vmem>> -> memref<128xi32, #tpu.memory_space<vmem>>
      %dma_start3A_222 = arith.constant 0 : i32
      %dma_start3A_223 = arith.constant 0 : i32
      %dma_start3A_224 = tpu.memref_slice %arg13[%dma_start3A_222, %dma_start3A_223] : memref<10112x16xf32, #tpu.memory_space<vmem_shared>> -> memref<10112x16xf32, #tpu.memory_space<vmem_shared>>
      tpu.enqueue_indirect_dma source(%arg11 : memref<128x16xf32, #tpu.memory_space<vmem>>) target(%dma_start3A_224 : memref<10112x16xf32, #tpu.memory_space<vmem_shared>>) offsets(%dma_start3A_221 : memref<128xi32, #tpu.memory_space<vmem>>) semaphore(%arg14 : memref<!tpu.dma_semaphore, #tpu.memory_space<semaphore_mem>>) {add = true}
      %dma_wait3A_225 = arith.constant 0 : i32
      %dma_wait3A_226 = arith.constant 0 : i32
      %dma_wait3A_227 = arith.constant 0 : i32
      %dma_wait3A_228 = tpu.memref_slice %arg10[%rem3A_104, %dma_wait3A_226, %dma_wait3A_227] : memref<3x512x16xf32, #tpu.memory_space<vmem>> -> memref<1x128x16xf32, #tpu.memory_space<vmem>>
      %dma_wait3A_229 = tpu.memref_squeeze %dma_wait3A_228 : memref<1x128x16xf32, #tpu.memory_space<vmem>> -> memref<128x16xf32, #tpu.memory_space<vmem>>
      %dma_wait3A_230 = arith.constant 0 : i32
      %dma_wait3A_231 = tpu.memref_slice %arg9[%rem3A_104, %dma_wait3A_225, %dma_wait3A_230] : memref<3x4x128xi32, #tpu.memory_space<vmem>> -> memref<1x1x128xi32, #tpu.memory_space<vmem>>
      %dma_wait3A_232 = tpu.memref_squeeze %dma_wait3A_231 : memref<1x1x128xi32, #tpu.memory_space<vmem>> -> memref<128xi32, #tpu.memory_space<vmem>>
      %dma_wait3A_233 = arith.constant 0 : i32
      %dma_wait3A_234 = arith.constant 0 : i32
      %dma_wait3A_235 = tpu.memref_slice %arg12[%dma_wait3A_233, %dma_wait3A_234] : memref<10112x16xf32, #tpu.memory_space<vmem_shared>> -> memref<10112x16xf32, #tpu.memory_space<vmem_shared>>
      tpu.wait_indirect_dma semaphore(%arg14 : memref<!tpu.dma_semaphore, #tpu.memory_space<semaphore_mem>>) src(%dma_wait3A_229 : memref<128x16xf32, #tpu.memory_space<vmem>>) dst(%dma_wait3A_235 : memref<10112x16xf32, #tpu.memory_space<vmem_shared>>)
      %dma_wait3A_236 = arith.constant 0 : i32
      %dma_wait3A_237 = arith.constant 0 : i32
      %dma_wait3A_238 = tpu.memref_slice %arg9[%rem3A_104, %dma_wait3A_236, %dma_wait3A_237] : memref<3x4x128xi32, #tpu.memory_space<vmem>> -> memref<1x1x128xi32, #tpu.memory_space<vmem>>
      %dma_wait3A_239 = tpu.memref_squeeze %dma_wait3A_238 : memref<1x1x128xi32, #tpu.memory_space<vmem>> -> memref<128xi32, #tpu.memory_space<vmem>>
      %dma_wait3A_240 = arith.constant 0 : i32
      %dma_wait3A_241 = arith.constant 0 : i32
      %dma_wait3A_242 = tpu.memref_slice %arg13[%dma_wait3A_240, %dma_wait3A_241] : memref<10112x16xf32, #tpu.memory_space<vmem_shared>> -> memref<10112x16xf32, #tpu.memory_space<vmem_shared>>
      tpu.wait_indirect_dma semaphore(%arg14 : memref<!tpu.dma_semaphore, #tpu.memory_space<semaphore_mem>>) src(%arg11 : memref<128x16xf32, #tpu.memory_space<vmem>>) dst(%dma_wait3A_242 : memref<10112x16xf32, #tpu.memory_space<vmem_shared>>)
      %dma_wait3A_243 = arith.constant 1 : i32
      %dma_wait3A_244 = arith.constant 128 : i32
      %dma_wait3A_245 = arith.constant 0 : i32
      %dma_wait3A_246 = tpu.memref_slice %arg10[%rem3A_104, %dma_wait3A_244, %dma_wait3A_245] : memref<3x512x16xf32, #tpu.memory_space<vmem>> -> memref<1x128x16xf32, #tpu.memory_space<vmem>>
      %dma_wait3A_247 = tpu.memref_squeeze %dma_wait3A_246 : memref<1x128x16xf32, #tpu.memory_space<vmem>> -> memref<128x16xf32, #tpu.memory_space<vmem>>
      %dma_wait3A_248 = arith.constant 0 : i32
      %dma_wait3A_249 = tpu.memref_slice %arg9[%rem3A_104, %dma_wait3A_243, %dma_wait3A_248] : memref<3x4x128xi32, #tpu.memory_space<vmem>> -> memref<1x1x128xi32, #tpu.memory_space<vmem>>
      %dma_wait3A_250 = tpu.memref_squeeze %dma_wait3A_249 : memref<1x1x128xi32, #tpu.memory_space<vmem>> -> memref<128xi32, #tpu.memory_space<vmem>>
      %dma_wait3A_251 = arith.constant 0 : i32
      %dma_wait3A_252 = arith.constant 0 : i32
      %dma_wait3A_253 = tpu.memref_slice %arg12[%dma_wait3A_251, %dma_wait3A_252] : memref<10112x16xf32, #tpu.memory_space<vmem_shared>> -> memref<10112x16xf32, #tpu.memory_space<vmem_shared>>
      tpu.wait_indirect_dma semaphore(%arg14 : memref<!tpu.dma_semaphore, #tpu.memory_space<semaphore_mem>>) src(%dma_wait3A_247 : memref<128x16xf32, #tpu.memory_space<vmem>>) dst(%dma_wait3A_253 : memref<10112x16xf32, #tpu.memory_space<vmem_shared>>)
      %dma_wait3A_254 = arith.constant 1 : i32
      %dma_wait3A_255 = arith.constant 0 : i32
      %dma_wait3A_256 = tpu.memref_slice %arg9[%rem3A_104, %dma_wait3A_254, %dma_wait3A_255] : memref<3x4x128xi32, #tpu.memory_space<vmem>> -> memref<1x1x128xi32, #tpu.memory_space<vmem>>
      %dma_wait3A_257 = tpu.memref_squeeze %dma_wait3A_256 : memref<1x1x128xi32, #tpu.memory_space<vmem>> -> memref<128xi32, #tpu.memory_space<vmem>>
      %dma_wait3A_258 = arith.constant 0 : i32
      %dma_wait3A_259 = arith.constant 0 : i32
      %dma_wait3A_260 = tpu.memref_slice %arg13[%dma_wait3A_258, %dma_wait3A_259] : memref<10112x16xf32, #tpu.memory_space<vmem_shared>> -> memref<10112x16xf32, #tpu.memory_space<vmem_shared>>
      tpu.wait_indirect_dma semaphore(%arg14 : memref<!tpu.dma_semaphore, #tpu.memory_space<semaphore_mem>>) src(%arg11 : memref<128x16xf32, #tpu.memory_space<vmem>>) dst(%dma_wait3A_260 : memref<10112x16xf32, #tpu.memory_space<vmem_shared>>)
      %dma_wait3A_261 = arith.constant 2 : i32
      %dma_wait3A_262 = arith.constant 256 : i32
      %dma_wait3A_263 = arith.constant 0 : i32
      %dma_wait3A_264 = tpu.memref_slice %arg10[%rem3A_104, %dma_wait3A_262, %dma_wait3A_263] : memref<3x512x16xf32, #tpu.memory_space<vmem>> -> memref<1x128x16xf32, #tpu.memory_space<vmem>>
      %dma_wait3A_265 = tpu.memref_squeeze %dma_wait3A_264 : memref<1x128x16xf32, #tpu.memory_space<vmem>> -> memref<128x16xf32, #tpu.memory_space<vmem>>
      %dma_wait3A_266 = arith.constant 0 : i32
      %dma_wait3A_267 = tpu.memref_slice %arg9[%rem3A_104, %dma_wait3A_261, %dma_wait3A_266] : memref<3x4x128xi32, #tpu.memory_space<vmem>> -> memref<1x1x128xi32, #tpu.memory_space<vmem>>
      %dma_wait3A_268 = tpu.memref_squeeze %dma_wait3A_267 : memref<1x1x128xi32, #tpu.memory_space<vmem>> -> memref<128xi32, #tpu.memory_space<vmem>>
      %dma_wait3A_269 = arith.constant 0 : i32
      %dma_wait3A_270 = arith.constant 0 : i32
      %dma_wait3A_271 = tpu.memref_slice %arg12[%dma_wait3A_269, %dma_wait3A_270] : memref<10112x16xf32, #tpu.memory_space<vmem_shared>> -> memref<10112x16xf32, #tpu.memory_space<vmem_shared>>
      tpu.wait_indirect_dma semaphore(%arg14 : memref<!tpu.dma_semaphore, #tpu.memory_space<semaphore_mem>>) src(%dma_wait3A_265 : memref<128x16xf32, #tpu.memory_space<vmem>>) dst(%dma_wait3A_271 : memref<10112x16xf32, #tpu.memory_space<vmem_shared>>)
      %dma_wait3A_272 = arith.constant 2 : i32
      %dma_wait3A_273 = arith.constant 0 : i32
      %dma_wait3A_274 = tpu.memref_slice %arg9[%rem3A_104, %dma_wait3A_272, %dma_wait3A_273] : memref<3x4x128xi32, #tpu.memory_space<vmem>> -> memref<1x1x128xi32, #tpu.memory_space<vmem>>
      %dma_wait3A_275 = tpu.memref_squeeze %dma_wait3A_274 : memref<1x1x128xi32, #tpu.memory_space<vmem>> -> memref<128xi32, #tpu.memory_space<vmem>>
      %dma_wait3A_276 = arith.constant 0 : i32
      %dma_wait3A_277 = arith.constant 0 : i32
      %dma_wait3A_278 = tpu.memref_slice %arg13[%dma_wait3A_276, %dma_wait3A_277] : memref<10112x16xf32, #tpu.memory_space<vmem_shared>> -> memref<10112x16xf32, #tpu.memory_space<vmem_shared>>
      tpu.wait_indirect_dma semaphore(%arg14 : memref<!tpu.dma_semaphore, #tpu.memory_space<semaphore_mem>>) src(%arg11 : memref<128x16xf32, #tpu.memory_space<vmem>>) dst(%dma_wait3A_278 : memref<10112x16xf32, #tpu.memory_space<vmem_shared>>)
      %dma_wait3A_279 = arith.constant 3 : i32
      %dma_wait3A_280 = arith.constant 384 : i32
      %dma_wait3A_281 = arith.constant 0 : i32
      %dma_wait3A_282 = tpu.memref_slice %arg10[%rem3A_104, %dma_wait3A_280, %dma_wait3A_281] : memref<3x512x16xf32, #tpu.memory_space<vmem>> -> memref<1x128x16xf32, #tpu.memory_space<vmem>>
      %dma_wait3A_283 = tpu.memref_squeeze %dma_wait3A_282 : memref<1x128x16xf32, #tpu.memory_space<vmem>> -> memref<128x16xf32, #tpu.memory_space<vmem>>
      %dma_wait3A_284 = arith.constant 0 : i32
      %dma_wait3A_285 = tpu.memref_slice %arg9[%rem3A_104, %dma_wait3A_279, %dma_wait3A_284] : memref<3x4x128xi32, #tpu.memory_space<vmem>> -> memref<1x1x128xi32, #tpu.memory_space<vmem>>
      %dma_wait3A_286 = tpu.memref_squeeze %dma_wait3A_285 : memref<1x1x128xi32, #tpu.memory_space<vmem>> -> memref<128xi32, #tpu.memory_space<vmem>>
      %dma_wait3A_287 = arith.constant 0 : i32
      %dma_wait3A_288 = arith.constant 0 : i32
      %dma_wait3A_289 = tpu.memref_slice %arg12[%dma_wait3A_287, %dma_wait3A_288] : memref<10112x16xf32, #tpu.memory_space<vmem_shared>> -> memref<10112x16xf32, #tpu.memory_space<vmem_shared>>
      tpu.wait_indirect_dma semaphore(%arg14 : memref<!tpu.dma_semaphore, #tpu.memory_space<semaphore_mem>>) src(%dma_wait3A_283 : memref<128x16xf32, #tpu.memory_space<vmem>>) dst(%dma_wait3A_289 : memref<10112x16xf32, #tpu.memory_space<vmem_shared>>)
      %dma_wait3A_290 = arith.constant 3 : i32
      %dma_wait3A_291 = arith.constant 0 : i32
      %dma_wait3A_292 = tpu.memref_slice %arg9[%rem3A_104, %dma_wait3A_290, %dma_wait3A_291] : memref<3x4x128xi32, #tpu.memory_space<vmem>> -> memref<1x1x128xi32, #tpu.memory_space<vmem>>
      %dma_wait3A_293 = tpu.memref_squeeze %dma_wait3A_292 : memref<1x1x128xi32, #tpu.memory_space<vmem>> -> memref<128xi32, #tpu.memory_space<vmem>>
      %dma_wait3A_294 = arith.constant 0 : i32
      %dma_wait3A_295 = arith.constant 0 : i32
      %dma_wait3A_296 = tpu.memref_slice %arg13[%dma_wait3A_294, %dma_wait3A_295] : memref<10112x16xf32, #tpu.memory_space<vmem_shared>> -> memref<10112x16xf32, #tpu.memory_space<vmem_shared>>
      tpu.wait_indirect_dma semaphore(%arg14 : memref<!tpu.dma_semaphore, #tpu.memory_space<semaphore_mem>>) src(%arg11 : memref<128x16xf32, #tpu.memory_space<vmem>>) dst(%dma_wait3A_296 : memref<10112x16xf32, #tpu.memory_space<vmem_shared>>)
    }
    %barrier3A_102 = arith.constant 0 : index
    tpu.barrier barrier_id(%barrier3A_102)
    "tpu.region"() ({
      %run_scoped3A = tpu.sem_alloc : memref<!tpu.dma_semaphore, #tpu.memory_space<semaphore_mem>>
      %dma_start3A_103 = arith.constant 0 : i32
      %dma_start3A_104 = tpu.memref_slice %arg7[%arg0, %mul3A_0, %dma_start3A_103] : memref<2x10112x16xf32, #tpu.memory_space<hbm>> -> memref<1x632x16xf32, #tpu.memory_space<hbm>>
      %dma_start3A_105 = tpu.memref_squeeze %dma_start3A_104 : memref<1x632x16xf32, #tpu.memory_space<hbm>> -> memref<632x16xf32, #tpu.memory_space<hbm>>
      %dma_start3A_106 = arith.constant 0 : i32
      %dma_start3A_107 = tpu.memref_slice %arg12[%mul3A_0, %dma_start3A_106] : memref<10112x16xf32, #tpu.memory_space<vmem_shared>> -> memref<632x16xf32, #tpu.memory_space<vmem_shared>>
      tpu.enqueue_dma source(%dma_start3A_107 : memref<632x16xf32, #tpu.memory_space<vmem_shared>>) target(%dma_start3A_105 : memref<632x16xf32, #tpu.memory_space<hbm>>) target_semaphore(%run_scoped3A : memref<!tpu.dma_semaphore, #tpu.memory_space<semaphore_mem>>)
      %dma_wait3A = arith.constant 0 : i32
      %dma_wait3A_108 = tpu.memref_slice %arg7[%arg0, %mul3A_0, %dma_wait3A] : memref<2x10112x16xf32, #tpu.memory_space<hbm>> -> memref<1x632x16xf32, #tpu.memory_space<hbm>>
      %dma_wait3A_109 = tpu.memref_squeeze %dma_wait3A_108 : memref<1x632x16xf32, #tpu.memory_space<hbm>> -> memref<632x16xf32, #tpu.memory_space<hbm>>
      %dma_wait3A_110 = arith.constant 0 : i32
      %dma_wait3A_111 = tpu.memref_slice %arg12[%mul3A_0, %dma_wait3A_110] : memref<10112x16xf32, #tpu.memory_space<vmem_shared>> -> memref<632x16xf32, #tpu.memory_space<vmem_shared>>
      tpu.wait_dma2 semaphore(%run_scoped3A : memref<!tpu.dma_semaphore, #tpu.memory_space<semaphore_mem>>) src(%dma_wait3A_111 : memref<632x16xf32, #tpu.memory_space<vmem_shared>>) dst(%dma_wait3A_109 : memref<632x16xf32, #tpu.memory_space<hbm>>)
      tpu.yield
    }) : () -> ()
    "tpu.region"() ({
      %run_scoped3A = tpu.sem_alloc : memref<!tpu.dma_semaphore, #tpu.memory_space<semaphore_mem>>
      %dma_start3A_103 = arith.constant 0 : i32
      %dma_start3A_104 = tpu.memref_slice %arg8[%arg0, %mul3A_0, %dma_start3A_103] : memref<2x10112x16xf32, #tpu.memory_space<hbm>> -> memref<1x632x16xf32, #tpu.memory_space<hbm>>
      %dma_start3A_105 = tpu.memref_squeeze %dma_start3A_104 : memref<1x632x16xf32, #tpu.memory_space<hbm>> -> memref<632x16xf32, #tpu.memory_space<hbm>>
      %dma_start3A_106 = arith.constant 0 : i32
      %dma_start3A_107 = tpu.memref_slice %arg13[%mul3A_0, %dma_start3A_106] : memref<10112x16xf32, #tpu.memory_space<vmem_shared>> -> memref<632x16xf32, #tpu.memory_space<vmem_shared>>
      tpu.enqueue_dma source(%dma_start3A_107 : memref<632x16xf32, #tpu.memory_space<vmem_shared>>) target(%dma_start3A_105 : memref<632x16xf32, #tpu.memory_space<hbm>>) target_semaphore(%run_scoped3A : memref<!tpu.dma_semaphore, #tpu.memory_space<semaphore_mem>>)
      %dma_wait3A = arith.constant 0 : i32
      %dma_wait3A_108 = tpu.memref_slice %arg8[%arg0, %mul3A_0, %dma_wait3A] : memref<2x10112x16xf32, #tpu.memory_space<hbm>> -> memref<1x632x16xf32, #tpu.memory_space<hbm>>
      %dma_wait3A_109 = tpu.memref_squeeze %dma_wait3A_108 : memref<1x632x16xf32, #tpu.memory_space<hbm>> -> memref<632x16xf32, #tpu.memory_space<hbm>>
      %dma_wait3A_110 = arith.constant 0 : i32
      %dma_wait3A_111 = tpu.memref_slice %arg13[%mul3A_0, %dma_wait3A_110] : memref<10112x16xf32, #tpu.memory_space<vmem_shared>> -> memref<632x16xf32, #tpu.memory_space<vmem_shared>>
      tpu.wait_dma2 semaphore(%run_scoped3A : memref<!tpu.dma_semaphore, #tpu.memory_space<semaphore_mem>>) src(%dma_wait3A_111 : memref<632x16xf32, #tpu.memory_space<vmem_shared>>) dst(%dma_wait3A_109 : memref<632x16xf32, #tpu.memory_space<hbm>>)
      tpu.yield
    }) : () -> ()
    return
  }
}

#map = affine_map<(d0, d1) -> (0, 0)>
#map1 = affine_map<(d0, d1) -> (0)>
#map2 = affine_map<(d0, d1) -> (0, 0, 0)>
module attributes {stable_mosaic.version = 14 : i64} {
  func.func @_sc_gather_x(%arg0: i32, %arg1: i32, %arg2: memref<100000x128xf32, #tpu.memory_space<hbm>>, %arg3: memref<10240xi32, #tpu.memory_space<hbm>>, %arg4: memref<2x10240x64xf32, #tpu.memory_space<hbm>>, %arg5: memref<10240x128xf32, #tpu.memory_space<hbm>>, %arg6: memref<2x128xi32, #tpu.memory_space<vmem>>, %arg7: memref<2x128x128xf32, #tpu.memory_space<vmem>>, %arg8: memref<!tpu.dma_semaphore, #tpu.memory_space<semaphore_mem>>, %arg9: memref<!tpu.dma_semaphore, #tpu.memory_space<semaphore_mem>>) attributes {dimension_semantics = [#tpu.dimension_semantics<core_parallel>, #tpu.dimension_semantics<subcore_parallel>], iteration_bounds = array<i64: 2, 16>, scalar_prefetch = 0 : i64, scratch_operands = 4 : i64, tpu.core_type = #tpu.core_type<sc_vector_subcore>, window_params = [{transform_indices = #map}, {transform_indices = #map1}, {transform_indices = #map2}, {transform_indices = #map}]} {
    %mul3A = arith.constant 16 : i32
    %mul3A_0 = arith.muli %arg0, %mul3A : i32
    %add3A = arith.addi %mul3A_0, %arg1 : i32
    %mul3A_1 = arith.constant 320 : i32
    %mul3A_2 = arith.muli %add3A, %mul3A_1 : i32
    %run_scoped3A = arith.constant 0 : i32
    "tpu.region"() ({
      %run_scoped3A_365 = tpu.sem_alloc : memref<!tpu.dma_semaphore, #tpu.memory_space<semaphore_mem>>
      %dma_start3A_366 = arith.constant 0 : i32
      %dma_start3A_367 = tpu.memref_slice %arg6[%run_scoped3A, %dma_start3A_366] : memref<2x128xi32, #tpu.memory_space<vmem>> -> memref<1x128xi32, #tpu.memory_space<vmem>>
      %dma_start3A_368 = tpu.memref_squeeze %dma_start3A_367 : memref<1x128xi32, #tpu.memory_space<vmem>> -> memref<128xi32, #tpu.memory_space<vmem>>
      %dma_start3A_369 = tpu.memref_slice %arg3[%mul3A_2] : memref<10240xi32, #tpu.memory_space<hbm>> -> memref<128xi32, #tpu.memory_space<hbm>>
      %dma_start3A_370 = arith.constant 0 : i32
      %dma_start3A_371 = tpu.memref_slice %arg6[%run_scoped3A, %dma_start3A_370] : memref<2x128xi32, #tpu.memory_space<vmem>> -> memref<1x128xi32, #tpu.memory_space<vmem>>
      %dma_start3A_372 = tpu.memref_squeeze %dma_start3A_371 : memref<1x128xi32, #tpu.memory_space<vmem>> -> memref<128xi32, #tpu.memory_space<vmem>>
      %dma_start3A_373 = tpu.memref_slice %arg3[%mul3A_2] : memref<10240xi32, #tpu.memory_space<hbm>> -> memref<128xi32, #tpu.memory_space<hbm>>
      tpu.enqueue_dma source(%dma_start3A_373 : memref<128xi32, #tpu.memory_space<hbm>>) target(%dma_start3A_372 : memref<128xi32, #tpu.memory_space<vmem>>) target_semaphore(%run_scoped3A_365 : memref<!tpu.dma_semaphore, #tpu.memory_space<semaphore_mem>>)
      %dma_wait3A_374 = arith.constant 0 : i32
      %dma_wait3A_375 = tpu.memref_slice %arg6[%run_scoped3A, %dma_wait3A_374] : memref<2x128xi32, #tpu.memory_space<vmem>> -> memref<1x128xi32, #tpu.memory_space<vmem>>
      %dma_wait3A_376 = tpu.memref_squeeze %dma_wait3A_375 : memref<1x128xi32, #tpu.memory_space<vmem>> -> memref<128xi32, #tpu.memory_space<vmem>>
      %dma_wait3A_377 = tpu.memref_slice %arg3[%mul3A_2] : memref<10240xi32, #tpu.memory_space<hbm>> -> memref<128xi32, #tpu.memory_space<hbm>>
      %dma_wait3A_378 = arith.constant 0 : i32
      %dma_wait3A_379 = tpu.memref_slice %arg6[%run_scoped3A, %dma_wait3A_378] : memref<2x128xi32, #tpu.memory_space<vmem>> -> memref<1x128xi32, #tpu.memory_space<vmem>>
      %dma_wait3A_380 = tpu.memref_squeeze %dma_wait3A_379 : memref<1x128xi32, #tpu.memory_space<vmem>> -> memref<128xi32, #tpu.memory_space<vmem>>
      %dma_wait3A_381 = tpu.memref_slice %arg3[%mul3A_2] : memref<10240xi32, #tpu.memory_space<hbm>> -> memref<128xi32, #tpu.memory_space<hbm>>
      tpu.wait_dma2 semaphore(%run_scoped3A_365 : memref<!tpu.dma_semaphore, #tpu.memory_space<semaphore_mem>>) src(%dma_wait3A_381 : memref<128xi32, #tpu.memory_space<hbm>>) dst(%dma_wait3A_380 : memref<128xi32, #tpu.memory_space<vmem>>)
      tpu.yield
    }) : () -> ()
    %dma_start3A = arith.constant 0 : i32
    %dma_start3A_3 = arith.constant 0 : i32
    %dma_start3A_4 = arith.constant 0 : i32
    %dma_start3A_5 = arith.constant 0 : i32
    %dma_start3A_6 = tpu.memref_slice %arg7[%dma_start3A_3, %dma_start3A_4, %dma_start3A_5] : memref<2x128x128xf32, #tpu.memory_space<vmem>> -> memref<1x128x128xf32, #tpu.memory_space<vmem>>
    %dma_start3A_7 = tpu.memref_squeeze %dma_start3A_6 : memref<1x128x128xf32, #tpu.memory_space<vmem>> -> memref<128x128xf32, #tpu.memory_space<vmem>>
    %dma_start3A_8 = arith.constant 0 : i32
    %dma_start3A_9 = tpu.memref_slice %arg6[%dma_start3A, %dma_start3A_8] : memref<2x128xi32, #tpu.memory_space<vmem>> -> memref<1x128xi32, #tpu.memory_space<vmem>>
    %dma_start3A_10 = tpu.memref_squeeze %dma_start3A_9 : memref<1x128xi32, #tpu.memory_space<vmem>> -> memref<128xi32, #tpu.memory_space<vmem>>
    %dma_start3A_11 = arith.constant 0 : i32
    %dma_start3A_12 = arith.constant 0 : i32
    %dma_start3A_13 = tpu.memref_slice %arg2[%dma_start3A_11, %dma_start3A_12] : memref<100000x128xf32, #tpu.memory_space<hbm>> -> memref<100000x128xf32, #tpu.memory_space<hbm>>
    tpu.enqueue_indirect_dma source(%dma_start3A_13 : memref<100000x128xf32, #tpu.memory_space<hbm>>) target(%dma_start3A_7 : memref<128x128xf32, #tpu.memory_space<vmem>>) offsets(%dma_start3A_10 : memref<128xi32, #tpu.memory_space<vmem>>) semaphore(%arg8 : memref<!tpu.dma_semaphore, #tpu.memory_space<semaphore_mem>>)
    %mul3A_14 = arith.constant 320 : i32
    %mul3A_15 = arith.muli %add3A, %mul3A_14 : i32
    %add3A_16 = arith.constant 0 : i32
    %add3A_17 = arith.addi %mul3A_15, %add3A_16 : i32
    %dma_wait3A = arith.constant 0 : i32
    %dma_wait3A_18 = arith.constant 0 : i32
    %dma_wait3A_19 = arith.constant 0 : i32
    %dma_wait3A_20 = arith.constant 0 : i32
    %dma_wait3A_21 = tpu.memref_slice %arg7[%dma_wait3A_18, %dma_wait3A_19, %dma_wait3A_20] : memref<2x128x128xf32, #tpu.memory_space<vmem>> -> memref<1x128x128xf32, #tpu.memory_space<vmem>>
    %dma_wait3A_22 = tpu.memref_squeeze %dma_wait3A_21 : memref<1x128x128xf32, #tpu.memory_space<vmem>> -> memref<128x128xf32, #tpu.memory_space<vmem>>
    %dma_wait3A_23 = arith.constant 0 : i32
    %dma_wait3A_24 = tpu.memref_slice %arg6[%dma_wait3A, %dma_wait3A_23] : memref<2x128xi32, #tpu.memory_space<vmem>> -> memref<1x128xi32, #tpu.memory_space<vmem>>
    %dma_wait3A_25 = tpu.memref_squeeze %dma_wait3A_24 : memref<1x128xi32, #tpu.memory_space<vmem>> -> memref<128xi32, #tpu.memory_space<vmem>>
    %dma_wait3A_26 = arith.constant 0 : i32
    %dma_wait3A_27 = arith.constant 0 : i32
    %dma_wait3A_28 = tpu.memref_slice %arg2[%dma_wait3A_26, %dma_wait3A_27] : memref<100000x128xf32, #tpu.memory_space<hbm>> -> memref<100000x128xf32, #tpu.memory_space<hbm>>
    tpu.wait_indirect_dma semaphore(%arg8 : memref<!tpu.dma_semaphore, #tpu.memory_space<semaphore_mem>>) src(%dma_wait3A_28 : memref<100000x128xf32, #tpu.memory_space<hbm>>) dst(%dma_wait3A_22 : memref<128x128xf32, #tpu.memory_space<vmem>>)
    %mul3A_29 = arith.constant 320 : i32
    %mul3A_30 = arith.muli %add3A, %mul3A_29 : i32
    %add3A_31 = arith.constant 128 : i32
    %add3A_32 = arith.addi %mul3A_30, %add3A_31 : i32
    %run_scoped3A_33 = arith.constant 1 : i32
    "tpu.region"() ({
      %run_scoped3A_365 = tpu.sem_alloc : memref<!tpu.dma_semaphore, #tpu.memory_space<semaphore_mem>>
      %dma_start3A_366 = arith.constant 0 : i32
      %dma_start3A_367 = tpu.memref_slice %arg6[%run_scoped3A_33, %dma_start3A_366] : memref<2x128xi32, #tpu.memory_space<vmem>> -> memref<1x128xi32, #tpu.memory_space<vmem>>
      %dma_start3A_368 = tpu.memref_squeeze %dma_start3A_367 : memref<1x128xi32, #tpu.memory_space<vmem>> -> memref<128xi32, #tpu.memory_space<vmem>>
      %dma_start3A_369 = tpu.memref_slice %arg3[%add3A_32] : memref<10240xi32, #tpu.memory_space<hbm>> -> memref<128xi32, #tpu.memory_space<hbm>>
      %dma_start3A_370 = arith.constant 0 : i32
      %dma_start3A_371 = tpu.memref_slice %arg6[%run_scoped3A_33, %dma_start3A_370] : memref<2x128xi32, #tpu.memory_space<vmem>> -> memref<1x128xi32, #tpu.memory_space<vmem>>
      %dma_start3A_372 = tpu.memref_squeeze %dma_start3A_371 : memref<1x128xi32, #tpu.memory_space<vmem>> -> memref<128xi32, #tpu.memory_space<vmem>>
      %dma_start3A_373 = tpu.memref_slice %arg3[%add3A_32] : memref<10240xi32, #tpu.memory_space<hbm>> -> memref<128xi32, #tpu.memory_space<hbm>>
      tpu.enqueue_dma source(%dma_start3A_373 : memref<128xi32, #tpu.memory_space<hbm>>) target(%dma_start3A_372 : memref<128xi32, #tpu.memory_space<vmem>>) target_semaphore(%run_scoped3A_365 : memref<!tpu.dma_semaphore, #tpu.memory_space<semaphore_mem>>)
      %dma_wait3A_374 = arith.constant 0 : i32
      %dma_wait3A_375 = tpu.memref_slice %arg6[%run_scoped3A_33, %dma_wait3A_374] : memref<2x128xi32, #tpu.memory_space<vmem>> -> memref<1x128xi32, #tpu.memory_space<vmem>>
      %dma_wait3A_376 = tpu.memref_squeeze %dma_wait3A_375 : memref<1x128xi32, #tpu.memory_space<vmem>> -> memref<128xi32, #tpu.memory_space<vmem>>
      %dma_wait3A_377 = tpu.memref_slice %arg3[%add3A_32] : memref<10240xi32, #tpu.memory_space<hbm>> -> memref<128xi32, #tpu.memory_space<hbm>>
      %dma_wait3A_378 = arith.constant 0 : i32
      %dma_wait3A_379 = tpu.memref_slice %arg6[%run_scoped3A_33, %dma_wait3A_378] : memref<2x128xi32, #tpu.memory_space<vmem>> -> memref<1x128xi32, #tpu.memory_space<vmem>>
      %dma_wait3A_380 = tpu.memref_squeeze %dma_wait3A_379 : memref<1x128xi32, #tpu.memory_space<vmem>> -> memref<128xi32, #tpu.memory_space<vmem>>
      %dma_wait3A_381 = tpu.memref_slice %arg3[%add3A_32] : memref<10240xi32, #tpu.memory_space<hbm>> -> memref<128xi32, #tpu.memory_space<hbm>>
      tpu.wait_dma2 semaphore(%run_scoped3A_365 : memref<!tpu.dma_semaphore, #tpu.memory_space<semaphore_mem>>) src(%dma_wait3A_381 : memref<128xi32, #tpu.memory_space<hbm>>) dst(%dma_wait3A_380 : memref<128xi32, #tpu.memory_space<vmem>>)
      tpu.yield
    }) : () -> ()
    %dma_start3A_34 = arith.constant 1 : i32
    %dma_start3A_35 = arith.constant 1 : i32
    %dma_start3A_36 = arith.constant 0 : i32
    %dma_start3A_37 = arith.constant 0 : i32
    %dma_start3A_38 = tpu.memref_slice %arg7[%dma_start3A_35, %dma_start3A_36, %dma_start3A_37] : memref<2x128x128xf32, #tpu.memory_space<vmem>> -> memref<1x128x128xf32, #tpu.memory_space<vmem>>
    %dma_start3A_39 = tpu.memref_squeeze %dma_start3A_38 : memref<1x128x128xf32, #tpu.memory_space<vmem>> -> memref<128x128xf32, #tpu.memory_space<vmem>>
    %dma_start3A_40 = arith.constant 0 : i32
    %dma_start3A_41 = tpu.memref_slice %arg6[%dma_start3A_34, %dma_start3A_40] : memref<2x128xi32, #tpu.memory_space<vmem>> -> memref<1x128xi32, #tpu.memory_space<vmem>>
    %dma_start3A_42 = tpu.memref_squeeze %dma_start3A_41 : memref<1x128xi32, #tpu.memory_space<vmem>> -> memref<128xi32, #tpu.memory_space<vmem>>
    %dma_start3A_43 = arith.constant 0 : i32
    %dma_start3A_44 = arith.constant 0 : i32
    %dma_start3A_45 = tpu.memref_slice %arg2[%dma_start3A_43, %dma_start3A_44] : memref<100000x128xf32, #tpu.memory_space<hbm>> -> memref<100000x128xf32, #tpu.memory_space<hbm>>
    tpu.enqueue_indirect_dma source(%dma_start3A_45 : memref<100000x128xf32, #tpu.memory_space<hbm>>) target(%dma_start3A_39 : memref<128x128xf32, #tpu.memory_space<vmem>>) offsets(%dma_start3A_42 : memref<128xi32, #tpu.memory_space<vmem>>) semaphore(%arg8 : memref<!tpu.dma_semaphore, #tpu.memory_space<semaphore_mem>>)
    %dma_start3A_46 = arith.constant 0 : i32
    %dma_start3A_47 = arith.constant 0 : i32
    %dma_start3A_48 = arith.constant 0 : i32
    %dma_start3A_49 = tpu.memref_slice %arg7[%dma_start3A_46, %dma_start3A_47, %dma_start3A_48] : memref<2x128x128xf32, #tpu.memory_space<vmem>> -> memref<1x128x128xf32, #tpu.memory_space<vmem>>
    %dma_start3A_50 = tpu.memref_squeeze %dma_start3A_49 : memref<1x128x128xf32, #tpu.memory_space<vmem>> -> memref<128x128xf32, #tpu.memory_space<vmem>>
    %dma_start3A_51 = arith.constant 0 : i32
    %dma_start3A_52 = tpu.memref_slice %arg5[%add3A_17, %dma_start3A_51] : memref<10240x128xf32, #tpu.memory_space<hbm>> -> memref<128x128xf32, #tpu.memory_space<hbm>>
    %dma_start3A_53 = arith.constant 0 : i32
    %dma_start3A_54 = tpu.memref_slice %arg5[%add3A_17, %dma_start3A_53] : memref<10240x128xf32, #tpu.memory_space<hbm>> -> memref<128x128xf32, #tpu.memory_space<hbm>>
    %dma_start3A_55 = arith.constant 0 : i32
    %dma_start3A_56 = arith.constant 0 : i32
    %dma_start3A_57 = tpu.memref_slice %arg7[%dma_start3A_46, %dma_start3A_55, %dma_start3A_56] : memref<2x128x128xf32, #tpu.memory_space<vmem>> -> memref<1x128x128xf32, #tpu.memory_space<vmem>>
    %dma_start3A_58 = tpu.memref_squeeze %dma_start3A_57 : memref<1x128x128xf32, #tpu.memory_space<vmem>> -> memref<128x128xf32, #tpu.memory_space<vmem>>
    tpu.enqueue_dma source(%dma_start3A_58 : memref<128x128xf32, #tpu.memory_space<vmem>>) target(%dma_start3A_54 : memref<128x128xf32, #tpu.memory_space<hbm>>) target_semaphore(%arg9 : memref<!tpu.dma_semaphore, #tpu.memory_space<semaphore_mem>>)
    %dma_start3A_59 = arith.constant 0 : i32
    %dma_start3A_60 = arith.constant 0 : i32
    %dma_start3A_61 = arith.constant 0 : i32
    %dma_start3A_62 = arith.constant 0 : i32
    %dma_start3A_63 = tpu.memref_slice %arg7[%dma_start3A_59, %dma_start3A_61, %dma_start3A_62] : memref<2x128x128xf32, #tpu.memory_space<vmem>> -> memref<1x128x64xf32, #tpu.memory_space<vmem>>
    %dma_start3A_64 = tpu.memref_squeeze %dma_start3A_63 : memref<1x128x64xf32, #tpu.memory_space<vmem>> -> memref<128x64xf32, #tpu.memory_space<vmem>>
    %dma_start3A_65 = arith.constant 0 : i32
    %dma_start3A_66 = tpu.memref_slice %arg4[%dma_start3A_60, %add3A_17, %dma_start3A_65] : memref<2x10240x64xf32, #tpu.memory_space<hbm>> -> memref<1x128x64xf32, #tpu.memory_space<hbm>>
    %dma_start3A_67 = tpu.memref_squeeze %dma_start3A_66 : memref<1x128x64xf32, #tpu.memory_space<hbm>> -> memref<128x64xf32, #tpu.memory_space<hbm>>
    %dma_start3A_68 = arith.constant 0 : i32
    %dma_start3A_69 = tpu.memref_slice %arg4[%dma_start3A_60, %add3A_17, %dma_start3A_68] : memref<2x10240x64xf32, #tpu.memory_space<hbm>> -> memref<1x128x64xf32, #tpu.memory_space<hbm>>
    %dma_start3A_70 = tpu.memref_squeeze %dma_start3A_69 : memref<1x128x64xf32, #tpu.memory_space<hbm>> -> memref<128x64xf32, #tpu.memory_space<hbm>>
    %dma_start3A_71 = arith.constant 0 : i32
    %dma_start3A_72 = arith.constant 0 : i32
    %dma_start3A_73 = tpu.memref_slice %arg7[%dma_start3A_59, %dma_start3A_71, %dma_start3A_72] : memref<2x128x128xf32, #tpu.memory_space<vmem>> -> memref<1x128x64xf32, #tpu.memory_space<vmem>>
    %dma_start3A_74 = tpu.memref_squeeze %dma_start3A_73 : memref<1x128x64xf32, #tpu.memory_space<vmem>> -> memref<128x64xf32, #tpu.memory_space<vmem>>
    tpu.enqueue_dma source(%dma_start3A_74 : memref<128x64xf32, #tpu.memory_space<vmem>>) target(%dma_start3A_70 : memref<128x64xf32, #tpu.memory_space<hbm>>) target_semaphore(%arg9 : memref<!tpu.dma_semaphore, #tpu.memory_space<semaphore_mem>>)
    %dma_start3A_75 = arith.constant 0 : i32
    %dma_start3A_76 = arith.constant 1 : i32
    %dma_start3A_77 = arith.constant 0 : i32
    %dma_start3A_78 = arith.constant 64 : i32
    %dma_start3A_79 = tpu.memref_slice %arg7[%dma_start3A_75, %dma_start3A_77, %dma_start3A_78] : memref<2x128x128xf32, #tpu.memory_space<vmem>> -> memref<1x128x64xf32, #tpu.memory_space<vmem>>
    %dma_start3A_80 = tpu.memref_squeeze %dma_start3A_79 : memref<1x128x64xf32, #tpu.memory_space<vmem>> -> memref<128x64xf32, #tpu.memory_space<vmem>>
    %dma_start3A_81 = arith.constant 0 : i32
    %dma_start3A_82 = tpu.memref_slice %arg4[%dma_start3A_76, %add3A_17, %dma_start3A_81] : memref<2x10240x64xf32, #tpu.memory_space<hbm>> -> memref<1x128x64xf32, #tpu.memory_space<hbm>>
    %dma_start3A_83 = tpu.memref_squeeze %dma_start3A_82 : memref<1x128x64xf32, #tpu.memory_space<hbm>> -> memref<128x64xf32, #tpu.memory_space<hbm>>
    %dma_start3A_84 = arith.constant 0 : i32
    %dma_start3A_85 = tpu.memref_slice %arg4[%dma_start3A_76, %add3A_17, %dma_start3A_84] : memref<2x10240x64xf32, #tpu.memory_space<hbm>> -> memref<1x128x64xf32, #tpu.memory_space<hbm>>
    %dma_start3A_86 = tpu.memref_squeeze %dma_start3A_85 : memref<1x128x64xf32, #tpu.memory_space<hbm>> -> memref<128x64xf32, #tpu.memory_space<hbm>>
    %dma_start3A_87 = arith.constant 0 : i32
    %dma_start3A_88 = arith.constant 64 : i32
    %dma_start3A_89 = tpu.memref_slice %arg7[%dma_start3A_75, %dma_start3A_87, %dma_start3A_88] : memref<2x128x128xf32, #tpu.memory_space<vmem>> -> memref<1x128x64xf32, #tpu.memory_space<vmem>>
    %dma_start3A_90 = tpu.memref_squeeze %dma_start3A_89 : memref<1x128x64xf32, #tpu.memory_space<vmem>> -> memref<128x64xf32, #tpu.memory_space<vmem>>
    tpu.enqueue_dma source(%dma_start3A_90 : memref<128x64xf32, #tpu.memory_space<vmem>>) target(%dma_start3A_86 : memref<128x64xf32, #tpu.memory_space<hbm>>) target_semaphore(%arg9 : memref<!tpu.dma_semaphore, #tpu.memory_space<semaphore_mem>>)
    %dma_wait3A_91 = arith.constant 0 : i32
    %dma_wait3A_92 = arith.constant 0 : i32
    %dma_wait3A_93 = arith.constant 0 : i32
    %dma_wait3A_94 = tpu.memref_slice %arg7[%dma_wait3A_91, %dma_wait3A_92, %dma_wait3A_93] : memref<2x128x128xf32, #tpu.memory_space<vmem>> -> memref<1x128x128xf32, #tpu.memory_space<vmem>>
    %dma_wait3A_95 = tpu.memref_squeeze %dma_wait3A_94 : memref<1x128x128xf32, #tpu.memory_space<vmem>> -> memref<128x128xf32, #tpu.memory_space<vmem>>
    %dma_wait3A_96 = arith.constant 0 : i32
    %dma_wait3A_97 = tpu.memref_slice %arg5[%add3A_17, %dma_wait3A_96] : memref<10240x128xf32, #tpu.memory_space<hbm>> -> memref<128x128xf32, #tpu.memory_space<hbm>>
    %dma_wait3A_98 = arith.constant 0 : i32
    %dma_wait3A_99 = tpu.memref_slice %arg5[%add3A_17, %dma_wait3A_98] : memref<10240x128xf32, #tpu.memory_space<hbm>> -> memref<128x128xf32, #tpu.memory_space<hbm>>
    %dma_wait3A_100 = arith.constant 0 : i32
    %dma_wait3A_101 = arith.constant 0 : i32
    %dma_wait3A_102 = tpu.memref_slice %arg7[%dma_wait3A_91, %dma_wait3A_100, %dma_wait3A_101] : memref<2x128x128xf32, #tpu.memory_space<vmem>> -> memref<1x128x128xf32, #tpu.memory_space<vmem>>
    %dma_wait3A_103 = tpu.memref_squeeze %dma_wait3A_102 : memref<1x128x128xf32, #tpu.memory_space<vmem>> -> memref<128x128xf32, #tpu.memory_space<vmem>>
    tpu.wait_dma2 semaphore(%arg9 : memref<!tpu.dma_semaphore, #tpu.memory_space<semaphore_mem>>) src(%dma_wait3A_103 : memref<128x128xf32, #tpu.memory_space<vmem>>) dst(%dma_wait3A_99 : memref<128x128xf32, #tpu.memory_space<hbm>>)
    %dma_wait3A_104 = arith.constant 0 : i32
    %dma_wait3A_105 = arith.constant 0 : i32
    %dma_wait3A_106 = arith.constant 0 : i32
    %dma_wait3A_107 = arith.constant 0 : i32
    %dma_wait3A_108 = tpu.memref_slice %arg7[%dma_wait3A_104, %dma_wait3A_106, %dma_wait3A_107] : memref<2x128x128xf32, #tpu.memory_space<vmem>> -> memref<1x128x64xf32, #tpu.memory_space<vmem>>
    %dma_wait3A_109 = tpu.memref_squeeze %dma_wait3A_108 : memref<1x128x64xf32, #tpu.memory_space<vmem>> -> memref<128x64xf32, #tpu.memory_space<vmem>>
    %dma_wait3A_110 = arith.constant 0 : i32
    %dma_wait3A_111 = tpu.memref_slice %arg4[%dma_wait3A_105, %add3A_17, %dma_wait3A_110] : memref<2x10240x64xf32, #tpu.memory_space<hbm>> -> memref<1x128x64xf32, #tpu.memory_space<hbm>>
    %dma_wait3A_112 = tpu.memref_squeeze %dma_wait3A_111 : memref<1x128x64xf32, #tpu.memory_space<hbm>> -> memref<128x64xf32, #tpu.memory_space<hbm>>
    %dma_wait3A_113 = arith.constant 0 : i32
    %dma_wait3A_114 = tpu.memref_slice %arg4[%dma_wait3A_105, %add3A_17, %dma_wait3A_113] : memref<2x10240x64xf32, #tpu.memory_space<hbm>> -> memref<1x128x64xf32, #tpu.memory_space<hbm>>
    %dma_wait3A_115 = tpu.memref_squeeze %dma_wait3A_114 : memref<1x128x64xf32, #tpu.memory_space<hbm>> -> memref<128x64xf32, #tpu.memory_space<hbm>>
    %dma_wait3A_116 = arith.constant 0 : i32
    %dma_wait3A_117 = arith.constant 0 : i32
    %dma_wait3A_118 = tpu.memref_slice %arg7[%dma_wait3A_104, %dma_wait3A_116, %dma_wait3A_117] : memref<2x128x128xf32, #tpu.memory_space<vmem>> -> memref<1x128x64xf32, #tpu.memory_space<vmem>>
    %dma_wait3A_119 = tpu.memref_squeeze %dma_wait3A_118 : memref<1x128x64xf32, #tpu.memory_space<vmem>> -> memref<128x64xf32, #tpu.memory_space<vmem>>
    tpu.wait_dma2 semaphore(%arg9 : memref<!tpu.dma_semaphore, #tpu.memory_space<semaphore_mem>>) src(%dma_wait3A_119 : memref<128x64xf32, #tpu.memory_space<vmem>>) dst(%dma_wait3A_115 : memref<128x64xf32, #tpu.memory_space<hbm>>)
    %dma_wait3A_120 = arith.constant 0 : i32
    %dma_wait3A_121 = arith.constant 1 : i32
    %dma_wait3A_122 = arith.constant 0 : i32
    %dma_wait3A_123 = arith.constant 64 : i32
    %dma_wait3A_124 = tpu.memref_slice %arg7[%dma_wait3A_120, %dma_wait3A_122, %dma_wait3A_123] : memref<2x128x128xf32, #tpu.memory_space<vmem>> -> memref<1x128x64xf32, #tpu.memory_space<vmem>>
    %dma_wait3A_125 = tpu.memref_squeeze %dma_wait3A_124 : memref<1x128x64xf32, #tpu.memory_space<vmem>> -> memref<128x64xf32, #tpu.memory_space<vmem>>
    %dma_wait3A_126 = arith.constant 0 : i32
    %dma_wait3A_127 = tpu.memref_slice %arg4[%dma_wait3A_121, %add3A_17, %dma_wait3A_126] : memref<2x10240x64xf32, #tpu.memory_space<hbm>> -> memref<1x128x64xf32, #tpu.memory_space<hbm>>
    %dma_wait3A_128 = tpu.memref_squeeze %dma_wait3A_127 : memref<1x128x64xf32, #tpu.memory_space<hbm>> -> memref<128x64xf32, #tpu.memory_space<hbm>>
    %dma_wait3A_129 = arith.constant 0 : i32
    %dma_wait3A_130 = tpu.memref_slice %arg4[%dma_wait3A_121, %add3A_17, %dma_wait3A_129] : memref<2x10240x64xf32, #tpu.memory_space<hbm>> -> memref<1x128x64xf32, #tpu.memory_space<hbm>>
    %dma_wait3A_131 = tpu.memref_squeeze %dma_wait3A_130 : memref<1x128x64xf32, #tpu.memory_space<hbm>> -> memref<128x64xf32, #tpu.memory_space<hbm>>
    %dma_wait3A_132 = arith.constant 0 : i32
    %dma_wait3A_133 = arith.constant 64 : i32
    %dma_wait3A_134 = tpu.memref_slice %arg7[%dma_wait3A_120, %dma_wait3A_132, %dma_wait3A_133] : memref<2x128x128xf32, #tpu.memory_space<vmem>> -> memref<1x128x64xf32, #tpu.memory_space<vmem>>
    %dma_wait3A_135 = tpu.memref_squeeze %dma_wait3A_134 : memref<1x128x64xf32, #tpu.memory_space<vmem>> -> memref<128x64xf32, #tpu.memory_space<vmem>>
    tpu.wait_dma2 semaphore(%arg9 : memref<!tpu.dma_semaphore, #tpu.memory_space<semaphore_mem>>) src(%dma_wait3A_135 : memref<128x64xf32, #tpu.memory_space<vmem>>) dst(%dma_wait3A_131 : memref<128x64xf32, #tpu.memory_space<hbm>>)
    %mul3A_136 = arith.constant 320 : i32
    %mul3A_137 = arith.muli %add3A, %mul3A_136 : i32
    %add3A_138 = arith.constant 128 : i32
    %add3A_139 = arith.addi %mul3A_137, %add3A_138 : i32
    %dma_wait3A_140 = arith.constant 1 : i32
    %dma_wait3A_141 = arith.constant 1 : i32
    %dma_wait3A_142 = arith.constant 0 : i32
    %dma_wait3A_143 = arith.constant 0 : i32
    %dma_wait3A_144 = tpu.memref_slice %arg7[%dma_wait3A_141, %dma_wait3A_142, %dma_wait3A_143] : memref<2x128x128xf32, #tpu.memory_space<vmem>> -> memref<1x128x128xf32, #tpu.memory_space<vmem>>
    %dma_wait3A_145 = tpu.memref_squeeze %dma_wait3A_144 : memref<1x128x128xf32, #tpu.memory_space<vmem>> -> memref<128x128xf32, #tpu.memory_space<vmem>>
    %dma_wait3A_146 = arith.constant 0 : i32
    %dma_wait3A_147 = tpu.memref_slice %arg6[%dma_wait3A_140, %dma_wait3A_146] : memref<2x128xi32, #tpu.memory_space<vmem>> -> memref<1x128xi32, #tpu.memory_space<vmem>>
    %dma_wait3A_148 = tpu.memref_squeeze %dma_wait3A_147 : memref<1x128xi32, #tpu.memory_space<vmem>> -> memref<128xi32, #tpu.memory_space<vmem>>
    %dma_wait3A_149 = arith.constant 0 : i32
    %dma_wait3A_150 = arith.constant 0 : i32
    %dma_wait3A_151 = tpu.memref_slice %arg2[%dma_wait3A_149, %dma_wait3A_150] : memref<100000x128xf32, #tpu.memory_space<hbm>> -> memref<100000x128xf32, #tpu.memory_space<hbm>>
    tpu.wait_indirect_dma semaphore(%arg8 : memref<!tpu.dma_semaphore, #tpu.memory_space<semaphore_mem>>) src(%dma_wait3A_151 : memref<100000x128xf32, #tpu.memory_space<hbm>>) dst(%dma_wait3A_145 : memref<128x128xf32, #tpu.memory_space<vmem>>)
    %mul3A_152 = arith.constant 320 : i32
    %mul3A_153 = arith.muli %add3A, %mul3A_152 : i32
    %add3A_154 = arith.constant 192 : i32
    %add3A_155 = arith.addi %mul3A_153, %add3A_154 : i32
    %run_scoped3A_156 = arith.constant 0 : i32
    "tpu.region"() ({
      %run_scoped3A_365 = tpu.sem_alloc : memref<!tpu.dma_semaphore, #tpu.memory_space<semaphore_mem>>
      %dma_start3A_366 = arith.constant 0 : i32
      %dma_start3A_367 = tpu.memref_slice %arg6[%run_scoped3A_156, %dma_start3A_366] : memref<2x128xi32, #tpu.memory_space<vmem>> -> memref<1x128xi32, #tpu.memory_space<vmem>>
      %dma_start3A_368 = tpu.memref_squeeze %dma_start3A_367 : memref<1x128xi32, #tpu.memory_space<vmem>> -> memref<128xi32, #tpu.memory_space<vmem>>
      %dma_start3A_369 = tpu.memref_slice %arg3[%add3A_155] : memref<10240xi32, #tpu.memory_space<hbm>> -> memref<128xi32, #tpu.memory_space<hbm>>
      %dma_start3A_370 = arith.constant 0 : i32
      %dma_start3A_371 = tpu.memref_slice %arg6[%run_scoped3A_156, %dma_start3A_370] : memref<2x128xi32, #tpu.memory_space<vmem>> -> memref<1x128xi32, #tpu.memory_space<vmem>>
      %dma_start3A_372 = tpu.memref_squeeze %dma_start3A_371 : memref<1x128xi32, #tpu.memory_space<vmem>> -> memref<128xi32, #tpu.memory_space<vmem>>
      %dma_start3A_373 = tpu.memref_slice %arg3[%add3A_155] : memref<10240xi32, #tpu.memory_space<hbm>> -> memref<128xi32, #tpu.memory_space<hbm>>
      tpu.enqueue_dma source(%dma_start3A_373 : memref<128xi32, #tpu.memory_space<hbm>>) target(%dma_start3A_372 : memref<128xi32, #tpu.memory_space<vmem>>) target_semaphore(%run_scoped3A_365 : memref<!tpu.dma_semaphore, #tpu.memory_space<semaphore_mem>>)
      %dma_wait3A_374 = arith.constant 0 : i32
      %dma_wait3A_375 = tpu.memref_slice %arg6[%run_scoped3A_156, %dma_wait3A_374] : memref<2x128xi32, #tpu.memory_space<vmem>> -> memref<1x128xi32, #tpu.memory_space<vmem>>
      %dma_wait3A_376 = tpu.memref_squeeze %dma_wait3A_375 : memref<1x128xi32, #tpu.memory_space<vmem>> -> memref<128xi32, #tpu.memory_space<vmem>>
      %dma_wait3A_377 = tpu.memref_slice %arg3[%add3A_155] : memref<10240xi32, #tpu.memory_space<hbm>> -> memref<128xi32, #tpu.memory_space<hbm>>
      %dma_wait3A_378 = arith.constant 0 : i32
      %dma_wait3A_379 = tpu.memref_slice %arg6[%run_scoped3A_156, %dma_wait3A_378] : memref<2x128xi32, #tpu.memory_space<vmem>> -> memref<1x128xi32, #tpu.memory_space<vmem>>
      %dma_wait3A_380 = tpu.memref_squeeze %dma_wait3A_379 : memref<1x128xi32, #tpu.memory_space<vmem>> -> memref<128xi32, #tpu.memory_space<vmem>>
      %dma_wait3A_381 = tpu.memref_slice %arg3[%add3A_155] : memref<10240xi32, #tpu.memory_space<hbm>> -> memref<128xi32, #tpu.memory_space<hbm>>
      tpu.wait_dma2 semaphore(%run_scoped3A_365 : memref<!tpu.dma_semaphore, #tpu.memory_space<semaphore_mem>>) src(%dma_wait3A_381 : memref<128xi32, #tpu.memory_space<hbm>>) dst(%dma_wait3A_380 : memref<128xi32, #tpu.memory_space<vmem>>)
      tpu.yield
    }) : () -> ()
    %dma_start3A_157 = arith.constant 0 : i32
    %dma_start3A_158 = arith.constant 0 : i32
    %dma_start3A_159 = arith.constant 0 : i32
    %dma_start3A_160 = arith.constant 0 : i32
    %dma_start3A_161 = tpu.memref_slice %arg7[%dma_start3A_158, %dma_start3A_159, %dma_start3A_160] : memref<2x128x128xf32, #tpu.memory_space<vmem>> -> memref<1x128x128xf32, #tpu.memory_space<vmem>>
    %dma_start3A_162 = tpu.memref_squeeze %dma_start3A_161 : memref<1x128x128xf32, #tpu.memory_space<vmem>> -> memref<128x128xf32, #tpu.memory_space<vmem>>
    %dma_start3A_163 = arith.constant 0 : i32
    %dma_start3A_164 = tpu.memref_slice %arg6[%dma_start3A_157, %dma_start3A_163] : memref<2x128xi32, #tpu.memory_space<vmem>> -> memref<1x128xi32, #tpu.memory_space<vmem>>
    %dma_start3A_165 = tpu.memref_squeeze %dma_start3A_164 : memref<1x128xi32, #tpu.memory_space<vmem>> -> memref<128xi32, #tpu.memory_space<vmem>>
    %dma_start3A_166 = arith.constant 0 : i32
    %dma_start3A_167 = arith.constant 0 : i32
    %dma_start3A_168 = tpu.memref_slice %arg2[%dma_start3A_166, %dma_start3A_167] : memref<100000x128xf32, #tpu.memory_space<hbm>> -> memref<100000x128xf32, #tpu.memory_space<hbm>>
    tpu.enqueue_indirect_dma source(%dma_start3A_168 : memref<100000x128xf32, #tpu.memory_space<hbm>>) target(%dma_start3A_162 : memref<128x128xf32, #tpu.memory_space<vmem>>) offsets(%dma_start3A_165 : memref<128xi32, #tpu.memory_space<vmem>>) semaphore(%arg8 : memref<!tpu.dma_semaphore, #tpu.memory_space<semaphore_mem>>)
    %dma_start3A_169 = arith.constant 1 : i32
    %dma_start3A_170 = arith.constant 0 : i32
    %dma_start3A_171 = arith.constant 0 : i32
    %dma_start3A_172 = tpu.memref_slice %arg7[%dma_start3A_169, %dma_start3A_170, %dma_start3A_171] : memref<2x128x128xf32, #tpu.memory_space<vmem>> -> memref<1x128x128xf32, #tpu.memory_space<vmem>>
    %dma_start3A_173 = tpu.memref_squeeze %dma_start3A_172 : memref<1x128x128xf32, #tpu.memory_space<vmem>> -> memref<128x128xf32, #tpu.memory_space<vmem>>
    %dma_start3A_174 = arith.constant 0 : i32
    %dma_start3A_175 = tpu.memref_slice %arg5[%add3A_139, %dma_start3A_174] : memref<10240x128xf32, #tpu.memory_space<hbm>> -> memref<128x128xf32, #tpu.memory_space<hbm>>
    %dma_start3A_176 = arith.constant 0 : i32
    %dma_start3A_177 = tpu.memref_slice %arg5[%add3A_139, %dma_start3A_176] : memref<10240x128xf32, #tpu.memory_space<hbm>> -> memref<128x128xf32, #tpu.memory_space<hbm>>
    %dma_start3A_178 = arith.constant 0 : i32
    %dma_start3A_179 = arith.constant 0 : i32
    %dma_start3A_180 = tpu.memref_slice %arg7[%dma_start3A_169, %dma_start3A_178, %dma_start3A_179] : memref<2x128x128xf32, #tpu.memory_space<vmem>> -> memref<1x128x128xf32, #tpu.memory_space<vmem>>
    %dma_start3A_181 = tpu.memref_squeeze %dma_start3A_180 : memref<1x128x128xf32, #tpu.memory_space<vmem>> -> memref<128x128xf32, #tpu.memory_space<vmem>>
    tpu.enqueue_dma source(%dma_start3A_181 : memref<128x128xf32, #tpu.memory_space<vmem>>) target(%dma_start3A_177 : memref<128x128xf32, #tpu.memory_space<hbm>>) target_semaphore(%arg9 : memref<!tpu.dma_semaphore, #tpu.memory_space<semaphore_mem>>)
    %dma_start3A_182 = arith.constant 1 : i32
    %dma_start3A_183 = arith.constant 0 : i32
    %dma_start3A_184 = arith.constant 0 : i32
    %dma_start3A_185 = arith.constant 0 : i32
    %dma_start3A_186 = tpu.memref_slice %arg7[%dma_start3A_182, %dma_start3A_184, %dma_start3A_185] : memref<2x128x128xf32, #tpu.memory_space<vmem>> -> memref<1x128x64xf32, #tpu.memory_space<vmem>>
    %dma_start3A_187 = tpu.memref_squeeze %dma_start3A_186 : memref<1x128x64xf32, #tpu.memory_space<vmem>> -> memref<128x64xf32, #tpu.memory_space<vmem>>
    %dma_start3A_188 = arith.constant 0 : i32
    %dma_start3A_189 = tpu.memref_slice %arg4[%dma_start3A_183, %add3A_139, %dma_start3A_188] : memref<2x10240x64xf32, #tpu.memory_space<hbm>> -> memref<1x128x64xf32, #tpu.memory_space<hbm>>
    %dma_start3A_190 = tpu.memref_squeeze %dma_start3A_189 : memref<1x128x64xf32, #tpu.memory_space<hbm>> -> memref<128x64xf32, #tpu.memory_space<hbm>>
    %dma_start3A_191 = arith.constant 0 : i32
    %dma_start3A_192 = tpu.memref_slice %arg4[%dma_start3A_183, %add3A_139, %dma_start3A_191] : memref<2x10240x64xf32, #tpu.memory_space<hbm>> -> memref<1x128x64xf32, #tpu.memory_space<hbm>>
    %dma_start3A_193 = tpu.memref_squeeze %dma_start3A_192 : memref<1x128x64xf32, #tpu.memory_space<hbm>> -> memref<128x64xf32, #tpu.memory_space<hbm>>
    %dma_start3A_194 = arith.constant 0 : i32
    %dma_start3A_195 = arith.constant 0 : i32
    %dma_start3A_196 = tpu.memref_slice %arg7[%dma_start3A_182, %dma_start3A_194, %dma_start3A_195] : memref<2x128x128xf32, #tpu.memory_space<vmem>> -> memref<1x128x64xf32, #tpu.memory_space<vmem>>
    %dma_start3A_197 = tpu.memref_squeeze %dma_start3A_196 : memref<1x128x64xf32, #tpu.memory_space<vmem>> -> memref<128x64xf32, #tpu.memory_space<vmem>>
    tpu.enqueue_dma source(%dma_start3A_197 : memref<128x64xf32, #tpu.memory_space<vmem>>) target(%dma_start3A_193 : memref<128x64xf32, #tpu.memory_space<hbm>>) target_semaphore(%arg9 : memref<!tpu.dma_semaphore, #tpu.memory_space<semaphore_mem>>)
    %dma_start3A_198 = arith.constant 1 : i32
    %dma_start3A_199 = arith.constant 1 : i32
    %dma_start3A_200 = arith.constant 0 : i32
    %dma_start3A_201 = arith.constant 64 : i32
    %dma_start3A_202 = tpu.memref_slice %arg7[%dma_start3A_198, %dma_start3A_200, %dma_start3A_201] : memref<2x128x128xf32, #tpu.memory_space<vmem>> -> memref<1x128x64xf32, #tpu.memory_space<vmem>>
    %dma_start3A_203 = tpu.memref_squeeze %dma_start3A_202 : memref<1x128x64xf32, #tpu.memory_space<vmem>> -> memref<128x64xf32, #tpu.memory_space<vmem>>
    %dma_start3A_204 = arith.constant 0 : i32
    %dma_start3A_205 = tpu.memref_slice %arg4[%dma_start3A_199, %add3A_139, %dma_start3A_204] : memref<2x10240x64xf32, #tpu.memory_space<hbm>> -> memref<1x128x64xf32, #tpu.memory_space<hbm>>
    %dma_start3A_206 = tpu.memref_squeeze %dma_start3A_205 : memref<1x128x64xf32, #tpu.memory_space<hbm>> -> memref<128x64xf32, #tpu.memory_space<hbm>>
    %dma_start3A_207 = arith.constant 0 : i32
    %dma_start3A_208 = tpu.memref_slice %arg4[%dma_start3A_199, %add3A_139, %dma_start3A_207] : memref<2x10240x64xf32, #tpu.memory_space<hbm>> -> memref<1x128x64xf32, #tpu.memory_space<hbm>>
    %dma_start3A_209 = tpu.memref_squeeze %dma_start3A_208 : memref<1x128x64xf32, #tpu.memory_space<hbm>> -> memref<128x64xf32, #tpu.memory_space<hbm>>
    %dma_start3A_210 = arith.constant 0 : i32
    %dma_start3A_211 = arith.constant 64 : i32
    %dma_start3A_212 = tpu.memref_slice %arg7[%dma_start3A_198, %dma_start3A_210, %dma_start3A_211] : memref<2x128x128xf32, #tpu.memory_space<vmem>> -> memref<1x128x64xf32, #tpu.memory_space<vmem>>
    %dma_start3A_213 = tpu.memref_squeeze %dma_start3A_212 : memref<1x128x64xf32, #tpu.memory_space<vmem>> -> memref<128x64xf32, #tpu.memory_space<vmem>>
    tpu.enqueue_dma source(%dma_start3A_213 : memref<128x64xf32, #tpu.memory_space<vmem>>) target(%dma_start3A_209 : memref<128x64xf32, #tpu.memory_space<hbm>>) target_semaphore(%arg9 : memref<!tpu.dma_semaphore, #tpu.memory_space<semaphore_mem>>)
    %dma_wait3A_214 = arith.constant 1 : i32
    %dma_wait3A_215 = arith.constant 0 : i32
    %dma_wait3A_216 = arith.constant 0 : i32
    %dma_wait3A_217 = tpu.memref_slice %arg7[%dma_wait3A_214, %dma_wait3A_215, %dma_wait3A_216] : memref<2x128x128xf32, #tpu.memory_space<vmem>> -> memref<1x128x128xf32, #tpu.memory_space<vmem>>
    %dma_wait3A_218 = tpu.memref_squeeze %dma_wait3A_217 : memref<1x128x128xf32, #tpu.memory_space<vmem>> -> memref<128x128xf32, #tpu.memory_space<vmem>>
    %dma_wait3A_219 = arith.constant 0 : i32
    %dma_wait3A_220 = tpu.memref_slice %arg5[%add3A_139, %dma_wait3A_219] : memref<10240x128xf32, #tpu.memory_space<hbm>> -> memref<128x128xf32, #tpu.memory_space<hbm>>
    %dma_wait3A_221 = arith.constant 0 : i32
    %dma_wait3A_222 = tpu.memref_slice %arg5[%add3A_139, %dma_wait3A_221] : memref<10240x128xf32, #tpu.memory_space<hbm>> -> memref<128x128xf32, #tpu.memory_space<hbm>>
    %dma_wait3A_223 = arith.constant 0 : i32
    %dma_wait3A_224 = arith.constant 0 : i32
    %dma_wait3A_225 = tpu.memref_slice %arg7[%dma_wait3A_214, %dma_wait3A_223, %dma_wait3A_224] : memref<2x128x128xf32, #tpu.memory_space<vmem>> -> memref<1x128x128xf32, #tpu.memory_space<vmem>>
    %dma_wait3A_226 = tpu.memref_squeeze %dma_wait3A_225 : memref<1x128x128xf32, #tpu.memory_space<vmem>> -> memref<128x128xf32, #tpu.memory_space<vmem>>
    tpu.wait_dma2 semaphore(%arg9 : memref<!tpu.dma_semaphore, #tpu.memory_space<semaphore_mem>>) src(%dma_wait3A_226 : memref<128x128xf32, #tpu.memory_space<vmem>>) dst(%dma_wait3A_222 : memref<128x128xf32, #tpu.memory_space<hbm>>)
    %dma_wait3A_227 = arith.constant 1 : i32
    %dma_wait3A_228 = arith.constant 0 : i32
    %dma_wait3A_229 = arith.constant 0 : i32
    %dma_wait3A_230 = arith.constant 0 : i32
    %dma_wait3A_231 = tpu.memref_slice %arg7[%dma_wait3A_227, %dma_wait3A_229, %dma_wait3A_230] : memref<2x128x128xf32, #tpu.memory_space<vmem>> -> memref<1x128x64xf32, #tpu.memory_space<vmem>>
    %dma_wait3A_232 = tpu.memref_squeeze %dma_wait3A_231 : memref<1x128x64xf32, #tpu.memory_space<vmem>> -> memref<128x64xf32, #tpu.memory_space<vmem>>
    %dma_wait3A_233 = arith.constant 0 : i32
    %dma_wait3A_234 = tpu.memref_slice %arg4[%dma_wait3A_228, %add3A_139, %dma_wait3A_233] : memref<2x10240x64xf32, #tpu.memory_space<hbm>> -> memref<1x128x64xf32, #tpu.memory_space<hbm>>
    %dma_wait3A_235 = tpu.memref_squeeze %dma_wait3A_234 : memref<1x128x64xf32, #tpu.memory_space<hbm>> -> memref<128x64xf32, #tpu.memory_space<hbm>>
    %dma_wait3A_236 = arith.constant 0 : i32
    %dma_wait3A_237 = tpu.memref_slice %arg4[%dma_wait3A_228, %add3A_139, %dma_wait3A_236] : memref<2x10240x64xf32, #tpu.memory_space<hbm>> -> memref<1x128x64xf32, #tpu.memory_space<hbm>>
    %dma_wait3A_238 = tpu.memref_squeeze %dma_wait3A_237 : memref<1x128x64xf32, #tpu.memory_space<hbm>> -> memref<128x64xf32, #tpu.memory_space<hbm>>
    %dma_wait3A_239 = arith.constant 0 : i32
    %dma_wait3A_240 = arith.constant 0 : i32
    %dma_wait3A_241 = tpu.memref_slice %arg7[%dma_wait3A_227, %dma_wait3A_239, %dma_wait3A_240] : memref<2x128x128xf32, #tpu.memory_space<vmem>> -> memref<1x128x64xf32, #tpu.memory_space<vmem>>
    %dma_wait3A_242 = tpu.memref_squeeze %dma_wait3A_241 : memref<1x128x64xf32, #tpu.memory_space<vmem>> -> memref<128x64xf32, #tpu.memory_space<vmem>>
    tpu.wait_dma2 semaphore(%arg9 : memref<!tpu.dma_semaphore, #tpu.memory_space<semaphore_mem>>) src(%dma_wait3A_242 : memref<128x64xf32, #tpu.memory_space<vmem>>) dst(%dma_wait3A_238 : memref<128x64xf32, #tpu.memory_space<hbm>>)
    %dma_wait3A_243 = arith.constant 1 : i32
    %dma_wait3A_244 = arith.constant 1 : i32
    %dma_wait3A_245 = arith.constant 0 : i32
    %dma_wait3A_246 = arith.constant 64 : i32
    %dma_wait3A_247 = tpu.memref_slice %arg7[%dma_wait3A_243, %dma_wait3A_245, %dma_wait3A_246] : memref<2x128x128xf32, #tpu.memory_space<vmem>> -> memref<1x128x64xf32, #tpu.memory_space<vmem>>
    %dma_wait3A_248 = tpu.memref_squeeze %dma_wait3A_247 : memref<1x128x64xf32, #tpu.memory_space<vmem>> -> memref<128x64xf32, #tpu.memory_space<vmem>>
    %dma_wait3A_249 = arith.constant 0 : i32
    %dma_wait3A_250 = tpu.memref_slice %arg4[%dma_wait3A_244, %add3A_139, %dma_wait3A_249] : memref<2x10240x64xf32, #tpu.memory_space<hbm>> -> memref<1x128x64xf32, #tpu.memory_space<hbm>>
    %dma_wait3A_251 = tpu.memref_squeeze %dma_wait3A_250 : memref<1x128x64xf32, #tpu.memory_space<hbm>> -> memref<128x64xf32, #tpu.memory_space<hbm>>
    %dma_wait3A_252 = arith.constant 0 : i32
    %dma_wait3A_253 = tpu.memref_slice %arg4[%dma_wait3A_244, %add3A_139, %dma_wait3A_252] : memref<2x10240x64xf32, #tpu.memory_space<hbm>> -> memref<1x128x64xf32, #tpu.memory_space<hbm>>
    %dma_wait3A_254 = tpu.memref_squeeze %dma_wait3A_253 : memref<1x128x64xf32, #tpu.memory_space<hbm>> -> memref<128x64xf32, #tpu.memory_space<hbm>>
    %dma_wait3A_255 = arith.constant 0 : i32
    %dma_wait3A_256 = arith.constant 64 : i32
    %dma_wait3A_257 = tpu.memref_slice %arg7[%dma_wait3A_243, %dma_wait3A_255, %dma_wait3A_256] : memref<2x128x128xf32, #tpu.memory_space<vmem>> -> memref<1x128x64xf32, #tpu.memory_space<vmem>>
    %dma_wait3A_258 = tpu.memref_squeeze %dma_wait3A_257 : memref<1x128x64xf32, #tpu.memory_space<vmem>> -> memref<128x64xf32, #tpu.memory_space<vmem>>
    tpu.wait_dma2 semaphore(%arg9 : memref<!tpu.dma_semaphore, #tpu.memory_space<semaphore_mem>>) src(%dma_wait3A_258 : memref<128x64xf32, #tpu.memory_space<vmem>>) dst(%dma_wait3A_254 : memref<128x64xf32, #tpu.memory_space<hbm>>)
    %mul3A_259 = arith.constant 320 : i32
    %mul3A_260 = arith.muli %add3A, %mul3A_259 : i32
    %add3A_261 = arith.constant 192 : i32
    %add3A_262 = arith.addi %mul3A_260, %add3A_261 : i32
    %dma_wait3A_263 = arith.constant 0 : i32
    %dma_wait3A_264 = arith.constant 0 : i32
    %dma_wait3A_265 = arith.constant 0 : i32
    %dma_wait3A_266 = arith.constant 0 : i32
    %dma_wait3A_267 = tpu.memref_slice %arg7[%dma_wait3A_264, %dma_wait3A_265, %dma_wait3A_266] : memref<2x128x128xf32, #tpu.memory_space<vmem>> -> memref<1x128x128xf32, #tpu.memory_space<vmem>>
    %dma_wait3A_268 = tpu.memref_squeeze %dma_wait3A_267 : memref<1x128x128xf32, #tpu.memory_space<vmem>> -> memref<128x128xf32, #tpu.memory_space<vmem>>
    %dma_wait3A_269 = arith.constant 0 : i32
    %dma_wait3A_270 = tpu.memref_slice %arg6[%dma_wait3A_263, %dma_wait3A_269] : memref<2x128xi32, #tpu.memory_space<vmem>> -> memref<1x128xi32, #tpu.memory_space<vmem>>
    %dma_wait3A_271 = tpu.memref_squeeze %dma_wait3A_270 : memref<1x128xi32, #tpu.memory_space<vmem>> -> memref<128xi32, #tpu.memory_space<vmem>>
    %dma_wait3A_272 = arith.constant 0 : i32
    %dma_wait3A_273 = arith.constant 0 : i32
    %dma_wait3A_274 = tpu.memref_slice %arg2[%dma_wait3A_272, %dma_wait3A_273] : memref<100000x128xf32, #tpu.memory_space<hbm>> -> memref<100000x128xf32, #tpu.memory_space<hbm>>
    tpu.wait_indirect_dma semaphore(%arg8 : memref<!tpu.dma_semaphore, #tpu.memory_space<semaphore_mem>>) src(%dma_wait3A_274 : memref<100000x128xf32, #tpu.memory_space<hbm>>) dst(%dma_wait3A_268 : memref<128x128xf32, #tpu.memory_space<vmem>>)
    %dma_start3A_275 = arith.constant 0 : i32
    %dma_start3A_276 = arith.constant 0 : i32
    %dma_start3A_277 = arith.constant 0 : i32
    %dma_start3A_278 = tpu.memref_slice %arg7[%dma_start3A_275, %dma_start3A_276, %dma_start3A_277] : memref<2x128x128xf32, #tpu.memory_space<vmem>> -> memref<1x128x128xf32, #tpu.memory_space<vmem>>
    %dma_start3A_279 = tpu.memref_squeeze %dma_start3A_278 : memref<1x128x128xf32, #tpu.memory_space<vmem>> -> memref<128x128xf32, #tpu.memory_space<vmem>>
    %dma_start3A_280 = arith.constant 0 : i32
    %dma_start3A_281 = tpu.memref_slice %arg5[%add3A_262, %dma_start3A_280] : memref<10240x128xf32, #tpu.memory_space<hbm>> -> memref<128x128xf32, #tpu.memory_space<hbm>>
    %dma_start3A_282 = arith.constant 0 : i32
    %dma_start3A_283 = tpu.memref_slice %arg5[%add3A_262, %dma_start3A_282] : memref<10240x128xf32, #tpu.memory_space<hbm>> -> memref<128x128xf32, #tpu.memory_space<hbm>>
    %dma_start3A_284 = arith.constant 0 : i32
    %dma_start3A_285 = arith.constant 0 : i32
    %dma_start3A_286 = tpu.memref_slice %arg7[%dma_start3A_275, %dma_start3A_284, %dma_start3A_285] : memref<2x128x128xf32, #tpu.memory_space<vmem>> -> memref<1x128x128xf32, #tpu.memory_space<vmem>>
    %dma_start3A_287 = tpu.memref_squeeze %dma_start3A_286 : memref<1x128x128xf32, #tpu.memory_space<vmem>> -> memref<128x128xf32, #tpu.memory_space<vmem>>
    tpu.enqueue_dma source(%dma_start3A_287 : memref<128x128xf32, #tpu.memory_space<vmem>>) target(%dma_start3A_283 : memref<128x128xf32, #tpu.memory_space<hbm>>) target_semaphore(%arg9 : memref<!tpu.dma_semaphore, #tpu.memory_space<semaphore_mem>>)
    %dma_start3A_288 = arith.constant 0 : i32
    %dma_start3A_289 = arith.constant 0 : i32
    %dma_start3A_290 = arith.constant 0 : i32
    %dma_start3A_291 = arith.constant 0 : i32
    %dma_start3A_292 = tpu.memref_slice %arg7[%dma_start3A_288, %dma_start3A_290, %dma_start3A_291] : memref<2x128x128xf32, #tpu.memory_space<vmem>> -> memref<1x128x64xf32, #tpu.memory_space<vmem>>
    %dma_start3A_293 = tpu.memref_squeeze %dma_start3A_292 : memref<1x128x64xf32, #tpu.memory_space<vmem>> -> memref<128x64xf32, #tpu.memory_space<vmem>>
    %dma_start3A_294 = arith.constant 0 : i32
    %dma_start3A_295 = tpu.memref_slice %arg4[%dma_start3A_289, %add3A_262, %dma_start3A_294] : memref<2x10240x64xf32, #tpu.memory_space<hbm>> -> memref<1x128x64xf32, #tpu.memory_space<hbm>>
    %dma_start3A_296 = tpu.memref_squeeze %dma_start3A_295 : memref<1x128x64xf32, #tpu.memory_space<hbm>> -> memref<128x64xf32, #tpu.memory_space<hbm>>
    %dma_start3A_297 = arith.constant 0 : i32
    %dma_start3A_298 = tpu.memref_slice %arg4[%dma_start3A_289, %add3A_262, %dma_start3A_297] : memref<2x10240x64xf32, #tpu.memory_space<hbm>> -> memref<1x128x64xf32, #tpu.memory_space<hbm>>
    %dma_start3A_299 = tpu.memref_squeeze %dma_start3A_298 : memref<1x128x64xf32, #tpu.memory_space<hbm>> -> memref<128x64xf32, #tpu.memory_space<hbm>>
    %dma_start3A_300 = arith.constant 0 : i32
    %dma_start3A_301 = arith.constant 0 : i32
    %dma_start3A_302 = tpu.memref_slice %arg7[%dma_start3A_288, %dma_start3A_300, %dma_start3A_301] : memref<2x128x128xf32, #tpu.memory_space<vmem>> -> memref<1x128x64xf32, #tpu.memory_space<vmem>>
    %dma_start3A_303 = tpu.memref_squeeze %dma_start3A_302 : memref<1x128x64xf32, #tpu.memory_space<vmem>> -> memref<128x64xf32, #tpu.memory_space<vmem>>
    tpu.enqueue_dma source(%dma_start3A_303 : memref<128x64xf32, #tpu.memory_space<vmem>>) target(%dma_start3A_299 : memref<128x64xf32, #tpu.memory_space<hbm>>) target_semaphore(%arg9 : memref<!tpu.dma_semaphore, #tpu.memory_space<semaphore_mem>>)
    %dma_start3A_304 = arith.constant 0 : i32
    %dma_start3A_305 = arith.constant 1 : i32
    %dma_start3A_306 = arith.constant 0 : i32
    %dma_start3A_307 = arith.constant 64 : i32
    %dma_start3A_308 = tpu.memref_slice %arg7[%dma_start3A_304, %dma_start3A_306, %dma_start3A_307] : memref<2x128x128xf32, #tpu.memory_space<vmem>> -> memref<1x128x64xf32, #tpu.memory_space<vmem>>
    %dma_start3A_309 = tpu.memref_squeeze %dma_start3A_308 : memref<1x128x64xf32, #tpu.memory_space<vmem>> -> memref<128x64xf32, #tpu.memory_space<vmem>>
    %dma_start3A_310 = arith.constant 0 : i32
    %dma_start3A_311 = tpu.memref_slice %arg4[%dma_start3A_305, %add3A_262, %dma_start3A_310] : memref<2x10240x64xf32, #tpu.memory_space<hbm>> -> memref<1x128x64xf32, #tpu.memory_space<hbm>>
    %dma_start3A_312 = tpu.memref_squeeze %dma_start3A_311 : memref<1x128x64xf32, #tpu.memory_space<hbm>> -> memref<128x64xf32, #tpu.memory_space<hbm>>
    %dma_start3A_313 = arith.constant 0 : i32
    %dma_start3A_314 = tpu.memref_slice %arg4[%dma_start3A_305, %add3A_262, %dma_start3A_313] : memref<2x10240x64xf32, #tpu.memory_space<hbm>> -> memref<1x128x64xf32, #tpu.memory_space<hbm>>
    %dma_start3A_315 = tpu.memref_squeeze %dma_start3A_314 : memref<1x128x64xf32, #tpu.memory_space<hbm>> -> memref<128x64xf32, #tpu.memory_space<hbm>>
    %dma_start3A_316 = arith.constant 0 : i32
    %dma_start3A_317 = arith.constant 64 : i32
    %dma_start3A_318 = tpu.memref_slice %arg7[%dma_start3A_304, %dma_start3A_316, %dma_start3A_317] : memref<2x128x128xf32, #tpu.memory_space<vmem>> -> memref<1x128x64xf32, #tpu.memory_space<vmem>>
    %dma_start3A_319 = tpu.memref_squeeze %dma_start3A_318 : memref<1x128x64xf32, #tpu.memory_space<vmem>> -> memref<128x64xf32, #tpu.memory_space<vmem>>
    tpu.enqueue_dma source(%dma_start3A_319 : memref<128x64xf32, #tpu.memory_space<vmem>>) target(%dma_start3A_315 : memref<128x64xf32, #tpu.memory_space<hbm>>) target_semaphore(%arg9 : memref<!tpu.dma_semaphore, #tpu.memory_space<semaphore_mem>>)
    %dma_wait3A_320 = arith.constant 0 : i32
    %dma_wait3A_321 = arith.constant 0 : i32
    %dma_wait3A_322 = arith.constant 0 : i32
    %dma_wait3A_323 = tpu.memref_slice %arg7[%dma_wait3A_320, %dma_wait3A_321, %dma_wait3A_322] : memref<2x128x128xf32, #tpu.memory_space<vmem>> -> memref<1x128x128xf32, #tpu.memory_space<vmem>>
    %dma_wait3A_324 = tpu.memref_squeeze %dma_wait3A_323 : memref<1x128x128xf32, #tpu.memory_space<vmem>> -> memref<128x128xf32, #tpu.memory_space<vmem>>
    %dma_wait3A_325 = arith.constant 0 : i32
    %dma_wait3A_326 = tpu.memref_slice %arg5[%add3A_262, %dma_wait3A_325] : memref<10240x128xf32, #tpu.memory_space<hbm>> -> memref<128x128xf32, #tpu.memory_space<hbm>>
    %dma_wait3A_327 = arith.constant 0 : i32
    %dma_wait3A_328 = tpu.memref_slice %arg5[%add3A_262, %dma_wait3A_327] : memref<10240x128xf32, #tpu.memory_space<hbm>> -> memref<128x128xf32, #tpu.memory_space<hbm>>
    %dma_wait3A_329 = arith.constant 0 : i32
    %dma_wait3A_330 = arith.constant 0 : i32
    %dma_wait3A_331 = tpu.memref_slice %arg7[%dma_wait3A_320, %dma_wait3A_329, %dma_wait3A_330] : memref<2x128x128xf32, #tpu.memory_space<vmem>> -> memref<1x128x128xf32, #tpu.memory_space<vmem>>
    %dma_wait3A_332 = tpu.memref_squeeze %dma_wait3A_331 : memref<1x128x128xf32, #tpu.memory_space<vmem>> -> memref<128x128xf32, #tpu.memory_space<vmem>>
    tpu.wait_dma2 semaphore(%arg9 : memref<!tpu.dma_semaphore, #tpu.memory_space<semaphore_mem>>) src(%dma_wait3A_332 : memref<128x128xf32, #tpu.memory_space<vmem>>) dst(%dma_wait3A_328 : memref<128x128xf32, #tpu.memory_space<hbm>>)
    %dma_wait3A_333 = arith.constant 0 : i32
    %dma_wait3A_334 = arith.constant 0 : i32
    %dma_wait3A_335 = arith.constant 0 : i32
    %dma_wait3A_336 = arith.constant 0 : i32
    %dma_wait3A_337 = tpu.memref_slice %arg7[%dma_wait3A_333, %dma_wait3A_335, %dma_wait3A_336] : memref<2x128x128xf32, #tpu.memory_space<vmem>> -> memref<1x128x64xf32, #tpu.memory_space<vmem>>
    %dma_wait3A_338 = tpu.memref_squeeze %dma_wait3A_337 : memref<1x128x64xf32, #tpu.memory_space<vmem>> -> memref<128x64xf32, #tpu.memory_space<vmem>>
    %dma_wait3A_339 = arith.constant 0 : i32
    %dma_wait3A_340 = tpu.memref_slice %arg4[%dma_wait3A_334, %add3A_262, %dma_wait3A_339] : memref<2x10240x64xf32, #tpu.memory_space<hbm>> -> memref<1x128x64xf32, #tpu.memory_space<hbm>>
    %dma_wait3A_341 = tpu.memref_squeeze %dma_wait3A_340 : memref<1x128x64xf32, #tpu.memory_space<hbm>> -> memref<128x64xf32, #tpu.memory_space<hbm>>
    %dma_wait3A_342 = arith.constant 0 : i32
    %dma_wait3A_343 = tpu.memref_slice %arg4[%dma_wait3A_334, %add3A_262, %dma_wait3A_342] : memref<2x10240x64xf32, #tpu.memory_space<hbm>> -> memref<1x128x64xf32, #tpu.memory_space<hbm>>
    %dma_wait3A_344 = tpu.memref_squeeze %dma_wait3A_343 : memref<1x128x64xf32, #tpu.memory_space<hbm>> -> memref<128x64xf32, #tpu.memory_space<hbm>>
    %dma_wait3A_345 = arith.constant 0 : i32
    %dma_wait3A_346 = arith.constant 0 : i32
    %dma_wait3A_347 = tpu.memref_slice %arg7[%dma_wait3A_333, %dma_wait3A_345, %dma_wait3A_346] : memref<2x128x128xf32, #tpu.memory_space<vmem>> -> memref<1x128x64xf32, #tpu.memory_space<vmem>>
    %dma_wait3A_348 = tpu.memref_squeeze %dma_wait3A_347 : memref<1x128x64xf32, #tpu.memory_space<vmem>> -> memref<128x64xf32, #tpu.memory_space<vmem>>
    tpu.wait_dma2 semaphore(%arg9 : memref<!tpu.dma_semaphore, #tpu.memory_space<semaphore_mem>>) src(%dma_wait3A_348 : memref<128x64xf32, #tpu.memory_space<vmem>>) dst(%dma_wait3A_344 : memref<128x64xf32, #tpu.memory_space<hbm>>)
    %dma_wait3A_349 = arith.constant 0 : i32
    %dma_wait3A_350 = arith.constant 1 : i32
    %dma_wait3A_351 = arith.constant 0 : i32
    %dma_wait3A_352 = arith.constant 64 : i32
    %dma_wait3A_353 = tpu.memref_slice %arg7[%dma_wait3A_349, %dma_wait3A_351, %dma_wait3A_352] : memref<2x128x128xf32, #tpu.memory_space<vmem>> -> memref<1x128x64xf32, #tpu.memory_space<vmem>>
    %dma_wait3A_354 = tpu.memref_squeeze %dma_wait3A_353 : memref<1x128x64xf32, #tpu.memory_space<vmem>> -> memref<128x64xf32, #tpu.memory_space<vmem>>
    %dma_wait3A_355 = arith.constant 0 : i32
    %dma_wait3A_356 = tpu.memref_slice %arg4[%dma_wait3A_350, %add3A_262, %dma_wait3A_355] : memref<2x10240x64xf32, #tpu.memory_space<hbm>> -> memref<1x128x64xf32, #tpu.memory_space<hbm>>
    %dma_wait3A_357 = tpu.memref_squeeze %dma_wait3A_356 : memref<1x128x64xf32, #tpu.memory_space<hbm>> -> memref<128x64xf32, #tpu.memory_space<hbm>>
    %dma_wait3A_358 = arith.constant 0 : i32
    %dma_wait3A_359 = tpu.memref_slice %arg4[%dma_wait3A_350, %add3A_262, %dma_wait3A_358] : memref<2x10240x64xf32, #tpu.memory_space<hbm>> -> memref<1x128x64xf32, #tpu.memory_space<hbm>>
    %dma_wait3A_360 = tpu.memref_squeeze %dma_wait3A_359 : memref<1x128x64xf32, #tpu.memory_space<hbm>> -> memref<128x64xf32, #tpu.memory_space<hbm>>
    %dma_wait3A_361 = arith.constant 0 : i32
    %dma_wait3A_362 = arith.constant 64 : i32
    %dma_wait3A_363 = tpu.memref_slice %arg7[%dma_wait3A_349, %dma_wait3A_361, %dma_wait3A_362] : memref<2x128x128xf32, #tpu.memory_space<vmem>> -> memref<1x128x64xf32, #tpu.memory_space<vmem>>
    %dma_wait3A_364 = tpu.memref_squeeze %dma_wait3A_363 : memref<1x128x64xf32, #tpu.memory_space<vmem>> -> memref<128x64xf32, #tpu.memory_space<vmem>>
    tpu.wait_dma2 semaphore(%arg9 : memref<!tpu.dma_semaphore, #tpu.memory_space<semaphore_mem>>) src(%dma_wait3A_364 : memref<128x64xf32, #tpu.memory_space<vmem>>) dst(%dma_wait3A_360 : memref<128x64xf32, #tpu.memory_space<hbm>>)
    return
  }
}

module attributes {stable_mosaic.version = 14 : i64} {
  func.func @_dense_body(%arg0: i32, %arg1: memref<1000x128xf32, #tpu.memory_space<vmem>>, %arg2: memref<2x1000x64xf32, #tpu.memory_space<vmem>>, %arg3: memref<2x1000x16xf32, #tpu.memory_space<vmem>>, %arg4: memref<2x1000x16xf32, #tpu.memory_space<vmem>>, %arg5: memref<64x128xf32, #tpu.memory_space<vmem>>, %arg6: memref<64x128xf32, #tpu.memory_space<vmem>>, %arg7: memref<16x128xf32, #tpu.memory_space<vmem>>, %arg8: memref<128x128xf32, #tpu.memory_space<vmem>>, %arg9: memref<128x128xf32, #tpu.memory_space<vmem>>, %arg10: memref<1x128xf32, #tpu.memory_space<vmem>>, %arg11: memref<1x128xf32, #tpu.memory_space<vmem>>, %arg12: memref<1x128xf32, #tpu.memory_space<vmem>>, %arg13: memref<1000x128xf32, #tpu.memory_space<vmem>>) attributes {dimension_semantics = [#tpu.dimension_semantics<arbitrary>], iteration_bounds = array<i64: 10>, scalar_prefetch = 0 : i64, scratch_operands = 0 : i64, tpu.core_type = #tpu.core_type<tc>, window_params = [{transform_indices = @transform_0, window_bounds = array<i64: 1000, 128>}, {transform_indices = @transform_1, window_bounds = array<i64: 2, 1000, 64>}, {transform_indices = @transform_2, window_bounds = array<i64: 2, 1000, 16>}, {transform_indices = @transform_3, window_bounds = array<i64: 2, 1000, 16>}, {pipeline_mode = #tpu.pipeline_mode<synchronous>, transform_indices = @transform_4, window_bounds = array<i64: 64, 128>}, {pipeline_mode = #tpu.pipeline_mode<synchronous>, transform_indices = @transform_5, window_bounds = array<i64: 64, 128>}, {pipeline_mode = #tpu.pipeline_mode<synchronous>, transform_indices = @transform_6, window_bounds = array<i64: 16, 128>}, {pipeline_mode = #tpu.pipeline_mode<synchronous>, transform_indices = @transform_7, window_bounds = array<i64: 128, 128>}, {pipeline_mode = #tpu.pipeline_mode<synchronous>, transform_indices = @transform_8, window_bounds = array<i64: 128, 128>}, {pipeline_mode = #tpu.pipeline_mode<synchronous>, transform_indices = @transform_9, window_bounds = array<i64: 1, 128>}, {pipeline_mode = #tpu.pipeline_mode<synchronous>, transform_indices = @transform_10, window_bounds = array<i64: 1, 128>}, {pipeline_mode = #tpu.pipeline_mode<synchronous>, transform_indices = @transform_11, window_bounds = array<i64: 1, 128>}, {transform_indices = @transform_12, window_bounds = array<i64: 1000, 128>}]} {
    %get3A = arith.constant 0 : index
    %get3A_0 = arith.constant 0 : index
    %get3A_1 = arith.constant 0 : index
    %get3A_2 = vector.load %arg4[%get3A, %get3A_0, %get3A_1] : memref<2x1000x16xf32, #tpu.memory_space<vmem>>, vector<1x1000x1xf32>
    %get3A_3 = vector.shape_cast %get3A_2 : vector<1x1000x1xf32> to vector<1000x1xf32>
    %get3A_4 = arith.constant 1 : index
    %get3A_5 = arith.constant 0 : index
    %get3A_6 = arith.constant 0 : index
    %get3A_7 = vector.load %arg4[%get3A_4, %get3A_5, %get3A_6] : memref<2x1000x16xf32, #tpu.memory_space<vmem>>, vector<1x1000x1xf32>
    %get3A_8 = vector.shape_cast %get3A_7 : vector<1x1000x1xf32> to vector<1000x1xf32>
    %add3A = arith.addf %get3A_3, %get3A_8 : vector<1000x1xf32>
    %get3A_9 = arith.constant 0 : index
    %get3A_10 = arith.constant 0 : index
    %get3A_11 = arith.constant 0 : index
    %get3A_12 = vector.load %arg3[%get3A_9, %get3A_10, %get3A_11] : memref<2x1000x16xf32, #tpu.memory_space<vmem>>, vector<1x1000x16xf32>
    %get3A_13 = vector.shape_cast %get3A_12 : vector<1x1000x16xf32> to vector<1000x16xf32>
    %get3A_14 = arith.constant 1 : index
    %get3A_15 = arith.constant 0 : index
    %get3A_16 = arith.constant 0 : index
    %get3A_17 = vector.load %arg3[%get3A_14, %get3A_15, %get3A_16] : memref<2x1000x16xf32, #tpu.memory_space<vmem>>, vector<1x1000x16xf32>
    %get3A_18 = vector.shape_cast %get3A_17 : vector<1x1000x16xf32> to vector<1000x16xf32>
    %add3A_19 = arith.addf %get3A_13, %get3A_18 : vector<1000x16xf32>
    %get3A_20 = arith.constant 0 : index
    %get3A_21 = arith.constant 0 : index
    %get3A_22 = arith.constant 0 : index
    %get3A_23 = vector.load %arg2[%get3A_20, %get3A_21, %get3A_22] : memref<2x1000x64xf32, #tpu.memory_space<vmem>>, vector<1x1000x64xf32>
    %get3A_24 = vector.shape_cast %get3A_23 : vector<1x1000x64xf32> to vector<1000x64xf32>
    %get3A_25 = arith.constant 0 : index
    %get3A_26 = arith.constant 0 : index
    %get3A_27 = vector.load %arg5[%get3A_25, %get3A_26] : memref<64x128xf32, #tpu.memory_space<vmem>>, vector<64x128xf32>
    %dot_general3A = arith.constant dense<0.000000e+00> : vector<1000x128xf32>
    %dot_general3A_28 = tpu.matmul %get3A_24, %get3A_27, %dot_general3A {dimension_numbers = #tpu.dot_dimension_numbers<[1], [0], [0], [1], [0, 0, 1, 1], [], []>, transpose_lhs_hint = false} : vector<1000x64xf32>, vector<64x128xf32>, vector<1000x128xf32> -> vector<1000x128xf32>
    %get3A_29 = arith.constant 1 : index
    %get3A_30 = arith.constant 0 : index
    %get3A_31 = arith.constant 0 : index
    %get3A_32 = vector.load %arg2[%get3A_29, %get3A_30, %get3A_31] : memref<2x1000x64xf32, #tpu.memory_space<vmem>>, vector<1x1000x64xf32>
    %get3A_33 = vector.shape_cast %get3A_32 : vector<1x1000x64xf32> to vector<1000x64xf32>
    %get3A_34 = arith.constant 0 : index
    %get3A_35 = arith.constant 0 : index
    %get3A_36 = vector.load %arg6[%get3A_34, %get3A_35] : memref<64x128xf32, #tpu.memory_space<vmem>>, vector<64x128xf32>
    %dot_general3A_37 = arith.constant dense<0.000000e+00> : vector<1000x128xf32>
    %dot_general3A_38 = tpu.matmul %get3A_33, %get3A_36, %dot_general3A_37 {dimension_numbers = #tpu.dot_dimension_numbers<[1], [0], [0], [1], [0, 0, 1, 1], [], []>, transpose_lhs_hint = false} : vector<1000x64xf32>, vector<64x128xf32>, vector<1000x128xf32> -> vector<1000x128xf32>
    %add3A_39 = arith.addf %dot_general3A_28, %dot_general3A_38 : vector<1000x128xf32>
    %get3A_40 = arith.constant 0 : index
    %get3A_41 = arith.constant 0 : index
    %get3A_42 = vector.load %arg7[%get3A_40, %get3A_41] : memref<16x128xf32, #tpu.memory_space<vmem>>, vector<16x128xf32>
    %dot_general3A_43 = arith.constant dense<0.000000e+00> : vector<1000x128xf32>
    %dot_general3A_44 = tpu.matmul %add3A_19, %get3A_42, %dot_general3A_43 {dimension_numbers = #tpu.dot_dimension_numbers<[1], [0], [0], [1], [0, 0, 1, 1], [], []>, transpose_lhs_hint = false} : vector<1000x16xf32>, vector<16x128xf32>, vector<1000x128xf32> -> vector<1000x128xf32>
    %add3A_45 = arith.addf %add3A_39, %dot_general3A_44 : vector<1000x128xf32>
    %gt3A = arith.constant 0.000000e+00 : f32
    %gt3A_46 = vector.broadcast %gt3A : f32 to vector<1000x1xf32>
    %gt3A_47 = arith.cmpf ogt, %add3A, %gt3A_46 : vector<1000x1xf32>
    %max3A = arith.constant 1.000000e+00 : f32
    %max3A_48 = vector.broadcast %max3A : f32 to vector<1000x1xf32>
    %max3A_49 = arith.maximumf %add3A, %max3A_48 : vector<1000x1xf32>
    %div3A = vector.broadcast %max3A_49 : vector<1000x1xf32> to vector<1000x128xf32>
    %div3A_50 = arith.divf %add3A_45, %div3A : vector<1000x128xf32>
    %get3A_51 = arith.constant 0 : index
    %get3A_52 = arith.constant 0 : index
    %get3A_53 = vector.load %arg11[%get3A_51, %get3A_52] : memref<1x128xf32, #tpu.memory_space<vmem>>, vector<1x128xf32>
    %add3A_54 = vector.broadcast %get3A_53 : vector<1x128xf32> to vector<1000x128xf32>
    %add3A_55 = arith.addf %div3A_50, %add3A_54 : vector<1000x128xf32>
    %jit3A = arith.constant 0.000000e+00 : f32
    %broadcast_in_dim3A = vector.shape_cast %gt3A_47 : vector<1000x1xi1> to vector<1000x1xi1>
    %broadcast_in_dim3A_56 = vector.broadcast %broadcast_in_dim3A : vector<1000x1xi1> to vector<1000x128xi1>
    %broadcast_in_dim3A_57 = vector.broadcast %jit3A : f32 to vector<1000x128xf32>
    %select_n3A = arith.select %broadcast_in_dim3A_56, %add3A_55, %broadcast_in_dim3A_57 : vector<1000x128xi1>, vector<1000x128xf32>
    %max3A_58 = arith.constant 0.000000e+00 : f32
    %max3A_59 = vector.broadcast %max3A_58 : f32 to vector<1000x128xf32>
    %max3A_60 = arith.maximumf %select_n3A, %max3A_59 : vector<1000x128xf32>
    %get3A_61 = arith.constant 0 : index
    %get3A_62 = arith.constant 0 : index
    %get3A_63 = vector.load %arg1[%get3A_61, %get3A_62] : memref<1000x128xf32, #tpu.memory_space<vmem>>, vector<1000x128xf32>
    %get3A_64 = arith.constant 0 : index
    %get3A_65 = arith.constant 0 : index
    %get3A_66 = vector.load %arg8[%get3A_64, %get3A_65] : memref<128x128xf32, #tpu.memory_space<vmem>>, vector<128x128xf32>
    %dot_general3A_67 = arith.constant dense<0.000000e+00> : vector<1000x128xf32>
    %dot_general3A_68 = tpu.matmul %get3A_63, %get3A_66, %dot_general3A_67 {dimension_numbers = #tpu.dot_dimension_numbers<[1], [0], [0], [1], [0, 0, 1, 1], [], []>, transpose_lhs_hint = false} : vector<1000x128xf32>, vector<128x128xf32>, vector<1000x128xf32> -> vector<1000x128xf32>
    %get3A_69 = arith.constant 0 : index
    %get3A_70 = arith.constant 0 : index
    %get3A_71 = vector.load %arg10[%get3A_69, %get3A_70] : memref<1x128xf32, #tpu.memory_space<vmem>>, vector<1x128xf32>
    %add3A_72 = vector.broadcast %get3A_71 : vector<1x128xf32> to vector<1000x128xf32>
    %add3A_73 = arith.addf %dot_general3A_68, %add3A_72 : vector<1000x128xf32>
    %get3A_74 = arith.constant 0 : index
    %get3A_75 = arith.constant 0 : index
    %get3A_76 = vector.load %arg9[%get3A_74, %get3A_75] : memref<128x128xf32, #tpu.memory_space<vmem>>, vector<128x128xf32>
    %dot_general3A_77 = arith.constant dense<0.000000e+00> : vector<1000x128xf32>
    %dot_general3A_78 = tpu.matmul %max3A_60, %get3A_76, %dot_general3A_77 {dimension_numbers = #tpu.dot_dimension_numbers<[1], [0], [0], [1], [0, 0, 1, 1], [], []>, transpose_lhs_hint = false} : vector<1000x128xf32>, vector<128x128xf32>, vector<1000x128xf32> -> vector<1000x128xf32>
    %add3A_79 = arith.addf %add3A_73, %dot_general3A_78 : vector<1000x128xf32>
    %get3A_80 = arith.constant 0 : index
    %get3A_81 = arith.constant 0 : index
    %get3A_82 = vector.load %arg12[%get3A_80, %get3A_81] : memref<1x128xf32, #tpu.memory_space<vmem>>, vector<1x128xf32>
    %add3A_83 = vector.broadcast %get3A_82 : vector<1x128xf32> to vector<1000x128xf32>
    %add3A_84 = arith.addf %add3A_79, %add3A_83 : vector<1000x128xf32>
    %max3A_85 = arith.constant 0.000000e+00 : f32
    %max3A_86 = vector.broadcast %max3A_85 : f32 to vector<1000x128xf32>
    %max3A_87 = arith.maximumf %add3A_84, %max3A_86 : vector<1000x128xf32>
    %swap3A = arith.constant 0 : index
    %swap3A_88 = arith.constant 0 : index
    %swap3A_89 = vector.load %arg13[%swap3A, %swap3A_88] : memref<1000x128xf32, #tpu.memory_space<vmem>>, vector<1000x128xf32>
    tpu.vector_store %arg13[%swap3A, %swap3A_88], %max3A_87 {strides = array<i32>} : memref<1000x128xf32, #tpu.memory_space<vmem>>, vector<1000x128xf32>,
    return
  }
  func.func @transform_0(%arg0: i32) -> (i32, i32) {
    %c0_i32 = arith.constant 0 : i32
    %c0_i32_0 = arith.constant 0 : i32
    return %arg0, %c0_i32 : i32, i32
  }
  func.func @transform_1(%arg0: i32) -> (i32, i32, i32) {
    %c0_i32 = arith.constant 0 : i32
    %c0_i32_0 = arith.constant 0 : i32
    %c0_i32_1 = arith.constant 0 : i32
    return %c0_i32, %arg0, %c0_i32_0 : i32, i32, i32
  }
  func.func @transform_2(%arg0: i32) -> (i32, i32, i32) {
    %c0_i32 = arith.constant 0 : i32
    %c0_i32_0 = arith.constant 0 : i32
    %c0_i32_1 = arith.constant 0 : i32
    return %c0_i32, %arg0, %c0_i32_0 : i32, i32, i32
  }
  func.func @transform_3(%arg0: i32) -> (i32, i32, i32) {
    %c0_i32 = arith.constant 0 : i32
    %c0_i32_0 = arith.constant 0 : i32
    %c0_i32_1 = arith.constant 0 : i32
    return %c0_i32, %arg0, %c0_i32_0 : i32, i32, i32
  }
  func.func @transform_4(%arg0: i32) -> (i32, i32) {
    %c0_i32 = arith.constant 0 : i32
    %c0_i32_0 = arith.constant 0 : i32
    %c0_i32_1 = arith.constant 0 : i32
    return %c0_i32, %c0_i32_0 : i32, i32
  }
  func.func @transform_5(%arg0: i32) -> (i32, i32) {
    %c0_i32 = arith.constant 0 : i32
    %c0_i32_0 = arith.constant 0 : i32
    %c0_i32_1 = arith.constant 0 : i32
    return %c0_i32, %c0_i32_0 : i32, i32
  }
  func.func @transform_6(%arg0: i32) -> (i32, i32) {
    %c0_i32 = arith.constant 0 : i32
    %c0_i32_0 = arith.constant 0 : i32
    %c0_i32_1 = arith.constant 0 : i32
    return %c0_i32, %c0_i32_0 : i32, i32
  }
  func.func @transform_7(%arg0: i32) -> (i32, i32) {
    %c0_i32 = arith.constant 0 : i32
    %c0_i32_0 = arith.constant 0 : i32
    %c0_i32_1 = arith.constant 0 : i32
    return %c0_i32, %c0_i32_0 : i32, i32
  }
  func.func @transform_8(%arg0: i32) -> (i32, i32) {
    %c0_i32 = arith.constant 0 : i32
    %c0_i32_0 = arith.constant 0 : i32
    %c0_i32_1 = arith.constant 0 : i32
    return %c0_i32, %c0_i32_0 : i32, i32
  }
  func.func @transform_9(%arg0: i32) -> (i32, i32) {
    %c0_i32 = arith.constant 0 : i32
    %c0_i32_0 = arith.constant 0 : i32
    %c0_i32_1 = arith.constant 0 : i32
    return %c0_i32, %c0_i32_0 : i32, i32
  }
  func.func @transform_10(%arg0: i32) -> (i32, i32) {
    %c0_i32 = arith.constant 0 : i32
    %c0_i32_0 = arith.constant 0 : i32
    %c0_i32_1 = arith.constant 0 : i32
    return %c0_i32, %c0_i32_0 : i32, i32
  }
  func.func @transform_11(%arg0: i32) -> (i32, i32) {
    %c0_i32 = arith.constant 0 : i32
    %c0_i32_0 = arith.constant 0 : i32
    %c0_i32_1 = arith.constant 0 : i32
    return %c0_i32, %c0_i32_0 : i32, i32
  }
  func.func @transform_12(%arg0: i32) -> (i32, i32) {
    %c0_i32 = arith.constant 0 : i32
    %c0_i32_0 = arith.constant 0 : i32
    return %arg0, %c0_i32 : i32, i32
  }
}

</mosaic_0001>

<sc_bundles>
// kernel: kernel.12.cloned.1.call-start
scs
__scs_entry_jumppad:
0x0: {  	(pc) =	sbr.rel $0x88, $3  }
0x1: {  	(tag) =	ssettag $0x0;
	lr =	simm.s32 $0x1  }
0x2: {  	[smem:$0x3F97] =	sst lr;
	_ =	strace $0xD0000000  }
0x3: {  	_ = 	snop  }
0x4: {  	_ = 	snop  }
0x5: {  	_ = 	snop  }
0x6: {  	_ = 	snop  }
0x7: {  	_ = 	snop  }
__scs_overlays_trampoline_lowered:
0x8: {  	[smem:$0x3FA6] =	sst s0  }
0x9: {  	[smem:$0x3FA7] =	sst s1  }
0xa: {  	[smem:$0x3FA8] =	sst s2  }
0xb: {  	[smem:$0x3FA9] =	sst s3  }
0xc: {  	[smem:$0x3FAA] =	sst s4  }
0xd: {  	[smem:$0x3FAB] =	sst s5  }
0xe: {  	[smem:$0x3FAC] =	sst s6  }
0xf: {  	[smem:$0x3FAD] =	sst s7  }
0x10: {  	[smem:$0x3FAE] =	sst s8  }
0x11: {  	[smem:$0x3FAF] =	sst s9;
	s0 =	simm.s32 @!p0 $0x0  }
0x12: {  	s1 =	sld [smem:$0x3F95];
	s0 =	simm.s32 @p0 $0x1  }
0x13: {  	[smem:$0x3FB0] =	sst s0;
	s0 =	simm.s32 @!p1 $0x0  }
0x14: {  	s2 =	sld [smem:$0x3F94];
	s0 =	simm.s32 @p1 $0x1  }
0x15: {  	[smem:$0x3FB1] =	sst s0;
	s0 =	simm.s32 @!p2 $0x0  }
0x16: {  	s3 =	sld [smem:$0x3FDB];
	s0 =	simm.s32 @p2 $0x1  }
0x17: {  	s4 =	simm.s32 $0x1BF5;
	[smem:$0x3FB3] =	sst s0  }
0x18: {  	s0 =	sld [smem:$0x3F96];
	_ =	swait.ge [sflag:s4], $0x0  }
0x19: {  	s7 =	sld [smem:$0x3F97]  }
0x1a: {  	s8 =	sadd.s32 $0xFFFFE003, lr  }
0x1b: {  	s9 =	sadd.s32 $0xFFFFFEF7, lr;
	s5 =	simm.s32 $0xFFFFFFFF;
	p2 =	slt.u32 s8, $0xFFFFF086  }
0x1c: {  	p1 =	slt.u32 s9, $0xF7A;
	s5 =	simm.s32 @!p2 $0x0  }
0x1d: {  	s5 =	simm.s32 @p1 $0x1;
	p0 =	seq.s32 s7, s2  }
0x1e: {  	s7 =	smul.u32 @!p0 $0xF7A, s2;
	p2 =	seq.s32 @!p0 s5, $0x0  }
0x1f: {  	s9 =	smul.u32 $0xF7A, s1;
	s8 =	simm.s32 @!p0 $0x1BF5;
	p2 =	por !p2, p0  }
0x20: {  	[sflag:s8] =	ssyncset.s32 @!p0 $0xFFFFF086;
	s6 =	sadd.s32 @!p0 s3, s7;
	s7 =	simm.s32 @!p0 $0x108  }
0x21: {  	s3 =	sadd.s32 s3, s9;
	s6 =	sadd.s32 @!p0 $0x88, s6;
	s7 =	simm.s32 @p2 $0x1082  }
0x22: {  	[simem:s7], [sflag:s8] =	dma.local @!p0 [hbm:s6], $0xF7A  }
0x23: {  	s9 =	sor.u32 $0xD0000000, s2;
	s6 =	simm.s32 $0x108;
	_ =	swait.ge @!p0 [sflag:s8], $0x0  }
0x24: {  	s3 =	sadd.s32 $0x88, s3;
	s6 =	simm.s32 @!p1 $0x1082;
	[sflag:s4] =	ssyncset.s32 $0xFFFFF086  }
0x25: {  	[simem:s6], [sflag:s4] =	dma.local [hbm:s3], $0xF7A  }
0x26: {  	[smem:$0x3F97] =	sst s1;
	(tag) =	ssettag s2;
	_ =	strace s9  }
0x27: {  	s1 =	sld [smem:$0x3FA7]  }
0x28: {  	s2 =	sld [smem:$0x3FA8]  }
0x29: {  	s4 =	sld [smem:$0x3FAA]  }
0x2a: {  	p0 =	seq.s32 s5, $0x0;
	s5 =	sld [smem:$0x3FAB]  }
0x2b: {  	s6 =	sld [smem:$0x3FAC]  }
0x2c: {  	s7 =	sld [smem:$0x3FAD]  }
0x2d: {  	s3 =	simm.s32 $0x108;
	s8 =	sld [smem:$0x3FAE]  }
0x2e: {  	s3 =	simm.s32 @!p0 $0x1082;
	s9 =	sld [smem:$0x3FAF]  }
0x2f: {  	lr =	sadd.s32 s0, s3;
	s0 =	sld [smem:$0x3FA6]  }
0x30: {  	s3 =	sld [smem:$0x3FA9]  }
0x31: {  	[smem:$0x3FB2] =	sst s10  }
0x32: {  	s10 =	sld [smem:$0x3FB0];
	_ =	sdelay $0x3  }
0x33: {  	p0 =	seq.s32 s10, $0x1;
	s10 =	sld [smem:$0x3FB2];
	_ =	sdelay $0x3  }
0x34: {  	[smem:$0x3FB2] =	sst s10  }
0x35: {  	s10 =	sld [smem:$0x3FB1];
	_ =	sdelay $0x3  }
0x36: {  	p1 =	seq.s32 s10, $0x1;
	s10 =	sld [smem:$0x3FB2];
	_ =	sdelay $0x3  }
0x37: {  	[smem:$0x3FB2] =	sst s10  }
0x38: {  	s10 =	sld [smem:$0x3FB3]  }
0x39: {  	_ = 	snop;
	(pc) =	sbr.ind lr, $3  }
0x3a: {  	_ = 	snop  }
0x3b: {  	_ = 	snop  }
0x3c: {  	p2 =	seq.s32 s10, $0x1;
	s10 =	sld [smem:$0x3FB2]  }
0x3d: {  	_ =	shalt  }
0x3e: {  	_ =	shalt  }
0x3f: {  	_ =	shalt  }
0x40: {  	_ =	shalt  }
0x41: {  	_ =	shalt  }
0x42: {  	_ =	shalt  }
0x43: {  	_ =	shalt  }
0x44: {  	_ =	shalt  }
0x45: {  	_ =	shalt  }
0x46: {  	_ =	shalt  }
0x47: {  	_ =	shalt  }
0x48: {  	_ =	shalt  }
0x49: {  	_ =	shalt  }
0x4a: {  	_ =	shalt  }
0x4b: {  	_ =	shalt  }
0x4c: {  	_ =	shalt  }
0x4d: {  	_ =	shalt  }
0x4e: {  	_ =	shalt  }
0x4f: {  	_ =	shalt  }
0x50: {  	_ =	shalt  }
0x51: {  	_ =	shalt  }
0x52: {  	_ =	shalt  }
0x53: {  	_ =	shalt  }
0x54: {  	_ =	shalt  }
0x55: {  	_ =	shalt  }
0x56: {  	_ =	shalt  }
0x57: {  	_ =	shalt  }
0x58: {  	_ =	shalt  }
0x59: {  	_ =	shalt  }
0x5a: {  	_ =	shalt  }
0x5b: {  	_ =	shalt  }
0x5c: {  	_ =	shalt  }
0x5d: {  	_ =	shalt  }
0x5e: {  	_ =	shalt  }
0x5f: {  	_ =	shalt  }
0x60: {  	_ =	shalt  }
0x61: {  	_ =	shalt  }
0x62: {  	_ =	shalt  }
0x63: {  	_ =	shalt  }
0x64: {  	_ =	shalt  }
0x65: {  	_ =	shalt  }
0x66: {  	_ =	shalt  }
0x67: {  	_ =	shalt  }
0x68: {  	_ =	shalt  }
0x69: {  	_ =	shalt  }
0x6a: {  	_ =	shalt  }
0x6b: {  	_ =	shalt  }
0x6c: {  	_ =	shalt  }
0x6d: {  	_ =	shalt  }
0x6e: {  	_ =	shalt  }
0x6f: {  	_ =	shalt  }
0x70: {  	_ =	shalt  }
0x71: {  	_ =	shalt  }
0x72: {  	_ =	shalt  }
0x73: {  	_ =	shalt  }
0x74: {  	_ =	shalt  }
0x75: {  	_ =	shalt  }
0x76: {  	_ =	shalt  }
0x77: {  	_ =	shalt  }
0x78: {  	_ =	shalt  }
0x79: {  	_ =	shalt  }
0x7a: {  	_ =	shalt  }
0x7b: {  	_ =	shalt  }
0x7c: {  	_ =	shalt  }
0x7d: {  	_ =	shalt  }
0x7e: {  	_ =	shalt  }
0x7f: {  	_ =	shalt  }
0x80: {  	_ =	shalt  }
0x81: {  	_ =	shalt  }
0x82: {  	_ =	shalt  }
0x83: {  	_ =	shalt  }
0x84: {  	_ =	shalt  }
0x85: {  	_ =	shalt  }
0x86: {  	_ =	shalt  }
0x87: {  	_ =	shalt  }
.Lfunc_end0:
.L_simem_size_0:
called_computation.2_lowered:
.L_overlay_start_0:
0x88: {  	s2 =	sld [smem:$0x3FD9]  }
0x89: {  	s3 =	sld [smem:$0x3FFE];
	_ =	sdelay $0x1  }
0x8a: {  	s1 =	srdreg.scid  }
0x8b: {  	s0 =	sand.u32 $0x1, s1  }
0x8c: {  	s17 =	sshll.u32 s0, $0xA;
	s2 =	sadd.s32 s3, s2  }
0x8d: {  	s2 =	sadd.s32 s2, s17  }
0x8e: {  	[smem:$0x3FBE] =	sst s2  }
0x8f: {  	_ = 	snop  }
0x90: {  	s2 =	sld [smem:$0x3FD0];
	(tm) =	ssettm $0x1  }
0x91: {  	s18 =	sld [smem:$0x3FFB];
	_ =	sdelay $0x3  }
0x92: {  	_ =	strace s18  }
0x93: {  	s3 =	sld [smem:$0x3FFC];
	_ =	sdelay $0x3  }
0x94: {  	_ =	strace s3  }
0x95: {  	s3 =	sld [smem:$0x3FFD];
	_ =	sdelay $0x3  }
0x96: {  	_ =	strace s3  }
0x97: {  	_ =	strace $0x8FFFFFFF  }
0x98: {  	s19 =	sld [smem:$0x3FDB];
	_ =	sdelay $0x1  }
0x99: {  	s4 =	simm.s32 $_scs_section_size  }
0x9a: {  	s5 =	simm.s32 $_size__tile_overlayer_lowered;
	s6 =	simm.s32 $_tile_overlayer_lowered  }
0x9b: {  	s22 =	simm.s32 $0x1BFF;
	s21 =	sshll.u32 s6, $0x1;
	s3 =	sadd.s32 s4, s19  }
0x9c: {  	s7 =	simm.s32 $0x0;
	s20 =	sshll.u32 s5, $0x1;
	s5 =	sadd.s32 s21, s3  }
0x9d: {  	[timem:s7], [sflag:s22] =	dma.local [hbm:s5], s20  }
0x9e: {  	_ =	swait.ge [sflag:s22], s20  }
0x9f: {  	s4 =	ssub.s32 $0x0, s20;
	[sflag:s22] =	ssyncset.done $0x0  }
0xa0: {  	[sflag:s22] =	ssyncadd.s32 s4;
	_ =	sdelay $0x1  }
0xa1: {  	s23 =	simm.s32 $0x1B8B  }
0xa2: {  	_ =	swait.ge [sflag:s23], $0x1  }
0xa3: {  	[sflag:s23] =	ssyncset.done $0x0  }
0xa4: {  	s25 =	simm.s32 $0x1B8E;
	s24 =	sld [smem:$0x3FFE];
	[sflag:s23] =	ssyncadd.s32 $0xFFFFFFFF  }
0xa5: {  	s26 =	simm.s32 $execute0_lowered;
	[smem:$0x3FD2] =	sst s25  }
0xa6: {  	s5 =	sshll.u32 s26, $0x1;
	_ =	strace $0x8000004C;
	[dreg:$0x1] =	wrdreg $0xFFFFFFFF  }
0xa7: {  	s28 =	simm.s32 $_size_execute0_lowered;
	s3 =	sadd.s32 s3, s5;
	[dreg:$0x0] =	wrdreg $0x0  }
0xa8: {  	s5 =	sshll.u32 s28, $0x1;
	[dreg:$0x2] =	wrdreg s3  }
0xa9: {  	[dreg:$0x3] =	wrdreg s5  }
0xaa: {  	[dreg:$0x4] =	wrdreg $0xC0  }
0xab: {  	_ =	task [dreg:s7], $0x5FFFF  }
0xac: {  	[dreg:$0x1] =	wrdreg $0xFFFFFFFF  }
0xad: {  	[dreg:$0x0] =	wrdreg $0x60  }
0xae: {  	[dreg:$0x2] =	wrdreg s24  }
0xaf: {  	[dreg:$0x3] =	wrdreg s2  }
0xb0: {  	[dreg:$0x4] =	wrdreg $0x6E000  }
0xb1: {  	[dreg:$0x5] =	wrdreg $0x95800  }
0xb2: {  	[dreg:$0x6] =	wrdreg $0x9  }
0xb3: {  	_ =	task.clear_ibuf [dreg:s7], $0x7FFFF;
	_ =	strace $0x9000004C  }
0xb4: {  	s29 =	simm.s32 $0x9;
	_ =	strace $0x8000004E  }
0xb5: {  	_ =	swait.ge [sflag:s29], $0x1  }
0xb6: {  	[sflag:s29] =	ssyncadd.s32 $0xFFFFFFFF  }
0xb7: {  	_ =	strace $0x9000004E  }
0xb8: {  	_ =	sfence  }
0xb9: {  	s30 =	sld [smem:$0x0];
	_ =	sdelay $0x2  }
0xba: {  	s31 =	sshll.u32 s1, $0xD;
	s1 =	sshrl.u32 s1, $0x2  }
0xbb: {  	s3 =	sand.u32 $0x4000, s31;
	s1 =	sadd.s32 s1, s30  }
0xbc: {  	s0 =	sor.u32 s3, s0;
	s1 =	sshll.u32 s1, $0x11  }
0xbd: {  	s0 =	sor.u32 s1, s0  }
0xbe: {  	s0 =	sadd.s32 $0x8F2B, s0  }
0xbf: {  	[sflag:s0] =	ssyncadd.remote.s32 $0x1  }
0xc0: {  	_ =	sfence.sel $0xFFFF  }
0xc1: {  	[dreg:$0x0] =	wrdreg $0xFFFFFFFF;
	(pc) =	sbr.abs _section_cstart, $3  }
0xc2: {  	[dreg:$0x1] =	wrdreg $0xFFFFFFFF  }
0xc3: {  	_ =	task.clear_ibuf [dreg:s7], $0x2FFFF;
	_ =	strace $0x9FFFFFFF  }
0xc4: {  	(tm) =	ssettm $0x7FFFFFFF  }
0xc5: {  	_ =	shalt  }
tec
execute0_lowered:
.L_overlay_start_1:
0x0: {  	(tag) =	ssettag $0x1  }
0x1: {  	s0 =	rddreg [dreg:$0x0]  }
0x2: {  	s1 =	rddreg [dreg:$0x1]  }
0x3: {  	s2 =	rddreg [dreg:$0x2]  }
0x4: {  	s3 =	rddreg [dreg:$0x3]  }
0x5: {  	s4 =	stileid.u32;
	s5 =	srdreg.scid;
	s19 =	simm.s32 $0x0  }
0x6: {  	s28 =	simm.s32 $0x80;
	s29 =	simm.s32 $0x1;
	s30 =	simm.s32 $0x0  }
0x7: {  	s7 =	smul.u32 $0x2780, s4;
	s10 =	sand.u32 $0x1, s5;
	[smem:$0x7FF] =	sst s19  }
0x8: {  	s5 =	sadd.s32 $0x54000, s0;
	s6 =	sadd.s32 $0x571400, s0;
	s11 =	sadd.s32 $0x62E00, s0  }
0x9: {  	s15 =	sshll.u32 s4, $0x6;
	s23 =	sshll.u32 s4, $0x9;
	s8 =	smul.u32 $0x27800, s10  }
0xa: {  	_ =	strace $0x8000004D;
	[dreg:$0x5] =	wrdreg s11;
	s13 =	smul.u32 $0x139, s10  }
0xb: {  	s24 =	ssub.s32 $0x2, s10;
	s10 =	smul.u32 $0x27200, s10;
	s9 =	sshrl.u32 s7, $0x3  }
0xc: {  	s12 =	sshrl.u32 s24, $0x1;
	s14 =	sadd.s32 s7, s2;
	s9 =	sadd.s32 s9, s0  }
0xd: {  	s8 =	sadd.s32 s7, s8;
	s12 =	ssub.s32 s24, s12;
	s26 =	sadd.s32 s4, s13  }
0xe: {  	s7 =	sadd.s32 s7, s3;
	s31 =	smin.u32 s13, $0x138;
	s11 =	sshrl.u32 s8, $0x3  }
0xf: {  	s25 =	sadd.s32 $0x5DE00, s9;
	s9 =	sor.u32 $0x1C05, s15;
	[dreg:$0x7] =	wrdreg s7  }
0x10: {  	s8 =	sshll.u32 s26, $0x9;
	s16 =	sshll.u32 s26, $0x6;
	s17 =	sshll.u32 s26, $0xA  }
0x11: {  	s7 =	ssub.s32 s31, s26;
	s31 =	smax.u32 s12, $0x1;
	[dreg:$0x6] =	wrdreg s25  }
0x12: {  	s0 =	sadd.s32 s11, s0;
	s18 =	sadd.s32 s5, s16;
	[dreg:$0xf] =	wrdreg s31  }
0x13: {  	s13 =	sadd.s32 $0x2000, s8;
	s20 =	sadd.s32 s6, s17;
	[dreg:$0x8] =	wrdreg s18  }
0x14: {  	s7 =	sadd.s32 $0x148, s7;
	s1 =	sadd.s32 s1, s11;
	[dreg:$0x9] =	wrdreg s20  }
0x15: {  	s25 =	sadd.s32 s23, s10;
	s17 =	sshrl.u32 s14, $0x3;
	[dreg:$0xc] =	wrdreg s1  }
0x16: {  	s21 =	sshrl.u32 s13, $0x3;
	s0 =	sadd.s32 $0x4000, s0;
	[dreg:$0x11] =	wrdreg s17  }
.Ltmp0:
0x17: {  	s26 =	sadd.s32 $0x4000, s25;
	[dreg:$0xd] =	wrdreg s0;
	(pc) =	sbr.rel .LBB2_1-.Ltmp0, $4  }
0x18: {  	s13 =	sshll.u32 s13, $0x1;
	s22 =	sadd.s32 s5, s21;
	[dreg:$0xe] =	wrdreg s26  }
0x19: {  	s23 =	simm.s32 $0x6600;
	s24 =	sadd.s32 s6, s13;
	[dreg:$0xa] =	wrdreg s22  }
0x1a: {  	s15 =	sshrl.u32 s7, $0x4;
	s0 =	sshll.u32 s26, $0x1;
	[dreg:$0xb] =	wrdreg s24  }
0x1b: {  	p0 =	seq.s32 s15, $0x0;
	[dreg:$0x10] =	wrdreg s0;
	s22 =	simm.s32 $0x5  }
.LBB2_3:
0x1c: {  	s18 =	rddreg [dreg:$0xe]  }
0x1d: {  	s12 =	simm.s32 $0x2;
	s0 =	simm.s32 $0x0;
	s20 =	rddreg [dreg:$0x10]  }
.LBB2_8:
0x1e: {  	_ =	swait.ge @p1 [sflag:s29], $0x800  }
0x1f: {  	[sflag:s29] =	ssyncset.done @p1 $0x0  }
0x20: {  	[sflag:s29] =	ssyncadd.s32 @p1 $0xFFFFF800  }
0x21: {  	_ =	swait.ge @p1 [sflag:s29], $0x800  }
0x22: {  	s4 =	smulhi.u32 $0xAAAAAAAB, s12;
	[sflag:s29] =	ssyncset.done @p1 $0x0  }
0x23: {  	s7 =	sadd.s32 s16, s10;
	s8 =	sshra.s32 s14, $0x2;
	[sflag:s29] =	ssyncadd.s32 @p1 $0xFFFFF800  }
0x24: {  	s0 =	sadd.s32 $0x2, s0;
	s4 =	sshrl.u32 s4, $0x1;
	_ =	swait.ge @p1 [sflag:s29], $0x800  }
0x25: {  	s26 =	ssub.s32 $0x6000, s13;
	s10 =	smul.u32 $0xFFFE8000, s4;
	[sflag:s29] =	ssyncset.done @p1 $0x0  }
0x26: {  	s8 =	sadd.s32 s8, s25;
	s11 =	smul.u32 $0xFFFFFFF4, s4;
	[sflag:s29] =	ssyncadd.s32 @p1 $0xFFFFF800  }
0x27: {  	s12 =	sshra.s32 s26, $0x2;
	s4 =	smul.u32 $0xFFFFE800, s4;
	_ =	swait.ge [sflag:s7], $0x200  }
0x28: {  	s11 =	sshra.s32 s11, $0x2;
	p1 =	sge.u32 s0, s15;
	[sflag:s7] =	ssyncset.done $0x0  }
0x29: {  	s11 =	sadd.s32 s11, s24;
	s0 =	sshra.s32 @!p1 s4, $0x2;
	[sflag:s7] =	ssyncadd.s32 $0xFFFFFE00  }
0x2a: {  	s4 =	sshrl.u32 @!p1 s18, $0x3;
	s13 =	simm.s32 @!p1 $0x0;
	_ =	swait.ge [sflag:s7], $0x2000  }
0x2b: {  	s10 =	sshra.s32 @!p1 s10, $0x2;
	s14 =	sand.u32 @!p1 $0x1FFFFC00, s20;
	[sflag:s7] =	ssyncset.done $0x0  }
0x2c: {  	s0 =	sadd.s32 @!p1 s0, s25;
	s4 =	sadd.s32 @!p1 s5, s4;
	[sflag:s7] =	ssyncadd.s32 $0xFFFFE000  }
0x2d: {  	[tilespmem:s0], [sflag:s11] =	stream.linear.gather @!p1 [hbm4b:s4+s13], $0x200, $0x38;
	[tilespmem:$0xBD00] =	vst v63  }
0x2e: {  	s12 =	sadd.s32 s12, s1;
	s1 =	sadd.s32 @!p1 s10, s1;
	s4 =	sadd.s32 @!p1 s6, s14  }
0x2f: {  	[tilespmem:s1], [sflag:s11] =	stream.linear.gather @!p1 [hbm4b:s4+s13], $0x2000, $0x38;
	[tilespmem:$0xBD00] =	vst v63  }
0x30: {  	s16 =	sadd.s32 $0xFFFFFC00, s8;
	s18 =	sadd.s32 $0xFFFFA800, s12  }
0x31: {  	[spmem:s2] =	stream.indirect.scatter.add.f32 [tilespmem:s18], [sflag:$0x1], $0x10, s16, s28, $0xb8;
	[tilespmem:$0xBD00] =	vst v63  }
0x32: {  	_ = 	snop  }
0x33: {  	[spmem:s3] =	stream.indirect.scatter.add.f32 [tilespmem:s23], [sflag:$0x1], $0x10, s16, s28, $0xb8;
	[tilespmem:$0xBD00] =	vst v63  }
0x34: {  	s21 =	sadd.s32 $0xFFFFFC80, s8;
	s20 =	sadd.s32 $0xFFFFB000, s12  }
0x35: {  	[spmem:s2] =	stream.indirect.scatter.add.f32 [tilespmem:s20], [sflag:$0x1], $0x10, s21, s28, $0xb8;
	[tilespmem:$0xBD00] =	vst v63  }
0x36: {  	_ = 	snop  }
0x37: {  	[spmem:s3] =	stream.indirect.scatter.add.f32 [tilespmem:s23], [sflag:$0x1], $0x10, s21, s28, $0xb8;
	[tilespmem:$0xBD00] =	vst v63  }
0x38: {  	s24 =	sadd.s32 $0xFFFFB800, s12;
	s25 =	sadd.s32 $0xFFFFFD00, s8  }
0x39: {  	[spmem:s2] =	stream.indirect.scatter.add.f32 [tilespmem:s24], [sflag:$0x1], $0x10, s25, s28, $0xb8;
	[tilespmem:$0xBD00] =	vst v63  }
0x3a: {  	_ = 	snop  }
0x3b: {  	[spmem:s3] =	stream.indirect.scatter.add.f32 [tilespmem:s23], [sflag:$0x1], $0x10, s25, s28, $0xb8;
	[tilespmem:$0xBD00] =	vst v63  }
0x3c: {  	s26 =	sadd.s32 $0xFFFFFD80, s8;
	s0 =	sadd.s32 $0xFFFFC000, s12  }
0x3d: {  	[spmem:s2] =	stream.indirect.scatter.add.f32 [tilespmem:s0], [sflag:$0x1], $0x10, s26, s28, $0xb8;
	[tilespmem:$0xBD00] =	vst v63  }
0x3e: {  	_ = 	snop  }
0x3f: {  	[spmem:s3] =	stream.indirect.scatter.add.f32 [tilespmem:s23], [sflag:$0x1], $0x10, s26, s28, $0xb8;
	[tilespmem:$0xBD00] =	vst v63  }
0x40: {  	_ =	swait.ge [sflag:s29], $0x800  }
0x41: {  	[sflag:s29] =	ssyncset.done $0x0  }
0x42: {  	[sflag:s29] =	ssyncadd.s32 $0xFFFFF800  }
0x43: {  	_ =	swait.ge [sflag:s29], $0x800  }
0x44: {  	[sflag:s29] =	ssyncset.done $0x0  }
0x45: {  	[sflag:s29] =	ssyncadd.s32 $0xFFFFF800  }
0x46: {  	_ =	swait.ge [sflag:s29], $0x800  }
0x47: {  	[sflag:s29] =	ssyncset.done $0x0  }
0x48: {  	[sflag:s29] =	ssyncadd.s32 $0xFFFFF800  }
0x49: {  	_ =	swait.ge [sflag:s29], $0x800  }
0x4a: {  	[sflag:s29] =	ssyncset.done $0x0  }
0x4b: {  	[sflag:s29] =	ssyncadd.s32 $0xFFFFF800  }
0x4c: {  	_ =	swait.ge [sflag:s29], $0x800  }
0x4d: {  	[sflag:s29] =	ssyncset.done $0x0  }
0x4e: {  	[sflag:s29] =	ssyncadd.s32 $0xFFFFF800  }
0x4f: {  	_ =	swait.ge [sflag:s29], $0x800  }
0x50: {  	[sflag:s29] =	ssyncset.done $0x0  }
0x51: {  	[sflag:s29] =	ssyncadd.s32 $0xFFFFF800  }
0x52: {  	_ =	swait.ge [sflag:s29], $0x800  }
0x53: {  	[sflag:s29] =	ssyncset.done $0x0  }
0x54: {  	[sflag:s29] =	ssyncadd.s32 $0xFFFFF800  }
0x55: {  	_ =	swait.ge [sflag:s29], $0x800  }
0x56: {  	[sflag:s29] =	ssyncset.done $0x0  }
0x57: {  	[sflag:s29] =	ssyncadd.s32 $0xFFFFF800  }
.LBB2_9:
0x58: {  	[bflag:$0x0] =	sbarrier.arrive $0xFFFF  }
0x59: {  	s0 =	rddreg [dreg:$0xc]  }
0x5a: {  	[hbm:s0], [sflag:s9] =	dma.local [spmem:s17], $0x4F0  }
0x5b: {  	_ =	swait.ge [sflag:s22], $0x4F0  }
0x5c: {  	[sflag:s22] =	ssyncset.done $0x0  }
0x5d: {  	s26 =	rddreg [dreg:$0xd];
	[sflag:s22] =	ssyncadd.s32 $0xFFFFFB10  }
0x5e: {  	[hbm:s26], [sflag:s9] =	dma.local [spmem:s31], $0x4F0  }
0x5f: {  	_ =	swait.ge [sflag:s22], $0x4F0  }
0x60: {  	s30 =	sadd.s32 $0x1, s30;
	s31 =	rddreg [dreg:$0xf]  }
0x61: {  	p1 =	sne.s32 s30, s31  }
.Ltmp1:
0x62: {  	_ = 	snop;
	(pc) =	sbr.rel @!p1 .LBB2_10-.Ltmp1, $3  }
0x63: {  	_ =	sdelay $0x1  }
0x64: {  	[sflag:s22] =	ssyncset.done $0x0  }
0x65: {  	[sflag:s22] =	ssyncadd.s32 $0xFFFFFB10  }
.LBB2_1:
0x66: {  	s0 =	rddreg [dreg:$0x6]  }
0x67: {  	[spmem:s17], [sflag:s9] =	dma.local [hbm:s0], $0x4F0  }
0x68: {  	_ =	swait.ge [sflag:s22], $0x4F0  }
0x69: {  	[sflag:s22] =	ssyncset.done $0x0;
	s1 =	rddreg [dreg:$0x7]  }
0x6a: {  	[sflag:s22] =	ssyncadd.s32 $0xFFFFFB10;
	s31 =	sshrl.u32 s1, $0x3  }
0x6b: {  	[spmem:s31], [sflag:s9] =	dma.local [hbm:s0], $0x4F0  }
0x6c: {  	_ =	swait.ge [sflag:s22], $0x4F0  }
0x6d: {  	[sflag:s22] =	ssyncset.done $0x0  }
0x6e: {  	s14 =	rddreg [dreg:$0x5];
	[sflag:s22] =	ssyncadd.s32 $0xFFFFFB10  }
0x6f: {  	[tilespmem:s23], [sflag:$0x5] =	stream.linear.gather [hbm4b:s14+s19], $0x800, $0x38;
	[tilespmem:$0xBD00] =	vst v63  }
0x70: {  	_ =	swait.ge [sflag:s22], $0x800  }
0x71: {  	[sflag:s22] =	ssyncset.done $0x0  }
0x72: {  	s16 =	rddreg [dreg:$0x8];
	[sflag:s22] =	ssyncadd.s32 $0xFFFFF800  }
0x73: {  	[tilespmem:s19], [sflag:$0x2] =	stream.linear.gather [hbm4b:s16+s19], $0x200, $0x38;
	[tilespmem:$0xBD00] =	vst v63  }
0x74: {  	s20 =	simm.s32 $0x600;
	s18 =	rddreg [dreg:$0x9]  }
0x75: {  	[tilespmem:s20], [sflag:$0x2] =	stream.linear.gather [hbm4b:s18+s19], $0x2000, $0x38;
	[tilespmem:$0xBD00] =	vst v63  }
0x76: {  	s24 =	simm.s32 $0x200;
	s21 =	rddreg [dreg:$0xa]  }
0x77: {  	[tilespmem:s24], [sflag:$0x3] =	stream.linear.gather [hbm4b:s21+s19], $0x200, $0x38;
	[tilespmem:$0xBD00] =	vst v63  }
.Ltmp2:
0x78: {  	_ = 	snop;
	(pc) =	sbr.rel @p0 .LBB2_9-.Ltmp2, $3  }
0x79: {  	s26 =	simm.s32 $0x2600;
	s25 =	rddreg [dreg:$0xb]  }
0x7a: {  	[tilespmem:s26], [sflag:$0x3] =	stream.linear.gather [hbm4b:s25+s19], $0x2000, $0x38;
	[tilespmem:$0xBD00] =	vst v63  }
0x7b: {  	[bflag:$0x0] =	sbarrier.arrive $0xFFFF;
	_ =	sdelay $0x1  }
0x7c: {  	s0 =	smulhi.u32 $0xAAAAAAAB, s19;
	p2 =	sne.s32 s15, $0x1  }
.Ltmp3:
0x7d: {  	_ = 	snop;
	(pc) =	sbr.rel @!p2 .LBB2_3-.Ltmp3, $4  }
0x7e: {  	s24 =	simm.s32 $0x4;
	s11 =	sshrl.u32 s0, $0x1  }
0x7f: {  	s10 =	simm.s32 $0x2;
	s25 =	simm.s32 $0x400;
	s12 =	smul.u32 $0xFFFFFFF4, s11  }
0x80: {  	s1 =	simm.s32 $0x4600;
	p1 =	por $0x0, $0x0;
	s13 =	smul.u32 $0x18000, s11  }
0x81: {  	s0 =	simm.s32 $0x1;
	s14 =	smul.u32 $0xFFFFE800, s11;
	s16 =	sshra.s32 s12, $0x2  }
0x82: {  	s1 =	smulhi.u32 $0xAAAAAAAB, s10  }
0x83: {  	s24 =	sadd.s32 $0x2, s16;
	s13 =	ssub.s32 $0x6000, s13;
	p1 =	sle.u32 s15, $0x2  }
0x84: {  	s11 =	sshra.s32 s14, $0x2;
	_ =	swait.ge [sflag:s24], $0x200;
	s1 =	sshrl.u32 s1, $0x1  }
0x85: {  	s13 =	sshra.s32 s13, $0x2;
	s18 =	simm.s32 @!p1 $0x0;
	s10 =	smul.u32 $0xFFFE8000, s1  }
0x86: {  	[sflag:s24] =	ssyncset.done $0x0;
	s4 =	rddreg [dreg:$0xe];
	s12 =	smul.u32 $0xFFFFFFF4, s1  }
0x87: {  	s1 =	smul.u32 $0xFFFFE800, s1;
	s16 =	sshrl.u32 @!p1 s4, $0x3;
	[sflag:s24] =	ssyncadd.s32 $0xFFFFFE00  }
0x88: {  	s11 =	sadd.s32 $0x400, s11;
	s16 =	sadd.s32 @!p1 s5, s16;
	_ =	swait.ge [sflag:s24], $0x2000  }
0x89: {  	s12 =	sshra.s32 s12, $0x2;
	s1 =	sshra.s32 @!p1 s1, $0x2;
	[sflag:s24] =	ssyncset.done $0x0  }
0x8a: {  	s10 =	sshra.s32 @!p1 s10, $0x2;
	s7 =	rddreg [dreg:$0x10];
	s1 =	sadd.s32 @!p1 $0x400, s1  }
0x8b: {  	s12 =	sadd.s32 $0x4, s12;
	s20 =	sand.u32 @!p1 $0x1FFFFC00, s7;
	[sflag:s24] =	ssyncadd.s32 $0xFFFFE000  }
0x8c: {  	[tilespmem:s1], [sflag:s12] =	stream.linear.gather @!p1 [hbm4b:s16+s18], $0x200, $0x38;
	[tilespmem:$0xBD00] =	vst v63  }
0x8d: {  	s25 =	sadd.s32 $0x4600, s13;
	s10 =	sadd.s32 @!p1 $0x4600, s10;
	s13 =	sadd.s32 @!p1 s6, s20  }
0x8e: {  	[tilespmem:s10], [sflag:s12] =	stream.linear.gather @!p1 [hbm4b:s13+s18], $0x2000, $0x38;
	[tilespmem:$0xBD00] =	vst v63  }
0x8f: {  	s26 =	sadd.s32 $0xFFFFFC00, s11;
	s8 =	sadd.s32 $0xFFFFA800, s25  }
0x90: {  	[spmem:s2] =	stream.indirect.scatter.add.f32 [tilespmem:s8], [sflag:$0x1], $0x10, s26, s28, $0xb8;
	[tilespmem:$0xBD00] =	vst v63  }
0x91: {  	_ = 	snop  }
0x92: {  	[spmem:s3] =	stream.indirect.scatter.add.f32 [tilespmem:s23], [sflag:$0x1], $0x10, s26, s28, $0xb8;
	[tilespmem:$0xBD00] =	vst v63  }
0x93: {  	s14 =	sadd.s32 $0xFFFFFC80, s11;
	s13 =	sadd.s32 $0xFFFFB000, s25  }
0x94: {  	[spmem:s2] =	stream.indirect.scatter.add.f32 [tilespmem:s13], [sflag:$0x1], $0x10, s14, s28, $0xb8;
	[tilespmem:$0xBD00] =	vst v63  }
0x95: {  	_ = 	snop  }
0x96: {  	[spmem:s3] =	stream.indirect.scatter.add.f32 [tilespmem:s23], [sflag:$0x1], $0x10, s14, s28, $0xb8;
	[tilespmem:$0xBD00] =	vst v63  }
0x97: {  	s17 =	sadd.s32 $0xFFFFFD00, s11;
	s16 =	sadd.s32 $0xFFFFB800, s25  }
0x98: {  	[spmem:s2] =	stream.indirect.scatter.add.f32 [tilespmem:s16], [sflag:$0x1], $0x10, s17, s28, $0xb8;
	[tilespmem:$0xBD00] =	vst v63  }
0x99: {  	_ = 	snop  }
0x9a: {  	[spmem:s3] =	stream.indirect.scatter.add.f32 [tilespmem:s23], [sflag:$0x1], $0x10, s17, s28, $0xb8;
	[tilespmem:$0xBD00] =	vst v63  }
0x9b: {  	s1 =	sadd.s32 $0xFFFFC000, s25;
	s18 =	sadd.s32 $0xFFFFFD80, s11  }
0x9c: {  	[spmem:s2] =	stream.indirect.scatter.add.f32 [tilespmem:s1], [sflag:$0x1], $0x10, s18, s28, $0xb8;
	[tilespmem:$0xBD00] =	vst v63  }
0x9d: {  	_ = 	snop  }
0x9e: {  	[spmem:s3] =	stream.indirect.scatter.add.f32 [tilespmem:s23], [sflag:$0x1], $0x10, s18, s28, $0xb8;
	[tilespmem:$0xBD00] =	vst v63  }
0x9f: {  	_ =	swait.ge [sflag:s29], $0x800  }
0xa0: {  	[sflag:s29] =	ssyncset.done $0x0  }
0xa1: {  	[sflag:s29] =	ssyncadd.s32 $0xFFFFF800  }
0xa2: {  	_ =	swait.ge [sflag:s29], $0x800  }
0xa3: {  	[sflag:s29] =	ssyncset.done $0x0  }
0xa4: {  	s19 =	smulhi.u32 $0xAAAAAAAB, s0;
	[sflag:s29] =	ssyncadd.s32 $0xFFFFF800  }
0xa5: {  	_ =	swait.ge [sflag:s29], $0x800  }
0xa6: {  	p2 =	sne.s32 s15, $0x2;
	s21 =	sshrl.u32 s19, $0x1;
	[sflag:s29] =	ssyncset.done $0x0  }
0xa7: {  	s24 =	simm.s32 $0x5;
	s20 =	sadd.s32 $0x4000, s7;
	[sflag:s29] =	ssyncadd.s32 $0xFFFFF800  }
0xa8: {  	s11 =	simm.s32 $0x2;
	s25 =	simm.s32 $0x600;
	_ =	swait.ge [sflag:s29], $0x800  }
.Ltmp4:
0xa9: {  	s10 =	simm.s32 $0x3;
	[sflag:s29] =	ssyncset.done $0x0;
	(pc) =	sbr.rel @!p2 .LBB2_5-.Ltmp4, $4  }
0xaa: {  	s12 =	simm.s32 $0x3;
	s26 =	smul.u32 $0xFFFFFFF4, s21;
	[sflag:s29] =	ssyncadd.s32 $0xFFFFF800  }
0xab: {  	p1 =	por $0x1, $0x1;
	s13 =	smul.u32 $0x18000, s21;
	_ =	swait.ge [sflag:s29], $0x800  }
0xac: {  	s14 =	smul.u32 $0xFFFFE800, s21;
	s16 =	sshra.s32 s26, $0x2;
	[sflag:s29] =	ssyncset.done $0x0  }
0xad: {  	s1 =	simm.s32 $0x6600;
	s18 =	sadd.s32 $0x2000, s4;
	[sflag:s29] =	ssyncadd.s32 $0xFFFFF800  }
.LBB2_6:
0xae: {  	s16 =	sadd.s32 s16, s10  }
0xaf: {  	_ =	swait.ge [sflag:s29], $0x800;
	s17 =	smov.u32 s11;
	s11 =	sadd.s32 $0x1, s11  }
0xb0: {  	s19 =	smulhi.u32 $0xAAAAAAAB, s12;
	s14 =	sshra.s32 s14, $0x2;
	[sflag:s29] =	ssyncset.done $0x0  }
0xb1: {  	p2 =	sne.s32 s15, s11;
	s14 =	sadd.s32 s14, s25;
	[sflag:s29] =	ssyncadd.s32 $0xFFFFF800  }
0xb2: {  	s19 =	sshrl.u32 s19, $0x1;
	_ =	swait.ge [sflag:s29], $0x800  }
0xb3: {  	s26 =	smul.u32 $0xFFFE8000, s19;
	[sflag:s29] =	ssyncset.done $0x0  }
0xb4: {  	s0 =	sadd.s32 $0x2, s0;
	s7 =	smul.u32 $0xFFFFFFF4, s19;
	[sflag:s29] =	ssyncadd.s32 $0xFFFFF800  }
0xb5: {  	s13 =	ssub.s32 $0x6000, s13;
	s19 =	smul.u32 $0xFFFFE800, s19;
	_ =	swait.ge [sflag:s29], $0x800  }
0xb6: {  	s13 =	sshra.s32 s13, $0x2;
	s7 =	sshra.s32 s7, $0x2;
	[sflag:s29] =	ssyncset.done $0x0  }
0xb7: {  	p3 =	sge.u32 s0, s15;
	s0 =	smov.u32 s17;
	[sflag:s29] =	ssyncadd.s32 $0xFFFFF800  }
0xb8: {  	s13 =	sadd.s32 s13, s1;
	s17 =	sadd.s32 $0xFFFFFC00, s14;
	_ =	swait.ge [sflag:s16], $0x200  }
0xb9: {  	s8 =	sshrl.u32 @!p3 s18, $0x3;
	s19 =	sshra.s32 @!p3 s19, $0x2;
	[sflag:s16] =	ssyncset.done $0x0  }
0xba: {  	s8 =	sadd.s32 @!p3 s5, s8;
	s19 =	sadd.s32 @!p3 s19, s25;
	[sflag:s16] =	ssyncadd.s32 $0xFFFFFE00  }
0xbb: {  	s21 =	simm.s32 @!p3 $0x0;
	s7 =	sadd.s32 s7, s24;
	_ =	swait.ge [sflag:s16], $0x2000  }
0xbc: {  	s4 =	sand.u32 @!p3 $0x1FFFFC00, s20;
	s26 =	sshra.s32 @!p3 s26, $0x2;
	[sflag:s16] =	ssyncset.done $0x0  }
0xbd: {  	s4 =	sadd.s32 @!p3 s6, s4;
	[sflag:s16] =	ssyncadd.s32 $0xFFFFE000;
	s16 =	sadd.s32 @!p3 s26, s1  }
0xbe: {  	[tilespmem:s19], [sflag:s7] =	stream.linear.gather @!p3 [hbm4b:s8+s21], $0x200, $0x38;
	[tilespmem:$0xBD00] =	vst v63  }
0xbf: {  	s8 =	sadd.s32 $0xFFFFA800, s13  }
0xc0: {  	[tilespmem:s16], [sflag:s7] =	stream.linear.gather @!p3 [hbm4b:s4+s21], $0x2000, $0x38;
	[tilespmem:$0xBD00] =	vst v63  }
0xc1: {  	_ = 	snop  }
0xc2: {  	[spmem:s2] =	stream.indirect.scatter.add.f32 [tilespmem:s8], [sflag:$0x1], $0x10, s17, s28, $0xb8;
	[tilespmem:$0xBD00] =	vst v63  }
0xc3: {  	s4 =	sadd.s32 $0xFFFFB000, s13;
	s7 =	sadd.s32 $0xFFFFFC80, s14  }
0xc4: {  	[spmem:s3] =	stream.indirect.scatter.add.f32 [tilespmem:s23], [sflag:$0x1], $0x10, s17, s28, $0xb8;
	[tilespmem:$0xBD00] =	vst v63  }
0xc5: {  	_ = 	snop  }
0xc6: {  	[spmem:s2] =	stream.indirect.scatter.add.f32 [tilespmem:s4], [sflag:$0x1], $0x10, s7, s28, $0xb8;
	[tilespmem:$0xBD00] =	vst v63  }
0xc7: {  	s8 =	sadd.s32 $0xFFFFFD00, s14;
	s4 =	sadd.s32 $0xFFFFB800, s13  }
0xc8: {  	[spmem:s3] =	stream.indirect.scatter.add.f32 [tilespmem:s23], [sflag:$0x1], $0x10, s7, s28, $0xb8;
	[tilespmem:$0xBD00] =	vst v63  }
0xc9: {  	_ = 	snop  }
0xca: {  	[spmem:s2] =	stream.indirect.scatter.add.f32 [tilespmem:s4], [sflag:$0x1], $0x10, s8, s28, $0xb8;
	[tilespmem:$0xBD00] =	vst v63  }
0xcb: {  	s7 =	sadd.s32 $0xFFFFFD80, s14;
	s4 =	sadd.s32 $0xFFFFC000, s13  }
0xcc: {  	[spmem:s3] =	stream.indirect.scatter.add.f32 [tilespmem:s23], [sflag:$0x1], $0x10, s8, s28, $0xb8;
	[tilespmem:$0xBD00] =	vst v63  }
0xcd: {  	_ = 	snop  }
0xce: {  	[spmem:s2] =	stream.indirect.scatter.add.f32 [tilespmem:s4], [sflag:$0x1], $0x10, s7, s28, $0xb8;
	[tilespmem:$0xBD00] =	vst v63  }
0xcf: {  	_ = 	snop  }
0xd0: {  	[spmem:s3] =	stream.indirect.scatter.add.f32 [tilespmem:s23], [sflag:$0x1], $0x10, s7, s28, $0xb8;
	[tilespmem:$0xBD00] =	vst v63  }
0xd1: {  	_ =	swait.ge [sflag:s29], $0x800  }
0xd2: {  	[sflag:s29] =	ssyncset.done $0x0  }
0xd3: {  	[sflag:s29] =	ssyncadd.s32 $0xFFFFF800  }
0xd4: {  	_ =	swait.ge [sflag:s29], $0x800  }
0xd5: {  	[sflag:s29] =	ssyncset.done $0x0  }
0xd6: {  	[sflag:s29] =	ssyncadd.s32 $0xFFFFF800  }
0xd7: {  	_ =	swait.ge [sflag:s29], $0x800  }
0xd8: {  	[sflag:s29] =	ssyncset.done $0x0  }
0xd9: {  	s20 =	sadd.s32 $0x4000, s20;
	s18 =	sadd.s32 $0x2000, s18;
	[sflag:s29] =	ssyncadd.s32 $0xFFFFF800  }
0xda: {  	s1 =	sadd.s32 $0x2000, s1;
	s4 =	smulhi.u32 $0xAAAAAAAB, s0;
	_ =	swait.ge [sflag:s29], $0x800  }
.Ltmp5:
0xdb: {  	s25 =	sadd.s32 $0x200, s25;
	[sflag:s29] =	ssyncset.done $0x0;
	(pc) =	sbr.rel @p2 .LBB2_6-.Ltmp5, $4  }
0xdc: {  	s24 =	sadd.s32 $0x1, s24;
	s4 =	sshrl.u32 s4, $0x1;
	[sflag:s29] =	ssyncadd.s32 $0xFFFFF800  }
0xdd: {  	s10 =	sadd.s32 $0x1, s10;
	s7 =	smul.u32 $0xFFFFFFF4, s4;
	_ =	swait.ge [sflag:s29], $0x800  }
0xde: {  	s12 =	sadd.s32 $0x1, s12;
	s13 =	smul.u32 $0x18000, s4;
	[sflag:s29] =	ssyncset.done $0x0  }
0xdf: {  	s14 =	smul.u32 $0xFFFFE800, s4;
	s16 =	sshra.s32 s7, $0x2;
	[sflag:s29] =	ssyncadd.s32 $0xFFFFF800  }
.Ltmp6:
0xe0: {  	(pc) =	sbr.rel .LBB2_8-.Ltmp6, $2  }
0xe1: {  	_ =	sdelay $0x2  }
0xe2: {  	s19 =	simm.s32 $0x0;
	s17 =	rddreg [dreg:$0x11]  }
.LBB2_5:
.Ltmp7:
0xe3: {  	(pc) =	sbr.rel .LBB2_8-.Ltmp7, $2  }
0xe4: {  	_ =	sdelay $0x2  }
0xe5: {  	s19 =	simm.s32 $0x0;
	s17 =	rddreg [dreg:$0x11]  }
.LBB2_10:
0xe6: {  	_ =	sfence.sel $0x180000  }
0xe7: {  	[bflag:$0x0] =	sbarrier.arrive $0xFFFF  }
0xe8: {  	_ =	strace $0x9000004D  }
0xe9: {  	s0 =	stileid.u32;
	[bflag:$0x2] =	sbarrier.arrive $0xFFFF  }
0xea: {  	p0 =	sne.s32 s0, $0x0;
	s0 =	rddreg [dreg:$0x4]  }
0xeb: {  	s0 =	sadd.s32 @!p0 $0x100000, s0  }
0xec: {  	[sflag:s0] =	ssyncadd.tile.s32 @!p0 $0x1;
	_ =	shalt  }
.Lfunc_end2:
_tile_overlayer_lowered:
.L_overlay_start_2:
0xed: {  	(tag) =	ssettag $0x2  }
0xee: {  	s0 =	rddreg [dreg:$0x0];
	s2 =	stileid.u32  }
0xef: {  	s1 =	rddreg [dreg:$0x1];
	p0 =	sne.s32 s2, $0x0  }
0xf0: {  	s3 =	rddreg [dreg:$0x2];
	[bflag:$0x3] =	sbarrier.arrive $0xFFFF;
	s2 =	simm.s32 @!p0 $0x1C05  }
0xf1: {  	[timem:s3], [sflag:s2] =	dma.local @!p0 [hbm:s0], s1  }
0xf2: {  	s0 =	simm.s32 @!p0 $0x5  }
0xf3: {  	_ =	swait.ge @!p0 [sflag:s0], s1  }
0xf4: {  	s1 =	ssub.s32 @!p0 $0x0, s1;
	[sflag:s0] =	ssyncset.done @!p0 $0x0  }
0xf5: {  	[sflag:s0] =	ssyncadd.s32 @!p0 s1  }
0xf6: {  	[bflag:$0x3] =	sbarrier.arrive $0xFFFF  }
0xf7: {  	_ =	shalt  }

// kernel: kernel.6.cloned.1.call-start
scs
__scs_entry_jumppad:
0x0: {  	(pc) =	sbr.rel $0x88, $3  }
0x1: {  	(tag) =	ssettag $0x0;
	lr =	simm.s32 $0x1  }
0x2: {  	[smem:$0x3F97] =	sst lr;
	_ =	strace $0xD0000000  }
0x3: {  	_ = 	snop  }
0x4: {  	_ = 	snop  }
0x5: {  	_ = 	snop  }
0x6: {  	_ = 	snop  }
0x7: {  	_ = 	snop  }
__scs_overlays_trampoline_lowered:
0x8: {  	[smem:$0x3FA6] =	sst s0  }
0x9: {  	[smem:$0x3FA7] =	sst s1  }
0xa: {  	[smem:$0x3FA8] =	sst s2  }
0xb: {  	[smem:$0x3FA9] =	sst s3  }
0xc: {  	[smem:$0x3FAA] =	sst s4  }
0xd: {  	[smem:$0x3FAB] =	sst s5  }
0xe: {  	[smem:$0x3FAC] =	sst s6  }
0xf: {  	[smem:$0x3FAD] =	sst s7  }
0x10: {  	[smem:$0x3FAE] =	sst s8  }
0x11: {  	[smem:$0x3FAF] =	sst s9;
	s0 =	simm.s32 @!p0 $0x0  }
0x12: {  	s1 =	sld [smem:$0x3F95];
	s0 =	simm.s32 @p0 $0x1  }
0x13: {  	[smem:$0x3FB0] =	sst s0;
	s0 =	simm.s32 @!p1 $0x0  }
0x14: {  	s2 =	sld [smem:$0x3F94];
	s0 =	simm.s32 @p1 $0x1  }
0x15: {  	[smem:$0x3FB1] =	sst s0;
	s0 =	simm.s32 @!p2 $0x0  }
0x16: {  	s3 =	sld [smem:$0x3FDB];
	s0 =	simm.s32 @p2 $0x1  }
0x17: {  	s4 =	simm.s32 $0x1BF5;
	[smem:$0x3FB3] =	sst s0  }
0x18: {  	s0 =	sld [smem:$0x3F96];
	_ =	swait.ge [sflag:s4], $0x0  }
0x19: {  	s7 =	sld [smem:$0x3F97]  }
0x1a: {  	s8 =	sadd.s32 $0xFFFFE003, lr  }
0x1b: {  	s9 =	sadd.s32 $0xFFFFFEF7, lr;
	s5 =	simm.s32 $0xFFFFFFFF;
	p2 =	slt.u32 s8, $0xFFFFF086  }
0x1c: {  	p1 =	slt.u32 s9, $0xF7A;
	s5 =	simm.s32 @!p2 $0x0  }
0x1d: {  	s5 =	simm.s32 @p1 $0x1;
	p0 =	seq.s32 s7, s2  }
0x1e: {  	s7 =	smul.u32 @!p0 $0xF7A, s2;
	p2 =	seq.s32 @!p0 s5, $0x0  }
0x1f: {  	s9 =	smul.u32 $0xF7A, s1;
	s8 =	simm.s32 @!p0 $0x1BF5;
	p2 =	por !p2, p0  }
0x20: {  	[sflag:s8] =	ssyncset.s32 @!p0 $0xFFFFF086;
	s6 =	sadd.s32 @!p0 s3, s7;
	s7 =	simm.s32 @!p0 $0x108  }
0x21: {  	s3 =	sadd.s32 s3, s9;
	s6 =	sadd.s32 @!p0 $0x88, s6;
	s7 =	simm.s32 @p2 $0x1082  }
0x22: {  	[simem:s7], [sflag:s8] =	dma.local @!p0 [hbm:s6], $0xF7A  }
0x23: {  	s9 =	sor.u32 $0xD0000000, s2;
	s6 =	simm.s32 $0x108;
	_ =	swait.ge @!p0 [sflag:s8], $0x0  }
0x24: {  	s3 =	sadd.s32 $0x88, s3;
	s6 =	simm.s32 @!p1 $0x1082;
	[sflag:s4] =	ssyncset.s32 $0xFFFFF086  }
0x25: {  	[simem:s6], [sflag:s4] =	dma.local [hbm:s3], $0xF7A  }
0x26: {  	[smem:$0x3F97] =	sst s1;
	(tag) =	ssettag s2;
	_ =	strace s9  }
0x27: {  	s1 =	sld [smem:$0x3FA7]  }
0x28: {  	s2 =	sld [smem:$0x3FA8]  }
0x29: {  	s4 =	sld [smem:$0x3FAA]  }
0x2a: {  	p0 =	seq.s32 s5, $0x0;
	s5 =	sld [smem:$0x3FAB]  }
0x2b: {  	s6 =	sld [smem:$0x3FAC]  }
0x2c: {  	s7 =	sld [smem:$0x3FAD]  }
0x2d: {  	s3 =	simm.s32 $0x108;
	s8 =	sld [smem:$0x3FAE]  }
0x2e: {  	s3 =	simm.s32 @!p0 $0x1082;
	s9 =	sld [smem:$0x3FAF]  }
0x2f: {  	lr =	sadd.s32 s0, s3;
	s0 =	sld [smem:$0x3FA6]  }
0x30: {  	s3 =	sld [smem:$0x3FA9]  }
0x31: {  	[smem:$0x3FB2] =	sst s10  }
0x32: {  	s10 =	sld [smem:$0x3FB0];
	_ =	sdelay $0x3  }
0x33: {  	p0 =	seq.s32 s10, $0x1;
	s10 =	sld [smem:$0x3FB2];
	_ =	sdelay $0x3  }
0x34: {  	[smem:$0x3FB2] =	sst s10  }
0x35: {  	s10 =	sld [smem:$0x3FB1];
	_ =	sdelay $0x3  }
0x36: {  	p1 =	seq.s32 s10, $0x1;
	s10 =	sld [smem:$0x3FB2];
	_ =	sdelay $0x3  }
0x37: {  	[smem:$0x3FB2] =	sst s10  }
0x38: {  	s10 =	sld [smem:$0x3FB3]  }
0x39: {  	_ = 	snop;
	(pc) =	sbr.ind lr, $3  }
0x3a: {  	_ = 	snop  }
0x3b: {  	_ = 	snop  }
0x3c: {  	p2 =	seq.s32 s10, $0x1;
	s10 =	sld [smem:$0x3FB2]  }
0x3d: {  	_ =	shalt  }
0x3e: {  	_ =	shalt  }
0x3f: {  	_ =	shalt  }
0x40: {  	_ =	shalt  }
0x41: {  	_ =	shalt  }
0x42: {  	_ =	shalt  }
0x43: {  	_ =	shalt  }
0x44: {  	_ =	shalt  }
0x45: {  	_ =	shalt  }
0x46: {  	_ =	shalt  }
0x47: {  	_ =	shalt  }
0x48: {  	_ =	shalt  }
0x49: {  	_ =	shalt  }
0x4a: {  	_ =	shalt  }
0x4b: {  	_ =	shalt  }
0x4c: {  	_ =	shalt  }
0x4d: {  	_ =	shalt  }
0x4e: {  	_ =	shalt  }
0x4f: {  	_ =	shalt  }
0x50: {  	_ =	shalt  }
0x51: {  	_ =	shalt  }
0x52: {  	_ =	shalt  }
0x53: {  	_ =	shalt  }
0x54: {  	_ =	shalt  }
0x55: {  	_ =	shalt  }
0x56: {  	_ =	shalt  }
0x57: {  	_ =	shalt  }
0x58: {  	_ =	shalt  }
0x59: {  	_ =	shalt  }
0x5a: {  	_ =	shalt  }
0x5b: {  	_ =	shalt  }
0x5c: {  	_ =	shalt  }
0x5d: {  	_ =	shalt  }
0x5e: {  	_ =	shalt  }
0x5f: {  	_ =	shalt  }
0x60: {  	_ =	shalt  }
0x61: {  	_ =	shalt  }
0x62: {  	_ =	shalt  }
0x63: {  	_ =	shalt  }
0x64: {  	_ =	shalt  }
0x65: {  	_ =	shalt  }
0x66: {  	_ =	shalt  }
0x67: {  	_ =	shalt  }
0x68: {  	_ =	shalt  }
0x69: {  	_ =	shalt  }
0x6a: {  	_ =	shalt  }
0x6b: {  	_ =	shalt  }
0x6c: {  	_ =	shalt  }
0x6d: {  	_ =	shalt  }
0x6e: {  	_ =	shalt  }
0x6f: {  	_ =	shalt  }
0x70: {  	_ =	shalt  }
0x71: {  	_ =	shalt  }
0x72: {  	_ =	shalt  }
0x73: {  	_ =	shalt  }
0x74: {  	_ =	shalt  }
0x75: {  	_ =	shalt  }
0x76: {  	_ =	shalt  }
0x77: {  	_ =	shalt  }
0x78: {  	_ =	shalt  }
0x79: {  	_ =	shalt  }
0x7a: {  	_ =	shalt  }
0x7b: {  	_ =	shalt  }
0x7c: {  	_ =	shalt  }
0x7d: {  	_ =	shalt  }
0x7e: {  	_ =	shalt  }
0x7f: {  	_ =	shalt  }
0x80: {  	_ =	shalt  }
0x81: {  	_ =	shalt  }
0x82: {  	_ =	shalt  }
0x83: {  	_ =	shalt  }
0x84: {  	_ =	shalt  }
0x85: {  	_ =	shalt  }
0x86: {  	_ =	shalt  }
0x87: {  	_ =	shalt  }
.Lfunc_end0:
.L_simem_size_0:
called_computation_lowered:
.L_overlay_start_0:
0x88: {  	s2 =	sld [smem:$0x3FD9]  }
0x89: {  	s3 =	sld [smem:$0x3FFE];
	_ =	sdelay $0x1  }
0x8a: {  	s1 =	srdreg.scid  }
0x8b: {  	s0 =	sand.u32 $0x1, s1  }
0x8c: {  	s17 =	sshll.u32 s0, $0xA;
	s2 =	sadd.s32 s3, s2  }
0x8d: {  	s2 =	sadd.s32 s2, s17  }
0x8e: {  	[smem:$0x3FBE] =	sst s2  }
0x8f: {  	_ = 	snop  }
0x90: {  	s2 =	sld [smem:$0x3FC9]  }
0x91: {  	s18 =	sld [smem:$0x3FD0];
	(tm) =	ssettm $0x1  }
0x92: {  	s4 =	sld [smem:$0x3FFB];
	_ =	sdelay $0x3  }
0x93: {  	_ =	strace s4  }
0x94: {  	s4 =	sld [smem:$0x3FFC];
	_ =	sdelay $0x3  }
0x95: {  	_ =	strace s4  }
0x96: {  	s4 =	sld [smem:$0x3FFD];
	_ =	sdelay $0x3  }
0x97: {  	_ =	strace s4  }
0x98: {  	_ =	strace $0x8FFFFFFF  }
0x99: {  	s19 =	sld [smem:$0x3FDB];
	_ =	sdelay $0x1  }
0x9a: {  	s5 =	simm.s32 $_scs_section_size  }
0x9b: {  	s6 =	simm.s32 $_size__tile_overlayer_lowered;
	s7 =	simm.s32 $_tile_overlayer_lowered  }
0x9c: {  	s22 =	simm.s32 $0x1BFF;
	s21 =	sshll.u32 s7, $0x1;
	s4 =	sadd.s32 s5, s19  }
0x9d: {  	s8 =	simm.s32 $0x0;
	s20 =	sshll.u32 s6, $0x1;
	s6 =	sadd.s32 s21, s4  }
0x9e: {  	[timem:s8], [sflag:s22] =	dma.local [hbm:s6], s20  }
0x9f: {  	_ =	swait.ge [sflag:s22], s20  }
0xa0: {  	s5 =	ssub.s32 $0x0, s20;
	[sflag:s22] =	ssyncset.done $0x0  }
0xa1: {  	[sflag:s22] =	ssyncadd.s32 s5;
	_ =	sdelay $0x1  }
0xa2: {  	s23 =	simm.s32 $0x1B8B  }
0xa3: {  	_ =	swait.ge [sflag:s23], $0x1  }
0xa4: {  	[sflag:s23] =	ssyncset.done $0x0  }
0xa5: {  	s25 =	simm.s32 $0x1B8E;
	s24 =	sld [smem:$0x3FFE];
	[sflag:s23] =	ssyncadd.s32 $0xFFFFFFFF  }
0xa6: {  	s26 =	simm.s32 $execute0_lowered;
	[smem:$0x3FD2] =	sst s25  }
0xa7: {  	s6 =	sshll.u32 s26, $0x1;
	_ =	strace $0x80000046;
	[dreg:$0x1] =	wrdreg $0xFFFFFFFF  }
0xa8: {  	s28 =	simm.s32 $_size_execute0_lowered;
	s4 =	sadd.s32 s4, s6;
	[dreg:$0x0] =	wrdreg $0x0  }
0xa9: {  	s6 =	sshll.u32 s28, $0x1;
	[dreg:$0x2] =	wrdreg s4  }
0xaa: {  	[dreg:$0x3] =	wrdreg s6  }
0xab: {  	[dreg:$0x4] =	wrdreg $0xC0  }
0xac: {  	_ =	task [dreg:s8], $0x5FFFF  }
0xad: {  	[dreg:$0x1] =	wrdreg $0xFFFFFFFF  }
0xae: {  	[dreg:$0x0] =	wrdreg $0x60  }
0xaf: {  	[dreg:$0x2] =	wrdreg s2  }
0xb0: {  	[dreg:$0x3] =	wrdreg s18  }
0xb1: {  	[dreg:$0x4] =	wrdreg s24  }
0xb2: {  	[dreg:$0x5] =	wrdreg $0x9  }
0xb3: {  	_ =	task.clear_ibuf [dreg:s8], $0x6FFFF;
	_ =	strace $0x90000046  }
0xb4: {  	s29 =	simm.s32 $0x9;
	_ =	strace $0x80000048  }
0xb5: {  	_ =	swait.ge [sflag:s29], $0x1  }
0xb6: {  	[sflag:s29] =	ssyncadd.s32 $0xFFFFFFFF  }
0xb7: {  	_ =	strace $0x90000048  }
0xb8: {  	_ =	sfence  }
0xb9: {  	s30 =	sld [smem:$0x0];
	_ =	sdelay $0x2  }
0xba: {  	s31 =	sshll.u32 s1, $0xD;
	s1 =	sshrl.u32 s1, $0x2  }
0xbb: {  	s3 =	sand.u32 $0x4000, s31;
	s1 =	sadd.s32 s1, s30  }
0xbc: {  	s0 =	sor.u32 s3, s0;
	s1 =	sshll.u32 s1, $0x11  }
0xbd: {  	s0 =	sor.u32 s1, s0  }
0xbe: {  	s0 =	sadd.s32 $0x8F2B, s0  }
0xbf: {  	[sflag:s0] =	ssyncadd.remote.s32 $0x1  }
0xc0: {  	_ =	sfence.sel $0xFFFF  }
0xc1: {  	[dreg:$0x0] =	wrdreg $0xFFFFFFFF;
	(pc) =	sbr.abs _section_cstart, $3  }
0xc2: {  	[dreg:$0x1] =	wrdreg $0xFFFFFFFF  }
0xc3: {  	_ =	task.clear_ibuf [dreg:s8], $0x2FFFF;
	_ =	strace $0x9FFFFFFF  }
0xc4: {  	(tm) =	ssettm $0x7FFFFFFF  }
0xc5: {  	_ =	shalt  }
tec
execute0_lowered:
.L_overlay_start_1:
0x0: {  	(tag) =	ssettag $0x1  }
0x1: {  	s1 =	rddreg [dreg:$0x0]  }
0x2: {  	s9 =	rddreg [dreg:$0x1]  }
0x3: {  	s12 =	rddreg [dreg:$0x2]  }
0x4: {  	s2 =	srdreg.scid;
	s0 =	rddreg [dreg:$0x3];
	s3 =	simm.s32 $0x0  }
0x5: {  	s20 =	simm.s32 $0x4100;
	s21 =	simm.s32 $0x2;
	s22 =	simm.s32 $0x100  }
0x6: {  	s23 =	simm.s32 $0x0;
	s4 =	sand.u32 $0x1, s2;
	[smem:$0x7FF] =	sst s3  }
0x7: {  	s2 =	stileid.u32;
	s14 =	sadd.s32 $0x4000, s12;
	s5 =	sshll.u32 s4, $0x4  }
0x8: {  	s13 =	sadd.s32 $0x2C000, s12;
	s4 =	ssub.s32 $0x2, s4;
	s5 =	sor.u32 s2, s5  }
0x9: {  	s31 =	sadd.s32 $0x18000, s12;
	s6 =	sshrl.u32 s4, $0x1;
	s10 =	smul.u32 $0x140, s5  }
0xa: {  	_ =	strace $0x80000047;
	s7 =	smul.u32 $0x5000, s5;
	s16 =	ssub.s32 s4, s6  }
0xb: {  	s8 =	smul.u32 $0x1400, s5;
	s16 =	smax.u32 s16, $0x1;
	s29 =	sshrl.u32 s10, $0x3  }
0xc: {  	s11 =	sadd.s32 $0x80, s10;
	s7 =	sshrl.u32 s7, $0x3;
	s15 =	sadd.s32 $0xC0, s10  }
0xd: {  	s30 =	sshrl.u32 s11, $0x3;
	s4 =	sadd.s32 s9, s29;
	s6 =	sadd.s32 s14, s7  }
0xe: {  	s7 =	sadd.s32 s13, s8;
	s10 =	sshrl.u32 s15, $0x3;
	s17 =	sshll.u32 s11, $0x4  }
0xf: {  	s18 =	sshll.u32 s11, $0x3;
	s19 =	sshll.u32 s15, $0x4;
	s15 =	sshll.u32 s15, $0x3  }
0x10: {  	s5 =	sadd.s32 s9, s30;
	s8 =	sadd.s32 $0x14000, s6;
	s9 =	sadd.s32 s9, s10  }
0x11: {  	s10 =	sadd.s32 s13, s17;
	s11 =	sadd.s32 s14, s18;
	s12 =	sadd.s32 s18, s31  }
0x12: {  	s13 =	sadd.s32 s13, s19;
	s14 =	sadd.s32 s14, s15;
	s15 =	sadd.s32 s15, s31  }
0x13: {  	s17 =	simm.s32 $0x3;
	s18 =	simm.s32 $0x80;
	s19 =	simm.s32 $0x1  }
.LBB2_1:
0x14: {  	[tilespmem:s3], [sflag:$0x3] =	stream.linear.gather [hbm4b:s4+s3], $0x80, $0x38;
	[tilespmem:$0x8100] =	vst v63  }
0x15: {  	_ =	swait.ge [sflag:s17], $0x80  }
0x16: {  	[sflag:s17] =	ssyncset.done $0x0  }
0x17: {  	[sflag:s17] =	ssyncadd.s32 $0xFFFFFF80  }
0x18: {  	[tilespmem:s22], [sflag:$0x1] =	stream.indirect.gather [hbm4b:s1+s18], $0x80, s3, s18, $0xb8;
	[tilespmem:$0x8100] =	vst v63  }
0x19: {  	_ =	swait.ge [sflag:s19], $0x4000  }
0x1a: {  	[sflag:s19] =	ssyncset.done $0x0  }
0x1b: {  	[sflag:s19] =	ssyncadd.s32 $0xFFFFC000  }
0x1c: {  	[tilespmem:s18], [sflag:$0x3] =	stream.linear.gather [hbm4b:s5+s3], $0x80, $0x38;
	[tilespmem:$0x8100] =	vst v63  }
0x1d: {  	_ =	swait.ge [sflag:s17], $0x80  }
0x1e: {  	[sflag:s17] =	ssyncset.done $0x0  }
0x1f: {  	s24 =	simm.s32 $0x8;
	[sflag:s17] =	ssyncadd.s32 $0xFFFFFF80  }
0x20: {  	[tilespmem:s20], [sflag:$0x1] =	stream.indirect.gather [hbm4b:s1+s18], $0x80, s18, s18, $0xb8;
	[tilespmem:$0x8100] =	vst v63  }
0x21: {  	s28 =	sadd.s32 $0x0, s6;
	s25 =	simm.s32 $0x180;
	s26 =	simm.s32 $0x100  }
0x22: {  	[hbm4b:s7+s3] =	stream.linear.scatter [tilespmem:s22], [sflag:$0x2], $0x4000, $0x38;
	[tilespmem:$0x8100] =	vst v63  }
.LBB2_2:
0x23: {  	[hbm4b:s28+s3] =	stream.linear.scatter [tilespmem:s26], [sflag:$0x2], $0x40, $0x38;
	[tilespmem:$0x8100] =	vst v63  }
0x24: {  	s28 =	smov.u32 s24;
	s26 =	smov.u32 s25;
	p0 =	sne.s32 s24, $0x3F8  }
.Ltmp0:
0x25: {  	s24 =	sadd.s32 $0x8, s24;
	(pc) =	sbr.rel @p0 .LBB2_2-.Ltmp0, $2  }
0x26: {  	_ =	sdelay $0x2  }
0x27: {  	s25 =	sadd.s32 $0x80, s25;
	s28 =	sadd.s32 s28, s6  }
0x28: {  	[hbm4b:s28+s3] =	stream.linear.scatter [tilespmem:s26], [sflag:$0x2], $0x40, $0x38;
	[tilespmem:$0x8100] =	vst v63  }
0x29: {  	s24 =	simm.s32 $0x140  }
0x2a: {  	s25 =	simm.s32 $0x8;
	s28 =	sadd.s32 $0x0, s8;
	s26 =	simm.s32 $0x1C0  }
.LBB2_4:
0x2b: {  	[hbm4b:s28+s3] =	stream.linear.scatter [tilespmem:s24], [sflag:$0x2], $0x40, $0x38;
	[tilespmem:$0x8100] =	vst v63  }
0x2c: {  	s28 =	smov.u32 s25;
	s24 =	smov.u32 s26;
	p0 =	sne.s32 s25, $0x3F8  }
.Ltmp1:
0x2d: {  	s25 =	sadd.s32 $0x8, s25;
	(pc) =	sbr.rel @p0 .LBB2_4-.Ltmp1, $2  }
0x2e: {  	_ =	sdelay $0x2  }
0x2f: {  	s26 =	sadd.s32 $0x80, s26;
	s28 =	sadd.s32 s28, s8  }
0x30: {  	[hbm4b:s28+s3] =	stream.linear.scatter [tilespmem:s24], [sflag:$0x2], $0x40, $0x38;
	[tilespmem:$0x8100] =	vst v63  }
0x31: {  	_ =	swait.ge [sflag:s21], $0x4000  }
0x32: {  	[sflag:s21] =	ssyncset.done $0x0  }
0x33: {  	[sflag:s21] =	ssyncadd.s32 $0xFFFFC000  }
0x34: {  	_ =	swait.ge [sflag:s21], $0x2000  }
0x35: {  	[sflag:s21] =	ssyncset.done $0x0  }
0x36: {  	[sflag:s21] =	ssyncadd.s32 $0xFFFFE000  }
0x37: {  	_ =	swait.ge [sflag:s21], $0x2000  }
0x38: {  	[sflag:s21] =	ssyncset.done $0x0  }
0x39: {  	[sflag:s21] =	ssyncadd.s32 $0xFFFFE000  }
0x3a: {  	_ =	swait.ge [sflag:s19], $0x4000  }
0x3b: {  	[sflag:s19] =	ssyncset.done $0x0  }
0x3c: {  	s25 =	simm.s32 $0x0;
	[sflag:s19] =	ssyncadd.s32 $0xFFFFC000  }
0x3d: {  	[tilespmem:s25], [sflag:$0x3] =	stream.linear.gather [hbm4b:s9+s25], $0x80, $0x38;
	[tilespmem:$0x8100] =	vst v63  }
0x3e: {  	_ =	swait.ge [sflag:s17], $0x80  }
0x3f: {  	[sflag:s17] =	ssyncset.done $0x0  }
0x40: {  	[sflag:s17] =	ssyncadd.s32 $0xFFFFFF80  }
0x41: {  	[tilespmem:s22], [sflag:$0x1] =	stream.indirect.gather [hbm4b:s1+s18], $0x80, s25, s18, $0xb8;
	[tilespmem:$0x8100] =	vst v63  }
0x42: {  	s24 =	simm.s32 $0x4100  }
0x43: {  	[hbm4b:s10+s25] =	stream.linear.scatter [tilespmem:s24], [sflag:$0x2], $0x4000, $0x38;
	[tilespmem:$0x8100] =	vst v63  }
0x44: {  	s28 =	sadd.s32 $0x0, s11;
	s26 =	simm.s32 $0x4180;
	s25 =	simm.s32 $0x8  }
.LBB2_6:
0x45: {  	[hbm4b:s28+s3] =	stream.linear.scatter [tilespmem:s24], [sflag:$0x2], $0x40, $0x38;
	[tilespmem:$0x8100] =	vst v63  }
0x46: {  	s28 =	smov.u32 s25;
	s24 =	smov.u32 s26;
	p0 =	sne.s32 s25, $0x3F8  }
.Ltmp2:
0x47: {  	s25 =	sadd.s32 $0x8, s25;
	(pc) =	sbr.rel @p0 .LBB2_6-.Ltmp2, $2  }
0x48: {  	_ =	sdelay $0x2  }
0x49: {  	s26 =	sadd.s32 $0x80, s26;
	s28 =	sadd.s32 s28, s11  }
0x4a: {  	[hbm4b:s28+s3] =	stream.linear.scatter [tilespmem:s24], [sflag:$0x2], $0x40, $0x38;
	[tilespmem:$0x8100] =	vst v63  }
0x4b: {  	s24 =	simm.s32 $0x4140  }
0x4c: {  	s25 =	simm.s32 $0x8;
	s28 =	sadd.s32 $0x0, s12;
	s26 =	simm.s32 $0x41C0  }
.LBB2_8:
0x4d: {  	[hbm4b:s28+s3] =	stream.linear.scatter [tilespmem:s24], [sflag:$0x2], $0x40, $0x38;
	[tilespmem:$0x8100] =	vst v63  }
0x4e: {  	s28 =	smov.u32 s25;
	s24 =	smov.u32 s26;
	p0 =	sne.s32 s25, $0x3F8  }
.Ltmp3:
0x4f: {  	s25 =	sadd.s32 $0x8, s25;
	(pc) =	sbr.rel @p0 .LBB2_8-.Ltmp3, $2  }
0x50: {  	_ =	sdelay $0x2  }
0x51: {  	s26 =	sadd.s32 $0x80, s26;
	s28 =	sadd.s32 s28, s12  }
0x52: {  	[hbm4b:s28+s3] =	stream.linear.scatter [tilespmem:s24], [sflag:$0x2], $0x40, $0x38;
	[tilespmem:$0x8100] =	vst v63  }
0x53: {  	_ =	swait.ge [sflag:s21], $0x4000  }
0x54: {  	[sflag:s21] =	ssyncset.done $0x0  }
0x55: {  	[sflag:s21] =	ssyncadd.s32 $0xFFFFC000  }
0x56: {  	_ =	swait.ge [sflag:s21], $0x2000  }
0x57: {  	[sflag:s21] =	ssyncset.done $0x0  }
0x58: {  	[sflag:s21] =	ssyncadd.s32 $0xFFFFE000  }
0x59: {  	_ =	swait.ge [sflag:s21], $0x2000  }
0x5a: {  	[sflag:s21] =	ssyncset.done $0x0  }
0x5b: {  	[sflag:s21] =	ssyncadd.s32 $0xFFFFE000  }
0x5c: {  	_ =	swait.ge [sflag:s19], $0x4000  }
0x5d: {  	[sflag:s19] =	ssyncset.done $0x0  }
0x5e: {  	s25 =	simm.s32 $0x0;
	s24 =	simm.s32 $0x100;
	[sflag:s19] =	ssyncadd.s32 $0xFFFFC000  }
0x5f: {  	[hbm4b:s13+s25] =	stream.linear.scatter [tilespmem:s24], [sflag:$0x2], $0x4000, $0x38;
	[tilespmem:$0x8100] =	vst v63  }
0x60: {  	s28 =	sadd.s32 $0x0, s14;
	s26 =	simm.s32 $0x180;
	s25 =	simm.s32 $0x8  }
.LBB2_10:
0x61: {  	[hbm4b:s28+s3] =	stream.linear.scatter [tilespmem:s24], [sflag:$0x2], $0x40, $0x38;
	[tilespmem:$0x8100] =	vst v63  }
0x62: {  	s28 =	smov.u32 s25;
	s24 =	smov.u32 s26;
	p0 =	sne.s32 s25, $0x3F8  }
.Ltmp4:
0x63: {  	s25 =	sadd.s32 $0x8, s25;
	(pc) =	sbr.rel @p0 .LBB2_10-.Ltmp4, $2  }
0x64: {  	_ =	sdelay $0x2  }
0x65: {  	s26 =	sadd.s32 $0x80, s26;
	s28 =	sadd.s32 s28, s14  }
0x66: {  	[hbm4b:s28+s3] =	stream.linear.scatter [tilespmem:s24], [sflag:$0x2], $0x40, $0x38;
	[tilespmem:$0x8100] =	vst v63  }
0x67: {  	s24 =	simm.s32 $0x140  }
0x68: {  	s25 =	simm.s32 $0x8;
	s28 =	sadd.s32 $0x0, s15;
	s26 =	simm.s32 $0x1C0  }
.LBB2_12:
0x69: {  	[hbm4b:s28+s3] =	stream.linear.scatter [tilespmem:s24], [sflag:$0x2], $0x40, $0x38;
	[tilespmem:$0x8100] =	vst v63  }
0x6a: {  	s28 =	smov.u32 s25;
	s24 =	smov.u32 s26;
	p0 =	sne.s32 s25, $0x3F8  }
.Ltmp5:
0x6b: {  	s25 =	sadd.s32 $0x8, s25;
	(pc) =	sbr.rel @p0 .LBB2_12-.Ltmp5, $2  }
0x6c: {  	_ =	sdelay $0x2  }
0x6d: {  	s26 =	sadd.s32 $0x80, s26;
	s28 =	sadd.s32 s28, s15  }
0x6e: {  	[hbm4b:s28+s3] =	stream.linear.scatter [tilespmem:s24], [sflag:$0x2], $0x40, $0x38;
	[tilespmem:$0x8100] =	vst v63  }
0x6f: {  	_ =	swait.ge [sflag:s21], $0x4000  }
0x70: {  	[sflag:s21] =	ssyncset.done $0x0  }
0x71: {  	s23 =	sadd.s32 $0x1, s23;
	[sflag:s21] =	ssyncadd.s32 $0xFFFFC000  }
0x72: {  	p0 =	sne.s32 s23, s16;
	_ =	swait.ge [sflag:s21], $0x2000  }
.Ltmp6:
0x73: {  	[sflag:s21] =	ssyncset.done $0x0;
	(pc) =	sbr.rel @p0 .LBB2_1-.Ltmp6, $4  }
0x74: {  	[sflag:s21] =	ssyncadd.s32 $0xFFFFE000  }
0x75: {  	_ =	swait.ge [sflag:s21], $0x2000  }
0x76: {  	[sflag:s21] =	ssyncset.done $0x0  }
0x77: {  	[sflag:s21] =	ssyncadd.s32 $0xFFFFE000  }
0x78: {  	_ =	sfence.sel $0x180000  }
0x79: {  	[bflag:$0x0] =	sbarrier.arrive $0xFFFF  }
0x7a: {  	p0 =	sne.s32 s2, $0x0;
	_ =	strace $0x90000047  }
0x7b: {  	s0 =	sadd.s32 @!p0 $0x100000, s0;
	[bflag:$0x2] =	sbarrier.arrive $0xFFFF  }
0x7c: {  	[sflag:s0] =	ssyncadd.tile.s32 @!p0 $0x1;
	_ =	shalt  }
.Lfunc_end2:
_tile_overlayer_lowered:
.L_overlay_start_2:
0x7d: {  	(tag) =	ssettag $0x2  }
0x7e: {  	s0 =	rddreg [dreg:$0x0];
	s2 =	stileid.u32  }
0x7f: {  	s1 =	rddreg [dreg:$0x1];
	p0 =	sne.s32 s2, $0x0  }
0x80: {  	s3 =	rddreg [dreg:$0x2];
	[bflag:$0x3] =	sbarrier.arrive $0xFFFF;
	s2 =	simm.s32 @!p0 $0x1C03  }
0x81: {  	[timem:s3], [sflag:s2] =	dma.local @!p0 [hbm:s0], s1  }
0x82: {  	s0 =	simm.s32 @!p0 $0x3  }
0x83: {  	_ =	swait.ge @!p0 [sflag:s0], s1  }
0x84: {  	s1 =	ssub.s32 @!p0 $0x0, s1;
	[sflag:s0] =	ssyncset.done @!p0 $0x0  }
0x85: {  	[sflag:s0] =	ssyncadd.s32 @!p0 s1  }
0x86: {  	[bflag:$0x3] =	sbarrier.arrive $0xFFFF  }
0x87: {  	_ =	shalt  }

// kernel: kernel.9.cloned.1.call-start
scs
__scs_entry_jumppad:
0x0: {  	(pc) =	sbr.rel $0x88, $3  }
0x1: {  	(tag) =	ssettag $0x0;
	lr =	simm.s32 $0x1  }
0x2: {  	[smem:$0x3F97] =	sst lr;
	_ =	strace $0xD0000000  }
0x3: {  	_ = 	snop  }
0x4: {  	_ = 	snop  }
0x5: {  	_ = 	snop  }
0x6: {  	_ = 	snop  }
0x7: {  	_ = 	snop  }
__scs_overlays_trampoline_lowered:
0x8: {  	[smem:$0x3FA6] =	sst s0  }
0x9: {  	[smem:$0x3FA7] =	sst s1  }
0xa: {  	[smem:$0x3FA8] =	sst s2  }
0xb: {  	[smem:$0x3FA9] =	sst s3  }
0xc: {  	[smem:$0x3FAA] =	sst s4  }
0xd: {  	[smem:$0x3FAB] =	sst s5  }
0xe: {  	[smem:$0x3FAC] =	sst s6  }
0xf: {  	[smem:$0x3FAD] =	sst s7  }
0x10: {  	[smem:$0x3FAE] =	sst s8  }
0x11: {  	[smem:$0x3FAF] =	sst s9;
	s0 =	simm.s32 @!p0 $0x0  }
0x12: {  	s1 =	sld [smem:$0x3F95];
	s0 =	simm.s32 @p0 $0x1  }
0x13: {  	[smem:$0x3FB0] =	sst s0;
	s0 =	simm.s32 @!p1 $0x0  }
0x14: {  	s2 =	sld [smem:$0x3F94];
	s0 =	simm.s32 @p1 $0x1  }
0x15: {  	[smem:$0x3FB1] =	sst s0;
	s0 =	simm.s32 @!p2 $0x0  }
0x16: {  	s3 =	sld [smem:$0x3FDB];
	s0 =	simm.s32 @p2 $0x1  }
0x17: {  	s4 =	simm.s32 $0x1BF5;
	[smem:$0x3FB3] =	sst s0  }
0x18: {  	s0 =	sld [smem:$0x3F96];
	_ =	swait.ge [sflag:s4], $0x0  }
0x19: {  	s7 =	sld [smem:$0x3F97]  }
0x1a: {  	s8 =	sadd.s32 $0xFFFFE003, lr  }
0x1b: {  	s9 =	sadd.s32 $0xFFFFFEF7, lr;
	s5 =	simm.s32 $0xFFFFFFFF;
	p2 =	slt.u32 s8, $0xFFFFF086  }
0x1c: {  	p1 =	slt.u32 s9, $0xF7A;
	s5 =	simm.s32 @!p2 $0x0  }
0x1d: {  	s5 =	simm.s32 @p1 $0x1;
	p0 =	seq.s32 s7, s2  }
0x1e: {  	s7 =	smul.u32 @!p0 $0xF7A, s2;
	p2 =	seq.s32 @!p0 s5, $0x0  }
0x1f: {  	s9 =	smul.u32 $0xF7A, s1;
	s8 =	simm.s32 @!p0 $0x1BF5;
	p2 =	por !p2, p0  }
0x20: {  	[sflag:s8] =	ssyncset.s32 @!p0 $0xFFFFF086;
	s6 =	sadd.s32 @!p0 s3, s7;
	s7 =	simm.s32 @!p0 $0x108  }
0x21: {  	s3 =	sadd.s32 s3, s9;
	s6 =	sadd.s32 @!p0 $0x88, s6;
	s7 =	simm.s32 @p2 $0x1082  }
0x22: {  	[simem:s7], [sflag:s8] =	dma.local @!p0 [hbm:s6], $0xF7A  }
0x23: {  	s9 =	sor.u32 $0xD0000000, s2;
	s6 =	simm.s32 $0x108;
	_ =	swait.ge @!p0 [sflag:s8], $0x0  }
0x24: {  	s3 =	sadd.s32 $0x88, s3;
	s6 =	simm.s32 @!p1 $0x1082;
	[sflag:s4] =	ssyncset.s32 $0xFFFFF086  }
0x25: {  	[simem:s6], [sflag:s4] =	dma.local [hbm:s3], $0xF7A  }
0x26: {  	[smem:$0x3F97] =	sst s1;
	(tag) =	ssettag s2;
	_ =	strace s9  }
0x27: {  	s1 =	sld [smem:$0x3FA7]  }
0x28: {  	s2 =	sld [smem:$0x3FA8]  }
0x29: {  	s4 =	sld [smem:$0x3FAA]  }
0x2a: {  	p0 =	seq.s32 s5, $0x0;
	s5 =	sld [smem:$0x3FAB]  }
0x2b: {  	s6 =	sld [smem:$0x3FAC]  }
0x2c: {  	s7 =	sld [smem:$0x3FAD]  }
0x2d: {  	s3 =	simm.s32 $0x108;
	s8 =	sld [smem:$0x3FAE]  }
0x2e: {  	s3 =	simm.s32 @!p0 $0x1082;
	s9 =	sld [smem:$0x3FAF]  }
0x2f: {  	lr =	sadd.s32 s0, s3;
	s0 =	sld [smem:$0x3FA6]  }
0x30: {  	s3 =	sld [smem:$0x3FA9]  }
0x31: {  	[smem:$0x3FB2] =	sst s10  }
0x32: {  	s10 =	sld [smem:$0x3FB0];
	_ =	sdelay $0x3  }
0x33: {  	p0 =	seq.s32 s10, $0x1;
	s10 =	sld [smem:$0x3FB2];
	_ =	sdelay $0x3  }
0x34: {  	[smem:$0x3FB2] =	sst s10  }
0x35: {  	s10 =	sld [smem:$0x3FB1];
	_ =	sdelay $0x3  }
0x36: {  	p1 =	seq.s32 s10, $0x1;
	s10 =	sld [smem:$0x3FB2];
	_ =	sdelay $0x3  }
0x37: {  	[smem:$0x3FB2] =	sst s10  }
0x38: {  	s10 =	sld [smem:$0x3FB3]  }
0x39: {  	_ = 	snop;
	(pc) =	sbr.ind lr, $3  }
0x3a: {  	_ = 	snop  }
0x3b: {  	_ = 	snop  }
0x3c: {  	p2 =	seq.s32 s10, $0x1;
	s10 =	sld [smem:$0x3FB2]  }
0x3d: {  	_ =	shalt  }
0x3e: {  	_ =	shalt  }
0x3f: {  	_ =	shalt  }
0x40: {  	_ =	shalt  }
0x41: {  	_ =	shalt  }
0x42: {  	_ =	shalt  }
0x43: {  	_ =	shalt  }
0x44: {  	_ =	shalt  }
0x45: {  	_ =	shalt  }
0x46: {  	_ =	shalt  }
0x47: {  	_ =	shalt  }
0x48: {  	_ =	shalt  }
0x49: {  	_ =	shalt  }
0x4a: {  	_ =	shalt  }
0x4b: {  	_ =	shalt  }
0x4c: {  	_ =	shalt  }
0x4d: {  	_ =	shalt  }
0x4e: {  	_ =	shalt  }
0x4f: {  	_ =	shalt  }
0x50: {  	_ =	shalt  }
0x51: {  	_ =	shalt  }
0x52: {  	_ =	shalt  }
0x53: {  	_ =	shalt  }
0x54: {  	_ =	shalt  }
0x55: {  	_ =	shalt  }
0x56: {  	_ =	shalt  }
0x57: {  	_ =	shalt  }
0x58: {  	_ =	shalt  }
0x59: {  	_ =	shalt  }
0x5a: {  	_ =	shalt  }
0x5b: {  	_ =	shalt  }
0x5c: {  	_ =	shalt  }
0x5d: {  	_ =	shalt  }
0x5e: {  	_ =	shalt  }
0x5f: {  	_ =	shalt  }
0x60: {  	_ =	shalt  }
0x61: {  	_ =	shalt  }
0x62: {  	_ =	shalt  }
0x63: {  	_ =	shalt  }
0x64: {  	_ =	shalt  }
0x65: {  	_ =	shalt  }
0x66: {  	_ =	shalt  }
0x67: {  	_ =	shalt  }
0x68: {  	_ =	shalt  }
0x69: {  	_ =	shalt  }
0x6a: {  	_ =	shalt  }
0x6b: {  	_ =	shalt  }
0x6c: {  	_ =	shalt  }
0x6d: {  	_ =	shalt  }
0x6e: {  	_ =	shalt  }
0x6f: {  	_ =	shalt  }
0x70: {  	_ =	shalt  }
0x71: {  	_ =	shalt  }
0x72: {  	_ =	shalt  }
0x73: {  	_ =	shalt  }
0x74: {  	_ =	shalt  }
0x75: {  	_ =	shalt  }
0x76: {  	_ =	shalt  }
0x77: {  	_ =	shalt  }
0x78: {  	_ =	shalt  }
0x79: {  	_ =	shalt  }
0x7a: {  	_ =	shalt  }
0x7b: {  	_ =	shalt  }
0x7c: {  	_ =	shalt  }
0x7d: {  	_ =	shalt  }
0x7e: {  	_ =	shalt  }
0x7f: {  	_ =	shalt  }
0x80: {  	_ =	shalt  }
0x81: {  	_ =	shalt  }
0x82: {  	_ =	shalt  }
0x83: {  	_ =	shalt  }
0x84: {  	_ =	shalt  }
0x85: {  	_ =	shalt  }
0x86: {  	_ =	shalt  }
0x87: {  	_ =	shalt  }
.Lfunc_end0:
.L_simem_size_0:
called_computation.1_lowered:
.L_overlay_start_0:
0x88: {  	s2 =	sld [smem:$0x3FD9]  }
0x89: {  	s3 =	sld [smem:$0x3FFE];
	_ =	sdelay $0x1  }
0x8a: {  	s1 =	srdreg.scid  }
0x8b: {  	s0 =	sand.u32 $0x1, s1  }
0x8c: {  	s17 =	sshll.u32 s0, $0xA;
	s2 =	sadd.s32 s3, s2  }
0x8d: {  	s2 =	sadd.s32 s2, s17  }
0x8e: {  	[smem:$0x3FBE] =	sst s2  }
0x8f: {  	_ = 	snop  }
0x90: {  	s2 =	sld [smem:$0x3FD0];
	(tm) =	ssettm $0x1  }
0x91: {  	s18 =	sld [smem:$0x3FFB];
	_ =	sdelay $0x3  }
0x92: {  	_ =	strace s18  }
0x93: {  	s3 =	sld [smem:$0x3FFC];
	_ =	sdelay $0x3  }
0x94: {  	_ =	strace s3  }
0x95: {  	s3 =	sld [smem:$0x3FFD];
	_ =	sdelay $0x3  }
0x96: {  	_ =	strace s3  }
0x97: {  	_ =	strace $0x8FFFFFFF  }
0x98: {  	s19 =	sld [smem:$0x3FDB];
	_ =	sdelay $0x1  }
0x99: {  	s4 =	simm.s32 $_scs_section_size  }
0x9a: {  	s5 =	simm.s32 $_size__tile_overlayer_lowered;
	s6 =	simm.s32 $_tile_overlayer_lowered  }
0x9b: {  	s22 =	simm.s32 $0x1BFF;
	s21 =	sshll.u32 s6, $0x1;
	s3 =	sadd.s32 s4, s19  }
0x9c: {  	s7 =	simm.s32 $0x0;
	s20 =	sshll.u32 s5, $0x1;
	s5 =	sadd.s32 s21, s3  }
0x9d: {  	[timem:s7], [sflag:s22] =	dma.local [hbm:s5], s20  }
0x9e: {  	_ =	swait.ge [sflag:s22], s20  }
0x9f: {  	s4 =	ssub.s32 $0x0, s20;
	[sflag:s22] =	ssyncset.done $0x0  }
0xa0: {  	[sflag:s22] =	ssyncadd.s32 s4;
	_ =	sdelay $0x1  }
0xa1: {  	s23 =	simm.s32 $0x1B8B  }
0xa2: {  	_ =	swait.ge [sflag:s23], $0x1  }
0xa3: {  	[sflag:s23] =	ssyncset.done $0x0  }
0xa4: {  	s25 =	simm.s32 $0x1B8E;
	s24 =	sld [smem:$0x3FFE];
	[sflag:s23] =	ssyncadd.s32 $0xFFFFFFFF  }
0xa5: {  	s26 =	simm.s32 $execute0_lowered;
	[smem:$0x3FD2] =	sst s25  }
0xa6: {  	s5 =	sshll.u32 s26, $0x1;
	_ =	strace $0x80000049;
	[dreg:$0x1] =	wrdreg $0xFFFFFFFF  }
0xa7: {  	s28 =	simm.s32 $_size_execute0_lowered;
	s3 =	sadd.s32 s3, s5;
	[dreg:$0x0] =	wrdreg $0x0  }
0xa8: {  	s5 =	sshll.u32 s28, $0x1;
	[dreg:$0x2] =	wrdreg s3  }
0xa9: {  	[dreg:$0x3] =	wrdreg s5  }
0xaa: {  	[dreg:$0x4] =	wrdreg $0xC0  }
0xab: {  	_ =	task [dreg:s7], $0x5FFFF  }
0xac: {  	[dreg:$0x1] =	wrdreg $0xFFFFFFFF  }
0xad: {  	[dreg:$0x0] =	wrdreg $0x60  }
0xae: {  	[dreg:$0x2] =	wrdreg s24  }
0xaf: {  	[dreg:$0x3] =	wrdreg s2  }
0xb0: {  	[dreg:$0x4] =	wrdreg $0x10C000  }
0xb1: {  	[dreg:$0x5] =	wrdreg $0x9  }
0xb2: {  	_ =	task.clear_ibuf [dreg:s7], $0x6FFFF;
	_ =	strace $0x90000049  }
0xb3: {  	s29 =	simm.s32 $0x9;
	_ =	strace $0x8000004B  }
0xb4: {  	_ =	swait.ge [sflag:s29], $0x1  }
0xb5: {  	[sflag:s29] =	ssyncadd.s32 $0xFFFFFFFF  }
0xb6: {  	_ =	strace $0x9000004B  }
0xb7: {  	_ =	sfence  }
0xb8: {  	s30 =	sld [smem:$0x0];
	_ =	sdelay $0x2  }
0xb9: {  	s31 =	sshll.u32 s1, $0xD;
	s1 =	sshrl.u32 s1, $0x2  }
0xba: {  	s3 =	sand.u32 $0x4000, s31;
	s1 =	sadd.s32 s1, s30  }
0xbb: {  	s0 =	sor.u32 s3, s0;
	s1 =	sshll.u32 s1, $0x11  }
0xbc: {  	s0 =	sor.u32 s1, s0  }
0xbd: {  	s0 =	sadd.s32 $0x8F2B, s0  }
0xbe: {  	[sflag:s0] =	ssyncadd.remote.s32 $0x1  }
0xbf: {  	_ =	sfence.sel $0xFFFF  }
0xc0: {  	[dreg:$0x0] =	wrdreg $0xFFFFFFFF;
	(pc) =	sbr.abs _section_cstart, $3  }
0xc1: {  	[dreg:$0x1] =	wrdreg $0xFFFFFFFF  }
0xc2: {  	_ =	task.clear_ibuf [dreg:s7], $0x2FFFF;
	_ =	strace $0x9FFFFFFF  }
0xc3: {  	(tm) =	ssettm $0x7FFFFFFF  }
tec
execute0_lowered:
.L_overlay_start_1:
0x0: {  	(tag) =	ssettag $0x1  }
0x1: {  	s0 =	rddreg [dreg:$0x0]  }
0x2: {  	s1 =	rddreg [dreg:$0x1]  }
0x3: {  	s3 =	srdreg.scid;
	s2 =	rddreg [dreg:$0x2]  }
0x4: {  	s12 =	stileid.u32;
	s29 =	simm.s32 $0x1;
	s30 =	simm.s32 $0x2  }
0x5: {  	s31 =	simm.s32 $0x0;
	s4 =	sand.u32 $0x1, s3;
	s3 =	simm.s32 $0x0  }
0x6: {  	s6 =	smul.u32 $0x9E00, s12;
	s8 =	sadd.s32 $0x5DE00, s0;
	s9 =	sadd.s32 $0x54000, s0  }
0x7: {  	s20 =	sshll.u32 s12, $0x6;
	s25 =	ssub.s32 $0x280, s12;
	s5 =	smul.u32 $0x14000, s4  }
0x8: {  	[smem:$0x7FF] =	sst s3;
	s7 =	smul.u32 $0x9E000, s4;
	s4 =	ssub.s32 $0x2, s4  }
0x9: {  	s21 =	sadd.s32 s8, s20;
	s11 =	sor.u32 $0x400, s20;
	s23 =	sadd.s32 s9, s20  }
0xa: {  	_ =	strace $0x8000004A;
	s18 =	sshrl.u32 s4, $0x1;
	s19 =	sshrl.u32 s6, $0x3  }
0xb: {  	s14 =	sadd.s32 s6, s2;
	s24 =	sadd.s32 s8, s11;
	s26 =	sadd.s32 s9, s11  }
0xc: {  	s11 =	sshrl.u32 s25, $0x4;
	s12 =	smov.u32 s23;
	s22 =	sadd.s32 $0x800, s23  }
0xd: {  	s10 =	sadd.s32 s5, s0;
	s17 =	sadd.s32 s6, s7;
	[dreg:$0x6] =	wrdreg s24  }
0xe: {  	s13 =	ssub.s32 s4, s18;
	s1 =	sadd.s32 s1, s19;
	[dreg:$0x7] =	wrdreg s26  }
0xf: {  	s28 =	sshll.u32 s11, $0xB;
	s7 =	smov.u32 s21;
	s16 =	sshrl.u32 s14, $0x3  }
0x10: {  	s5 =	sshrl.u32 s17, $0x3;
	[dreg:$0x5] =	wrdreg s1;
	s10 =	sadd.s32 $0x4000, s10  }
0x11: {  	s13 =	smax.u32 s13, $0x1;
	[dreg:$0x4] =	wrdreg s28;
	s0 =	sadd.s32 s5, s0  }
0x12: {  	s17 =	simm.s32 $0x6;
	s5 =	sor.u32 $0x1C06, s20;
	s0 =	sadd.s32 $0x67C00, s0  }
0x13: {  	s20 =	sadd.s32 $0x800, s21;
	s21 =	simm.s32 $0x80;
	[dreg:$0x8] =	wrdreg s0  }
.LBB2_1:
0x14: {  	s0 =	rddreg [dreg:$0x5]  }
0x15: {  	[spmem:s16], [sflag:s5] =	dma.local [hbm:s0], $0x13C0  }
0x16: {  	_ =	swait.ge [sflag:s17], $0x13C0  }
0x17: {  	[sflag:s17] =	ssyncset.done $0x0  }
0x18: {  	[sflag:s17] =	ssyncadd.s32 $0xFFFFEC40  }
0x19: {  	[tilespmem:s3], [sflag:$0x6] =	stream.linear.gather [hbm4b:s7+s3], $0x200, $0x38;
	[tilespmem:$0x1AA00] =	vst v63  }
0x1a: {  	_ =	swait.ge [sflag:s17], $0x200  }
0x1b: {  	[sflag:s17] =	ssyncset.done $0x0  }
0x1c: {  	s9 =	simm.s32 $0x600;
	[sflag:s17] =	ssyncadd.s32 $0xFFFFFE00  }
0x1d: {  	[tilespmem:s9], [sflag:$0x6] =	stream.linear.gather [hbm4b:s12+s3], $0x200, $0x38;
	[tilespmem:$0x1AA00] =	vst v63  }
0x1e: {  	_ =	swait.ge [sflag:s17], $0x200  }
0x1f: {  	[sflag:s17] =	ssyncset.done $0x0  }
0x20: {  	s1 =	simm.s32 $0x200;
	s14 =	rddreg [dreg:$0x6];
	[sflag:s17] =	ssyncadd.s32 $0xFFFFFE00  }
0x21: {  	[tilespmem:s1], [sflag:$0x4] =	stream.linear.gather [hbm4b:s14+s3], $0x200, $0x38;
	[tilespmem:$0x1AA00] =	vst v63  }
0x22: {  	s18 =	simm.s32 $0x800;
	s19 =	simm.s32 $0xC00;
	s15 =	rddreg [dreg:$0x7]  }
0x23: {  	[tilespmem:s18], [sflag:$0x4] =	stream.linear.gather [hbm4b:s15+s3], $0x200, $0x38;
	[tilespmem:$0x1AA00] =	vst v63  }
0x24: {  	s23 =	simm.s32 $0x2C00;
	s24 =	simm.s32 $0x100;
	s25 =	simm.s32 $0x4C00  }
0x25: {  	[tilespmem:s19], [sflag:$0x1] =	stream.indirect.gather [hbm4b:s10+s21], $0x40, s3, s21, $0xb8;
	[tilespmem:$0x1AA00] =	vst v63  }
0x26: {  	s26 =	simm.s32 $0x180;
	s28 =	simm.s32 $0x6C00;
	s0 =	simm.s32 $0x5  }
0x27: {  	[tilespmem:s23], [sflag:$0x1] =	stream.indirect.gather [hbm4b:s10+s21], $0x40, s21, s21, $0xb8;
	[tilespmem:$0x1AA00] =	vst v63  }
0x28: {  	s1 =	simm.s32 $0x4;
	s14 =	smov.u32 s22;
	s18 =	simm.s32 $0x0  }
0x29: {  	[tilespmem:s25], [sflag:$0x1] =	stream.indirect.gather [hbm4b:s10+s21], $0x40, s24, s21, $0xb8;
	[tilespmem:$0x1AA00] =	vst v63  }
0x2a: {  	s15 =	smov.u32 s20;
	s19 =	simm.s32 $0x1;
	s23 =	simm.s32 $0x0  }
0x2b: {  	[tilespmem:s28], [sflag:$0x1] =	stream.indirect.gather [hbm4b:s10+s21], $0x40, s26, s21, $0xb8;
	[tilespmem:$0x1AA00] =	vst v63  }
0x2c: {  	s24 =	simm.s32 $0x2;
	s25 =	simm.s32 $0x0;
	[bflag:$0x0] =	sbarrier.arrive $0xFFFF  }
.LBB2_2:
0x2d: {  	_ =	swait.ge [sflag:s29], $0x2000  }
0x2e: {  	[sflag:s29] =	ssyncset.done $0x0  }
0x2f: {  	[sflag:s29] =	ssyncadd.s32 $0xFFFFE000  }
0x30: {  	s26 =	smulhi.u32 $0xAAAAAAAB, s24;
	_ =	swait.ge [sflag:s29], $0x2000  }
0x31: {  	[sflag:s29] =	ssyncset.done $0x0  }
0x32: {  	s4 =	smulhi.u32 $0xAAAAAAAB, s19;
	s26 =	sshrl.u32 s26, $0x1;
	[sflag:s29] =	ssyncadd.s32 $0xFFFFE000  }
0x33: {  	s28 =	smul.u32 $0xFFFFFFF4, s26;
	_ =	swait.ge [sflag:s29], $0x2000  }
0x34: {  	p0 =	sge.u32 s24, s11;
	s26 =	smul.u32 $0xFFFFE800, s26;
	[sflag:s29] =	ssyncset.done $0x0  }
0x35: {  	s9 =	sshra.s32 @!p0 s23, $0x2;
	s6 =	simm.s32 @!p0 $0x0;
	[sflag:s29] =	ssyncadd.s32 $0xFFFFE000  }
0x36: {  	s4 =	sshrl.u32 s4, $0x1;
	s26 =	sshra.s32 s26, $0x2;
	_ =	swait.ge [sflag:s29], $0x2000  }
0x37: {  	s28 =	sshra.s32 s28, $0x2;
	s8 =	sadd.s32 $0x400, s26;
	[sflag:s29] =	ssyncset.done $0x0  }
0x38: {  	s28 =	sadd.s32 s28, s0;
	s8 =	sadd.s32 @!p0 s9, s8;
	[sflag:s29] =	ssyncadd.s32 $0xFFFFE000  }
0x39: {  	[tilespmem:s8], [sflag:s28] =	stream.linear.gather @!p0 [hbm4b:s15+s6], $0x200, $0x38;
	[tilespmem:$0x1AA00] =	vst v63  }
0x3a: {  	s8 =	smul.u32 $0xFFFFFFF4, s4  }
0x3b: {  	s26 =	sadd.s32 $0xA00, s26  }
0x3c: {  	s9 =	sadd.s32 @!p0 s9, s26;
	s26 =	sadd.s32 $0xFFFFFFFF, s24;
	s8 =	sshra.s32 s8, $0x2  }
0x3d: {  	[tilespmem:s9], [sflag:s28] =	stream.linear.gather @!p0 [hbm4b:s14+s6], $0x200, $0x38;
	[tilespmem:$0x1AA00] =	vst v63  }
0x3e: {  	p0 =	sge.u32 s26, s11;
	s6 =	sadd.s32 s8, s1  }
0x3f: {  	s4 =	smul.u32 $0xFFFFE800, s4;
	_ =	swait.ge @!p0 [sflag:s6], $0x200  }
0x40: {  	[sflag:s6] =	ssyncset.done @!p0 $0x0  }
0x41: {  	s4 =	sshra.s32 s4, $0x2;
	[sflag:s6] =	ssyncadd.s32 @!p0 $0xFFFFFE00  }
0x42: {  	s9 =	sand.u32 $0x8000, s18;
	s8 =	sshra.s32 @!p0 s23, $0x2;
	_ =	swait.ge @!p0 [sflag:s6], $0x200  }
0x43: {  	s26 =	simm.s32 @!p0 $0x80;
	s4 =	sadd.s32 @!p0 s8, s4;
	[sflag:s6] =	ssyncset.done @!p0 $0x0  }
0x44: {  	s8 =	sadd.s32 @!p0 $0x200, s4;
	[sflag:s6] =	ssyncadd.s32 @!p0 $0xFFFFFE00;
	s6 =	ssub.s32 @!p0 $0x8C00, s9  }
0x45: {  	[tilespmem:s6], [sflag:$0x1] =	stream.indirect.gather @!p0 [hbm4b:s10+s26], $0x40, s8, s26, $0xb8;
	[tilespmem:$0x1AA00] =	vst v63  }
0x46: {  	s6 =	ssub.s32 @!p0 $0xAC00, s9;
	s8 =	sadd.s32 @!p0 $0x280, s4  }
0x47: {  	[tilespmem:s6], [sflag:$0x1] =	stream.indirect.gather @!p0 [hbm4b:s10+s26], $0x40, s8, s26, $0xb8;
	[tilespmem:$0x1AA00] =	vst v63  }
0x48: {  	s28 =	sadd.s32 @!p0 $0x300, s4;
	s6 =	smulhi.u32 $0xAAAAAAAB, s25;
	s8 =	ssub.s32 @!p0 $0xCC00, s9  }
0x49: {  	[tilespmem:s8], [sflag:$0x1] =	stream.indirect.gather @!p0 [hbm4b:s10+s26], $0x40, s28, s26, $0xb8;
	[tilespmem:$0x1AA00] =	vst v63  }
0x4a: {  	s6 =	sshrl.u32 s6, $0x1  }
0x4b: {  	s4 =	sadd.s32 @!p0 $0x380, s4;
	s8 =	ssub.s32 @!p0 $0xEC00, s9;
	s6 =	smul.u32 $0xFFFFE800, s6  }
0x4c: {  	[tilespmem:s8], [sflag:$0x1] =	stream.indirect.gather @!p0 [hbm4b:s10+s26], $0x40, s4, s26, $0xb8;
	[tilespmem:$0x1AA00] =	vst v63  }
0x4d: {  	s8 =	sshra.s32 s6, $0x2  }
0x4e: {  	s26 =	sshra.s32 s23, $0x2;
	s4 =	sadd.s32 $0x600, s8  }
0x4f: {  	s28 =	sor.u32 $0xC00, s9;
	s4 =	sadd.s32 s26, s4  }
0x50: {  	[spmem:s2] =	stream.indirect.scatter.add.f32 [tilespmem:s28], [sflag:$0x2], $0x40, s4, s21, $0xb8;
	[tilespmem:$0x1AA00] =	vst v63  }
0x51: {  	s26 =	sor.u32 $0x2C00, s9;
	s28 =	sadd.s32 $0x80, s4  }
0x52: {  	[spmem:s2] =	stream.indirect.scatter.add.f32 [tilespmem:s26], [sflag:$0x2], $0x40, s28, s21, $0xb8;
	[tilespmem:$0x1AA00] =	vst v63  }
0x53: {  	s26 =	sor.u32 $0x4C00, s9;
	s28 =	sadd.s32 $0x100, s4  }
0x54: {  	[spmem:s2] =	stream.indirect.scatter.add.f32 [tilespmem:s26], [sflag:$0x2], $0x40, s28, s21, $0xb8;
	[tilespmem:$0x1AA00] =	vst v63  }
0x55: {  	s4 =	sadd.s32 $0x180, s4;
	s26 =	sor.u32 $0x6C00, s9  }
0x56: {  	[spmem:s2] =	stream.indirect.scatter.add.f32 [tilespmem:s26], [sflag:$0x2], $0x40, s4, s21, $0xb8;
	[tilespmem:$0x1AA00] =	vst v63  }
0x57: {  	_ =	swait.ge [sflag:s30], $0x2000  }
0x58: {  	[sflag:s30] =	ssyncset.done $0x0  }
0x59: {  	[sflag:s30] =	ssyncadd.s32 $0xFFFFE000  }
0x5a: {  	_ =	swait.ge [sflag:s30], $0x2000  }
0x5b: {  	[sflag:s30] =	ssyncset.done $0x0  }
0x5c: {  	[sflag:s30] =	ssyncadd.s32 $0xFFFFE000  }
0x5d: {  	_ =	swait.ge [sflag:s30], $0x2000  }
0x5e: {  	[sflag:s30] =	ssyncset.done $0x0  }
0x5f: {  	[sflag:s30] =	ssyncadd.s32 $0xFFFFE000  }
0x60: {  	_ =	swait.ge [sflag:s30], $0x2000  }
0x61: {  	s23 =	sadd.s32 $0x800, s23;
	s28 =	rddreg [dreg:$0x4]  }
0x62: {  	p0 =	sne.s32 s28, s23  }
.Ltmp0:
0x63: {  	_ = 	snop;
	(pc) =	sbr.rel @p0 .LBB2_2-.Ltmp0, $4  }
0x64: {  	s19 =	sadd.s32 $0x1, s19  }
0x65: {  	s0 =	sadd.s32 $0x1, s0;
	s24 =	sadd.s32 $0x1, s24;
	s15 =	sadd.s32 $0x400, s15  }
0x66: {  	s14 =	sadd.s32 $0x400, s14;
	s18 =	sadd.s32 $0x8000, s18;
	[sflag:s30] =	ssyncset.done $0x0  }
0x67: {  	s1 =	sadd.s32 $0x1, s1;
	s25 =	sadd.s32 $0x1, s25;
	[sflag:s30] =	ssyncadd.s32 $0xFFFFE000  }
0x68: {  	s31 =	sadd.s32 $0x1, s31  }
0x69: {  	[bflag:$0x0] =	sbarrier.arrive $0xFFFF;
	p0 =	sne.s32 s31, s13  }
.Ltmp1:
0x6a: {  	s0 =	rddreg [dreg:$0x8];
	(pc) =	sbr.rel @p0 .LBB2_1-.Ltmp1, $4  }
0x6b: {  	[hbm:s0], [sflag:s5] =	dma.local [spmem:s16], $0x13C0  }
0x6c: {  	_ =	swait.ge [sflag:s17], $0x13C0  }
0x6d: {  	[sflag:s17] =	ssyncset.done $0x0  }
0x6e: {  	[sflag:s17] =	ssyncadd.s32 $0xFFFFEC40  }
0x6f: {  	_ =	sfence.sel $0x180000  }
0x70: {  	[bflag:$0x0] =	sbarrier.arrive $0xFFFF  }
0x71: {  	_ =	strace $0x9000004A  }
0x72: {  	s0 =	stileid.u32;
	[bflag:$0x2] =	sbarrier.arrive $0xFFFF  }
0x73: {  	p0 =	sne.s32 s0, $0x0;
	s0 =	rddreg [dreg:$0x3]  }
0x74: {  	s0 =	sadd.s32 @!p0 $0x100000, s0  }
0x75: {  	[sflag:s0] =	ssyncadd.tile.s32 @!p0 $0x1;
	_ =	shalt  }
.Lfunc_end2:
_tile_overlayer_lowered:
.L_overlay_start_2:
0x76: {  	(tag) =	ssettag $0x2  }
0x77: {  	s0 =	rddreg [dreg:$0x0];
	s2 =	stileid.u32  }
0x78: {  	s1 =	rddreg [dreg:$0x1];
	p0 =	sne.s32 s2, $0x0  }
0x79: {  	s3 =	rddreg [dreg:$0x2];
	[bflag:$0x3] =	sbarrier.arrive $0xFFFF;
	s2 =	simm.s32 @!p0 $0x1C06  }
0x7a: {  	[timem:s3], [sflag:s2] =	dma.local @!p0 [hbm:s0], s1  }
0x7b: {  	s0 =	simm.s32 @!p0 $0x6  }
0x7c: {  	_ =	swait.ge @!p0 [sflag:s0], s1  }
0x7d: {  	s1 =	ssub.s32 @!p0 $0x0, s1;
	[sflag:s0] =	ssyncset.done @!p0 $0x0  }
0x7e: {  	[sflag:s0] =	ssyncadd.s32 @!p0 s1  }
0x7f: {  	[bflag:$0x3] =	sbarrier.arrive $0xFFFF  }
0x80: {  	_ =	shalt  }

</sc_bundles>
